<compile_context>
chip_gen: v7x
topology: tpu7x:2x2x1
jax: 0.10.2.dev20260603
libtpu: 0.0.44.dev20260713+nightly
codegen_flags: <defaults>
</compile_context>

<pallas_src>
import functools

import jax
import jax.numpy as jnp
from jax import lax
from jax.experimental import pallas as pl
from jax.experimental.pallas import tpu as pltpu
from jax.experimental.pallas import tpu_sc as plsc

N = 10000
E = 320000
F = 128
FH = F // 2
R = 16
NB = 4

NC = 2
NS = 16
EPS = E // NS
K = 400
NBATCH = EPS // K
CH = 3
NCHUNK = (NBATCH - 2) // CH
EPAD = 2 * CH * K
NPAD = 10112
ROWS_PER_TILE = NPAD // NS

TN = 2000
NT = N // TN


def _table_body(coeff_ref, feat_ref, w_ref, lw_ref, bias_ref,
                out_ref, hself_ref):
    r = pl.program_id(1)
    wr = coeff_ref[r, 0] * w_ref[0]
    for b in range(1, NB):
        wr = wr + coeff_ref[r, b] * w_ref[b]
    out_ref[...] = jnp.dot(feat_ref[...], wr, preferred_element_type=jnp.float32)

    @pl.when(r == 0)
    def _():
        hself_ref[...] = (
            jnp.dot(feat_ref[...], lw_ref[...],
                    preferred_element_type=jnp.float32) + bias_ref[...])


def _build_table(feat, W, coeff, loop_weight, h_bias):
    return pl.pallas_call(
        _table_body,
        grid=(NT, R),
        in_specs=[
            pl.BlockSpec(memory_space=pltpu.SMEM),
            pl.BlockSpec((TN, F), lambda n, r: (n, 0)),
            pl.BlockSpec((NB, F, F), lambda n, r: (0, 0, 0)),
            pl.BlockSpec((F, F), lambda n, r: (0, 0)),
            pl.BlockSpec((1, F), lambda n, r: (0, 0)),
        ],
        out_specs=[
            pl.BlockSpec((TN, F), lambda n, r: (r * NT + n, 0)),
            pl.BlockSpec((TN, F), lambda n, r: (n, 0)),
        ],
        out_shape=[
            jax.ShapeDtypeStruct((R * N, F), jnp.float32),
            jax.ShapeDtypeStruct((N, F), jnp.float32),
        ],
    )(coeff, feat, W, loop_weight, h_bias.reshape(1, F))


_MESH = plsc.VectorSubcoreMesh(core_axis_name="c", subcore_axis_name="s")


@functools.partial(
    pl.kernel,
    mesh=_MESH,
    compiler_params=pltpu.CompilerParams(use_tc_tiling_on_sc=False),
    out_type=jax.ShapeDtypeStruct((N, F), jnp.float32),
    scratch_types=[
        pltpu.VMEM((2 * CH * K,), jnp.int32),
        pltpu.VMEM((2 * CH * K,), jnp.int32),
        pltpu.VMEM((3 * CH, K), jnp.int32),
        [pltpu.VMEM((K,), jnp.int32)] * 3,
        [pltpu.VMEM((K, FH), jnp.float32)] * 3,
        pltpu.VMEM_SHARED((NPAD, FH), jnp.float32),
        [pltpu.SemaphoreType.DMA] * 3,
        [pltpu.SemaphoreType.DMA] * 3,
        pltpu.SemaphoreType.DMA,
    ],
)
def _edge_scatter(t_hbm, ei_hbm, et_hbm, hself_hbm, out_hbm,
                  srcv, etv, dstb, idxv, rows, acc, semG, semS, semT):
    c = lax.axis_index("c")
    s = lax.axis_index("s")

    col = pl.ds(c * FH, FH)

    @pl.when(s < NS - 1)
    def _():
        rs = pl.ds(s * ROWS_PER_TILE, ROWS_PER_TILE)
        pltpu.sync_copy(hself_hbm.at[rs, col], acc.at[rs])

    @pl.when(s == NS - 1)
    def _():
        rs = pl.ds((NS - 1) * ROWS_PER_TILE, N - (NS - 1) * ROWS_PER_TILE)
        pltpu.sync_copy(hself_hbm.at[rs, col], acc.at[rs])

    plsc.subcore_barrier()

    base = s * EPS

    def stage_refs(g):
        reg = lax.rem(g, 2) * (CH * K)
        off = base + g * (CH * K)
        dreg = lax.rem(g, 3) * CH
        return (
            (ei_hbm.at[0, pl.ds(off, CH * K)], srcv.at[pl.ds(reg, CH * K)]),
            (et_hbm.at[pl.ds(off, CH * K)], etv.at[pl.ds(reg, CH * K)]),
        ) + tuple(
            (ei_hbm.at[1, pl.ds(off + t * K, K)], dstb.at[dreg + t])
            for t in range(CH)
        )

    def dst_row(b):
        return lax.rem(b // CH, 3) * CH + b % CH

    def compute_idx(b, k, reg):
        soff = reg + (b % CH) * K
        for j in range(K // 16):
            sl = pl.ds(soff + j * 16, 16)
            idxv[k][pl.ds(j * 16, 16)] = (etv[sl] * N + srcv[sl]) * 2 + c

    def issue_gather(k):
        pltpu.async_copy(t_hbm.at[idxv[k]], rows[k], semG[k])

    def compute_and_gather(b, k, reg):
        compute_idx(b, k, reg)
        issue_gather(k)

    def wait_gather(k):
        pltpu.make_async_copy(t_hbm.at[idxv[k]], rows[k], semG[k]).wait()

    def scatter(b, k):
        pltpu.async_copy(rows[k], acc.at[dstb.at[dst_row(b)]], semS[k],
                         add=True)

    def drain_scatter(b, k):
        pltpu.make_async_copy(rows[k], acc.at[dstb.at[dst_row(b)]],
                              semS[k]).wait()

    for pair in stage_refs(0):
        pltpu.sync_copy(*pair)
    compute_and_gather(0, 0, 0)
    compute_and_gather(1, 1, 0)

    def step(g, carry):
        stage = stage_refs(g + 1)
        for pair in stage:
            pltpu.async_copy(*pair, semT)
        for t in range(CH):
            b = CH * g + t
            k = t
            kn = (t + 2) % CH
            reg2 = lax.rem(g + (0 if t == 0 else 1), 2) * (CH * K)
            wait_gather(k)
            scatter(b, k)
            compute_idx(b + 2, kn, reg2)

            @pl.when(b >= 1)
            def _():
                drain_scatter(b - 1, kn)

            issue_gather(kn)
            if t == 0:
                for pair in stage:
                    pltpu.make_async_copy(*pair, semT).wait()
        return carry

    lax.fori_loop(0, NCHUNK, step, 0)

    for b in (NBATCH - 2, NBATCH - 1):
        k = b % CH
        wait_gather(k)
        scatter(b, k)
    drain_scatter(NBATCH - 3, (NBATCH - 3) % CH)
    drain_scatter(NBATCH - 2, (NBATCH - 2) % CH)
    drain_scatter(NBATCH - 1, (NBATCH - 1) % CH)

    plsc.subcore_barrier()

    @pl.when(s < NS - 1)
    def _():
        rs = pl.ds(s * ROWS_PER_TILE, ROWS_PER_TILE)
        pltpu.sync_copy(acc.at[rs], out_hbm.at[rs, col])

    @pl.when(s == NS - 1)
    def _():
        rs = pl.ds((NS - 1) * ROWS_PER_TILE, N - (NS - 1) * ROWS_PER_TILE)
        pltpu.sync_copy(acc.at[rs], out_hbm.at[rs, col])


def kernel(feat, edge_index, etypes, W, coeff, h_bias, loop_weight):
    ei_p = jnp.pad(edge_index, ((0, 0), (0, EPAD)))
    et_p = jnp.pad(etypes, (0, EPAD))
    table, hself = _build_table(feat, W, coeff, loop_weight, h_bias)
    table64 = table.reshape(2 * R * N, FH)
    return _edge_scatter(table64, ei_p, et_p, hself)

# --- scband reference (transcript-rebuilt; emitter-appended) ---
"""Pipeline reference for scband-rel-graph-conv-ops-10900626997971 (READ-ONLY COPY).

The authoritative reference and input builder live on the scoring server;
editing this copy changes nothing except your own understanding.
"""

import jax, jax.numpy as jnp
import numpy as np

N = 10000
E = 320000
IN_FEAT = 128
OUT_FEAT = 128
NUM_RELS = 16
NUM_BASES = 4


def setup_inputs(seed: int = 0) -> dict:
    key = jax.random.key(seed)
    k1, k2, k3, k4, k5, k6 = jax.random.split(key, 6)
    feat = jax.random.normal(k1, (N, IN_FEAT), dtype=jnp.float32)
    edge_index = jax.random.randint(k2, (2, E), 0, N, dtype=jnp.int32)
    etypes = jax.random.randint(k3, (E,), 0, NUM_RELS, dtype=jnp.int32)
    # Parameters sized per init_kwargs (regularizer='basis')
    bound = 1.0 / np.sqrt(IN_FEAT)
    W = jax.random.uniform(k4, (NUM_BASES, IN_FEAT, OUT_FEAT), dtype=jnp.float32, minval=-bound, maxval=bound)
    coeff = jax.random.normal(k5, (NUM_RELS, NUM_BASES), dtype=jnp.float32) * 0.5
    h_bias = jnp.zeros((OUT_FEAT,), dtype=jnp.float32)
    loop_weight = jax.random.normal(k6, (IN_FEAT, OUT_FEAT), dtype=jnp.float32) * (1.0 / np.sqrt(IN_FEAT))
    return {"feat": feat, "edge_index": edge_index, "etypes": etypes,
            "W": W, "coeff": coeff, "h_bias": h_bias, "loop_weight": loop_weight}


def reference(feat, edge_index, etypes, W, coeff, h_bias, loop_weight):
    # R-GCN with basis decomposition.
    # agg_out[dst] = sum_{e: src->dst} outer(coeff[etype[e]], feat[src]) flattened as [basis, in_feat]
    src = edge_index[0]
    dst = edge_index[1]
    gathered = feat[src]                      # (E, IN_FEAT) gather
    ew = coeff[etypes]                        # (E, NUM_BASES) gather
    parts = []
    for b in range(NUM_BASES):
        contrib = gathered * ew[:, b:b + 1]   # (E, IN_FEAT)
        parts.append(jax.ops.segment_sum(contrib, dst, num_segments=N))  # scatter-add
    agg_out = jnp.concatenate(parts, axis=1)  # (N, NUM_BASES*IN_FEAT), basis-major layout
    h = agg_out @ W.reshape(NUM_BASES * IN_FEAT, OUT_FEAT)
    # bias=True
    h = h + h_bias
    # self_loop=True: num_dst_nodes == N here
    h = h + feat @ loop_weight
    # activation=None, dropout=0.0, layer_norm=False -> identity
    return h

if __name__ == "__main__":
    import jax
    _d = setup_inputs()
    print(jax.jit(kernel)(*tuple(_d.values())))

</pallas_src>

<mosaic_0001>
#map = affine_map<(d0, d1) -> (0, 0)>
#map1 = affine_map<(d0, d1) -> (0)>
module attributes {stable_mosaic.version = 14 : i64} {
  func.func @_edge_scatter(%arg0: i32, %arg1: i32, %arg2: memref<320000x64xf32, #tpu.memory_space<hbm>>, %arg3: memref<2x322400xi32, #tpu.memory_space<hbm>>, %arg4: memref<322400xi32, #tpu.memory_space<hbm>>, %arg5: memref<10000x128xf32, #tpu.memory_space<hbm>>, %arg6: memref<10000x128xf32, #tpu.memory_space<hbm>>, %arg7: memref<2400xi32, #tpu.memory_space<vmem>>, %arg8: memref<2400xi32, #tpu.memory_space<vmem>>, %arg9: memref<9x400xi32, #tpu.memory_space<vmem>>, %arg10: memref<400xi32, #tpu.memory_space<vmem>>, %arg11: memref<400xi32, #tpu.memory_space<vmem>>, %arg12: memref<400xi32, #tpu.memory_space<vmem>>, %arg13: memref<400x64xf32, #tpu.memory_space<vmem>>, %arg14: memref<400x64xf32, #tpu.memory_space<vmem>>, %arg15: memref<400x64xf32, #tpu.memory_space<vmem>>, %arg16: memref<10112x64xf32, #tpu.memory_space<vmem_shared>>, %arg17: memref<!tpu.dma_semaphore, #tpu.memory_space<semaphore_mem>>, %arg18: memref<!tpu.dma_semaphore, #tpu.memory_space<semaphore_mem>>, %arg19: memref<!tpu.dma_semaphore, #tpu.memory_space<semaphore_mem>>, %arg20: memref<!tpu.dma_semaphore, #tpu.memory_space<semaphore_mem>>, %arg21: memref<!tpu.dma_semaphore, #tpu.memory_space<semaphore_mem>>, %arg22: memref<!tpu.dma_semaphore, #tpu.memory_space<semaphore_mem>>, %arg23: memref<!tpu.dma_semaphore, #tpu.memory_space<semaphore_mem>>) attributes {dimension_semantics = [#tpu.dimension_semantics<core_parallel>, #tpu.dimension_semantics<subcore_parallel>], iteration_bounds = array<i64: 2, 16>, scalar_prefetch = 0 : i64, scratch_operands = 17 : i64, tpu.core_type = #tpu.core_type<sc_vector_subcore>, window_params = [{transform_indices = #map}, {transform_indices = #map}, {transform_indices = #map1}, {transform_indices = #map}, {transform_indices = #map}]} {
    %mul3A = arith.constant 64 : i32
    %mul3A_0 = arith.muli %arg0, %mul3A : i32
    %lt3A = arith.constant 15 : i32
    %lt3A_1 = arith.cmpi slt, %arg1, %lt3A : i32
    %convert_element_type3A = arith.extui %lt3A_1 : i1 to i32
    %cond3A = arith.constant 0 : i32
    %cond3A_2 = arith.cmpi ne, %convert_element_type3A, %cond3A : i32
    scf.if %cond3A_2 {
      %mul3A_1073 = arith.constant 632 : i32
      %mul3A_1074 = arith.muli %arg1, %mul3A_1073 : i32
      "tpu.region"() ({
        %run_scoped3A_1075 = tpu.sem_alloc : memref<!tpu.dma_semaphore, #tpu.memory_space<semaphore_mem>>
        %dma_start3A_1076 = arith.constant 0 : i32
        %dma_start3A_1077 = tpu.memref_slice %arg16[%mul3A_1074, %dma_start3A_1076] : memref<10112x64xf32, #tpu.memory_space<vmem_shared>> -> memref<632x64xf32, #tpu.memory_space<vmem_shared>>
        %dma_start3A_1078 = tpu.memref_slice %arg5[%mul3A_1074, %mul3A_0] : memref<10000x128xf32, #tpu.memory_space<hbm>> -> memref<632x64xf32, #tpu.memory_space<hbm>>
        tpu.enqueue_dma source(%dma_start3A_1078 : memref<632x64xf32, #tpu.memory_space<hbm>>) target(%dma_start3A_1077 : memref<632x64xf32, #tpu.memory_space<vmem_shared>>) target_semaphore(%run_scoped3A_1075 : memref<!tpu.dma_semaphore, #tpu.memory_space<semaphore_mem>>)
        %dma_wait3A_1079 = arith.constant 0 : i32
        %dma_wait3A_1080 = tpu.memref_slice %arg16[%mul3A_1074, %dma_wait3A_1079] : memref<10112x64xf32, #tpu.memory_space<vmem_shared>> -> memref<632x64xf32, #tpu.memory_space<vmem_shared>>
        %dma_wait3A_1081 = tpu.memref_slice %arg5[%mul3A_1074, %mul3A_0] : memref<10000x128xf32, #tpu.memory_space<hbm>> -> memref<632x64xf32, #tpu.memory_space<hbm>>
        tpu.wait_dma2 semaphore(%run_scoped3A_1075 : memref<!tpu.dma_semaphore, #tpu.memory_space<semaphore_mem>>) src(%dma_wait3A_1081 : memref<632x64xf32, #tpu.memory_space<hbm>>) dst(%dma_wait3A_1080 : memref<632x64xf32, #tpu.memory_space<vmem_shared>>)
        tpu.yield
      }) : () -> ()
    } else {
    }
    %eq3A = arith.constant 15 : i32
    %eq3A_3 = arith.cmpi eq, %arg1, %eq3A : i32
    %convert_element_type3A_4 = arith.extui %eq3A_3 : i1 to i32
    %cond3A_5 = arith.constant 0 : i32
    %cond3A_6 = arith.cmpi ne, %convert_element_type3A_4, %cond3A_5 : i32
    scf.if %cond3A_6 {
      "tpu.region"() ({
        %run_scoped3A_1073 = tpu.sem_alloc : memref<!tpu.dma_semaphore, #tpu.memory_space<semaphore_mem>>
        %dma_start3A_1074 = arith.constant 9480 : i32
        %dma_start3A_1075 = arith.constant 0 : i32
        %dma_start3A_1076 = tpu.memref_slice %arg16[%dma_start3A_1074, %dma_start3A_1075] : memref<10112x64xf32, #tpu.memory_space<vmem_shared>> -> memref<520x64xf32, #tpu.memory_space<vmem_shared>>
        %dma_start3A_1077 = arith.constant 9480 : i32
        %dma_start3A_1078 = tpu.memref_slice %arg5[%dma_start3A_1077, %mul3A_0] : memref<10000x128xf32, #tpu.memory_space<hbm>> -> memref<520x64xf32, #tpu.memory_space<hbm>>
        tpu.enqueue_dma source(%dma_start3A_1078 : memref<520x64xf32, #tpu.memory_space<hbm>>) target(%dma_start3A_1076 : memref<520x64xf32, #tpu.memory_space<vmem_shared>>) target_semaphore(%run_scoped3A_1073 : memref<!tpu.dma_semaphore, #tpu.memory_space<semaphore_mem>>)
        %dma_wait3A_1079 = arith.constant 9480 : i32
        %dma_wait3A_1080 = arith.constant 0 : i32
        %dma_wait3A_1081 = tpu.memref_slice %arg16[%dma_wait3A_1079, %dma_wait3A_1080] : memref<10112x64xf32, #tpu.memory_space<vmem_shared>> -> memref<520x64xf32, #tpu.memory_space<vmem_shared>>
        %dma_wait3A_1082 = arith.constant 9480 : i32
        %dma_wait3A_1083 = tpu.memref_slice %arg5[%dma_wait3A_1082, %mul3A_0] : memref<10000x128xf32, #tpu.memory_space<hbm>> -> memref<520x64xf32, #tpu.memory_space<hbm>>
        tpu.wait_dma2 semaphore(%run_scoped3A_1073 : memref<!tpu.dma_semaphore, #tpu.memory_space<semaphore_mem>>) src(%dma_wait3A_1083 : memref<520x64xf32, #tpu.memory_space<hbm>>) dst(%dma_wait3A_1081 : memref<520x64xf32, #tpu.memory_space<vmem_shared>>)
        tpu.yield
      }) : () -> ()
    } else {
    }
    %barrier3A = arith.constant 0 : index
    tpu.barrier barrier_id(%barrier3A)
    %mul3A_7 = arith.constant 20000 : i32
    %mul3A_8 = arith.muli %arg1, %mul3A_7 : i32
    %rem3A = arith.constant 0 : i32
    %rem3A_9 = arith.constant 2 : i32
    %rem3A_10 = arith.remsi %rem3A, %rem3A_9 : i32
    %mul3A_11 = arith.constant 1200 : i32
    %mul3A_12 = arith.muli %rem3A_10, %mul3A_11 : i32
    %add3A = arith.constant 0 : i32
    %add3A_13 = arith.addi %mul3A_8, %add3A : i32
    %rem3A_14 = arith.constant 0 : i32
    %rem3A_15 = arith.constant 3 : i32
    %rem3A_16 = arith.remsi %rem3A_14, %rem3A_15 : i32
    %mul3A_17 = arith.constant 3 : i32
    %mul3A_18 = arith.muli %rem3A_16, %mul3A_17 : i32
    %add3A_19 = arith.constant 0 : i32
    %add3A_20 = arith.addi %add3A_13, %add3A_19 : i32
    %add3A_21 = arith.constant 0 : i32
    %add3A_22 = arith.addi %mul3A_18, %add3A_21 : i32
    %add3A_23 = arith.constant 400 : i32
    %add3A_24 = arith.addi %add3A_13, %add3A_23 : i32
    %add3A_25 = arith.constant 1 : i32
    %add3A_26 = arith.addi %mul3A_18, %add3A_25 : i32
    %add3A_27 = arith.constant 800 : i32
    %add3A_28 = arith.addi %add3A_13, %add3A_27 : i32
    %add3A_29 = arith.constant 2 : i32
    %add3A_30 = arith.addi %mul3A_18, %add3A_29 : i32
    %run_scoped3A = arith.constant 0 : i32
    "tpu.region"() ({
      %run_scoped3A_1073 = tpu.sem_alloc : memref<!tpu.dma_semaphore, #tpu.memory_space<semaphore_mem>>
      %dma_start3A_1074 = tpu.memref_slice %arg7[%mul3A_12] : memref<2400xi32, #tpu.memory_space<vmem>> -> memref<1200xi32, #tpu.memory_space<vmem>>
      %dma_start3A_1075 = tpu.memref_slice %arg3[%run_scoped3A, %add3A_13] : memref<2x322400xi32, #tpu.memory_space<hbm>> -> memref<1x1200xi32, #tpu.memory_space<hbm>>
      %dma_start3A_1076 = tpu.memref_squeeze %dma_start3A_1075 : memref<1x1200xi32, #tpu.memory_space<hbm>> -> memref<1200xi32, #tpu.memory_space<hbm>>
      %dma_start3A_1077 = tpu.memref_slice %arg7[%mul3A_12] : memref<2400xi32, #tpu.memory_space<vmem>> -> memref<1200xi32, #tpu.memory_space<vmem>>
      %dma_start3A_1078 = tpu.memref_slice %arg3[%run_scoped3A, %add3A_13] : memref<2x322400xi32, #tpu.memory_space<hbm>> -> memref<1x1200xi32, #tpu.memory_space<hbm>>
      %dma_start3A_1079 = tpu.memref_squeeze %dma_start3A_1078 : memref<1x1200xi32, #tpu.memory_space<hbm>> -> memref<1200xi32, #tpu.memory_space<hbm>>
      tpu.enqueue_dma source(%dma_start3A_1079 : memref<1200xi32, #tpu.memory_space<hbm>>) target(%dma_start3A_1077 : memref<1200xi32, #tpu.memory_space<vmem>>) target_semaphore(%run_scoped3A_1073 : memref<!tpu.dma_semaphore, #tpu.memory_space<semaphore_mem>>)
      %dma_wait3A_1080 = tpu.memref_slice %arg7[%mul3A_12] : memref<2400xi32, #tpu.memory_space<vmem>> -> memref<1200xi32, #tpu.memory_space<vmem>>
      %dma_wait3A_1081 = tpu.memref_slice %arg3[%run_scoped3A, %add3A_13] : memref<2x322400xi32, #tpu.memory_space<hbm>> -> memref<1x1200xi32, #tpu.memory_space<hbm>>
      %dma_wait3A_1082 = tpu.memref_squeeze %dma_wait3A_1081 : memref<1x1200xi32, #tpu.memory_space<hbm>> -> memref<1200xi32, #tpu.memory_space<hbm>>
      %dma_wait3A_1083 = tpu.memref_slice %arg7[%mul3A_12] : memref<2400xi32, #tpu.memory_space<vmem>> -> memref<1200xi32, #tpu.memory_space<vmem>>
      %dma_wait3A_1084 = tpu.memref_slice %arg3[%run_scoped3A, %add3A_13] : memref<2x322400xi32, #tpu.memory_space<hbm>> -> memref<1x1200xi32, #tpu.memory_space<hbm>>
      %dma_wait3A_1085 = tpu.memref_squeeze %dma_wait3A_1084 : memref<1x1200xi32, #tpu.memory_space<hbm>> -> memref<1200xi32, #tpu.memory_space<hbm>>
      tpu.wait_dma2 semaphore(%run_scoped3A_1073 : memref<!tpu.dma_semaphore, #tpu.memory_space<semaphore_mem>>) src(%dma_wait3A_1085 : memref<1200xi32, #tpu.memory_space<hbm>>) dst(%dma_wait3A_1083 : memref<1200xi32, #tpu.memory_space<vmem>>)
      tpu.yield
    }) : () -> ()
    "tpu.region"() ({
      %run_scoped3A_1073 = tpu.sem_alloc : memref<!tpu.dma_semaphore, #tpu.memory_space<semaphore_mem>>
      %dma_start3A_1074 = tpu.memref_slice %arg8[%mul3A_12] : memref<2400xi32, #tpu.memory_space<vmem>> -> memref<1200xi32, #tpu.memory_space<vmem>>
      %dma_start3A_1075 = tpu.memref_slice %arg4[%add3A_13] : memref<322400xi32, #tpu.memory_space<hbm>> -> memref<1200xi32, #tpu.memory_space<hbm>>
      %dma_start3A_1076 = tpu.memref_slice %arg8[%mul3A_12] : memref<2400xi32, #tpu.memory_space<vmem>> -> memref<1200xi32, #tpu.memory_space<vmem>>
      %dma_start3A_1077 = tpu.memref_slice %arg4[%add3A_13] : memref<322400xi32, #tpu.memory_space<hbm>> -> memref<1200xi32, #tpu.memory_space<hbm>>
      tpu.enqueue_dma source(%dma_start3A_1077 : memref<1200xi32, #tpu.memory_space<hbm>>) target(%dma_start3A_1076 : memref<1200xi32, #tpu.memory_space<vmem>>) target_semaphore(%run_scoped3A_1073 : memref<!tpu.dma_semaphore, #tpu.memory_space<semaphore_mem>>)
      %dma_wait3A_1078 = tpu.memref_slice %arg8[%mul3A_12] : memref<2400xi32, #tpu.memory_space<vmem>> -> memref<1200xi32, #tpu.memory_space<vmem>>
      %dma_wait3A_1079 = tpu.memref_slice %arg4[%add3A_13] : memref<322400xi32, #tpu.memory_space<hbm>> -> memref<1200xi32, #tpu.memory_space<hbm>>
      %dma_wait3A_1080 = tpu.memref_slice %arg8[%mul3A_12] : memref<2400xi32, #tpu.memory_space<vmem>> -> memref<1200xi32, #tpu.memory_space<vmem>>
      %dma_wait3A_1081 = tpu.memref_slice %arg4[%add3A_13] : memref<322400xi32, #tpu.memory_space<hbm>> -> memref<1200xi32, #tpu.memory_space<hbm>>
      tpu.wait_dma2 semaphore(%run_scoped3A_1073 : memref<!tpu.dma_semaphore, #tpu.memory_space<semaphore_mem>>) src(%dma_wait3A_1081 : memref<1200xi32, #tpu.memory_space<hbm>>) dst(%dma_wait3A_1080 : memref<1200xi32, #tpu.memory_space<vmem>>)
      tpu.yield
    }) : () -> ()
    %run_scoped3A_31 = arith.constant 1 : i32
    "tpu.region"() ({
      %run_scoped3A_1073 = tpu.sem_alloc : memref<!tpu.dma_semaphore, #tpu.memory_space<semaphore_mem>>
      %dma_start3A_1074 = arith.constant 0 : i32
      %dma_start3A_1075 = tpu.memref_slice %arg9[%add3A_22, %dma_start3A_1074] : memref<9x400xi32, #tpu.memory_space<vmem>> -> memref<1x400xi32, #tpu.memory_space<vmem>>
      %dma_start3A_1076 = tpu.memref_squeeze %dma_start3A_1075 : memref<1x400xi32, #tpu.memory_space<vmem>> -> memref<400xi32, #tpu.memory_space<vmem>>
      %dma_start3A_1077 = tpu.memref_slice %arg3[%run_scoped3A_31, %add3A_20] : memref<2x322400xi32, #tpu.memory_space<hbm>> -> memref<1x400xi32, #tpu.memory_space<hbm>>
      %dma_start3A_1078 = tpu.memref_squeeze %dma_start3A_1077 : memref<1x400xi32, #tpu.memory_space<hbm>> -> memref<400xi32, #tpu.memory_space<hbm>>
      %dma_start3A_1079 = arith.constant 0 : i32
      %dma_start3A_1080 = tpu.memref_slice %arg9[%add3A_22, %dma_start3A_1079] : memref<9x400xi32, #tpu.memory_space<vmem>> -> memref<1x400xi32, #tpu.memory_space<vmem>>
      %dma_start3A_1081 = tpu.memref_squeeze %dma_start3A_1080 : memref<1x400xi32, #tpu.memory_space<vmem>> -> memref<400xi32, #tpu.memory_space<vmem>>
      %dma_start3A_1082 = tpu.memref_slice %arg3[%run_scoped3A_31, %add3A_20] : memref<2x322400xi32, #tpu.memory_space<hbm>> -> memref<1x400xi32, #tpu.memory_space<hbm>>
      %dma_start3A_1083 = tpu.memref_squeeze %dma_start3A_1082 : memref<1x400xi32, #tpu.memory_space<hbm>> -> memref<400xi32, #tpu.memory_space<hbm>>
      tpu.enqueue_dma source(%dma_start3A_1083 : memref<400xi32, #tpu.memory_space<hbm>>) target(%dma_start3A_1081 : memref<400xi32, #tpu.memory_space<vmem>>) target_semaphore(%run_scoped3A_1073 : memref<!tpu.dma_semaphore, #tpu.memory_space<semaphore_mem>>)
      %dma_wait3A_1084 = arith.constant 0 : i32
      %dma_wait3A_1085 = tpu.memref_slice %arg9[%add3A_22, %dma_wait3A_1084] : memref<9x400xi32, #tpu.memory_space<vmem>> -> memref<1x400xi32, #tpu.memory_space<vmem>>
      %dma_wait3A_1086 = tpu.memref_squeeze %dma_wait3A_1085 : memref<1x400xi32, #tpu.memory_space<vmem>> -> memref<400xi32, #tpu.memory_space<vmem>>
      %dma_wait3A_1087 = tpu.memref_slice %arg3[%run_scoped3A_31, %add3A_20] : memref<2x322400xi32, #tpu.memory_space<hbm>> -> memref<1x400xi32, #tpu.memory_space<hbm>>
      %dma_wait3A_1088 = tpu.memref_squeeze %dma_wait3A_1087 : memref<1x400xi32, #tpu.memory_space<hbm>> -> memref<400xi32, #tpu.memory_space<hbm>>
      %dma_wait3A_1089 = arith.constant 0 : i32
      %dma_wait3A_1090 = tpu.memref_slice %arg9[%add3A_22, %dma_wait3A_1089] : memref<9x400xi32, #tpu.memory_space<vmem>> -> memref<1x400xi32, #tpu.memory_space<vmem>>
      %dma_wait3A_1091 = tpu.memref_squeeze %dma_wait3A_1090 : memref<1x400xi32, #tpu.memory_space<vmem>> -> memref<400xi32, #tpu.memory_space<vmem>>
      %dma_wait3A_1092 = tpu.memref_slice %arg3[%run_scoped3A_31, %add3A_20] : memref<2x322400xi32, #tpu.memory_space<hbm>> -> memref<1x400xi32, #tpu.memory_space<hbm>>
      %dma_wait3A_1093 = tpu.memref_squeeze %dma_wait3A_1092 : memref<1x400xi32, #tpu.memory_space<hbm>> -> memref<400xi32, #tpu.memory_space<hbm>>
      tpu.wait_dma2 semaphore(%run_scoped3A_1073 : memref<!tpu.dma_semaphore, #tpu.memory_space<semaphore_mem>>) src(%dma_wait3A_1093 : memref<400xi32, #tpu.memory_space<hbm>>) dst(%dma_wait3A_1091 : memref<400xi32, #tpu.memory_space<vmem>>)
      tpu.yield
    }) : () -> ()
    %run_scoped3A_32 = arith.constant 1 : i32
    "tpu.region"() ({
      %run_scoped3A_1073 = tpu.sem_alloc : memref<!tpu.dma_semaphore, #tpu.memory_space<semaphore_mem>>
      %dma_start3A_1074 = arith.constant 0 : i32
      %dma_start3A_1075 = tpu.memref_slice %arg9[%add3A_26, %dma_start3A_1074] : memref<9x400xi32, #tpu.memory_space<vmem>> -> memref<1x400xi32, #tpu.memory_space<vmem>>
      %dma_start3A_1076 = tpu.memref_squeeze %dma_start3A_1075 : memref<1x400xi32, #tpu.memory_space<vmem>> -> memref<400xi32, #tpu.memory_space<vmem>>
      %dma_start3A_1077 = tpu.memref_slice %arg3[%run_scoped3A_32, %add3A_24] : memref<2x322400xi32, #tpu.memory_space<hbm>> -> memref<1x400xi32, #tpu.memory_space<hbm>>
      %dma_start3A_1078 = tpu.memref_squeeze %dma_start3A_1077 : memref<1x400xi32, #tpu.memory_space<hbm>> -> memref<400xi32, #tpu.memory_space<hbm>>
      %dma_start3A_1079 = arith.constant 0 : i32
      %dma_start3A_1080 = tpu.memref_slice %arg9[%add3A_26, %dma_start3A_1079] : memref<9x400xi32, #tpu.memory_space<vmem>> -> memref<1x400xi32, #tpu.memory_space<vmem>>
      %dma_start3A_1081 = tpu.memref_squeeze %dma_start3A_1080 : memref<1x400xi32, #tpu.memory_space<vmem>> -> memref<400xi32, #tpu.memory_space<vmem>>
      %dma_start3A_1082 = tpu.memref_slice %arg3[%run_scoped3A_32, %add3A_24] : memref<2x322400xi32, #tpu.memory_space<hbm>> -> memref<1x400xi32, #tpu.memory_space<hbm>>
      %dma_start3A_1083 = tpu.memref_squeeze %dma_start3A_1082 : memref<1x400xi32, #tpu.memory_space<hbm>> -> memref<400xi32, #tpu.memory_space<hbm>>
      tpu.enqueue_dma source(%dma_start3A_1083 : memref<400xi32, #tpu.memory_space<hbm>>) target(%dma_start3A_1081 : memref<400xi32, #tpu.memory_space<vmem>>) target_semaphore(%run_scoped3A_1073 : memref<!tpu.dma_semaphore, #tpu.memory_space<semaphore_mem>>)
      %dma_wait3A_1084 = arith.constant 0 : i32
      %dma_wait3A_1085 = tpu.memref_slice %arg9[%add3A_26, %dma_wait3A_1084] : memref<9x400xi32, #tpu.memory_space<vmem>> -> memref<1x400xi32, #tpu.memory_space<vmem>>
      %dma_wait3A_1086 = tpu.memref_squeeze %dma_wait3A_1085 : memref<1x400xi32, #tpu.memory_space<vmem>> -> memref<400xi32, #tpu.memory_space<vmem>>
      %dma_wait3A_1087 = tpu.memref_slice %arg3[%run_scoped3A_32, %add3A_24] : memref<2x322400xi32, #tpu.memory_space<hbm>> -> memref<1x400xi32, #tpu.memory_space<hbm>>
      %dma_wait3A_1088 = tpu.memref_squeeze %dma_wait3A_1087 : memref<1x400xi32, #tpu.memory_space<hbm>> -> memref<400xi32, #tpu.memory_space<hbm>>
      %dma_wait3A_1089 = arith.constant 0 : i32
      %dma_wait3A_1090 = tpu.memref_slice %arg9[%add3A_26, %dma_wait3A_1089] : memref<9x400xi32, #tpu.memory_space<vmem>> -> memref<1x400xi32, #tpu.memory_space<vmem>>
      %dma_wait3A_1091 = tpu.memref_squeeze %dma_wait3A_1090 : memref<1x400xi32, #tpu.memory_space<vmem>> -> memref<400xi32, #tpu.memory_space<vmem>>
      %dma_wait3A_1092 = tpu.memref_slice %arg3[%run_scoped3A_32, %add3A_24] : memref<2x322400xi32, #tpu.memory_space<hbm>> -> memref<1x400xi32, #tpu.memory_space<hbm>>
      %dma_wait3A_1093 = tpu.memref_squeeze %dma_wait3A_1092 : memref<1x400xi32, #tpu.memory_space<hbm>> -> memref<400xi32, #tpu.memory_space<hbm>>
      tpu.wait_dma2 semaphore(%run_scoped3A_1073 : memref<!tpu.dma_semaphore, #tpu.memory_space<semaphore_mem>>) src(%dma_wait3A_1093 : memref<400xi32, #tpu.memory_space<hbm>>) dst(%dma_wait3A_1091 : memref<400xi32, #tpu.memory_space<vmem>>)
      tpu.yield
    }) : () -> ()
    %run_scoped3A_33 = arith.constant 1 : i32
    "tpu.region"() ({
      %run_scoped3A_1073 = tpu.sem_alloc : memref<!tpu.dma_semaphore, #tpu.memory_space<semaphore_mem>>
      %dma_start3A_1074 = arith.constant 0 : i32
      %dma_start3A_1075 = tpu.memref_slice %arg9[%add3A_30, %dma_start3A_1074] : memref<9x400xi32, #tpu.memory_space<vmem>> -> memref<1x400xi32, #tpu.memory_space<vmem>>
      %dma_start3A_1076 = tpu.memref_squeeze %dma_start3A_1075 : memref<1x400xi32, #tpu.memory_space<vmem>> -> memref<400xi32, #tpu.memory_space<vmem>>
      %dma_start3A_1077 = tpu.memref_slice %arg3[%run_scoped3A_33, %add3A_28] : memref<2x322400xi32, #tpu.memory_space<hbm>> -> memref<1x400xi32, #tpu.memory_space<hbm>>
      %dma_start3A_1078 = tpu.memref_squeeze %dma_start3A_1077 : memref<1x400xi32, #tpu.memory_space<hbm>> -> memref<400xi32, #tpu.memory_space<hbm>>
      %dma_start3A_1079 = arith.constant 0 : i32
      %dma_start3A_1080 = tpu.memref_slice %arg9[%add3A_30, %dma_start3A_1079] : memref<9x400xi32, #tpu.memory_space<vmem>> -> memref<1x400xi32, #tpu.memory_space<vmem>>
      %dma_start3A_1081 = tpu.memref_squeeze %dma_start3A_1080 : memref<1x400xi32, #tpu.memory_space<vmem>> -> memref<400xi32, #tpu.memory_space<vmem>>
      %dma_start3A_1082 = tpu.memref_slice %arg3[%run_scoped3A_33, %add3A_28] : memref<2x322400xi32, #tpu.memory_space<hbm>> -> memref<1x400xi32, #tpu.memory_space<hbm>>
      %dma_start3A_1083 = tpu.memref_squeeze %dma_start3A_1082 : memref<1x400xi32, #tpu.memory_space<hbm>> -> memref<400xi32, #tpu.memory_space<hbm>>
      tpu.enqueue_dma source(%dma_start3A_1083 : memref<400xi32, #tpu.memory_space<hbm>>) target(%dma_start3A_1081 : memref<400xi32, #tpu.memory_space<vmem>>) target_semaphore(%run_scoped3A_1073 : memref<!tpu.dma_semaphore, #tpu.memory_space<semaphore_mem>>)
      %dma_wait3A_1084 = arith.constant 0 : i32
      %dma_wait3A_1085 = tpu.memref_slice %arg9[%add3A_30, %dma_wait3A_1084] : memref<9x400xi32, #tpu.memory_space<vmem>> -> memref<1x400xi32, #tpu.memory_space<vmem>>
      %dma_wait3A_1086 = tpu.memref_squeeze %dma_wait3A_1085 : memref<1x400xi32, #tpu.memory_space<vmem>> -> memref<400xi32, #tpu.memory_space<vmem>>
      %dma_wait3A_1087 = tpu.memref_slice %arg3[%run_scoped3A_33, %add3A_28] : memref<2x322400xi32, #tpu.memory_space<hbm>> -> memref<1x400xi32, #tpu.memory_space<hbm>>
      %dma_wait3A_1088 = tpu.memref_squeeze %dma_wait3A_1087 : memref<1x400xi32, #tpu.memory_space<hbm>> -> memref<400xi32, #tpu.memory_space<hbm>>
      %dma_wait3A_1089 = arith.constant 0 : i32
      %dma_wait3A_1090 = tpu.memref_slice %arg9[%add3A_30, %dma_wait3A_1089] : memref<9x400xi32, #tpu.memory_space<vmem>> -> memref<1x400xi32, #tpu.memory_space<vmem>>
      %dma_wait3A_1091 = tpu.memref_squeeze %dma_wait3A_1090 : memref<1x400xi32, #tpu.memory_space<vmem>> -> memref<400xi32, #tpu.memory_space<vmem>>
      %dma_wait3A_1092 = tpu.memref_slice %arg3[%run_scoped3A_33, %add3A_28] : memref<2x322400xi32, #tpu.memory_space<hbm>> -> memref<1x400xi32, #tpu.memory_space<hbm>>
      %dma_wait3A_1093 = tpu.memref_squeeze %dma_wait3A_1092 : memref<1x400xi32, #tpu.memory_space<hbm>> -> memref<400xi32, #tpu.memory_space<hbm>>
      tpu.wait_dma2 semaphore(%run_scoped3A_1073 : memref<!tpu.dma_semaphore, #tpu.memory_space<semaphore_mem>>) src(%dma_wait3A_1093 : memref<400xi32, #tpu.memory_space<hbm>>) dst(%dma_wait3A_1091 : memref<400xi32, #tpu.memory_space<vmem>>)
      tpu.yield
    }) : () -> ()
    %get3A = arith.constant 0 : index
    %get3A_34 = tpu.vector_load %arg8[%get3A] {strides = array<i32>} : memref<2400xi32, #tpu.memory_space<vmem>>, vector<16xi32>,
    %get3A_35 = vector.shape_cast %get3A_34 : vector<16xi32> to vector<16xi32>
    %mul3A_36 = arith.constant 10000 : i32
    %mul3A_37 = vector.broadcast %mul3A_36 : i32 to vector<16xi32>
    %mul3A_38 = arith.muli %get3A_35, %mul3A_37 : vector<16xi32>
    %get3A_39 = arith.constant 0 : index
    %get3A_40 = tpu.vector_load %arg7[%get3A_39] {strides = array<i32>} : memref<2400xi32, #tpu.memory_space<vmem>>, vector<16xi32>,
    %get3A_41 = vector.shape_cast %get3A_40 : vector<16xi32> to vector<16xi32>
    %add3A_42 = arith.addi %mul3A_38, %get3A_41 : vector<16xi32>
    %mul3A_43 = arith.constant 2 : i32
    %mul3A_44 = vector.broadcast %mul3A_43 : i32 to vector<16xi32>
    %mul3A_45 = arith.muli %add3A_42, %mul3A_44 : vector<16xi32>
    %add3A_46 = vector.broadcast %arg0 : i32 to vector<16xi32>
    %add3A_47 = arith.addi %mul3A_45, %add3A_46 : vector<16xi32>
    %swap3A = arith.constant 0 : index
    %swap3A_48 = tpu.vector_load %arg10[%swap3A] {strides = array<i32>} : memref<400xi32, #tpu.memory_space<vmem>>, vector<16xi32>,
    %swap3A_49 = vector.shape_cast %swap3A_48 : vector<16xi32> to vector<16xi32>
    %swap3A_50 = vector.shape_cast %add3A_47 : vector<16xi32> to vector<16xi32>
    tpu.vector_store %arg10[%swap3A], %swap3A_50 {strides = array<i32>} : memref<400xi32, #tpu.memory_space<vmem>>, vector<16xi32>,
    %get3A_51 = arith.constant 16 : index
    %get3A_52 = tpu.vector_load %arg8[%get3A_51] {strides = array<i32>} : memref<2400xi32, #tpu.memory_space<vmem>>, vector<16xi32>,
    %get3A_53 = vector.shape_cast %get3A_52 : vector<16xi32> to vector<16xi32>
    %mul3A_54 = arith.constant 10000 : i32
    %mul3A_55 = vector.broadcast %mul3A_54 : i32 to vector<16xi32>
    %mul3A_56 = arith.muli %get3A_53, %mul3A_55 : vector<16xi32>
    %get3A_57 = arith.constant 16 : index
    %get3A_58 = tpu.vector_load %arg7[%get3A_57] {strides = array<i32>} : memref<2400xi32, #tpu.memory_space<vmem>>, vector<16xi32>,
    %get3A_59 = vector.shape_cast %get3A_58 : vector<16xi32> to vector<16xi32>
    %add3A_60 = arith.addi %mul3A_56, %get3A_59 : vector<16xi32>
    %mul3A_61 = arith.constant 2 : i32
    %mul3A_62 = vector.broadcast %mul3A_61 : i32 to vector<16xi32>
    %mul3A_63 = arith.muli %add3A_60, %mul3A_62 : vector<16xi32>
    %add3A_64 = vector.broadcast %arg0 : i32 to vector<16xi32>
    %add3A_65 = arith.addi %mul3A_63, %add3A_64 : vector<16xi32>
    %swap3A_66 = arith.constant 16 : index
    %swap3A_67 = tpu.vector_load %arg10[%swap3A_66] {strides = array<i32>} : memref<400xi32, #tpu.memory_space<vmem>>, vector<16xi32>,
    %swap3A_68 = vector.shape_cast %swap3A_67 : vector<16xi32> to vector<16xi32>
    %swap3A_69 = vector.shape_cast %add3A_65 : vector<16xi32> to vector<16xi32>
    tpu.vector_store %arg10[%swap3A_66], %swap3A_69 {strides = array<i32>} : memref<400xi32, #tpu.memory_space<vmem>>, vector<16xi32>,
    %get3A_70 = arith.constant 32 : index
    %get3A_71 = tpu.vector_load %arg8[%get3A_70] {strides = array<i32>} : memref<2400xi32, #tpu.memory_space<vmem>>, vector<16xi32>,
    %get3A_72 = vector.shape_cast %get3A_71 : vector<16xi32> to vector<16xi32>
    %mul3A_73 = arith.constant 10000 : i32
    %mul3A_74 = vector.broadcast %mul3A_73 : i32 to vector<16xi32>
    %mul3A_75 = arith.muli %get3A_72, %mul3A_74 : vector<16xi32>
    %get3A_76 = arith.constant 32 : index
    %get3A_77 = tpu.vector_load %arg7[%get3A_76] {strides = array<i32>} : memref<2400xi32, #tpu.memory_space<vmem>>, vector<16xi32>,
    %get3A_78 = vector.shape_cast %get3A_77 : vector<16xi32> to vector<16xi32>
    %add3A_79 = arith.addi %mul3A_75, %get3A_78 : vector<16xi32>
    %mul3A_80 = arith.constant 2 : i32
    %mul3A_81 = vector.broadcast %mul3A_80 : i32 to vector<16xi32>
    %mul3A_82 = arith.muli %add3A_79, %mul3A_81 : vector<16xi32>
    %add3A_83 = vector.broadcast %arg0 : i32 to vector<16xi32>
    %add3A_84 = arith.addi %mul3A_82, %add3A_83 : vector<16xi32>
    %swap3A_85 = arith.constant 32 : index
    %swap3A_86 = tpu.vector_load %arg10[%swap3A_85] {strides = array<i32>} : memref<400xi32, #tpu.memory_space<vmem>>, vector<16xi32>,
    %swap3A_87 = vector.shape_cast %swap3A_86 : vector<16xi32> to vector<16xi32>
    %swap3A_88 = vector.shape_cast %add3A_84 : vector<16xi32> to vector<16xi32>
    tpu.vector_store %arg10[%swap3A_85], %swap3A_88 {strides = array<i32>} : memref<400xi32, #tpu.memory_space<vmem>>, vector<16xi32>,
    %get3A_89 = arith.constant 48 : index
    %get3A_90 = tpu.vector_load %arg8[%get3A_89] {strides = array<i32>} : memref<2400xi32, #tpu.memory_space<vmem>>, vector<16xi32>,
    %get3A_91 = vector.shape_cast %get3A_90 : vector<16xi32> to vector<16xi32>
    %mul3A_92 = arith.constant 10000 : i32
    %mul3A_93 = vector.broadcast %mul3A_92 : i32 to vector<16xi32>
    %mul3A_94 = arith.muli %get3A_91, %mul3A_93 : vector<16xi32>
    %get3A_95 = arith.constant 48 : index
    %get3A_96 = tpu.vector_load %arg7[%get3A_95] {strides = array<i32>} : memref<2400xi32, #tpu.memory_space<vmem>>, vector<16xi32>,
    %get3A_97 = vector.shape_cast %get3A_96 : vector<16xi32> to vector<16xi32>
    %add3A_98 = arith.addi %mul3A_94, %get3A_97 : vector<16xi32>
    %mul3A_99 = arith.constant 2 : i32
    %mul3A_100 = vector.broadcast %mul3A_99 : i32 to vector<16xi32>
    %mul3A_101 = arith.muli %add3A_98, %mul3A_100 : vector<16xi32>
    %add3A_102 = vector.broadcast %arg0 : i32 to vector<16xi32>
    %add3A_103 = arith.addi %mul3A_101, %add3A_102 : vector<16xi32>
    %swap3A_104 = arith.constant 48 : index
    %swap3A_105 = tpu.vector_load %arg10[%swap3A_104] {strides = array<i32>} : memref<400xi32, #tpu.memory_space<vmem>>, vector<16xi32>,
    %swap3A_106 = vector.shape_cast %swap3A_105 : vector<16xi32> to vector<16xi32>
    %swap3A_107 = vector.shape_cast %add3A_103 : vector<16xi32> to vector<16xi32>
    tpu.vector_store %arg10[%swap3A_104], %swap3A_107 {strides = array<i32>} : memref<400xi32, #tpu.memory_space<vmem>>, vector<16xi32>,
    %get3A_108 = arith.constant 64 : index
    %get3A_109 = tpu.vector_load %arg8[%get3A_108] {strides = array<i32>} : memref<2400xi32, #tpu.memory_space<vmem>>, vector<16xi32>,
    %get3A_110 = vector.shape_cast %get3A_109 : vector<16xi32> to vector<16xi32>
    %mul3A_111 = arith.constant 10000 : i32
    %mul3A_112 = vector.broadcast %mul3A_111 : i32 to vector<16xi32>
    %mul3A_113 = arith.muli %get3A_110, %mul3A_112 : vector<16xi32>
    %get3A_114 = arith.constant 64 : index
    %get3A_115 = tpu.vector_load %arg7[%get3A_114] {strides = array<i32>} : memref<2400xi32, #tpu.memory_space<vmem>>, vector<16xi32>,
    %get3A_116 = vector.shape_cast %get3A_115 : vector<16xi32> to vector<16xi32>
    %add3A_117 = arith.addi %mul3A_113, %get3A_116 : vector<16xi32>
    %mul3A_118 = arith.constant 2 : i32
    %mul3A_119 = vector.broadcast %mul3A_118 : i32 to vector<16xi32>
    %mul3A_120 = arith.muli %add3A_117, %mul3A_119 : vector<16xi32>
    %add3A_121 = vector.broadcast %arg0 : i32 to vector<16xi32>
    %add3A_122 = arith.addi %mul3A_120, %add3A_121 : vector<16xi32>
    %swap3A_123 = arith.constant 64 : index
    %swap3A_124 = tpu.vector_load %arg10[%swap3A_123] {strides = array<i32>} : memref<400xi32, #tpu.memory_space<vmem>>, vector<16xi32>,
    %swap3A_125 = vector.shape_cast %swap3A_124 : vector<16xi32> to vector<16xi32>
    %swap3A_126 = vector.shape_cast %add3A_122 : vector<16xi32> to vector<16xi32>
    tpu.vector_store %arg10[%swap3A_123], %swap3A_126 {strides = array<i32>} : memref<400xi32, #tpu.memory_space<vmem>>, vector<16xi32>,
    %get3A_127 = arith.constant 80 : index
    %get3A_128 = tpu.vector_load %arg8[%get3A_127] {strides = array<i32>} : memref<2400xi32, #tpu.memory_space<vmem>>, vector<16xi32>,
    %get3A_129 = vector.shape_cast %get3A_128 : vector<16xi32> to vector<16xi32>
    %mul3A_130 = arith.constant 10000 : i32
    %mul3A_131 = vector.broadcast %mul3A_130 : i32 to vector<16xi32>
    %mul3A_132 = arith.muli %get3A_129, %mul3A_131 : vector<16xi32>
    %get3A_133 = arith.constant 80 : index
    %get3A_134 = tpu.vector_load %arg7[%get3A_133] {strides = array<i32>} : memref<2400xi32, #tpu.memory_space<vmem>>, vector<16xi32>,
    %get3A_135 = vector.shape_cast %get3A_134 : vector<16xi32> to vector<16xi32>
    %add3A_136 = arith.addi %mul3A_132, %get3A_135 : vector<16xi32>
    %mul3A_137 = arith.constant 2 : i32
    %mul3A_138 = vector.broadcast %mul3A_137 : i32 to vector<16xi32>
    %mul3A_139 = arith.muli %add3A_136, %mul3A_138 : vector<16xi32>
    %add3A_140 = vector.broadcast %arg0 : i32 to vector<16xi32>
    %add3A_141 = arith.addi %mul3A_139, %add3A_140 : vector<16xi32>
    %swap3A_142 = arith.constant 80 : index
    %swap3A_143 = tpu.vector_load %arg10[%swap3A_142] {strides = array<i32>} : memref<400xi32, #tpu.memory_space<vmem>>, vector<16xi32>,
    %swap3A_144 = vector.shape_cast %swap3A_143 : vector<16xi32> to vector<16xi32>
    %swap3A_145 = vector.shape_cast %add3A_141 : vector<16xi32> to vector<16xi32>
    tpu.vector_store %arg10[%swap3A_142], %swap3A_145 {strides = array<i32>} : memref<400xi32, #tpu.memory_space<vmem>>, vector<16xi32>,
    %get3A_146 = arith.constant 96 : index
    %get3A_147 = tpu.vector_load %arg8[%get3A_146] {strides = array<i32>} : memref<2400xi32, #tpu.memory_space<vmem>>, vector<16xi32>,
    %get3A_148 = vector.shape_cast %get3A_147 : vector<16xi32> to vector<16xi32>
    %mul3A_149 = arith.constant 10000 : i32
    %mul3A_150 = vector.broadcast %mul3A_149 : i32 to vector<16xi32>
    %mul3A_151 = arith.muli %get3A_148, %mul3A_150 : vector<16xi32>
    %get3A_152 = arith.constant 96 : index
    %get3A_153 = tpu.vector_load %arg7[%get3A_152] {strides = array<i32>} : memref<2400xi32, #tpu.memory_space<vmem>>, vector<16xi32>,
    %get3A_154 = vector.shape_cast %get3A_153 : vector<16xi32> to vector<16xi32>
    %add3A_155 = arith.addi %mul3A_151, %get3A_154 : vector<16xi32>
    %mul3A_156 = arith.constant 2 : i32
    %mul3A_157 = vector.broadcast %mul3A_156 : i32 to vector<16xi32>
    %mul3A_158 = arith.muli %add3A_155, %mul3A_157 : vector<16xi32>
    %add3A_159 = vector.broadcast %arg0 : i32 to vector<16xi32>
    %add3A_160 = arith.addi %mul3A_158, %add3A_159 : vector<16xi32>
    %swap3A_161 = arith.constant 96 : index
    %swap3A_162 = tpu.vector_load %arg10[%swap3A_161] {strides = array<i32>} : memref<400xi32, #tpu.memory_space<vmem>>, vector<16xi32>,
    %swap3A_163 = vector.shape_cast %swap3A_162 : vector<16xi32> to vector<16xi32>
    %swap3A_164 = vector.shape_cast %add3A_160 : vector<16xi32> to vector<16xi32>
    tpu.vector_store %arg10[%swap3A_161], %swap3A_164 {strides = array<i32>} : memref<400xi32, #tpu.memory_space<vmem>>, vector<16xi32>,
    %get3A_165 = arith.constant 112 : index
    %get3A_166 = tpu.vector_load %arg8[%get3A_165] {strides = array<i32>} : memref<2400xi32, #tpu.memory_space<vmem>>, vector<16xi32>,
    %get3A_167 = vector.shape_cast %get3A_166 : vector<16xi32> to vector<16xi32>
    %mul3A_168 = arith.constant 10000 : i32
    %mul3A_169 = vector.broadcast %mul3A_168 : i32 to vector<16xi32>
    %mul3A_170 = arith.muli %get3A_167, %mul3A_169 : vector<16xi32>
    %get3A_171 = arith.constant 112 : index
    %get3A_172 = tpu.vector_load %arg7[%get3A_171] {strides = array<i32>} : memref<2400xi32, #tpu.memory_space<vmem>>, vector<16xi32>,
    %get3A_173 = vector.shape_cast %get3A_172 : vector<16xi32> to vector<16xi32>
    %add3A_174 = arith.addi %mul3A_170, %get3A_173 : vector<16xi32>
    %mul3A_175 = arith.constant 2 : i32
    %mul3A_176 = vector.broadcast %mul3A_175 : i32 to vector<16xi32>
    %mul3A_177 = arith.muli %add3A_174, %mul3A_176 : vector<16xi32>
    %add3A_178 = vector.broadcast %arg0 : i32 to vector<16xi32>
    %add3A_179 = arith.addi %mul3A_177, %add3A_178 : vector<16xi32>
    %swap3A_180 = arith.constant 112 : index
    %swap3A_181 = tpu.vector_load %arg10[%swap3A_180] {strides = array<i32>} : memref<400xi32, #tpu.memory_space<vmem>>, vector<16xi32>,
    %swap3A_182 = vector.shape_cast %swap3A_181 : vector<16xi32> to vector<16xi32>
    %swap3A_183 = vector.shape_cast %add3A_179 : vector<16xi32> to vector<16xi32>
    tpu.vector_store %arg10[%swap3A_180], %swap3A_183 {strides = array<i32>} : memref<400xi32, #tpu.memory_space<vmem>>, vector<16xi32>,
    %get3A_184 = arith.constant 128 : index
    %get3A_185 = tpu.vector_load %arg8[%get3A_184] {strides = array<i32>} : memref<2400xi32, #tpu.memory_space<vmem>>, vector<16xi32>,
    %get3A_186 = vector.shape_cast %get3A_185 : vector<16xi32> to vector<16xi32>
    %mul3A_187 = arith.constant 10000 : i32
    %mul3A_188 = vector.broadcast %mul3A_187 : i32 to vector<16xi32>
    %mul3A_189 = arith.muli %get3A_186, %mul3A_188 : vector<16xi32>
    %get3A_190 = arith.constant 128 : index
    %get3A_191 = tpu.vector_load %arg7[%get3A_190] {strides = array<i32>} : memref<2400xi32, #tpu.memory_space<vmem>>, vector<16xi32>,
    %get3A_192 = vector.shape_cast %get3A_191 : vector<16xi32> to vector<16xi32>
    %add3A_193 = arith.addi %mul3A_189, %get3A_192 : vector<16xi32>
    %mul3A_194 = arith.constant 2 : i32
    %mul3A_195 = vector.broadcast %mul3A_194 : i32 to vector<16xi32>
    %mul3A_196 = arith.muli %add3A_193, %mul3A_195 : vector<16xi32>
    %add3A_197 = vector.broadcast %arg0 : i32 to vector<16xi32>
    %add3A_198 = arith.addi %mul3A_196, %add3A_197 : vector<16xi32>
    %swap3A_199 = arith.constant 128 : index
    %swap3A_200 = tpu.vector_load %arg10[%swap3A_199] {strides = array<i32>} : memref<400xi32, #tpu.memory_space<vmem>>, vector<16xi32>,
    %swap3A_201 = vector.shape_cast %swap3A_200 : vector<16xi32> to vector<16xi32>
    %swap3A_202 = vector.shape_cast %add3A_198 : vector<16xi32> to vector<16xi32>
    tpu.vector_store %arg10[%swap3A_199], %swap3A_202 {strides = array<i32>} : memref<400xi32, #tpu.memory_space<vmem>>, vector<16xi32>,
    %get3A_203 = arith.constant 144 : index
    %get3A_204 = tpu.vector_load %arg8[%get3A_203] {strides = array<i32>} : memref<2400xi32, #tpu.memory_space<vmem>>, vector<16xi32>,
    %get3A_205 = vector.shape_cast %get3A_204 : vector<16xi32> to vector<16xi32>
    %mul3A_206 = arith.constant 10000 : i32
    %mul3A_207 = vector.broadcast %mul3A_206 : i32 to vector<16xi32>
    %mul3A_208 = arith.muli %get3A_205, %mul3A_207 : vector<16xi32>
    %get3A_209 = arith.constant 144 : index
    %get3A_210 = tpu.vector_load %arg7[%get3A_209] {strides = array<i32>} : memref<2400xi32, #tpu.memory_space<vmem>>, vector<16xi32>,
    %get3A_211 = vector.shape_cast %get3A_210 : vector<16xi32> to vector<16xi32>
    %add3A_212 = arith.addi %mul3A_208, %get3A_211 : vector<16xi32>
    %mul3A_213 = arith.constant 2 : i32
    %mul3A_214 = vector.broadcast %mul3A_213 : i32 to vector<16xi32>
    %mul3A_215 = arith.muli %add3A_212, %mul3A_214 : vector<16xi32>
    %add3A_216 = vector.broadcast %arg0 : i32 to vector<16xi32>
    %add3A_217 = arith.addi %mul3A_215, %add3A_216 : vector<16xi32>
    %swap3A_218 = arith.constant 144 : index
    %swap3A_219 = tpu.vector_load %arg10[%swap3A_218] {strides = array<i32>} : memref<400xi32, #tpu.memory_space<vmem>>, vector<16xi32>,
    %swap3A_220 = vector.shape_cast %swap3A_219 : vector<16xi32> to vector<16xi32>
    %swap3A_221 = vector.shape_cast %add3A_217 : vector<16xi32> to vector<16xi32>
    tpu.vector_store %arg10[%swap3A_218], %swap3A_221 {strides = array<i32>} : memref<400xi32, #tpu.memory_space<vmem>>, vector<16xi32>,
    %get3A_222 = arith.constant 160 : index
    %get3A_223 = tpu.vector_load %arg8[%get3A_222] {strides = array<i32>} : memref<2400xi32, #tpu.memory_space<vmem>>, vector<16xi32>,
    %get3A_224 = vector.shape_cast %get3A_223 : vector<16xi32> to vector<16xi32>
    %mul3A_225 = arith.constant 10000 : i32
    %mul3A_226 = vector.broadcast %mul3A_225 : i32 to vector<16xi32>
    %mul3A_227 = arith.muli %get3A_224, %mul3A_226 : vector<16xi32>
    %get3A_228 = arith.constant 160 : index
    %get3A_229 = tpu.vector_load %arg7[%get3A_228] {strides = array<i32>} : memref<2400xi32, #tpu.memory_space<vmem>>, vector<16xi32>,
    %get3A_230 = vector.shape_cast %get3A_229 : vector<16xi32> to vector<16xi32>
    %add3A_231 = arith.addi %mul3A_227, %get3A_230 : vector<16xi32>
    %mul3A_232 = arith.constant 2 : i32
    %mul3A_233 = vector.broadcast %mul3A_232 : i32 to vector<16xi32>
    %mul3A_234 = arith.muli %add3A_231, %mul3A_233 : vector<16xi32>
    %add3A_235 = vector.broadcast %arg0 : i32 to vector<16xi32>
    %add3A_236 = arith.addi %mul3A_234, %add3A_235 : vector<16xi32>
    %swap3A_237 = arith.constant 160 : index
    %swap3A_238 = tpu.vector_load %arg10[%swap3A_237] {strides = array<i32>} : memref<400xi32, #tpu.memory_space<vmem>>, vector<16xi32>,
    %swap3A_239 = vector.shape_cast %swap3A_238 : vector<16xi32> to vector<16xi32>
    %swap3A_240 = vector.shape_cast %add3A_236 : vector<16xi32> to vector<16xi32>
    tpu.vector_store %arg10[%swap3A_237], %swap3A_240 {strides = array<i32>} : memref<400xi32, #tpu.memory_space<vmem>>, vector<16xi32>,
    %get3A_241 = arith.constant 176 : index
    %get3A_242 = tpu.vector_load %arg8[%get3A_241] {strides = array<i32>} : memref<2400xi32, #tpu.memory_space<vmem>>, vector<16xi32>,
    %get3A_243 = vector.shape_cast %get3A_242 : vector<16xi32> to vector<16xi32>
    %mul3A_244 = arith.constant 10000 : i32
    %mul3A_245 = vector.broadcast %mul3A_244 : i32 to vector<16xi32>
    %mul3A_246 = arith.muli %get3A_243, %mul3A_245 : vector<16xi32>
    %get3A_247 = arith.constant 176 : index
    %get3A_248 = tpu.vector_load %arg7[%get3A_247] {strides = array<i32>} : memref<2400xi32, #tpu.memory_space<vmem>>, vector<16xi32>,
    %get3A_249 = vector.shape_cast %get3A_248 : vector<16xi32> to vector<16xi32>
    %add3A_250 = arith.addi %mul3A_246, %get3A_249 : vector<16xi32>
    %mul3A_251 = arith.constant 2 : i32
    %mul3A_252 = vector.broadcast %mul3A_251 : i32 to vector<16xi32>
    %mul3A_253 = arith.muli %add3A_250, %mul3A_252 : vector<16xi32>
    %add3A_254 = vector.broadcast %arg0 : i32 to vector<16xi32>
    %add3A_255 = arith.addi %mul3A_253, %add3A_254 : vector<16xi32>
    %swap3A_256 = arith.constant 176 : index
    %swap3A_257 = tpu.vector_load %arg10[%swap3A_256] {strides = array<i32>} : memref<400xi32, #tpu.memory_space<vmem>>, vector<16xi32>,
    %swap3A_258 = vector.shape_cast %swap3A_257 : vector<16xi32> to vector<16xi32>
    %swap3A_259 = vector.shape_cast %add3A_255 : vector<16xi32> to vector<16xi32>
    tpu.vector_store %arg10[%swap3A_256], %swap3A_259 {strides = array<i32>} : memref<400xi32, #tpu.memory_space<vmem>>, vector<16xi32>,
    %get3A_260 = arith.constant 192 : index
    %get3A_261 = tpu.vector_load %arg8[%get3A_260] {strides = array<i32>} : memref<2400xi32, #tpu.memory_space<vmem>>, vector<16xi32>,
    %get3A_262 = vector.shape_cast %get3A_261 : vector<16xi32> to vector<16xi32>
    %mul3A_263 = arith.constant 10000 : i32
    %mul3A_264 = vector.broadcast %mul3A_263 : i32 to vector<16xi32>
    %mul3A_265 = arith.muli %get3A_262, %mul3A_264 : vector<16xi32>
    %get3A_266 = arith.constant 192 : index
    %get3A_267 = tpu.vector_load %arg7[%get3A_266] {strides = array<i32>} : memref<2400xi32, #tpu.memory_space<vmem>>, vector<16xi32>,
    %get3A_268 = vector.shape_cast %get3A_267 : vector<16xi32> to vector<16xi32>
    %add3A_269 = arith.addi %mul3A_265, %get3A_268 : vector<16xi32>
    %mul3A_270 = arith.constant 2 : i32
    %mul3A_271 = vector.broadcast %mul3A_270 : i32 to vector<16xi32>
    %mul3A_272 = arith.muli %add3A_269, %mul3A_271 : vector<16xi32>
    %add3A_273 = vector.broadcast %arg0 : i32 to vector<16xi32>
    %add3A_274 = arith.addi %mul3A_272, %add3A_273 : vector<16xi32>
    %swap3A_275 = arith.constant 192 : index
    %swap3A_276 = tpu.vector_load %arg10[%swap3A_275] {strides = array<i32>} : memref<400xi32, #tpu.memory_space<vmem>>, vector<16xi32>,
    %swap3A_277 = vector.shape_cast %swap3A_276 : vector<16xi32> to vector<16xi32>
    %swap3A_278 = vector.shape_cast %add3A_274 : vector<16xi32> to vector<16xi32>
    tpu.vector_store %arg10[%swap3A_275], %swap3A_278 {strides = array<i32>} : memref<400xi32, #tpu.memory_space<vmem>>, vector<16xi32>,
    %get3A_279 = arith.constant 208 : index
    %get3A_280 = tpu.vector_load %arg8[%get3A_279] {strides = array<i32>} : memref<2400xi32, #tpu.memory_space<vmem>>, vector<16xi32>,
    %get3A_281 = vector.shape_cast %get3A_280 : vector<16xi32> to vector<16xi32>
    %mul3A_282 = arith.constant 10000 : i32
    %mul3A_283 = vector.broadcast %mul3A_282 : i32 to vector<16xi32>
    %mul3A_284 = arith.muli %get3A_281, %mul3A_283 : vector<16xi32>
    %get3A_285 = arith.constant 208 : index
    %get3A_286 = tpu.vector_load %arg7[%get3A_285] {strides = array<i32>} : memref<2400xi32, #tpu.memory_space<vmem>>, vector<16xi32>,
    %get3A_287 = vector.shape_cast %get3A_286 : vector<16xi32> to vector<16xi32>
    %add3A_288 = arith.addi %mul3A_284, %get3A_287 : vector<16xi32>
    %mul3A_289 = arith.constant 2 : i32
    %mul3A_290 = vector.broadcast %mul3A_289 : i32 to vector<16xi32>
    %mul3A_291 = arith.muli %add3A_288, %mul3A_290 : vector<16xi32>
    %add3A_292 = vector.broadcast %arg0 : i32 to vector<16xi32>
    %add3A_293 = arith.addi %mul3A_291, %add3A_292 : vector<16xi32>
    %swap3A_294 = arith.constant 208 : index
    %swap3A_295 = tpu.vector_load %arg10[%swap3A_294] {strides = array<i32>} : memref<400xi32, #tpu.memory_space<vmem>>, vector<16xi32>,
    %swap3A_296 = vector.shape_cast %swap3A_295 : vector<16xi32> to vector<16xi32>
    %swap3A_297 = vector.shape_cast %add3A_293 : vector<16xi32> to vector<16xi32>
    tpu.vector_store %arg10[%swap3A_294], %swap3A_297 {strides = array<i32>} : memref<400xi32, #tpu.memory_space<vmem>>, vector<16xi32>,
    %get3A_298 = arith.constant 224 : index
    %get3A_299 = tpu.vector_load %arg8[%get3A_298] {strides = array<i32>} : memref<2400xi32, #tpu.memory_space<vmem>>, vector<16xi32>,
    %get3A_300 = vector.shape_cast %get3A_299 : vector<16xi32> to vector<16xi32>
    %mul3A_301 = arith.constant 10000 : i32
    %mul3A_302 = vector.broadcast %mul3A_301 : i32 to vector<16xi32>
    %mul3A_303 = arith.muli %get3A_300, %mul3A_302 : vector<16xi32>
    %get3A_304 = arith.constant 224 : index
    %get3A_305 = tpu.vector_load %arg7[%get3A_304] {strides = array<i32>} : memref<2400xi32, #tpu.memory_space<vmem>>, vector<16xi32>,
    %get3A_306 = vector.shape_cast %get3A_305 : vector<16xi32> to vector<16xi32>
    %add3A_307 = arith.addi %mul3A_303, %get3A_306 : vector<16xi32>
    %mul3A_308 = arith.constant 2 : i32
    %mul3A_309 = vector.broadcast %mul3A_308 : i32 to vector<16xi32>
    %mul3A_310 = arith.muli %add3A_307, %mul3A_309 : vector<16xi32>
    %add3A_311 = vector.broadcast %arg0 : i32 to vector<16xi32>
    %add3A_312 = arith.addi %mul3A_310, %add3A_311 : vector<16xi32>
    %swap3A_313 = arith.constant 224 : index
    %swap3A_314 = tpu.vector_load %arg10[%swap3A_313] {strides = array<i32>} : memref<400xi32, #tpu.memory_space<vmem>>, vector<16xi32>,
    %swap3A_315 = vector.shape_cast %swap3A_314 : vector<16xi32> to vector<16xi32>
    %swap3A_316 = vector.shape_cast %add3A_312 : vector<16xi32> to vector<16xi32>
    tpu.vector_store %arg10[%swap3A_313], %swap3A_316 {strides = array<i32>} : memref<400xi32, #tpu.memory_space<vmem>>, vector<16xi32>,
    %get3A_317 = arith.constant 240 : index
    %get3A_318 = tpu.vector_load %arg8[%get3A_317] {strides = array<i32>} : memref<2400xi32, #tpu.memory_space<vmem>>, vector<16xi32>,
    %get3A_319 = vector.shape_cast %get3A_318 : vector<16xi32> to vector<16xi32>
    %mul3A_320 = arith.constant 10000 : i32
    %mul3A_321 = vector.broadcast %mul3A_320 : i32 to vector<16xi32>
    %mul3A_322 = arith.muli %get3A_319, %mul3A_321 : vector<16xi32>
    %get3A_323 = arith.constant 240 : index
    %get3A_324 = tpu.vector_load %arg7[%get3A_323] {strides = array<i32>} : memref<2400xi32, #tpu.memory_space<vmem>>, vector<16xi32>,
    %get3A_325 = vector.shape_cast %get3A_324 : vector<16xi32> to vector<16xi32>
    %add3A_326 = arith.addi %mul3A_322, %get3A_325 : vector<16xi32>
    %mul3A_327 = arith.constant 2 : i32
    %mul3A_328 = vector.broadcast %mul3A_327 : i32 to vector<16xi32>
    %mul3A_329 = arith.muli %add3A_326, %mul3A_328 : vector<16xi32>
    %add3A_330 = vector.broadcast %arg0 : i32 to vector<16xi32>
    %add3A_331 = arith.addi %mul3A_329, %add3A_330 : vector<16xi32>
    %swap3A_332 = arith.constant 240 : index
    %swap3A_333 = tpu.vector_load %arg10[%swap3A_332] {strides = array<i32>} : memref<400xi32, #tpu.memory_space<vmem>>, vector<16xi32>,
    %swap3A_334 = vector.shape_cast %swap3A_333 : vector<16xi32> to vector<16xi32>
    %swap3A_335 = vector.shape_cast %add3A_331 : vector<16xi32> to vector<16xi32>
    tpu.vector_store %arg10[%swap3A_332], %swap3A_335 {strides = array<i32>} : memref<400xi32, #tpu.memory_space<vmem>>, vector<16xi32>,
    %get3A_336 = arith.constant 256 : index
    %get3A_337 = tpu.vector_load %arg8[%get3A_336] {strides = array<i32>} : memref<2400xi32, #tpu.memory_space<vmem>>, vector<16xi32>,
    %get3A_338 = vector.shape_cast %get3A_337 : vector<16xi32> to vector<16xi32>
    %mul3A_339 = arith.constant 10000 : i32
    %mul3A_340 = vector.broadcast %mul3A_339 : i32 to vector<16xi32>
    %mul3A_341 = arith.muli %get3A_338, %mul3A_340 : vector<16xi32>
    %get3A_342 = arith.constant 256 : index
    %get3A_343 = tpu.vector_load %arg7[%get3A_342] {strides = array<i32>} : memref<2400xi32, #tpu.memory_space<vmem>>, vector<16xi32>,
    %get3A_344 = vector.shape_cast %get3A_343 : vector<16xi32> to vector<16xi32>
    %add3A_345 = arith.addi %mul3A_341, %get3A_344 : vector<16xi32>
    %mul3A_346 = arith.constant 2 : i32
    %mul3A_347 = vector.broadcast %mul3A_346 : i32 to vector<16xi32>
    %mul3A_348 = arith.muli %add3A_345, %mul3A_347 : vector<16xi32>
    %add3A_349 = vector.broadcast %arg0 : i32 to vector<16xi32>
    %add3A_350 = arith.addi %mul3A_348, %add3A_349 : vector<16xi32>
    %swap3A_351 = arith.constant 256 : index
    %swap3A_352 = tpu.vector_load %arg10[%swap3A_351] {strides = array<i32>} : memref<400xi32, #tpu.memory_space<vmem>>, vector<16xi32>,
    %swap3A_353 = vector.shape_cast %swap3A_352 : vector<16xi32> to vector<16xi32>
    %swap3A_354 = vector.shape_cast %add3A_350 : vector<16xi32> to vector<16xi32>
    tpu.vector_store %arg10[%swap3A_351], %swap3A_354 {strides = array<i32>} : memref<400xi32, #tpu.memory_space<vmem>>, vector<16xi32>,
    %get3A_355 = arith.constant 272 : index
    %get3A_356 = tpu.vector_load %arg8[%get3A_355] {strides = array<i32>} : memref<2400xi32, #tpu.memory_space<vmem>>, vector<16xi32>,
    %get3A_357 = vector.shape_cast %get3A_356 : vector<16xi32> to vector<16xi32>
    %mul3A_358 = arith.constant 10000 : i32
    %mul3A_359 = vector.broadcast %mul3A_358 : i32 to vector<16xi32>
    %mul3A_360 = arith.muli %get3A_357, %mul3A_359 : vector<16xi32>
    %get3A_361 = arith.constant 272 : index
    %get3A_362 = tpu.vector_load %arg7[%get3A_361] {strides = array<i32>} : memref<2400xi32, #tpu.memory_space<vmem>>, vector<16xi32>,
    %get3A_363 = vector.shape_cast %get3A_362 : vector<16xi32> to vector<16xi32>
    %add3A_364 = arith.addi %mul3A_360, %get3A_363 : vector<16xi32>
    %mul3A_365 = arith.constant 2 : i32
    %mul3A_366 = vector.broadcast %mul3A_365 : i32 to vector<16xi32>
    %mul3A_367 = arith.muli %add3A_364, %mul3A_366 : vector<16xi32>
    %add3A_368 = vector.broadcast %arg0 : i32 to vector<16xi32>
    %add3A_369 = arith.addi %mul3A_367, %add3A_368 : vector<16xi32>
    %swap3A_370 = arith.constant 272 : index
    %swap3A_371 = tpu.vector_load %arg10[%swap3A_370] {strides = array<i32>} : memref<400xi32, #tpu.memory_space<vmem>>, vector<16xi32>,
    %swap3A_372 = vector.shape_cast %swap3A_371 : vector<16xi32> to vector<16xi32>
    %swap3A_373 = vector.shape_cast %add3A_369 : vector<16xi32> to vector<16xi32>
    tpu.vector_store %arg10[%swap3A_370], %swap3A_373 {strides = array<i32>} : memref<400xi32, #tpu.memory_space<vmem>>, vector<16xi32>,
    %get3A_374 = arith.constant 288 : index
    %get3A_375 = tpu.vector_load %arg8[%get3A_374] {strides = array<i32>} : memref<2400xi32, #tpu.memory_space<vmem>>, vector<16xi32>,
    %get3A_376 = vector.shape_cast %get3A_375 : vector<16xi32> to vector<16xi32>
    %mul3A_377 = arith.constant 10000 : i32
    %mul3A_378 = vector.broadcast %mul3A_377 : i32 to vector<16xi32>
    %mul3A_379 = arith.muli %get3A_376, %mul3A_378 : vector<16xi32>
    %get3A_380 = arith.constant 288 : index
    %get3A_381 = tpu.vector_load %arg7[%get3A_380] {strides = array<i32>} : memref<2400xi32, #tpu.memory_space<vmem>>, vector<16xi32>,
    %get3A_382 = vector.shape_cast %get3A_381 : vector<16xi32> to vector<16xi32>
    %add3A_383 = arith.addi %mul3A_379, %get3A_382 : vector<16xi32>
    %mul3A_384 = arith.constant 2 : i32
    %mul3A_385 = vector.broadcast %mul3A_384 : i32 to vector<16xi32>
    %mul3A_386 = arith.muli %add3A_383, %mul3A_385 : vector<16xi32>
    %add3A_387 = vector.broadcast %arg0 : i32 to vector<16xi32>
    %add3A_388 = arith.addi %mul3A_386, %add3A_387 : vector<16xi32>
    %swap3A_389 = arith.constant 288 : index
    %swap3A_390 = tpu.vector_load %arg10[%swap3A_389] {strides = array<i32>} : memref<400xi32, #tpu.memory_space<vmem>>, vector<16xi32>,
    %swap3A_391 = vector.shape_cast %swap3A_390 : vector<16xi32> to vector<16xi32>
    %swap3A_392 = vector.shape_cast %add3A_388 : vector<16xi32> to vector<16xi32>
    tpu.vector_store %arg10[%swap3A_389], %swap3A_392 {strides = array<i32>} : memref<400xi32, #tpu.memory_space<vmem>>, vector<16xi32>,
    %get3A_393 = arith.constant 304 : index
    %get3A_394 = tpu.vector_load %arg8[%get3A_393] {strides = array<i32>} : memref<2400xi32, #tpu.memory_space<vmem>>, vector<16xi32>,
    %get3A_395 = vector.shape_cast %get3A_394 : vector<16xi32> to vector<16xi32>
    %mul3A_396 = arith.constant 10000 : i32
    %mul3A_397 = vector.broadcast %mul3A_396 : i32 to vector<16xi32>
    %mul3A_398 = arith.muli %get3A_395, %mul3A_397 : vector<16xi32>
    %get3A_399 = arith.constant 304 : index
    %get3A_400 = tpu.vector_load %arg7[%get3A_399] {strides = array<i32>} : memref<2400xi32, #tpu.memory_space<vmem>>, vector<16xi32>,
    %get3A_401 = vector.shape_cast %get3A_400 : vector<16xi32> to vector<16xi32>
    %add3A_402 = arith.addi %mul3A_398, %get3A_401 : vector<16xi32>
    %mul3A_403 = arith.constant 2 : i32
    %mul3A_404 = vector.broadcast %mul3A_403 : i32 to vector<16xi32>
    %mul3A_405 = arith.muli %add3A_402, %mul3A_404 : vector<16xi32>
    %add3A_406 = vector.broadcast %arg0 : i32 to vector<16xi32>
    %add3A_407 = arith.addi %mul3A_405, %add3A_406 : vector<16xi32>
    %swap3A_408 = arith.constant 304 : index
    %swap3A_409 = tpu.vector_load %arg10[%swap3A_408] {strides = array<i32>} : memref<400xi32, #tpu.memory_space<vmem>>, vector<16xi32>,
    %swap3A_410 = vector.shape_cast %swap3A_409 : vector<16xi32> to vector<16xi32>
    %swap3A_411 = vector.shape_cast %add3A_407 : vector<16xi32> to vector<16xi32>
    tpu.vector_store %arg10[%swap3A_408], %swap3A_411 {strides = array<i32>} : memref<400xi32, #tpu.memory_space<vmem>>, vector<16xi32>,
    %get3A_412 = arith.constant 320 : index
    %get3A_413 = tpu.vector_load %arg8[%get3A_412] {strides = array<i32>} : memref<2400xi32, #tpu.memory_space<vmem>>, vector<16xi32>,
    %get3A_414 = vector.shape_cast %get3A_413 : vector<16xi32> to vector<16xi32>
    %mul3A_415 = arith.constant 10000 : i32
    %mul3A_416 = vector.broadcast %mul3A_415 : i32 to vector<16xi32>
    %mul3A_417 = arith.muli %get3A_414, %mul3A_416 : vector<16xi32>
    %get3A_418 = arith.constant 320 : index
    %get3A_419 = tpu.vector_load %arg7[%get3A_418] {strides = array<i32>} : memref<2400xi32, #tpu.memory_space<vmem>>, vector<16xi32>,
    %get3A_420 = vector.shape_cast %get3A_419 : vector<16xi32> to vector<16xi32>
    %add3A_421 = arith.addi %mul3A_417, %get3A_420 : vector<16xi32>
    %mul3A_422 = arith.constant 2 : i32
    %mul3A_423 = vector.broadcast %mul3A_422 : i32 to vector<16xi32>
    %mul3A_424 = arith.muli %add3A_421, %mul3A_423 : vector<16xi32>
    %add3A_425 = vector.broadcast %arg0 : i32 to vector<16xi32>
    %add3A_426 = arith.addi %mul3A_424, %add3A_425 : vector<16xi32>
    %swap3A_427 = arith.constant 320 : index
    %swap3A_428 = tpu.vector_load %arg10[%swap3A_427] {strides = array<i32>} : memref<400xi32, #tpu.memory_space<vmem>>, vector<16xi32>,
    %swap3A_429 = vector.shape_cast %swap3A_428 : vector<16xi32> to vector<16xi32>
    %swap3A_430 = vector.shape_cast %add3A_426 : vector<16xi32> to vector<16xi32>
    tpu.vector_store %arg10[%swap3A_427], %swap3A_430 {strides = array<i32>} : memref<400xi32, #tpu.memory_space<vmem>>, vector<16xi32>,
    %get3A_431 = arith.constant 336 : index
    %get3A_432 = tpu.vector_load %arg8[%get3A_431] {strides = array<i32>} : memref<2400xi32, #tpu.memory_space<vmem>>, vector<16xi32>,
    %get3A_433 = vector.shape_cast %get3A_432 : vector<16xi32> to vector<16xi32>
    %mul3A_434 = arith.constant 10000 : i32
    %mul3A_435 = vector.broadcast %mul3A_434 : i32 to vector<16xi32>
    %mul3A_436 = arith.muli %get3A_433, %mul3A_435 : vector<16xi32>
    %get3A_437 = arith.constant 336 : index
    %get3A_438 = tpu.vector_load %arg7[%get3A_437] {strides = array<i32>} : memref<2400xi32, #tpu.memory_space<vmem>>, vector<16xi32>,
    %get3A_439 = vector.shape_cast %get3A_438 : vector<16xi32> to vector<16xi32>
    %add3A_440 = arith.addi %mul3A_436, %get3A_439 : vector<16xi32>
    %mul3A_441 = arith.constant 2 : i32
    %mul3A_442 = vector.broadcast %mul3A_441 : i32 to vector<16xi32>
    %mul3A_443 = arith.muli %add3A_440, %mul3A_442 : vector<16xi32>
    %add3A_444 = vector.broadcast %arg0 : i32 to vector<16xi32>
    %add3A_445 = arith.addi %mul3A_443, %add3A_444 : vector<16xi32>
    %swap3A_446 = arith.constant 336 : index
    %swap3A_447 = tpu.vector_load %arg10[%swap3A_446] {strides = array<i32>} : memref<400xi32, #tpu.memory_space<vmem>>, vector<16xi32>,
    %swap3A_448 = vector.shape_cast %swap3A_447 : vector<16xi32> to vector<16xi32>
    %swap3A_449 = vector.shape_cast %add3A_445 : vector<16xi32> to vector<16xi32>
    tpu.vector_store %arg10[%swap3A_446], %swap3A_449 {strides = array<i32>} : memref<400xi32, #tpu.memory_space<vmem>>, vector<16xi32>,
    %get3A_450 = arith.constant 352 : index
    %get3A_451 = tpu.vector_load %arg8[%get3A_450] {strides = array<i32>} : memref<2400xi32, #tpu.memory_space<vmem>>, vector<16xi32>,
    %get3A_452 = vector.shape_cast %get3A_451 : vector<16xi32> to vector<16xi32>
    %mul3A_453 = arith.constant 10000 : i32
    %mul3A_454 = vector.broadcast %mul3A_453 : i32 to vector<16xi32>
    %mul3A_455 = arith.muli %get3A_452, %mul3A_454 : vector<16xi32>
    %get3A_456 = arith.constant 352 : index
    %get3A_457 = tpu.vector_load %arg7[%get3A_456] {strides = array<i32>} : memref<2400xi32, #tpu.memory_space<vmem>>, vector<16xi32>,
    %get3A_458 = vector.shape_cast %get3A_457 : vector<16xi32> to vector<16xi32>
    %add3A_459 = arith.addi %mul3A_455, %get3A_458 : vector<16xi32>
    %mul3A_460 = arith.constant 2 : i32
    %mul3A_461 = vector.broadcast %mul3A_460 : i32 to vector<16xi32>
    %mul3A_462 = arith.muli %add3A_459, %mul3A_461 : vector<16xi32>
    %add3A_463 = vector.broadcast %arg0 : i32 to vector<16xi32>
    %add3A_464 = arith.addi %mul3A_462, %add3A_463 : vector<16xi32>
    %swap3A_465 = arith.constant 352 : index
    %swap3A_466 = tpu.vector_load %arg10[%swap3A_465] {strides = array<i32>} : memref<400xi32, #tpu.memory_space<vmem>>, vector<16xi32>,
    %swap3A_467 = vector.shape_cast %swap3A_466 : vector<16xi32> to vector<16xi32>
    %swap3A_468 = vector.shape_cast %add3A_464 : vector<16xi32> to vector<16xi32>
    tpu.vector_store %arg10[%swap3A_465], %swap3A_468 {strides = array<i32>} : memref<400xi32, #tpu.memory_space<vmem>>, vector<16xi32>,
    %get3A_469 = arith.constant 368 : index
    %get3A_470 = tpu.vector_load %arg8[%get3A_469] {strides = array<i32>} : memref<2400xi32, #tpu.memory_space<vmem>>, vector<16xi32>,
    %get3A_471 = vector.shape_cast %get3A_470 : vector<16xi32> to vector<16xi32>
    %mul3A_472 = arith.constant 10000 : i32
    %mul3A_473 = vector.broadcast %mul3A_472 : i32 to vector<16xi32>
    %mul3A_474 = arith.muli %get3A_471, %mul3A_473 : vector<16xi32>
    %get3A_475 = arith.constant 368 : index
    %get3A_476 = tpu.vector_load %arg7[%get3A_475] {strides = array<i32>} : memref<2400xi32, #tpu.memory_space<vmem>>, vector<16xi32>,
    %get3A_477 = vector.shape_cast %get3A_476 : vector<16xi32> to vector<16xi32>
    %add3A_478 = arith.addi %mul3A_474, %get3A_477 : vector<16xi32>
    %mul3A_479 = arith.constant 2 : i32
    %mul3A_480 = vector.broadcast %mul3A_479 : i32 to vector<16xi32>
    %mul3A_481 = arith.muli %add3A_478, %mul3A_480 : vector<16xi32>
    %add3A_482 = vector.broadcast %arg0 : i32 to vector<16xi32>
    %add3A_483 = arith.addi %mul3A_481, %add3A_482 : vector<16xi32>
    %swap3A_484 = arith.constant 368 : index
    %swap3A_485 = tpu.vector_load %arg10[%swap3A_484] {strides = array<i32>} : memref<400xi32, #tpu.memory_space<vmem>>, vector<16xi32>,
    %swap3A_486 = vector.shape_cast %swap3A_485 : vector<16xi32> to vector<16xi32>
    %swap3A_487 = vector.shape_cast %add3A_483 : vector<16xi32> to vector<16xi32>
    tpu.vector_store %arg10[%swap3A_484], %swap3A_487 {strides = array<i32>} : memref<400xi32, #tpu.memory_space<vmem>>, vector<16xi32>,
    %get3A_488 = arith.constant 384 : index
    %get3A_489 = tpu.vector_load %arg8[%get3A_488] {strides = array<i32>} : memref<2400xi32, #tpu.memory_space<vmem>>, vector<16xi32>,
    %get3A_490 = vector.shape_cast %get3A_489 : vector<16xi32> to vector<16xi32>
    %mul3A_491 = arith.constant 10000 : i32
    %mul3A_492 = vector.broadcast %mul3A_491 : i32 to vector<16xi32>
    %mul3A_493 = arith.muli %get3A_490, %mul3A_492 : vector<16xi32>
    %get3A_494 = arith.constant 384 : index
    %get3A_495 = tpu.vector_load %arg7[%get3A_494] {strides = array<i32>} : memref<2400xi32, #tpu.memory_space<vmem>>, vector<16xi32>,
    %get3A_496 = vector.shape_cast %get3A_495 : vector<16xi32> to vector<16xi32>
    %add3A_497 = arith.addi %mul3A_493, %get3A_496 : vector<16xi32>
    %mul3A_498 = arith.constant 2 : i32
    %mul3A_499 = vector.broadcast %mul3A_498 : i32 to vector<16xi32>
    %mul3A_500 = arith.muli %add3A_497, %mul3A_499 : vector<16xi32>
    %add3A_501 = vector.broadcast %arg0 : i32 to vector<16xi32>
    %add3A_502 = arith.addi %mul3A_500, %add3A_501 : vector<16xi32>
    %swap3A_503 = arith.constant 384 : index
    %swap3A_504 = tpu.vector_load %arg10[%swap3A_503] {strides = array<i32>} : memref<400xi32, #tpu.memory_space<vmem>>, vector<16xi32>,
    %swap3A_505 = vector.shape_cast %swap3A_504 : vector<16xi32> to vector<16xi32>
    %swap3A_506 = vector.shape_cast %add3A_502 : vector<16xi32> to vector<16xi32>
    tpu.vector_store %arg10[%swap3A_503], %swap3A_506 {strides = array<i32>} : memref<400xi32, #tpu.memory_space<vmem>>, vector<16xi32>,
    %dma_start3A = arith.constant 0 : i32
    %dma_start3A_507 = arith.constant 0 : i32
    %dma_start3A_508 = tpu.memref_slice %arg2[%dma_start3A, %dma_start3A_507] : memref<320000x64xf32, #tpu.memory_space<hbm>> -> memref<320000x64xf32, #tpu.memory_space<hbm>>
    tpu.enqueue_indirect_dma source(%dma_start3A_508 : memref<320000x64xf32, #tpu.memory_space<hbm>>) target(%arg13 : memref<400x64xf32, #tpu.memory_space<vmem>>) offsets(%arg10 : memref<400xi32, #tpu.memory_space<vmem>>) semaphore(%arg17 : memref<!tpu.dma_semaphore, #tpu.memory_space<semaphore_mem>>)
    %get3A_509 = arith.constant 400 : index
    %get3A_510 = tpu.vector_load %arg8[%get3A_509] {strides = array<i32>} : memref<2400xi32, #tpu.memory_space<vmem>>, vector<16xi32>,
    %get3A_511 = vector.shape_cast %get3A_510 : vector<16xi32> to vector<16xi32>
    %mul3A_512 = arith.constant 10000 : i32
    %mul3A_513 = vector.broadcast %mul3A_512 : i32 to vector<16xi32>
    %mul3A_514 = arith.muli %get3A_511, %mul3A_513 : vector<16xi32>
    %get3A_515 = arith.constant 400 : index
    %get3A_516 = tpu.vector_load %arg7[%get3A_515] {strides = array<i32>} : memref<2400xi32, #tpu.memory_space<vmem>>, vector<16xi32>,
    %get3A_517 = vector.shape_cast %get3A_516 : vector<16xi32> to vector<16xi32>
    %add3A_518 = arith.addi %mul3A_514, %get3A_517 : vector<16xi32>
    %mul3A_519 = arith.constant 2 : i32
    %mul3A_520 = vector.broadcast %mul3A_519 : i32 to vector<16xi32>
    %mul3A_521 = arith.muli %add3A_518, %mul3A_520 : vector<16xi32>
    %add3A_522 = vector.broadcast %arg0 : i32 to vector<16xi32>
    %add3A_523 = arith.addi %mul3A_521, %add3A_522 : vector<16xi32>
    %swap3A_524 = arith.constant 0 : index
    %swap3A_525 = tpu.vector_load %arg11[%swap3A_524] {strides = array<i32>} : memref<400xi32, #tpu.memory_space<vmem>>, vector<16xi32>,
    %swap3A_526 = vector.shape_cast %swap3A_525 : vector<16xi32> to vector<16xi32>
    %swap3A_527 = vector.shape_cast %add3A_523 : vector<16xi32> to vector<16xi32>
    tpu.vector_store %arg11[%swap3A_524], %swap3A_527 {strides = array<i32>} : memref<400xi32, #tpu.memory_space<vmem>>, vector<16xi32>,
    %get3A_528 = arith.constant 416 : index
    %get3A_529 = tpu.vector_load %arg8[%get3A_528] {strides = array<i32>} : memref<2400xi32, #tpu.memory_space<vmem>>, vector<16xi32>,
    %get3A_530 = vector.shape_cast %get3A_529 : vector<16xi32> to vector<16xi32>
    %mul3A_531 = arith.constant 10000 : i32
    %mul3A_532 = vector.broadcast %mul3A_531 : i32 to vector<16xi32>
    %mul3A_533 = arith.muli %get3A_530, %mul3A_532 : vector<16xi32>
    %get3A_534 = arith.constant 416 : index
    %get3A_535 = tpu.vector_load %arg7[%get3A_534] {strides = array<i32>} : memref<2400xi32, #tpu.memory_space<vmem>>, vector<16xi32>,
    %get3A_536 = vector.shape_cast %get3A_535 : vector<16xi32> to vector<16xi32>
    %add3A_537 = arith.addi %mul3A_533, %get3A_536 : vector<16xi32>
    %mul3A_538 = arith.constant 2 : i32
    %mul3A_539 = vector.broadcast %mul3A_538 : i32 to vector<16xi32>
    %mul3A_540 = arith.muli %add3A_537, %mul3A_539 : vector<16xi32>
    %add3A_541 = vector.broadcast %arg0 : i32 to vector<16xi32>
    %add3A_542 = arith.addi %mul3A_540, %add3A_541 : vector<16xi32>
    %swap3A_543 = arith.constant 16 : index
    %swap3A_544 = tpu.vector_load %arg11[%swap3A_543] {strides = array<i32>} : memref<400xi32, #tpu.memory_space<vmem>>, vector<16xi32>,
    %swap3A_545 = vector.shape_cast %swap3A_544 : vector<16xi32> to vector<16xi32>
    %swap3A_546 = vector.shape_cast %add3A_542 : vector<16xi32> to vector<16xi32>
    tpu.vector_store %arg11[%swap3A_543], %swap3A_546 {strides = array<i32>} : memref<400xi32, #tpu.memory_space<vmem>>, vector<16xi32>,
    %get3A_547 = arith.constant 432 : index
    %get3A_548 = tpu.vector_load %arg8[%get3A_547] {strides = array<i32>} : memref<2400xi32, #tpu.memory_space<vmem>>, vector<16xi32>,
    %get3A_549 = vector.shape_cast %get3A_548 : vector<16xi32> to vector<16xi32>
    %mul3A_550 = arith.constant 10000 : i32
    %mul3A_551 = vector.broadcast %mul3A_550 : i32 to vector<16xi32>
    %mul3A_552 = arith.muli %get3A_549, %mul3A_551 : vector<16xi32>
    %get3A_553 = arith.constant 432 : index
    %get3A_554 = tpu.vector_load %arg7[%get3A_553] {strides = array<i32>} : memref<2400xi32, #tpu.memory_space<vmem>>, vector<16xi32>,
    %get3A_555 = vector.shape_cast %get3A_554 : vector<16xi32> to vector<16xi32>
    %add3A_556 = arith.addi %mul3A_552, %get3A_555 : vector<16xi32>
    %mul3A_557 = arith.constant 2 : i32
    %mul3A_558 = vector.broadcast %mul3A_557 : i32 to vector<16xi32>
    %mul3A_559 = arith.muli %add3A_556, %mul3A_558 : vector<16xi32>
    %add3A_560 = vector.broadcast %arg0 : i32 to vector<16xi32>
    %add3A_561 = arith.addi %mul3A_559, %add3A_560 : vector<16xi32>
    %swap3A_562 = arith.constant 32 : index
    %swap3A_563 = tpu.vector_load %arg11[%swap3A_562] {strides = array<i32>} : memref<400xi32, #tpu.memory_space<vmem>>, vector<16xi32>,
    %swap3A_564 = vector.shape_cast %swap3A_563 : vector<16xi32> to vector<16xi32>
    %swap3A_565 = vector.shape_cast %add3A_561 : vector<16xi32> to vector<16xi32>
    tpu.vector_store %arg11[%swap3A_562], %swap3A_565 {strides = array<i32>} : memref<400xi32, #tpu.memory_space<vmem>>, vector<16xi32>,
    %get3A_566 = arith.constant 448 : index
    %get3A_567 = tpu.vector_load %arg8[%get3A_566] {strides = array<i32>} : memref<2400xi32, #tpu.memory_space<vmem>>, vector<16xi32>,
    %get3A_568 = vector.shape_cast %get3A_567 : vector<16xi32> to vector<16xi32>
    %mul3A_569 = arith.constant 10000 : i32
    %mul3A_570 = vector.broadcast %mul3A_569 : i32 to vector<16xi32>
    %mul3A_571 = arith.muli %get3A_568, %mul3A_570 : vector<16xi32>
    %get3A_572 = arith.constant 448 : index
    %get3A_573 = tpu.vector_load %arg7[%get3A_572] {strides = array<i32>} : memref<2400xi32, #tpu.memory_space<vmem>>, vector<16xi32>,
    %get3A_574 = vector.shape_cast %get3A_573 : vector<16xi32> to vector<16xi32>
    %add3A_575 = arith.addi %mul3A_571, %get3A_574 : vector<16xi32>
    %mul3A_576 = arith.constant 2 : i32
    %mul3A_577 = vector.broadcast %mul3A_576 : i32 to vector<16xi32>
    %mul3A_578 = arith.muli %add3A_575, %mul3A_577 : vector<16xi32>
    %add3A_579 = vector.broadcast %arg0 : i32 to vector<16xi32>
    %add3A_580 = arith.addi %mul3A_578, %add3A_579 : vector<16xi32>
    %swap3A_581 = arith.constant 48 : index
    %swap3A_582 = tpu.vector_load %arg11[%swap3A_581] {strides = array<i32>} : memref<400xi32, #tpu.memory_space<vmem>>, vector<16xi32>,
    %swap3A_583 = vector.shape_cast %swap3A_582 : vector<16xi32> to vector<16xi32>
    %swap3A_584 = vector.shape_cast %add3A_580 : vector<16xi32> to vector<16xi32>
    tpu.vector_store %arg11[%swap3A_581], %swap3A_584 {strides = array<i32>} : memref<400xi32, #tpu.memory_space<vmem>>, vector<16xi32>,
    %get3A_585 = arith.constant 464 : index
    %get3A_586 = tpu.vector_load %arg8[%get3A_585] {strides = array<i32>} : memref<2400xi32, #tpu.memory_space<vmem>>, vector<16xi32>,
    %get3A_587 = vector.shape_cast %get3A_586 : vector<16xi32> to vector<16xi32>
    %mul3A_588 = arith.constant 10000 : i32
    %mul3A_589 = vector.broadcast %mul3A_588 : i32 to vector<16xi32>
    %mul3A_590 = arith.muli %get3A_587, %mul3A_589 : vector<16xi32>
    %get3A_591 = arith.constant 464 : index
    %get3A_592 = tpu.vector_load %arg7[%get3A_591] {strides = array<i32>} : memref<2400xi32, #tpu.memory_space<vmem>>, vector<16xi32>,
    %get3A_593 = vector.shape_cast %get3A_592 : vector<16xi32> to vector<16xi32>
    %add3A_594 = arith.addi %mul3A_590, %get3A_593 : vector<16xi32>
    %mul3A_595 = arith.constant 2 : i32
    %mul3A_596 = vector.broadcast %mul3A_595 : i32 to vector<16xi32>
    %mul3A_597 = arith.muli %add3A_594, %mul3A_596 : vector<16xi32>
    %add3A_598 = vector.broadcast %arg0 : i32 to vector<16xi32>
    %add3A_599 = arith.addi %mul3A_597, %add3A_598 : vector<16xi32>
    %swap3A_600 = arith.constant 64 : index
    %swap3A_601 = tpu.vector_load %arg11[%swap3A_600] {strides = array<i32>} : memref<400xi32, #tpu.memory_space<vmem>>, vector<16xi32>,
    %swap3A_602 = vector.shape_cast %swap3A_601 : vector<16xi32> to vector<16xi32>
    %swap3A_603 = vector.shape_cast %add3A_599 : vector<16xi32> to vector<16xi32>
    tpu.vector_store %arg11[%swap3A_600], %swap3A_603 {strides = array<i32>} : memref<400xi32, #tpu.memory_space<vmem>>, vector<16xi32>,
    %get3A_604 = arith.constant 480 : index
    %get3A_605 = tpu.vector_load %arg8[%get3A_604] {strides = array<i32>} : memref<2400xi32, #tpu.memory_space<vmem>>, vector<16xi32>,
    %get3A_606 = vector.shape_cast %get3A_605 : vector<16xi32> to vector<16xi32>
    %mul3A_607 = arith.constant 10000 : i32
    %mul3A_608 = vector.broadcast %mul3A_607 : i32 to vector<16xi32>
    %mul3A_609 = arith.muli %get3A_606, %mul3A_608 : vector<16xi32>
    %get3A_610 = arith.constant 480 : index
    %get3A_611 = tpu.vector_load %arg7[%get3A_610] {strides = array<i32>} : memref<2400xi32, #tpu.memory_space<vmem>>, vector<16xi32>,
    %get3A_612 = vector.shape_cast %get3A_611 : vector<16xi32> to vector<16xi32>
    %add3A_613 = arith.addi %mul3A_609, %get3A_612 : vector<16xi32>
    %mul3A_614 = arith.constant 2 : i32
    %mul3A_615 = vector.broadcast %mul3A_614 : i32 to vector<16xi32>
    %mul3A_616 = arith.muli %add3A_613, %mul3A_615 : vector<16xi32>
    %add3A_617 = vector.broadcast %arg0 : i32 to vector<16xi32>
    %add3A_618 = arith.addi %mul3A_616, %add3A_617 : vector<16xi32>
    %swap3A_619 = arith.constant 80 : index
    %swap3A_620 = tpu.vector_load %arg11[%swap3A_619] {strides = array<i32>} : memref<400xi32, #tpu.memory_space<vmem>>, vector<16xi32>,
    %swap3A_621 = vector.shape_cast %swap3A_620 : vector<16xi32> to vector<16xi32>
    %swap3A_622 = vector.shape_cast %add3A_618 : vector<16xi32> to vector<16xi32>
    tpu.vector_store %arg11[%swap3A_619], %swap3A_622 {strides = array<i32>} : memref<400xi32, #tpu.memory_space<vmem>>, vector<16xi32>,
    %get3A_623 = arith.constant 496 : index
    %get3A_624 = tpu.vector_load %arg8[%get3A_623] {strides = array<i32>} : memref<2400xi32, #tpu.memory_space<vmem>>, vector<16xi32>,
    %get3A_625 = vector.shape_cast %get3A_624 : vector<16xi32> to vector<16xi32>
    %mul3A_626 = arith.constant 10000 : i32
    %mul3A_627 = vector.broadcast %mul3A_626 : i32 to vector<16xi32>
    %mul3A_628 = arith.muli %get3A_625, %mul3A_627 : vector<16xi32>
    %get3A_629 = arith.constant 496 : index
    %get3A_630 = tpu.vector_load %arg7[%get3A_629] {strides = array<i32>} : memref<2400xi32, #tpu.memory_space<vmem>>, vector<16xi32>,
    %get3A_631 = vector.shape_cast %get3A_630 : vector<16xi32> to vector<16xi32>
    %add3A_632 = arith.addi %mul3A_628, %get3A_631 : vector<16xi32>
    %mul3A_633 = arith.constant 2 : i32
    %mul3A_634 = vector.broadcast %mul3A_633 : i32 to vector<16xi32>
    %mul3A_635 = arith.muli %add3A_632, %mul3A_634 : vector<16xi32>
    %add3A_636 = vector.broadcast %arg0 : i32 to vector<16xi32>
    %add3A_637 = arith.addi %mul3A_635, %add3A_636 : vector<16xi32>
    %swap3A_638 = arith.constant 96 : index
    %swap3A_639 = tpu.vector_load %arg11[%swap3A_638] {strides = array<i32>} : memref<400xi32, #tpu.memory_space<vmem>>, vector<16xi32>,
    %swap3A_640 = vector.shape_cast %swap3A_639 : vector<16xi32> to vector<16xi32>
    %swap3A_641 = vector.shape_cast %add3A_637 : vector<16xi32> to vector<16xi32>
    tpu.vector_store %arg11[%swap3A_638], %swap3A_641 {strides = array<i32>} : memref<400xi32, #tpu.memory_space<vmem>>, vector<16xi32>,
    %get3A_642 = arith.constant 512 : index
    %get3A_643 = tpu.vector_load %arg8[%get3A_642] {strides = array<i32>} : memref<2400xi32, #tpu.memory_space<vmem>>, vector<16xi32>,
    %get3A_644 = vector.shape_cast %get3A_643 : vector<16xi32> to vector<16xi32>
    %mul3A_645 = arith.constant 10000 : i32
    %mul3A_646 = vector.broadcast %mul3A_645 : i32 to vector<16xi32>
    %mul3A_647 = arith.muli %get3A_644, %mul3A_646 : vector<16xi32>
    %get3A_648 = arith.constant 512 : index
    %get3A_649 = tpu.vector_load %arg7[%get3A_648] {strides = array<i32>} : memref<2400xi32, #tpu.memory_space<vmem>>, vector<16xi32>,
    %get3A_650 = vector.shape_cast %get3A_649 : vector<16xi32> to vector<16xi32>
    %add3A_651 = arith.addi %mul3A_647, %get3A_650 : vector<16xi32>
    %mul3A_652 = arith.constant 2 : i32
    %mul3A_653 = vector.broadcast %mul3A_652 : i32 to vector<16xi32>
    %mul3A_654 = arith.muli %add3A_651, %mul3A_653 : vector<16xi32>
    %add3A_655 = vector.broadcast %arg0 : i32 to vector<16xi32>
    %add3A_656 = arith.addi %mul3A_654, %add3A_655 : vector<16xi32>
    %swap3A_657 = arith.constant 112 : index
    %swap3A_658 = tpu.vector_load %arg11[%swap3A_657] {strides = array<i32>} : memref<400xi32, #tpu.memory_space<vmem>>, vector<16xi32>,
    %swap3A_659 = vector.shape_cast %swap3A_658 : vector<16xi32> to vector<16xi32>
    %swap3A_660 = vector.shape_cast %add3A_656 : vector<16xi32> to vector<16xi32>
    tpu.vector_store %arg11[%swap3A_657], %swap3A_660 {strides = array<i32>} : memref<400xi32, #tpu.memory_space<vmem>>, vector<16xi32>,
    %get3A_661 = arith.constant 528 : index
    %get3A_662 = tpu.vector_load %arg8[%get3A_661] {strides = array<i32>} : memref<2400xi32, #tpu.memory_space<vmem>>, vector<16xi32>,
    %get3A_663 = vector.shape_cast %get3A_662 : vector<16xi32> to vector<16xi32>
    %mul3A_664 = arith.constant 10000 : i32
    %mul3A_665 = vector.broadcast %mul3A_664 : i32 to vector<16xi32>
    %mul3A_666 = arith.muli %get3A_663, %mul3A_665 : vector<16xi32>
    %get3A_667 = arith.constant 528 : index
    %get3A_668 = tpu.vector_load %arg7[%get3A_667] {strides = array<i32>} : memref<2400xi32, #tpu.memory_space<vmem>>, vector<16xi32>,
    %get3A_669 = vector.shape_cast %get3A_668 : vector<16xi32> to vector<16xi32>
    %add3A_670 = arith.addi %mul3A_666, %get3A_669 : vector<16xi32>
    %mul3A_671 = arith.constant 2 : i32
    %mul3A_672 = vector.broadcast %mul3A_671 : i32 to vector<16xi32>
    %mul3A_673 = arith.muli %add3A_670, %mul3A_672 : vector<16xi32>
    %add3A_674 = vector.broadcast %arg0 : i32 to vector<16xi32>
    %add3A_675 = arith.addi %mul3A_673, %add3A_674 : vector<16xi32>
    %swap3A_676 = arith.constant 128 : index
    %swap3A_677 = tpu.vector_load %arg11[%swap3A_676] {strides = array<i32>} : memref<400xi32, #tpu.memory_space<vmem>>, vector<16xi32>,
    %swap3A_678 = vector.shape_cast %swap3A_677 : vector<16xi32> to vector<16xi32>
    %swap3A_679 = vector.shape_cast %add3A_675 : vector<16xi32> to vector<16xi32>
    tpu.vector_store %arg11[%swap3A_676], %swap3A_679 {strides = array<i32>} : memref<400xi32, #tpu.memory_space<vmem>>, vector<16xi32>,
    %get3A_680 = arith.constant 544 : index
    %get3A_681 = tpu.vector_load %arg8[%get3A_680] {strides = array<i32>} : memref<2400xi32, #tpu.memory_space<vmem>>, vector<16xi32>,
    %get3A_682 = vector.shape_cast %get3A_681 : vector<16xi32> to vector<16xi32>
    %mul3A_683 = arith.constant 10000 : i32
    %mul3A_684 = vector.broadcast %mul3A_683 : i32 to vector<16xi32>
    %mul3A_685 = arith.muli %get3A_682, %mul3A_684 : vector<16xi32>
    %get3A_686 = arith.constant 544 : index
    %get3A_687 = tpu.vector_load %arg7[%get3A_686] {strides = array<i32>} : memref<2400xi32, #tpu.memory_space<vmem>>, vector<16xi32>,
    %get3A_688 = vector.shape_cast %get3A_687 : vector<16xi32> to vector<16xi32>
    %add3A_689 = arith.addi %mul3A_685, %get3A_688 : vector<16xi32>
    %mul3A_690 = arith.constant 2 : i32
    %mul3A_691 = vector.broadcast %mul3A_690 : i32 to vector<16xi32>
    %mul3A_692 = arith.muli %add3A_689, %mul3A_691 : vector<16xi32>
    %add3A_693 = vector.broadcast %arg0 : i32 to vector<16xi32>
    %add3A_694 = arith.addi %mul3A_692, %add3A_693 : vector<16xi32>
    %swap3A_695 = arith.constant 144 : index
    %swap3A_696 = tpu.vector_load %arg11[%swap3A_695] {strides = array<i32>} : memref<400xi32, #tpu.memory_space<vmem>>, vector<16xi32>,
    %swap3A_697 = vector.shape_cast %swap3A_696 : vector<16xi32> to vector<16xi32>
    %swap3A_698 = vector.shape_cast %add3A_694 : vector<16xi32> to vector<16xi32>
    tpu.vector_store %arg11[%swap3A_695], %swap3A_698 {strides = array<i32>} : memref<400xi32, #tpu.memory_space<vmem>>, vector<16xi32>,
    %get3A_699 = arith.constant 560 : index
    %get3A_700 = tpu.vector_load %arg8[%get3A_699] {strides = array<i32>} : memref<2400xi32, #tpu.memory_space<vmem>>, vector<16xi32>,
    %get3A_701 = vector.shape_cast %get3A_700 : vector<16xi32> to vector<16xi32>
    %mul3A_702 = arith.constant 10000 : i32
    %mul3A_703 = vector.broadcast %mul3A_702 : i32 to vector<16xi32>
    %mul3A_704 = arith.muli %get3A_701, %mul3A_703 : vector<16xi32>
    %get3A_705 = arith.constant 560 : index
    %get3A_706 = tpu.vector_load %arg7[%get3A_705] {strides = array<i32>} : memref<2400xi32, #tpu.memory_space<vmem>>, vector<16xi32>,
    %get3A_707 = vector.shape_cast %get3A_706 : vector<16xi32> to vector<16xi32>
    %add3A_708 = arith.addi %mul3A_704, %get3A_707 : vector<16xi32>
    %mul3A_709 = arith.constant 2 : i32
    %mul3A_710 = vector.broadcast %mul3A_709 : i32 to vector<16xi32>
    %mul3A_711 = arith.muli %add3A_708, %mul3A_710 : vector<16xi32>
    %add3A_712 = vector.broadcast %arg0 : i32 to vector<16xi32>
    %add3A_713 = arith.addi %mul3A_711, %add3A_712 : vector<16xi32>
    %swap3A_714 = arith.constant 160 : index
    %swap3A_715 = tpu.vector_load %arg11[%swap3A_714] {strides = array<i32>} : memref<400xi32, #tpu.memory_space<vmem>>, vector<16xi32>,
    %swap3A_716 = vector.shape_cast %swap3A_715 : vector<16xi32> to vector<16xi32>
    %swap3A_717 = vector.shape_cast %add3A_713 : vector<16xi32> to vector<16xi32>
    tpu.vector_store %arg11[%swap3A_714], %swap3A_717 {strides = array<i32>} : memref<400xi32, #tpu.memory_space<vmem>>, vector<16xi32>,
    %get3A_718 = arith.constant 576 : index
    %get3A_719 = tpu.vector_load %arg8[%get3A_718] {strides = array<i32>} : memref<2400xi32, #tpu.memory_space<vmem>>, vector<16xi32>,
    %get3A_720 = vector.shape_cast %get3A_719 : vector<16xi32> to vector<16xi32>
    %mul3A_721 = arith.constant 10000 : i32
    %mul3A_722 = vector.broadcast %mul3A_721 : i32 to vector<16xi32>
    %mul3A_723 = arith.muli %get3A_720, %mul3A_722 : vector<16xi32>
    %get3A_724 = arith.constant 576 : index
    %get3A_725 = tpu.vector_load %arg7[%get3A_724] {strides = array<i32>} : memref<2400xi32, #tpu.memory_space<vmem>>, vector<16xi32>,
    %get3A_726 = vector.shape_cast %get3A_725 : vector<16xi32> to vector<16xi32>
    %add3A_727 = arith.addi %mul3A_723, %get3A_726 : vector<16xi32>
    %mul3A_728 = arith.constant 2 : i32
    %mul3A_729 = vector.broadcast %mul3A_728 : i32 to vector<16xi32>
    %mul3A_730 = arith.muli %add3A_727, %mul3A_729 : vector<16xi32>
    %add3A_731 = vector.broadcast %arg0 : i32 to vector<16xi32>
    %add3A_732 = arith.addi %mul3A_730, %add3A_731 : vector<16xi32>
    %swap3A_733 = arith.constant 176 : index
    %swap3A_734 = tpu.vector_load %arg11[%swap3A_733] {strides = array<i32>} : memref<400xi32, #tpu.memory_space<vmem>>, vector<16xi32>,
    %swap3A_735 = vector.shape_cast %swap3A_734 : vector<16xi32> to vector<16xi32>
    %swap3A_736 = vector.shape_cast %add3A_732 : vector<16xi32> to vector<16xi32>
    tpu.vector_store %arg11[%swap3A_733], %swap3A_736 {strides = array<i32>} : memref<400xi32, #tpu.memory_space<vmem>>, vector<16xi32>,
    %get3A_737 = arith.constant 592 : index
    %get3A_738 = tpu.vector_load %arg8[%get3A_737] {strides = array<i32>} : memref<2400xi32, #tpu.memory_space<vmem>>, vector<16xi32>,
    %get3A_739 = vector.shape_cast %get3A_738 : vector<16xi32> to vector<16xi32>
    %mul3A_740 = arith.constant 10000 : i32
    %mul3A_741 = vector.broadcast %mul3A_740 : i32 to vector<16xi32>
    %mul3A_742 = arith.muli %get3A_739, %mul3A_741 : vector<16xi32>
    %get3A_743 = arith.constant 592 : index
    %get3A_744 = tpu.vector_load %arg7[%get3A_743] {strides = array<i32>} : memref<2400xi32, #tpu.memory_space<vmem>>, vector<16xi32>,
    %get3A_745 = vector.shape_cast %get3A_744 : vector<16xi32> to vector<16xi32>
    %add3A_746 = arith.addi %mul3A_742, %get3A_745 : vector<16xi32>
    %mul3A_747 = arith.constant 2 : i32
    %mul3A_748 = vector.broadcast %mul3A_747 : i32 to vector<16xi32>
    %mul3A_749 = arith.muli %add3A_746, %mul3A_748 : vector<16xi32>
    %add3A_750 = vector.broadcast %arg0 : i32 to vector<16xi32>
    %add3A_751 = arith.addi %mul3A_749, %add3A_750 : vector<16xi32>
    %swap3A_752 = arith.constant 192 : index
    %swap3A_753 = tpu.vector_load %arg11[%swap3A_752] {strides = array<i32>} : memref<400xi32, #tpu.memory_space<vmem>>, vector<16xi32>,
    %swap3A_754 = vector.shape_cast %swap3A_753 : vector<16xi32> to vector<16xi32>
    %swap3A_755 = vector.shape_cast %add3A_751 : vector<16xi32> to vector<16xi32>
    tpu.vector_store %arg11[%swap3A_752], %swap3A_755 {strides = array<i32>} : memref<400xi32, #tpu.memory_space<vmem>>, vector<16xi32>,
    %get3A_756 = arith.constant 608 : index
    %get3A_757 = tpu.vector_load %arg8[%get3A_756] {strides = array<i32>} : memref<2400xi32, #tpu.memory_space<vmem>>, vector<16xi32>,
    %get3A_758 = vector.shape_cast %get3A_757 : vector<16xi32> to vector<16xi32>
    %mul3A_759 = arith.constant 10000 : i32
    %mul3A_760 = vector.broadcast %mul3A_759 : i32 to vector<16xi32>
    %mul3A_761 = arith.muli %get3A_758, %mul3A_760 : vector<16xi32>
    %get3A_762 = arith.constant 608 : index
    %get3A_763 = tpu.vector_load %arg7[%get3A_762] {strides = array<i32>} : memref<2400xi32, #tpu.memory_space<vmem>>, vector<16xi32>,
    %get3A_764 = vector.shape_cast %get3A_763 : vector<16xi32> to vector<16xi32>
    %add3A_765 = arith.addi %mul3A_761, %get3A_764 : vector<16xi32>
    %mul3A_766 = arith.constant 2 : i32
    %mul3A_767 = vector.broadcast %mul3A_766 : i32 to vector<16xi32>
    %mul3A_768 = arith.muli %add3A_765, %mul3A_767 : vector<16xi32>
    %add3A_769 = vector.broadcast %arg0 : i32 to vector<16xi32>
    %add3A_770 = arith.addi %mul3A_768, %add3A_769 : vector<16xi32>
    %swap3A_771 = arith.constant 208 : index
    %swap3A_772 = tpu.vector_load %arg11[%swap3A_771] {strides = array<i32>} : memref<400xi32, #tpu.memory_space<vmem>>, vector<16xi32>,
    %swap3A_773 = vector.shape_cast %swap3A_772 : vector<16xi32> to vector<16xi32>
    %swap3A_774 = vector.shape_cast %add3A_770 : vector<16xi32> to vector<16xi32>
    tpu.vector_store %arg11[%swap3A_771], %swap3A_774 {strides = array<i32>} : memref<400xi32, #tpu.memory_space<vmem>>, vector<16xi32>,
    %get3A_775 = arith.constant 624 : index
    %get3A_776 = tpu.vector_load %arg8[%get3A_775] {strides = array<i32>} : memref<2400xi32, #tpu.memory_space<vmem>>, vector<16xi32>,
    %get3A_777 = vector.shape_cast %get3A_776 : vector<16xi32> to vector<16xi32>
    %mul3A_778 = arith.constant 10000 : i32
    %mul3A_779 = vector.broadcast %mul3A_778 : i32 to vector<16xi32>
    %mul3A_780 = arith.muli %get3A_777, %mul3A_779 : vector<16xi32>
    %get3A_781 = arith.constant 624 : index
    %get3A_782 = tpu.vector_load %arg7[%get3A_781] {strides = array<i32>} : memref<2400xi32, #tpu.memory_space<vmem>>, vector<16xi32>,
    %get3A_783 = vector.shape_cast %get3A_782 : vector<16xi32> to vector<16xi32>
    %add3A_784 = arith.addi %mul3A_780, %get3A_783 : vector<16xi32>
    %mul3A_785 = arith.constant 2 : i32
    %mul3A_786 = vector.broadcast %mul3A_785 : i32 to vector<16xi32>
    %mul3A_787 = arith.muli %add3A_784, %mul3A_786 : vector<16xi32>
    %add3A_788 = vector.broadcast %arg0 : i32 to vector<16xi32>
    %add3A_789 = arith.addi %mul3A_787, %add3A_788 : vector<16xi32>
    %swap3A_790 = arith.constant 224 : index
    %swap3A_791 = tpu.vector_load %arg11[%swap3A_790] {strides = array<i32>} : memref<400xi32, #tpu.memory_space<vmem>>, vector<16xi32>,
    %swap3A_792 = vector.shape_cast %swap3A_791 : vector<16xi32> to vector<16xi32>
    %swap3A_793 = vector.shape_cast %add3A_789 : vector<16xi32> to vector<16xi32>
    tpu.vector_store %arg11[%swap3A_790], %swap3A_793 {strides = array<i32>} : memref<400xi32, #tpu.memory_space<vmem>>, vector<16xi32>,
    %get3A_794 = arith.constant 640 : index
    %get3A_795 = tpu.vector_load %arg8[%get3A_794] {strides = array<i32>} : memref<2400xi32, #tpu.memory_space<vmem>>, vector<16xi32>,
    %get3A_796 = vector.shape_cast %get3A_795 : vector<16xi32> to vector<16xi32>
    %mul3A_797 = arith.constant 10000 : i32
    %mul3A_798 = vector.broadcast %mul3A_797 : i32 to vector<16xi32>
    %mul3A_799 = arith.muli %get3A_796, %mul3A_798 : vector<16xi32>
    %get3A_800 = arith.constant 640 : index
    %get3A_801 = tpu.vector_load %arg7[%get3A_800] {strides = array<i32>} : memref<2400xi32, #tpu.memory_space<vmem>>, vector<16xi32>,
    %get3A_802 = vector.shape_cast %get3A_801 : vector<16xi32> to vector<16xi32>
    %add3A_803 = arith.addi %mul3A_799, %get3A_802 : vector<16xi32>
    %mul3A_804 = arith.constant 2 : i32
    %mul3A_805 = vector.broadcast %mul3A_804 : i32 to vector<16xi32>
    %mul3A_806 = arith.muli %add3A_803, %mul3A_805 : vector<16xi32>
    %add3A_807 = vector.broadcast %arg0 : i32 to vector<16xi32>
    %add3A_808 = arith.addi %mul3A_806, %add3A_807 : vector<16xi32>
    %swap3A_809 = arith.constant 240 : index
    %swap3A_810 = tpu.vector_load %arg11[%swap3A_809] {strides = array<i32>} : memref<400xi32, #tpu.memory_space<vmem>>, vector<16xi32>,
    %swap3A_811 = vector.shape_cast %swap3A_810 : vector<16xi32> to vector<16xi32>
    %swap3A_812 = vector.shape_cast %add3A_808 : vector<16xi32> to vector<16xi32>
    tpu.vector_store %arg11[%swap3A_809], %swap3A_812 {strides = array<i32>} : memref<400xi32, #tpu.memory_space<vmem>>, vector<16xi32>,
    %get3A_813 = arith.constant 656 : index
    %get3A_814 = tpu.vector_load %arg8[%get3A_813] {strides = array<i32>} : memref<2400xi32, #tpu.memory_space<vmem>>, vector<16xi32>,
    %get3A_815 = vector.shape_cast %get3A_814 : vector<16xi32> to vector<16xi32>
    %mul3A_816 = arith.constant 10000 : i32
    %mul3A_817 = vector.broadcast %mul3A_816 : i32 to vector<16xi32>
    %mul3A_818 = arith.muli %get3A_815, %mul3A_817 : vector<16xi32>
    %get3A_819 = arith.constant 656 : index
    %get3A_820 = tpu.vector_load %arg7[%get3A_819] {strides = array<i32>} : memref<2400xi32, #tpu.memory_space<vmem>>, vector<16xi32>,
    %get3A_821 = vector.shape_cast %get3A_820 : vector<16xi32> to vector<16xi32>
    %add3A_822 = arith.addi %mul3A_818, %get3A_821 : vector<16xi32>
    %mul3A_823 = arith.constant 2 : i32
    %mul3A_824 = vector.broadcast %mul3A_823 : i32 to vector<16xi32>
    %mul3A_825 = arith.muli %add3A_822, %mul3A_824 : vector<16xi32>
    %add3A_826 = vector.broadcast %arg0 : i32 to vector<16xi32>
    %add3A_827 = arith.addi %mul3A_825, %add3A_826 : vector<16xi32>
    %swap3A_828 = arith.constant 256 : index
    %swap3A_829 = tpu.vector_load %arg11[%swap3A_828] {strides = array<i32>} : memref<400xi32, #tpu.memory_space<vmem>>, vector<16xi32>,
    %swap3A_830 = vector.shape_cast %swap3A_829 : vector<16xi32> to vector<16xi32>
    %swap3A_831 = vector.shape_cast %add3A_827 : vector<16xi32> to vector<16xi32>
    tpu.vector_store %arg11[%swap3A_828], %swap3A_831 {strides = array<i32>} : memref<400xi32, #tpu.memory_space<vmem>>, vector<16xi32>,
    %get3A_832 = arith.constant 672 : index
    %get3A_833 = tpu.vector_load %arg8[%get3A_832] {strides = array<i32>} : memref<2400xi32, #tpu.memory_space<vmem>>, vector<16xi32>,
    %get3A_834 = vector.shape_cast %get3A_833 : vector<16xi32> to vector<16xi32>
    %mul3A_835 = arith.constant 10000 : i32
    %mul3A_836 = vector.broadcast %mul3A_835 : i32 to vector<16xi32>
    %mul3A_837 = arith.muli %get3A_834, %mul3A_836 : vector<16xi32>
    %get3A_838 = arith.constant 672 : index
    %get3A_839 = tpu.vector_load %arg7[%get3A_838] {strides = array<i32>} : memref<2400xi32, #tpu.memory_space<vmem>>, vector<16xi32>,
    %get3A_840 = vector.shape_cast %get3A_839 : vector<16xi32> to vector<16xi32>
    %add3A_841 = arith.addi %mul3A_837, %get3A_840 : vector<16xi32>
    %mul3A_842 = arith.constant 2 : i32
    %mul3A_843 = vector.broadcast %mul3A_842 : i32 to vector<16xi32>
    %mul3A_844 = arith.muli %add3A_841, %mul3A_843 : vector<16xi32>
    %add3A_845 = vector.broadcast %arg0 : i32 to vector<16xi32>
    %add3A_846 = arith.addi %mul3A_844, %add3A_845 : vector<16xi32>
    %swap3A_847 = arith.constant 272 : index
    %swap3A_848 = tpu.vector_load %arg11[%swap3A_847] {strides = array<i32>} : memref<400xi32, #tpu.memory_space<vmem>>, vector<16xi32>,
    %swap3A_849 = vector.shape_cast %swap3A_848 : vector<16xi32> to vector<16xi32>
    %swap3A_850 = vector.shape_cast %add3A_846 : vector<16xi32> to vector<16xi32>
    tpu.vector_store %arg11[%swap3A_847], %swap3A_850 {strides = array<i32>} : memref<400xi32, #tpu.memory_space<vmem>>, vector<16xi32>,
    %get3A_851 = arith.constant 688 : index
    %get3A_852 = tpu.vector_load %arg8[%get3A_851] {strides = array<i32>} : memref<2400xi32, #tpu.memory_space<vmem>>, vector<16xi32>,
    %get3A_853 = vector.shape_cast %get3A_852 : vector<16xi32> to vector<16xi32>
    %mul3A_854 = arith.constant 10000 : i32
    %mul3A_855 = vector.broadcast %mul3A_854 : i32 to vector<16xi32>
    %mul3A_856 = arith.muli %get3A_853, %mul3A_855 : vector<16xi32>
    %get3A_857 = arith.constant 688 : index
    %get3A_858 = tpu.vector_load %arg7[%get3A_857] {strides = array<i32>} : memref<2400xi32, #tpu.memory_space<vmem>>, vector<16xi32>,
    %get3A_859 = vector.shape_cast %get3A_858 : vector<16xi32> to vector<16xi32>
    %add3A_860 = arith.addi %mul3A_856, %get3A_859 : vector<16xi32>
    %mul3A_861 = arith.constant 2 : i32
    %mul3A_862 = vector.broadcast %mul3A_861 : i32 to vector<16xi32>
    %mul3A_863 = arith.muli %add3A_860, %mul3A_862 : vector<16xi32>
    %add3A_864 = vector.broadcast %arg0 : i32 to vector<16xi32>
    %add3A_865 = arith.addi %mul3A_863, %add3A_864 : vector<16xi32>
    %swap3A_866 = arith.constant 288 : index
    %swap3A_867 = tpu.vector_load %arg11[%swap3A_866] {strides = array<i32>} : memref<400xi32, #tpu.memory_space<vmem>>, vector<16xi32>,
    %swap3A_868 = vector.shape_cast %swap3A_867 : vector<16xi32> to vector<16xi32>
    %swap3A_869 = vector.shape_cast %add3A_865 : vector<16xi32> to vector<16xi32>
    tpu.vector_store %arg11[%swap3A_866], %swap3A_869 {strides = array<i32>} : memref<400xi32, #tpu.memory_space<vmem>>, vector<16xi32>,
    %get3A_870 = arith.constant 704 : index
    %get3A_871 = tpu.vector_load %arg8[%get3A_870] {strides = array<i32>} : memref<2400xi32, #tpu.memory_space<vmem>>, vector<16xi32>,
    %get3A_872 = vector.shape_cast %get3A_871 : vector<16xi32> to vector<16xi32>
    %mul3A_873 = arith.constant 10000 : i32
    %mul3A_874 = vector.broadcast %mul3A_873 : i32 to vector<16xi32>
    %mul3A_875 = arith.muli %get3A_872, %mul3A_874 : vector<16xi32>
    %get3A_876 = arith.constant 704 : index
    %get3A_877 = tpu.vector_load %arg7[%get3A_876] {strides = array<i32>} : memref<2400xi32, #tpu.memory_space<vmem>>, vector<16xi32>,
    %get3A_878 = vector.shape_cast %get3A_877 : vector<16xi32> to vector<16xi32>
    %add3A_879 = arith.addi %mul3A_875, %get3A_878 : vector<16xi32>
    %mul3A_880 = arith.constant 2 : i32
    %mul3A_881 = vector.broadcast %mul3A_880 : i32 to vector<16xi32>
    %mul3A_882 = arith.muli %add3A_879, %mul3A_881 : vector<16xi32>
    %add3A_883 = vector.broadcast %arg0 : i32 to vector<16xi32>
    %add3A_884 = arith.addi %mul3A_882, %add3A_883 : vector<16xi32>
    %swap3A_885 = arith.constant 304 : index
    %swap3A_886 = tpu.vector_load %arg11[%swap3A_885] {strides = array<i32>} : memref<400xi32, #tpu.memory_space<vmem>>, vector<16xi32>,
    %swap3A_887 = vector.shape_cast %swap3A_886 : vector<16xi32> to vector<16xi32>
    %swap3A_888 = vector.shape_cast %add3A_884 : vector<16xi32> to vector<16xi32>
    tpu.vector_store %arg11[%swap3A_885], %swap3A_888 {strides = array<i32>} : memref<400xi32, #tpu.memory_space<vmem>>, vector<16xi32>,
    %get3A_889 = arith.constant 720 : index
    %get3A_890 = tpu.vector_load %arg8[%get3A_889] {strides = array<i32>} : memref<2400xi32, #tpu.memory_space<vmem>>, vector<16xi32>,
    %get3A_891 = vector.shape_cast %get3A_890 : vector<16xi32> to vector<16xi32>
    %mul3A_892 = arith.constant 10000 : i32
    %mul3A_893 = vector.broadcast %mul3A_892 : i32 to vector<16xi32>
    %mul3A_894 = arith.muli %get3A_891, %mul3A_893 : vector<16xi32>
    %get3A_895 = arith.constant 720 : index
    %get3A_896 = tpu.vector_load %arg7[%get3A_895] {strides = array<i32>} : memref<2400xi32, #tpu.memory_space<vmem>>, vector<16xi32>,
    %get3A_897 = vector.shape_cast %get3A_896 : vector<16xi32> to vector<16xi32>
    %add3A_898 = arith.addi %mul3A_894, %get3A_897 : vector<16xi32>
    %mul3A_899 = arith.constant 2 : i32
    %mul3A_900 = vector.broadcast %mul3A_899 : i32 to vector<16xi32>
    %mul3A_901 = arith.muli %add3A_898, %mul3A_900 : vector<16xi32>
    %add3A_902 = vector.broadcast %arg0 : i32 to vector<16xi32>
    %add3A_903 = arith.addi %mul3A_901, %add3A_902 : vector<16xi32>
    %swap3A_904 = arith.constant 320 : index
    %swap3A_905 = tpu.vector_load %arg11[%swap3A_904] {strides = array<i32>} : memref<400xi32, #tpu.memory_space<vmem>>, vector<16xi32>,
    %swap3A_906 = vector.shape_cast %swap3A_905 : vector<16xi32> to vector<16xi32>
    %swap3A_907 = vector.shape_cast %add3A_903 : vector<16xi32> to vector<16xi32>
    tpu.vector_store %arg11[%swap3A_904], %swap3A_907 {strides = array<i32>} : memref<400xi32, #tpu.memory_space<vmem>>, vector<16xi32>,
    %get3A_908 = arith.constant 736 : index
    %get3A_909 = tpu.vector_load %arg8[%get3A_908] {strides = array<i32>} : memref<2400xi32, #tpu.memory_space<vmem>>, vector<16xi32>,
    %get3A_910 = vector.shape_cast %get3A_909 : vector<16xi32> to vector<16xi32>
    %mul3A_911 = arith.constant 10000 : i32
    %mul3A_912 = vector.broadcast %mul3A_911 : i32 to vector<16xi32>
    %mul3A_913 = arith.muli %get3A_910, %mul3A_912 : vector<16xi32>
    %get3A_914 = arith.constant 736 : index
    %get3A_915 = tpu.vector_load %arg7[%get3A_914] {strides = array<i32>} : memref<2400xi32, #tpu.memory_space<vmem>>, vector<16xi32>,
    %get3A_916 = vector.shape_cast %get3A_915 : vector<16xi32> to vector<16xi32>
    %add3A_917 = arith.addi %mul3A_913, %get3A_916 : vector<16xi32>
    %mul3A_918 = arith.constant 2 : i32
    %mul3A_919 = vector.broadcast %mul3A_918 : i32 to vector<16xi32>
    %mul3A_920 = arith.muli %add3A_917, %mul3A_919 : vector<16xi32>
    %add3A_921 = vector.broadcast %arg0 : i32 to vector<16xi32>
    %add3A_922 = arith.addi %mul3A_920, %add3A_921 : vector<16xi32>
    %swap3A_923 = arith.constant 336 : index
    %swap3A_924 = tpu.vector_load %arg11[%swap3A_923] {strides = array<i32>} : memref<400xi32, #tpu.memory_space<vmem>>, vector<16xi32>,
    %swap3A_925 = vector.shape_cast %swap3A_924 : vector<16xi32> to vector<16xi32>
    %swap3A_926 = vector.shape_cast %add3A_922 : vector<16xi32> to vector<16xi32>
    tpu.vector_store %arg11[%swap3A_923], %swap3A_926 {strides = array<i32>} : memref<400xi32, #tpu.memory_space<vmem>>, vector<16xi32>,
    %get3A_927 = arith.constant 752 : index
    %get3A_928 = tpu.vector_load %arg8[%get3A_927] {strides = array<i32>} : memref<2400xi32, #tpu.memory_space<vmem>>, vector<16xi32>,
    %get3A_929 = vector.shape_cast %get3A_928 : vector<16xi32> to vector<16xi32>
    %mul3A_930 = arith.constant 10000 : i32
    %mul3A_931 = vector.broadcast %mul3A_930 : i32 to vector<16xi32>
    %mul3A_932 = arith.muli %get3A_929, %mul3A_931 : vector<16xi32>
    %get3A_933 = arith.constant 752 : index
    %get3A_934 = tpu.vector_load %arg7[%get3A_933] {strides = array<i32>} : memref<2400xi32, #tpu.memory_space<vmem>>, vector<16xi32>,
    %get3A_935 = vector.shape_cast %get3A_934 : vector<16xi32> to vector<16xi32>
    %add3A_936 = arith.addi %mul3A_932, %get3A_935 : vector<16xi32>
    %mul3A_937 = arith.constant 2 : i32
    %mul3A_938 = vector.broadcast %mul3A_937 : i32 to vector<16xi32>
    %mul3A_939 = arith.muli %add3A_936, %mul3A_938 : vector<16xi32>
    %add3A_940 = vector.broadcast %arg0 : i32 to vector<16xi32>
    %add3A_941 = arith.addi %mul3A_939, %add3A_940 : vector<16xi32>
    %swap3A_942 = arith.constant 352 : index
    %swap3A_943 = tpu.vector_load %arg11[%swap3A_942] {strides = array<i32>} : memref<400xi32, #tpu.memory_space<vmem>>, vector<16xi32>,
    %swap3A_944 = vector.shape_cast %swap3A_943 : vector<16xi32> to vector<16xi32>
    %swap3A_945 = vector.shape_cast %add3A_941 : vector<16xi32> to vector<16xi32>
    tpu.vector_store %arg11[%swap3A_942], %swap3A_945 {strides = array<i32>} : memref<400xi32, #tpu.memory_space<vmem>>, vector<16xi32>,
    %get3A_946 = arith.constant 768 : index
    %get3A_947 = tpu.vector_load %arg8[%get3A_946] {strides = array<i32>} : memref<2400xi32, #tpu.memory_space<vmem>>, vector<16xi32>,
    %get3A_948 = vector.shape_cast %get3A_947 : vector<16xi32> to vector<16xi32>
    %mul3A_949 = arith.constant 10000 : i32
    %mul3A_950 = vector.broadcast %mul3A_949 : i32 to vector<16xi32>
    %mul3A_951 = arith.muli %get3A_948, %mul3A_950 : vector<16xi32>
    %get3A_952 = arith.constant 768 : index
    %get3A_953 = tpu.vector_load %arg7[%get3A_952] {strides = array<i32>} : memref<2400xi32, #tpu.memory_space<vmem>>, vector<16xi32>,
    %get3A_954 = vector.shape_cast %get3A_953 : vector<16xi32> to vector<16xi32>
    %add3A_955 = arith.addi %mul3A_951, %get3A_954 : vector<16xi32>
    %mul3A_956 = arith.constant 2 : i32
    %mul3A_957 = vector.broadcast %mul3A_956 : i32 to vector<16xi32>
    %mul3A_958 = arith.muli %add3A_955, %mul3A_957 : vector<16xi32>
    %add3A_959 = vector.broadcast %arg0 : i32 to vector<16xi32>
    %add3A_960 = arith.addi %mul3A_958, %add3A_959 : vector<16xi32>
    %swap3A_961 = arith.constant 368 : index
    %swap3A_962 = tpu.vector_load %arg11[%swap3A_961] {strides = array<i32>} : memref<400xi32, #tpu.memory_space<vmem>>, vector<16xi32>,
    %swap3A_963 = vector.shape_cast %swap3A_962 : vector<16xi32> to vector<16xi32>
    %swap3A_964 = vector.shape_cast %add3A_960 : vector<16xi32> to vector<16xi32>
    tpu.vector_store %arg11[%swap3A_961], %swap3A_964 {strides = array<i32>} : memref<400xi32, #tpu.memory_space<vmem>>, vector<16xi32>,
    %get3A_965 = arith.constant 784 : index
    %get3A_966 = tpu.vector_load %arg8[%get3A_965] {strides = array<i32>} : memref<2400xi32, #tpu.memory_space<vmem>>, vector<16xi32>,
    %get3A_967 = vector.shape_cast %get3A_966 : vector<16xi32> to vector<16xi32>
    %mul3A_968 = arith.constant 10000 : i32
    %mul3A_969 = vector.broadcast %mul3A_968 : i32 to vector<16xi32>
    %mul3A_970 = arith.muli %get3A_967, %mul3A_969 : vector<16xi32>
    %get3A_971 = arith.constant 784 : index
    %get3A_972 = tpu.vector_load %arg7[%get3A_971] {strides = array<i32>} : memref<2400xi32, #tpu.memory_space<vmem>>, vector<16xi32>,
    %get3A_973 = vector.shape_cast %get3A_972 : vector<16xi32> to vector<16xi32>
    %add3A_974 = arith.addi %mul3A_970, %get3A_973 : vector<16xi32>
    %mul3A_975 = arith.constant 2 : i32
    %mul3A_976 = vector.broadcast %mul3A_975 : i32 to vector<16xi32>
    %mul3A_977 = arith.muli %add3A_974, %mul3A_976 : vector<16xi32>
    %add3A_978 = vector.broadcast %arg0 : i32 to vector<16xi32>
    %add3A_979 = arith.addi %mul3A_977, %add3A_978 : vector<16xi32>
    %swap3A_980 = arith.constant 384 : index
    %swap3A_981 = tpu.vector_load %arg11[%swap3A_980] {strides = array<i32>} : memref<400xi32, #tpu.memory_space<vmem>>, vector<16xi32>,
    %swap3A_982 = vector.shape_cast %swap3A_981 : vector<16xi32> to vector<16xi32>
    %swap3A_983 = vector.shape_cast %add3A_979 : vector<16xi32> to vector<16xi32>
    tpu.vector_store %arg11[%swap3A_980], %swap3A_983 {strides = array<i32>} : memref<400xi32, #tpu.memory_space<vmem>>, vector<16xi32>,
    %dma_start3A_984 = arith.constant 0 : i32
    %dma_start3A_985 = arith.constant 0 : i32
    %dma_start3A_986 = tpu.memref_slice %arg2[%dma_start3A_984, %dma_start3A_985] : memref<320000x64xf32, #tpu.memory_space<hbm>> -> memref<320000x64xf32, #tpu.memory_space<hbm>>
    tpu.enqueue_indirect_dma source(%dma_start3A_986 : memref<320000x64xf32, #tpu.memory_space<hbm>>) target(%arg14 : memref<400x64xf32, #tpu.memory_space<vmem>>) offsets(%arg11 : memref<400xi32, #tpu.memory_space<vmem>>) semaphore(%arg18 : memref<!tpu.dma_semaphore, #tpu.memory_space<semaphore_mem>>)
    %scan3A = arith.constant 0 : i32
    %scan3A_987 = arith.constant 0 : i32
    %scan3A_988 = arith.constant 16 : i32
    %scan3A_989 = arith.addi %scan3A_987, %scan3A_988 : i32
    %scan3A_990 = arith.constant 1 : i32
    scf.for %scan3A_1073 = %scan3A_987 to %scan3A_989 step %scan3A_990  : i32 {
      %add3A_1074 = arith.constant 1 : i32
      %add3A_1075 = arith.addi %scan3A_1073, %add3A_1074 : i32
      %rem3A_1076 = arith.constant 2 : i32
      %rem3A_1077 = arith.remsi %add3A_1075, %rem3A_1076 : i32
      %mul3A_1078 = arith.constant 1200 : i32
      %mul3A_1079 = arith.muli %rem3A_1077, %mul3A_1078 : i32
      %mul3A_1080 = arith.constant 1200 : i32
      %mul3A_1081 = arith.muli %add3A_1075, %mul3A_1080 : i32
      %add3A_1082 = arith.addi %mul3A_8, %mul3A_1081 : i32
      %rem3A_1083 = arith.constant 3 : i32
      %rem3A_1084 = arith.remsi %add3A_1075, %rem3A_1083 : i32
      %mul3A_1085 = arith.constant 3 : i32
      %mul3A_1086 = arith.muli %rem3A_1084, %mul3A_1085 : i32
      %add3A_1087 = arith.constant 0 : i32
      %add3A_1088 = arith.addi %add3A_1082, %add3A_1087 : i32
      %add3A_1089 = arith.constant 0 : i32
      %add3A_1090 = arith.addi %mul3A_1086, %add3A_1089 : i32
      %add3A_1091 = arith.constant 400 : i32
      %add3A_1092 = arith.addi %add3A_1082, %add3A_1091 : i32
      %add3A_1093 = arith.constant 1 : i32
      %add3A_1094 = arith.addi %mul3A_1086, %add3A_1093 : i32
      %add3A_1095 = arith.constant 800 : i32
      %add3A_1096 = arith.addi %add3A_1082, %add3A_1095 : i32
      %add3A_1097 = arith.constant 2 : i32
      %add3A_1098 = arith.addi %mul3A_1086, %add3A_1097 : i32
      %dma_start3A_1099 = arith.constant 0 : i32
      %dma_start3A_1100 = tpu.memref_slice %arg7[%mul3A_1079] : memref<2400xi32, #tpu.memory_space<vmem>> -> memref<1200xi32, #tpu.memory_space<vmem>>
      %dma_start3A_1101 = tpu.memref_slice %arg3[%dma_start3A_1099, %add3A_1082] : memref<2x322400xi32, #tpu.memory_space<hbm>> -> memref<1x1200xi32, #tpu.memory_space<hbm>>
      %dma_start3A_1102 = tpu.memref_squeeze %dma_start3A_1101 : memref<1x1200xi32, #tpu.memory_space<hbm>> -> memref<1200xi32, #tpu.memory_space<hbm>>
      %dma_start3A_1103 = tpu.memref_slice %arg7[%mul3A_1079] : memref<2400xi32, #tpu.memory_space<vmem>> -> memref<1200xi32, #tpu.memory_space<vmem>>
      %dma_start3A_1104 = tpu.memref_slice %arg3[%dma_start3A_1099, %add3A_1082] : memref<2x322400xi32, #tpu.memory_space<hbm>> -> memref<1x1200xi32, #tpu.memory_space<hbm>>
      %dma_start3A_1105 = tpu.memref_squeeze %dma_start3A_1104 : memref<1x1200xi32, #tpu.memory_space<hbm>> -> memref<1200xi32, #tpu.memory_space<hbm>>
      tpu.enqueue_dma source(%dma_start3A_1105 : memref<1200xi32, #tpu.memory_space<hbm>>) target(%dma_start3A_1103 : memref<1200xi32, #tpu.memory_space<vmem>>) target_semaphore(%arg23 : memref<!tpu.dma_semaphore, #tpu.memory_space<semaphore_mem>>)
      %dma_start3A_1106 = tpu.memref_slice %arg8[%mul3A_1079] : memref<2400xi32, #tpu.memory_space<vmem>> -> memref<1200xi32, #tpu.memory_space<vmem>>
      %dma_start3A_1107 = tpu.memref_slice %arg4[%add3A_1082] : memref<322400xi32, #tpu.memory_space<hbm>> -> memref<1200xi32, #tpu.memory_space<hbm>>
      %dma_start3A_1108 = tpu.memref_slice %arg8[%mul3A_1079] : memref<2400xi32, #tpu.memory_space<vmem>> -> memref<1200xi32, #tpu.memory_space<vmem>>
      %dma_start3A_1109 = tpu.memref_slice %arg4[%add3A_1082] : memref<322400xi32, #tpu.memory_space<hbm>> -> memref<1200xi32, #tpu.memory_space<hbm>>
      tpu.enqueue_dma source(%dma_start3A_1109 : memref<1200xi32, #tpu.memory_space<hbm>>) target(%dma_start3A_1108 : memref<1200xi32, #tpu.memory_space<vmem>>) target_semaphore(%arg23 : memref<!tpu.dma_semaphore, #tpu.memory_space<semaphore_mem>>)
      %dma_start3A_1110 = arith.constant 1 : i32
      %dma_start3A_1111 = arith.constant 0 : i32
      %dma_start3A_1112 = tpu.memref_slice %arg9[%add3A_1090, %dma_start3A_1111] : memref<9x400xi32, #tpu.memory_space<vmem>> -> memref<1x400xi32, #tpu.memory_space<vmem>>
      %dma_start3A_1113 = tpu.memref_squeeze %dma_start3A_1112 : memref<1x400xi32, #tpu.memory_space<vmem>> -> memref<400xi32, #tpu.memory_space<vmem>>
      %dma_start3A_1114 = tpu.memref_slice %arg3[%dma_start3A_1110, %add3A_1088] : memref<2x322400xi32, #tpu.memory_space<hbm>> -> memref<1x400xi32, #tpu.memory_space<hbm>>
      %dma_start3A_1115 = tpu.memref_squeeze %dma_start3A_1114 : memref<1x400xi32, #tpu.memory_space<hbm>> -> memref<400xi32, #tpu.memory_space<hbm>>
      %dma_start3A_1116 = arith.constant 0 : i32
      %dma_start3A_1117 = tpu.memref_slice %arg9[%add3A_1090, %dma_start3A_1116] : memref<9x400xi32, #tpu.memory_space<vmem>> -> memref<1x400xi32, #tpu.memory_space<vmem>>
      %dma_start3A_1118 = tpu.memref_squeeze %dma_start3A_1117 : memref<1x400xi32, #tpu.memory_space<vmem>> -> memref<400xi32, #tpu.memory_space<vmem>>
      %dma_start3A_1119 = tpu.memref_slice %arg3[%dma_start3A_1110, %add3A_1088] : memref<2x322400xi32, #tpu.memory_space<hbm>> -> memref<1x400xi32, #tpu.memory_space<hbm>>
      %dma_start3A_1120 = tpu.memref_squeeze %dma_start3A_1119 : memref<1x400xi32, #tpu.memory_space<hbm>> -> memref<400xi32, #tpu.memory_space<hbm>>
      tpu.enqueue_dma source(%dma_start3A_1120 : memref<400xi32, #tpu.memory_space<hbm>>) target(%dma_start3A_1118 : memref<400xi32, #tpu.memory_space<vmem>>) target_semaphore(%arg23 : memref<!tpu.dma_semaphore, #tpu.memory_space<semaphore_mem>>)
      %dma_start3A_1121 = arith.constant 1 : i32
      %dma_start3A_1122 = arith.constant 0 : i32
      %dma_start3A_1123 = tpu.memref_slice %arg9[%add3A_1094, %dma_start3A_1122] : memref<9x400xi32, #tpu.memory_space<vmem>> -> memref<1x400xi32, #tpu.memory_space<vmem>>
      %dma_start3A_1124 = tpu.memref_squeeze %dma_start3A_1123 : memref<1x400xi32, #tpu.memory_space<vmem>> -> memref<400xi32, #tpu.memory_space<vmem>>
      %dma_start3A_1125 = tpu.memref_slice %arg3[%dma_start3A_1121, %add3A_1092] : memref<2x322400xi32, #tpu.memory_space<hbm>> -> memref<1x400xi32, #tpu.memory_space<hbm>>
      %dma_start3A_1126 = tpu.memref_squeeze %dma_start3A_1125 : memref<1x400xi32, #tpu.memory_space<hbm>> -> memref<400xi32, #tpu.memory_space<hbm>>
      %dma_start3A_1127 = arith.constant 0 : i32
      %dma_start3A_1128 = tpu.memref_slice %arg9[%add3A_1094, %dma_start3A_1127] : memref<9x400xi32, #tpu.memory_space<vmem>> -> memref<1x400xi32, #tpu.memory_space<vmem>>
      %dma_start3A_1129 = tpu.memref_squeeze %dma_start3A_1128 : memref<1x400xi32, #tpu.memory_space<vmem>> -> memref<400xi32, #tpu.memory_space<vmem>>
      %dma_start3A_1130 = tpu.memref_slice %arg3[%dma_start3A_1121, %add3A_1092] : memref<2x322400xi32, #tpu.memory_space<hbm>> -> memref<1x400xi32, #tpu.memory_space<hbm>>
      %dma_start3A_1131 = tpu.memref_squeeze %dma_start3A_1130 : memref<1x400xi32, #tpu.memory_space<hbm>> -> memref<400xi32, #tpu.memory_space<hbm>>
      tpu.enqueue_dma source(%dma_start3A_1131 : memref<400xi32, #tpu.memory_space<hbm>>) target(%dma_start3A_1129 : memref<400xi32, #tpu.memory_space<vmem>>) target_semaphore(%arg23 : memref<!tpu.dma_semaphore, #tpu.memory_space<semaphore_mem>>)
      %dma_start3A_1132 = arith.constant 1 : i32
      %dma_start3A_1133 = arith.constant 0 : i32
      %dma_start3A_1134 = tpu.memref_slice %arg9[%add3A_1098, %dma_start3A_1133] : memref<9x400xi32, #tpu.memory_space<vmem>> -> memref<1x400xi32, #tpu.memory_space<vmem>>
      %dma_start3A_1135 = tpu.memref_squeeze %dma_start3A_1134 : memref<1x400xi32, #tpu.memory_space<vmem>> -> memref<400xi32, #tpu.memory_space<vmem>>
      %dma_start3A_1136 = tpu.memref_slice %arg3[%dma_start3A_1132, %add3A_1096] : memref<2x322400xi32, #tpu.memory_space<hbm>> -> memref<1x400xi32, #tpu.memory_space<hbm>>
      %dma_start3A_1137 = tpu.memref_squeeze %dma_start3A_1136 : memref<1x400xi32, #tpu.memory_space<hbm>> -> memref<400xi32, #tpu.memory_space<hbm>>
      %dma_start3A_1138 = arith.constant 0 : i32
      %dma_start3A_1139 = tpu.memref_slice %arg9[%add3A_1098, %dma_start3A_1138] : memref<9x400xi32, #tpu.memory_space<vmem>> -> memref<1x400xi32, #tpu.memory_space<vmem>>
      %dma_start3A_1140 = tpu.memref_squeeze %dma_start3A_1139 : memref<1x400xi32, #tpu.memory_space<vmem>> -> memref<400xi32, #tpu.memory_space<vmem>>
      %dma_start3A_1141 = tpu.memref_slice %arg3[%dma_start3A_1132, %add3A_1096] : memref<2x322400xi32, #tpu.memory_space<hbm>> -> memref<1x400xi32, #tpu.memory_space<hbm>>
      %dma_start3A_1142 = tpu.memref_squeeze %dma_start3A_1141 : memref<1x400xi32, #tpu.memory_space<hbm>> -> memref<400xi32, #tpu.memory_space<hbm>>
      tpu.enqueue_dma source(%dma_start3A_1142 : memref<400xi32, #tpu.memory_space<hbm>>) target(%dma_start3A_1140 : memref<400xi32, #tpu.memory_space<vmem>>) target_semaphore(%arg23 : memref<!tpu.dma_semaphore, #tpu.memory_space<semaphore_mem>>)
      %mul3A_1143 = arith.constant 3 : i32
      %mul3A_1144 = arith.muli %mul3A_1143, %scan3A_1073 : i32
      %add3A_1145 = arith.constant 0 : i32
      %add3A_1146 = arith.addi %mul3A_1144, %add3A_1145 : i32
      %add3A_1147 = arith.constant 0 : i32
      %add3A_1148 = arith.addi %scan3A_1073, %add3A_1147 : i32
      %rem3A_1149 = arith.constant 2 : i32
      %rem3A_1150 = arith.remsi %add3A_1148, %rem3A_1149 : i32
      %mul3A_1151 = arith.constant 1200 : i32
      %mul3A_1152 = arith.muli %rem3A_1150, %mul3A_1151 : i32
      %dma_wait3A_1153 = arith.constant 0 : i32
      %dma_wait3A_1154 = arith.constant 0 : i32
      %dma_wait3A_1155 = tpu.memref_slice %arg2[%dma_wait3A_1153, %dma_wait3A_1154] : memref<320000x64xf32, #tpu.memory_space<hbm>> -> memref<320000x64xf32, #tpu.memory_space<hbm>>
      tpu.wait_indirect_dma semaphore(%arg17 : memref<!tpu.dma_semaphore, #tpu.memory_space<semaphore_mem>>) src(%dma_wait3A_1155 : memref<320000x64xf32, #tpu.memory_space<hbm>>) dst(%arg13 : memref<400x64xf32, #tpu.memory_space<vmem>>)
      %jit3A = arith.constant 3 : i32
      %div3A = arith.divsi %add3A_1146, %jit3A : i32
      %sign3A = arith.constant 0 : i32
      %sign3A_1156 = arith.cmpi sgt, %add3A_1146, %sign3A : i32
      %sign3A_1157 = arith.extui %sign3A_1156 : i1 to i32
      %sign3A_1158 = arith.constant 0 : i32
      %sign3A_1159 = arith.cmpi slt, %add3A_1146, %sign3A_1158 : i32
      %sign3A_1160 = arith.extui %sign3A_1159 : i1 to i32
      %sign3A_1161 = arith.subi %sign3A_1157, %sign3A_1160 : i32
      %sign3A_1162 = arith.constant 0 : i32
      %sign3A_1163 = arith.cmpi sgt, %jit3A, %sign3A_1162 : i32
      %sign3A_1164 = arith.extui %sign3A_1163 : i1 to i32
      %sign3A_1165 = arith.constant 0 : i32
      %sign3A_1166 = arith.cmpi slt, %jit3A, %sign3A_1165 : i32
      %sign3A_1167 = arith.extui %sign3A_1166 : i1 to i32
      %sign3A_1168 = arith.subi %sign3A_1164, %sign3A_1167 : i32
      %ne3A = arith.cmpi ne, %sign3A_1161, %sign3A_1168 : i32
      %rem3A_1169 = arith.remsi %add3A_1146, %jit3A : i32
      %ne3A_1170 = arith.constant 0 : i32
      %ne3A_1171 = arith.cmpi ne, %rem3A_1169, %ne3A_1170 : i32
      %and3A = arith.andi %ne3A, %ne3A_1171 : i1
      %sub3A = arith.constant 1 : i32
      %sub3A_1172 = arith.subi %div3A, %sub3A : i32
      %select_n3A = arith.select %and3A, %sub3A_1172, %div3A : i32
      %rem3A_1173 = arith.constant 3 : i32
      %rem3A_1174 = arith.remsi %select_n3A, %rem3A_1173 : i32
      %mul3A_1175 = arith.constant 3 : i32
      %mul3A_1176 = arith.muli %rem3A_1174, %mul3A_1175 : i32
      %jit3A_1177 = arith.constant 3 : i32
      %eq3A_1178 = arith.constant 0 : i32
      %eq3A_1179 = arith.cmpi eq, %jit3A_1177, %eq3A_1178 : i32
      %jit3A_1180 = arith.constant 1 : i32
      %select_n3A_1181 = arith.select %eq3A_1179, %jit3A_1180, %jit3A_1177 : i32
      %rem3A_1182 = arith.remsi %add3A_1146, %select_n3A_1181 : i32
      %ne3A_1183 = arith.constant 0 : i32
      %ne3A_1184 = arith.cmpi ne, %rem3A_1182, %ne3A_1183 : i32
      %lt3A_1185 = arith.constant 0 : i32
      %lt3A_1186 = arith.cmpi slt, %rem3A_1182, %lt3A_1185 : i32
      %lt3A_1187 = arith.constant 0 : i32
      %lt3A_1188 = arith.cmpi slt, %select_n3A_1181, %lt3A_1187 : i32
      %ne3A_1189 = arith.xori %lt3A_1186, %lt3A_1188 : i1
      %and3A_1190 = arith.andi %ne3A_1189, %ne3A_1184 : i1
      %add3A_1191 = arith.addi %rem3A_1182, %select_n3A_1181 : i32
      %select_n3A_1192 = arith.select %and3A_1190, %add3A_1191, %rem3A_1182 : i32
      %add3A_1193 = arith.addi %mul3A_1176, %select_n3A_1192 : i32
      %dma_start3A_1194 = arith.constant 0 : i32
      %dma_start3A_1195 = tpu.memref_slice %arg9[%add3A_1193, %dma_start3A_1194] : memref<9x400xi32, #tpu.memory_space<vmem>> -> memref<1x400xi32, #tpu.memory_space<vmem>>
      %dma_start3A_1196 = tpu.memref_squeeze %dma_start3A_1195 : memref<1x400xi32, #tpu.memory_space<vmem>> -> memref<400xi32, #tpu.memory_space<vmem>>
      %dma_start3A_1197 = arith.constant 0 : i32
      %dma_start3A_1198 = arith.constant 0 : i32
      %dma_start3A_1199 = tpu.memref_slice %arg16[%dma_start3A_1197, %dma_start3A_1198] : memref<10112x64xf32, #tpu.memory_space<vmem_shared>> -> memref<10112x64xf32, #tpu.memory_space<vmem_shared>>
      tpu.enqueue_indirect_dma source(%arg13 : memref<400x64xf32, #tpu.memory_space<vmem>>) target(%dma_start3A_1199 : memref<10112x64xf32, #tpu.memory_space<vmem_shared>>) offsets(%dma_start3A_1196 : memref<400xi32, #tpu.memory_space<vmem>>) semaphore(%arg20 : memref<!tpu.dma_semaphore, #tpu.memory_space<semaphore_mem>>) {add = true}
      %add3A_1200 = arith.constant 2 : i32
      %add3A_1201 = arith.addi %add3A_1146, %add3A_1200 : i32
      %jit3A_1202 = arith.constant 3 : i32
      %eq3A_1203 = arith.constant 0 : i32
      %eq3A_1204 = arith.cmpi eq, %jit3A_1202, %eq3A_1203 : i32
      %jit3A_1205 = arith.constant 1 : i32
      %select_n3A_1206 = arith.select %eq3A_1204, %jit3A_1205, %jit3A_1202 : i32
      %rem3A_1207 = arith.remsi %add3A_1201, %select_n3A_1206 : i32
      %ne3A_1208 = arith.constant 0 : i32
      %ne3A_1209 = arith.cmpi ne, %rem3A_1207, %ne3A_1208 : i32
      %lt3A_1210 = arith.constant 0 : i32
      %lt3A_1211 = arith.cmpi slt, %rem3A_1207, %lt3A_1210 : i32
      %lt3A_1212 = arith.constant 0 : i32
      %lt3A_1213 = arith.cmpi slt, %select_n3A_1206, %lt3A_1212 : i32
      %ne3A_1214 = arith.xori %lt3A_1211, %lt3A_1213 : i1
      %and3A_1215 = arith.andi %ne3A_1214, %ne3A_1209 : i1
      %add3A_1216 = arith.addi %rem3A_1207, %select_n3A_1206 : i32
      %select_n3A_1217 = arith.select %and3A_1215, %add3A_1216, %rem3A_1207 : i32
      %mul3A_1218 = arith.constant 400 : i32
      %mul3A_1219 = arith.muli %select_n3A_1217, %mul3A_1218 : i32
      %add3A_1220 = arith.addi %mul3A_1152, %mul3A_1219 : i32
      %add3A_1221 = arith.constant 0 : i32
      %add3A_1222 = arith.addi %add3A_1220, %add3A_1221 : i32
      %get3A_1223 = arith.index_cast %add3A_1222 : i32 to index
      %get3A_1224 = tpu.vector_load %arg8[%get3A_1223] {strides = array<i32>} : memref<2400xi32, #tpu.memory_space<vmem>>, vector<16xi32>,
      %get3A_1225 = vector.shape_cast %get3A_1224 : vector<16xi32> to vector<16xi32>
      %mul3A_1226 = arith.constant 10000 : i32
      %mul3A_1227 = vector.broadcast %mul3A_1226 : i32 to vector<16xi32>
      %mul3A_1228 = arith.muli %get3A_1225, %mul3A_1227 : vector<16xi32>
      %get3A_1229 = arith.index_cast %add3A_1222 : i32 to index
      %get3A_1230 = tpu.vector_load %arg7[%get3A_1229] {strides = array<i32>} : memref<2400xi32, #tpu.memory_space<vmem>>, vector<16xi32>,
      %get3A_1231 = vector.shape_cast %get3A_1230 : vector<16xi32> to vector<16xi32>
      %add3A_1232 = arith.addi %mul3A_1228, %get3A_1231 : vector<16xi32>
      %mul3A_1233 = arith.constant 2 : i32
      %mul3A_1234 = vector.broadcast %mul3A_1233 : i32 to vector<16xi32>
      %mul3A_1235 = arith.muli %add3A_1232, %mul3A_1234 : vector<16xi32>
      %add3A_1236 = vector.broadcast %arg0 : i32 to vector<16xi32>
      %add3A_1237 = arith.addi %mul3A_1235, %add3A_1236 : vector<16xi32>
      %swap3A_1238 = arith.constant 0 : index
      %swap3A_1239 = tpu.vector_load %arg12[%swap3A_1238] {strides = array<i32>} : memref<400xi32, #tpu.memory_space<vmem>>, vector<16xi32>,
      %swap3A_1240 = vector.shape_cast %swap3A_1239 : vector<16xi32> to vector<16xi32>
      %swap3A_1241 = vector.shape_cast %add3A_1237 : vector<16xi32> to vector<16xi32>
      tpu.vector_store %arg12[%swap3A_1238], %swap3A_1241 {strides = array<i32>} : memref<400xi32, #tpu.memory_space<vmem>>, vector<16xi32>,
      %add3A_1242 = arith.constant 16 : i32
      %add3A_1243 = arith.addi %add3A_1220, %add3A_1242 : i32
      %get3A_1244 = arith.index_cast %add3A_1243 : i32 to index
      %get3A_1245 = tpu.vector_load %arg8[%get3A_1244] {strides = array<i32>} : memref<2400xi32, #tpu.memory_space<vmem>>, vector<16xi32>,
      %get3A_1246 = vector.shape_cast %get3A_1245 : vector<16xi32> to vector<16xi32>
      %mul3A_1247 = arith.constant 10000 : i32
      %mul3A_1248 = vector.broadcast %mul3A_1247 : i32 to vector<16xi32>
      %mul3A_1249 = arith.muli %get3A_1246, %mul3A_1248 : vector<16xi32>
      %get3A_1250 = arith.index_cast %add3A_1243 : i32 to index
      %get3A_1251 = tpu.vector_load %arg7[%get3A_1250] {strides = array<i32>} : memref<2400xi32, #tpu.memory_space<vmem>>, vector<16xi32>,
      %get3A_1252 = vector.shape_cast %get3A_1251 : vector<16xi32> to vector<16xi32>
      %add3A_1253 = arith.addi %mul3A_1249, %get3A_1252 : vector<16xi32>
      %mul3A_1254 = arith.constant 2 : i32
      %mul3A_1255 = vector.broadcast %mul3A_1254 : i32 to vector<16xi32>
      %mul3A_1256 = arith.muli %add3A_1253, %mul3A_1255 : vector<16xi32>
      %add3A_1257 = vector.broadcast %arg0 : i32 to vector<16xi32>
      %add3A_1258 = arith.addi %mul3A_1256, %add3A_1257 : vector<16xi32>
      %swap3A_1259 = arith.constant 16 : index
      %swap3A_1260 = tpu.vector_load %arg12[%swap3A_1259] {strides = array<i32>} : memref<400xi32, #tpu.memory_space<vmem>>, vector<16xi32>,
      %swap3A_1261 = vector.shape_cast %swap3A_1260 : vector<16xi32> to vector<16xi32>
      %swap3A_1262 = vector.shape_cast %add3A_1258 : vector<16xi32> to vector<16xi32>
      tpu.vector_store %arg12[%swap3A_1259], %swap3A_1262 {strides = array<i32>} : memref<400xi32, #tpu.memory_space<vmem>>, vector<16xi32>,
      %add3A_1263 = arith.constant 32 : i32
      %add3A_1264 = arith.addi %add3A_1220, %add3A_1263 : i32
      %get3A_1265 = arith.index_cast %add3A_1264 : i32 to index
      %get3A_1266 = tpu.vector_load %arg8[%get3A_1265] {strides = array<i32>} : memref<2400xi32, #tpu.memory_space<vmem>>, vector<16xi32>,
      %get3A_1267 = vector.shape_cast %get3A_1266 : vector<16xi32> to vector<16xi32>
      %mul3A_1268 = arith.constant 10000 : i32
      %mul3A_1269 = vector.broadcast %mul3A_1268 : i32 to vector<16xi32>
      %mul3A_1270 = arith.muli %get3A_1267, %mul3A_1269 : vector<16xi32>
      %get3A_1271 = arith.index_cast %add3A_1264 : i32 to index
      %get3A_1272 = tpu.vector_load %arg7[%get3A_1271] {strides = array<i32>} : memref<2400xi32, #tpu.memory_space<vmem>>, vector<16xi32>,
      %get3A_1273 = vector.shape_cast %get3A_1272 : vector<16xi32> to vector<16xi32>
      %add3A_1274 = arith.addi %mul3A_1270, %get3A_1273 : vector<16xi32>
      %mul3A_1275 = arith.constant 2 : i32
      %mul3A_1276 = vector.broadcast %mul3A_1275 : i32 to vector<16xi32>
      %mul3A_1277 = arith.muli %add3A_1274, %mul3A_1276 : vector<16xi32>
      %add3A_1278 = vector.broadcast %arg0 : i32 to vector<16xi32>
      %add3A_1279 = arith.addi %mul3A_1277, %add3A_1278 : vector<16xi32>
      %swap3A_1280 = arith.constant 32 : index
      %swap3A_1281 = tpu.vector_load %arg12[%swap3A_1280] {strides = array<i32>} : memref<400xi32, #tpu.memory_space<vmem>>, vector<16xi32>,
      %swap3A_1282 = vector.shape_cast %swap3A_1281 : vector<16xi32> to vector<16xi32>
      %swap3A_1283 = vector.shape_cast %add3A_1279 : vector<16xi32> to vector<16xi32>
      tpu.vector_store %arg12[%swap3A_1280], %swap3A_1283 {strides = array<i32>} : memref<400xi32, #tpu.memory_space<vmem>>, vector<16xi32>,
      %add3A_1284 = arith.constant 48 : i32
      %add3A_1285 = arith.addi %add3A_1220, %add3A_1284 : i32
      %get3A_1286 = arith.index_cast %add3A_1285 : i32 to index
      %get3A_1287 = tpu.vector_load %arg8[%get3A_1286] {strides = array<i32>} : memref<2400xi32, #tpu.memory_space<vmem>>, vector<16xi32>,
      %get3A_1288 = vector.shape_cast %get3A_1287 : vector<16xi32> to vector<16xi32>
      %mul3A_1289 = arith.constant 10000 : i32
      %mul3A_1290 = vector.broadcast %mul3A_1289 : i32 to vector<16xi32>
      %mul3A_1291 = arith.muli %get3A_1288, %mul3A_1290 : vector<16xi32>
      %get3A_1292 = arith.index_cast %add3A_1285 : i32 to index
      %get3A_1293 = tpu.vector_load %arg7[%get3A_1292] {strides = array<i32>} : memref<2400xi32, #tpu.memory_space<vmem>>, vector<16xi32>,
      %get3A_1294 = vector.shape_cast %get3A_1293 : vector<16xi32> to vector<16xi32>
      %add3A_1295 = arith.addi %mul3A_1291, %get3A_1294 : vector<16xi32>
      %mul3A_1296 = arith.constant 2 : i32
      %mul3A_1297 = vector.broadcast %mul3A_1296 : i32 to vector<16xi32>
      %mul3A_1298 = arith.muli %add3A_1295, %mul3A_1297 : vector<16xi32>
      %add3A_1299 = vector.broadcast %arg0 : i32 to vector<16xi32>
      %add3A_1300 = arith.addi %mul3A_1298, %add3A_1299 : vector<16xi32>
      %swap3A_1301 = arith.constant 48 : index
      %swap3A_1302 = tpu.vector_load %arg12[%swap3A_1301] {strides = array<i32>} : memref<400xi32, #tpu.memory_space<vmem>>, vector<16xi32>,
      %swap3A_1303 = vector.shape_cast %swap3A_1302 : vector<16xi32> to vector<16xi32>
      %swap3A_1304 = vector.shape_cast %add3A_1300 : vector<16xi32> to vector<16xi32>
      tpu.vector_store %arg12[%swap3A_1301], %swap3A_1304 {strides = array<i32>} : memref<400xi32, #tpu.memory_space<vmem>>, vector<16xi32>,
      %add3A_1305 = arith.constant 64 : i32
      %add3A_1306 = arith.addi %add3A_1220, %add3A_1305 : i32
      %get3A_1307 = arith.index_cast %add3A_1306 : i32 to index
      %get3A_1308 = tpu.vector_load %arg8[%get3A_1307] {strides = array<i32>} : memref<2400xi32, #tpu.memory_space<vmem>>, vector<16xi32>,
      %get3A_1309 = vector.shape_cast %get3A_1308 : vector<16xi32> to vector<16xi32>
      %mul3A_1310 = arith.constant 10000 : i32
      %mul3A_1311 = vector.broadcast %mul3A_1310 : i32 to vector<16xi32>
      %mul3A_1312 = arith.muli %get3A_1309, %mul3A_1311 : vector<16xi32>
      %get3A_1313 = arith.index_cast %add3A_1306 : i32 to index
      %get3A_1314 = tpu.vector_load %arg7[%get3A_1313] {strides = array<i32>} : memref<2400xi32, #tpu.memory_space<vmem>>, vector<16xi32>,
      %get3A_1315 = vector.shape_cast %get3A_1314 : vector<16xi32> to vector<16xi32>
      %add3A_1316 = arith.addi %mul3A_1312, %get3A_1315 : vector<16xi32>
      %mul3A_1317 = arith.constant 2 : i32
      %mul3A_1318 = vector.broadcast %mul3A_1317 : i32 to vector<16xi32>
      %mul3A_1319 = arith.muli %add3A_1316, %mul3A_1318 : vector<16xi32>
      %add3A_1320 = vector.broadcast %arg0 : i32 to vector<16xi32>
      %add3A_1321 = arith.addi %mul3A_1319, %add3A_1320 : vector<16xi32>
      %swap3A_1322 = arith.constant 64 : index
      %swap3A_1323 = tpu.vector_load %arg12[%swap3A_1322] {strides = array<i32>} : memref<400xi32, #tpu.memory_space<vmem>>, vector<16xi32>,
      %swap3A_1324 = vector.shape_cast %swap3A_1323 : vector<16xi32> to vector<16xi32>
      %swap3A_1325 = vector.shape_cast %add3A_1321 : vector<16xi32> to vector<16xi32>
      tpu.vector_store %arg12[%swap3A_1322], %swap3A_1325 {strides = array<i32>} : memref<400xi32, #tpu.memory_space<vmem>>, vector<16xi32>,
      %add3A_1326 = arith.constant 80 : i32
      %add3A_1327 = arith.addi %add3A_1220, %add3A_1326 : i32
      %get3A_1328 = arith.index_cast %add3A_1327 : i32 to index
      %get3A_1329 = tpu.vector_load %arg8[%get3A_1328] {strides = array<i32>} : memref<2400xi32, #tpu.memory_space<vmem>>, vector<16xi32>,
      %get3A_1330 = vector.shape_cast %get3A_1329 : vector<16xi32> to vector<16xi32>
      %mul3A_1331 = arith.constant 10000 : i32
      %mul3A_1332 = vector.broadcast %mul3A_1331 : i32 to vector<16xi32>
      %mul3A_1333 = arith.muli %get3A_1330, %mul3A_1332 : vector<16xi32>
      %get3A_1334 = arith.index_cast %add3A_1327 : i32 to index
      %get3A_1335 = tpu.vector_load %arg7[%get3A_1334] {strides = array<i32>} : memref<2400xi32, #tpu.memory_space<vmem>>, vector<16xi32>,
      %get3A_1336 = vector.shape_cast %get3A_1335 : vector<16xi32> to vector<16xi32>
      %add3A_1337 = arith.addi %mul3A_1333, %get3A_1336 : vector<16xi32>
      %mul3A_1338 = arith.constant 2 : i32
      %mul3A_1339 = vector.broadcast %mul3A_1338 : i32 to vector<16xi32>
      %mul3A_1340 = arith.muli %add3A_1337, %mul3A_1339 : vector<16xi32>
      %add3A_1341 = vector.broadcast %arg0 : i32 to vector<16xi32>
      %add3A_1342 = arith.addi %mul3A_1340, %add3A_1341 : vector<16xi32>
      %swap3A_1343 = arith.constant 80 : index
      %swap3A_1344 = tpu.vector_load %arg12[%swap3A_1343] {strides = array<i32>} : memref<400xi32, #tpu.memory_space<vmem>>, vector<16xi32>,
      %swap3A_1345 = vector.shape_cast %swap3A_1344 : vector<16xi32> to vector<16xi32>
      %swap3A_1346 = vector.shape_cast %add3A_1342 : vector<16xi32> to vector<16xi32>
      tpu.vector_store %arg12[%swap3A_1343], %swap3A_1346 {strides = array<i32>} : memref<400xi32, #tpu.memory_space<vmem>>, vector<16xi32>,
      %add3A_1347 = arith.constant 96 : i32
      %add3A_1348 = arith.addi %add3A_1220, %add3A_1347 : i32
      %get3A_1349 = arith.index_cast %add3A_1348 : i32 to index
      %get3A_1350 = tpu.vector_load %arg8[%get3A_1349] {strides = array<i32>} : memref<2400xi32, #tpu.memory_space<vmem>>, vector<16xi32>,
      %get3A_1351 = vector.shape_cast %get3A_1350 : vector<16xi32> to vector<16xi32>
      %mul3A_1352 = arith.constant 10000 : i32
      %mul3A_1353 = vector.broadcast %mul3A_1352 : i32 to vector<16xi32>
      %mul3A_1354 = arith.muli %get3A_1351, %mul3A_1353 : vector<16xi32>
      %get3A_1355 = arith.index_cast %add3A_1348 : i32 to index
      %get3A_1356 = tpu.vector_load %arg7[%get3A_1355] {strides = array<i32>} : memref<2400xi32, #tpu.memory_space<vmem>>, vector<16xi32>,
      %get3A_1357 = vector.shape_cast %get3A_1356 : vector<16xi32> to vector<16xi32>
      %add3A_1358 = arith.addi %mul3A_1354, %get3A_1357 : vector<16xi32>
      %mul3A_1359 = arith.constant 2 : i32
      %mul3A_1360 = vector.broadcast %mul3A_1359 : i32 to vector<16xi32>
      %mul3A_1361 = arith.muli %add3A_1358, %mul3A_1360 : vector<16xi32>
      %add3A_1362 = vector.broadcast %arg0 : i32 to vector<16xi32>
      %add3A_1363 = arith.addi %mul3A_1361, %add3A_1362 : vector<16xi32>
      %swap3A_1364 = arith.constant 96 : index
      %swap3A_1365 = tpu.vector_load %arg12[%swap3A_1364] {strides = array<i32>} : memref<400xi32, #tpu.memory_space<vmem>>, vector<16xi32>,
      %swap3A_1366 = vector.shape_cast %swap3A_1365 : vector<16xi32> to vector<16xi32>
      %swap3A_1367 = vector.shape_cast %add3A_1363 : vector<16xi32> to vector<16xi32>
      tpu.vector_store %arg12[%swap3A_1364], %swap3A_1367 {strides = array<i32>} : memref<400xi32, #tpu.memory_space<vmem>>, vector<16xi32>,
      %add3A_1368 = arith.constant 112 : i32
      %add3A_1369 = arith.addi %add3A_1220, %add3A_1368 : i32
      %get3A_1370 = arith.index_cast %add3A_1369 : i32 to index
      %get3A_1371 = tpu.vector_load %arg8[%get3A_1370] {strides = array<i32>} : memref<2400xi32, #tpu.memory_space<vmem>>, vector<16xi32>,
      %get3A_1372 = vector.shape_cast %get3A_1371 : vector<16xi32> to vector<16xi32>
      %mul3A_1373 = arith.constant 10000 : i32
      %mul3A_1374 = vector.broadcast %mul3A_1373 : i32 to vector<16xi32>
      %mul3A_1375 = arith.muli %get3A_1372, %mul3A_1374 : vector<16xi32>
      %get3A_1376 = arith.index_cast %add3A_1369 : i32 to index
      %get3A_1377 = tpu.vector_load %arg7[%get3A_1376] {strides = array<i32>} : memref<2400xi32, #tpu.memory_space<vmem>>, vector<16xi32>,
      %get3A_1378 = vector.shape_cast %get3A_1377 : vector<16xi32> to vector<16xi32>
      %add3A_1379 = arith.addi %mul3A_1375, %get3A_1378 : vector<16xi32>
      %mul3A_1380 = arith.constant 2 : i32
      %mul3A_1381 = vector.broadcast %mul3A_1380 : i32 to vector<16xi32>
      %mul3A_1382 = arith.muli %add3A_1379, %mul3A_1381 : vector<16xi32>
      %add3A_1383 = vector.broadcast %arg0 : i32 to vector<16xi32>
      %add3A_1384 = arith.addi %mul3A_1382, %add3A_1383 : vector<16xi32>
      %swap3A_1385 = arith.constant 112 : index
      %swap3A_1386 = tpu.vector_load %arg12[%swap3A_1385] {strides = array<i32>} : memref<400xi32, #tpu.memory_space<vmem>>, vector<16xi32>,
      %swap3A_1387 = vector.shape_cast %swap3A_1386 : vector<16xi32> to vector<16xi32>
      %swap3A_1388 = vector.shape_cast %add3A_1384 : vector<16xi32> to vector<16xi32>
      tpu.vector_store %arg12[%swap3A_1385], %swap3A_1388 {strides = array<i32>} : memref<400xi32, #tpu.memory_space<vmem>>, vector<16xi32>,
      %add3A_1389 = arith.constant 128 : i32
      %add3A_1390 = arith.addi %add3A_1220, %add3A_1389 : i32
      %get3A_1391 = arith.index_cast %add3A_1390 : i32 to index
      %get3A_1392 = tpu.vector_load %arg8[%get3A_1391] {strides = array<i32>} : memref<2400xi32, #tpu.memory_space<vmem>>, vector<16xi32>,
      %get3A_1393 = vector.shape_cast %get3A_1392 : vector<16xi32> to vector<16xi32>
      %mul3A_1394 = arith.constant 10000 : i32
      %mul3A_1395 = vector.broadcast %mul3A_1394 : i32 to vector<16xi32>
      %mul3A_1396 = arith.muli %get3A_1393, %mul3A_1395 : vector<16xi32>
      %get3A_1397 = arith.index_cast %add3A_1390 : i32 to index
      %get3A_1398 = tpu.vector_load %arg7[%get3A_1397] {strides = array<i32>} : memref<2400xi32, #tpu.memory_space<vmem>>, vector<16xi32>,
      %get3A_1399 = vector.shape_cast %get3A_1398 : vector<16xi32> to vector<16xi32>
      %add3A_1400 = arith.addi %mul3A_1396, %get3A_1399 : vector<16xi32>
      %mul3A_1401 = arith.constant 2 : i32
      %mul3A_1402 = vector.broadcast %mul3A_1401 : i32 to vector<16xi32>
      %mul3A_1403 = arith.muli %add3A_1400, %mul3A_1402 : vector<16xi32>
      %add3A_1404 = vector.broadcast %arg0 : i32 to vector<16xi32>
      %add3A_1405 = arith.addi %mul3A_1403, %add3A_1404 : vector<16xi32>
      %swap3A_1406 = arith.constant 128 : index
      %swap3A_1407 = tpu.vector_load %arg12[%swap3A_1406] {strides = array<i32>} : memref<400xi32, #tpu.memory_space<vmem>>, vector<16xi32>,
      %swap3A_1408 = vector.shape_cast %swap3A_1407 : vector<16xi32> to vector<16xi32>
      %swap3A_1409 = vector.shape_cast %add3A_1405 : vector<16xi32> to vector<16xi32>
      tpu.vector_store %arg12[%swap3A_1406], %swap3A_1409 {strides = array<i32>} : memref<400xi32, #tpu.memory_space<vmem>>, vector<16xi32>,
      %add3A_1410 = arith.constant 144 : i32
      %add3A_1411 = arith.addi %add3A_1220, %add3A_1410 : i32
      %get3A_1412 = arith.index_cast %add3A_1411 : i32 to index
      %get3A_1413 = tpu.vector_load %arg8[%get3A_1412] {strides = array<i32>} : memref<2400xi32, #tpu.memory_space<vmem>>, vector<16xi32>,
      %get3A_1414 = vector.shape_cast %get3A_1413 : vector<16xi32> to vector<16xi32>
      %mul3A_1415 = arith.constant 10000 : i32
      %mul3A_1416 = vector.broadcast %mul3A_1415 : i32 to vector<16xi32>
      %mul3A_1417 = arith.muli %get3A_1414, %mul3A_1416 : vector<16xi32>
      %get3A_1418 = arith.index_cast %add3A_1411 : i32 to index
      %get3A_1419 = tpu.vector_load %arg7[%get3A_1418] {strides = array<i32>} : memref<2400xi32, #tpu.memory_space<vmem>>, vector<16xi32>,
      %get3A_1420 = vector.shape_cast %get3A_1419 : vector<16xi32> to vector<16xi32>
      %add3A_1421 = arith.addi %mul3A_1417, %get3A_1420 : vector<16xi32>
      %mul3A_1422 = arith.constant 2 : i32
      %mul3A_1423 = vector.broadcast %mul3A_1422 : i32 to vector<16xi32>
      %mul3A_1424 = arith.muli %add3A_1421, %mul3A_1423 : vector<16xi32>
      %add3A_1425 = vector.broadcast %arg0 : i32 to vector<16xi32>
      %add3A_1426 = arith.addi %mul3A_1424, %add3A_1425 : vector<16xi32>
      %swap3A_1427 = arith.constant 144 : index
      %swap3A_1428 = tpu.vector_load %arg12[%swap3A_1427] {strides = array<i32>} : memref<400xi32, #tpu.memory_space<vmem>>, vector<16xi32>,
      %swap3A_1429 = vector.shape_cast %swap3A_1428 : vector<16xi32> to vector<16xi32>
      %swap3A_1430 = vector.shape_cast %add3A_1426 : vector<16xi32> to vector<16xi32>
      tpu.vector_store %arg12[%swap3A_1427], %swap3A_1430 {strides = array<i32>} : memref<400xi32, #tpu.memory_space<vmem>>, vector<16xi32>,
      %add3A_1431 = arith.constant 160 : i32
      %add3A_1432 = arith.addi %add3A_1220, %add3A_1431 : i32
      %get3A_1433 = arith.index_cast %add3A_1432 : i32 to index
      %get3A_1434 = tpu.vector_load %arg8[%get3A_1433] {strides = array<i32>} : memref<2400xi32, #tpu.memory_space<vmem>>, vector<16xi32>,
      %get3A_1435 = vector.shape_cast %get3A_1434 : vector<16xi32> to vector<16xi32>
      %mul3A_1436 = arith.constant 10000 : i32
      %mul3A_1437 = vector.broadcast %mul3A_1436 : i32 to vector<16xi32>
      %mul3A_1438 = arith.muli %get3A_1435, %mul3A_1437 : vector<16xi32>
      %get3A_1439 = arith.index_cast %add3A_1432 : i32 to index
      %get3A_1440 = tpu.vector_load %arg7[%get3A_1439] {strides = array<i32>} : memref<2400xi32, #tpu.memory_space<vmem>>, vector<16xi32>,
      %get3A_1441 = vector.shape_cast %get3A_1440 : vector<16xi32> to vector<16xi32>
      %add3A_1442 = arith.addi %mul3A_1438, %get3A_1441 : vector<16xi32>
      %mul3A_1443 = arith.constant 2 : i32
      %mul3A_1444 = vector.broadcast %mul3A_1443 : i32 to vector<16xi32>
      %mul3A_1445 = arith.muli %add3A_1442, %mul3A_1444 : vector<16xi32>
      %add3A_1446 = vector.broadcast %arg0 : i32 to vector<16xi32>
      %add3A_1447 = arith.addi %mul3A_1445, %add3A_1446 : vector<16xi32>
      %swap3A_1448 = arith.constant 160 : index
      %swap3A_1449 = tpu.vector_load %arg12[%swap3A_1448] {strides = array<i32>} : memref<400xi32, #tpu.memory_space<vmem>>, vector<16xi32>,
      %swap3A_1450 = vector.shape_cast %swap3A_1449 : vector<16xi32> to vector<16xi32>
      %swap3A_1451 = vector.shape_cast %add3A_1447 : vector<16xi32> to vector<16xi32>
      tpu.vector_store %arg12[%swap3A_1448], %swap3A_1451 {strides = array<i32>} : memref<400xi32, #tpu.memory_space<vmem>>, vector<16xi32>,
      %add3A_1452 = arith.constant 176 : i32
      %add3A_1453 = arith.addi %add3A_1220, %add3A_1452 : i32
      %get3A_1454 = arith.index_cast %add3A_1453 : i32 to index
      %get3A_1455 = tpu.vector_load %arg8[%get3A_1454] {strides = array<i32>} : memref<2400xi32, #tpu.memory_space<vmem>>, vector<16xi32>,
      %get3A_1456 = vector.shape_cast %get3A_1455 : vector<16xi32> to vector<16xi32>
      %mul3A_1457 = arith.constant 10000 : i32
      %mul3A_1458 = vector.broadcast %mul3A_1457 : i32 to vector<16xi32>
      %mul3A_1459 = arith.muli %get3A_1456, %mul3A_1458 : vector<16xi32>
      %get3A_1460 = arith.index_cast %add3A_1453 : i32 to index
      %get3A_1461 = tpu.vector_load %arg7[%get3A_1460] {strides = array<i32>} : memref<2400xi32, #tpu.memory_space<vmem>>, vector<16xi32>,
      %get3A_1462 = vector.shape_cast %get3A_1461 : vector<16xi32> to vector<16xi32>
      %add3A_1463 = arith.addi %mul3A_1459, %get3A_1462 : vector<16xi32>
      %mul3A_1464 = arith.constant 2 : i32
      %mul3A_1465 = vector.broadcast %mul3A_1464 : i32 to vector<16xi32>
      %mul3A_1466 = arith.muli %add3A_1463, %mul3A_1465 : vector<16xi32>
      %add3A_1467 = vector.broadcast %arg0 : i32 to vector<16xi32>
      %add3A_1468 = arith.addi %mul3A_1466, %add3A_1467 : vector<16xi32>
      %swap3A_1469 = arith.constant 176 : index
      %swap3A_1470 = tpu.vector_load %arg12[%swap3A_1469] {strides = array<i32>} : memref<400xi32, #tpu.memory_space<vmem>>, vector<16xi32>,
      %swap3A_1471 = vector.shape_cast %swap3A_1470 : vector<16xi32> to vector<16xi32>
      %swap3A_1472 = vector.shape_cast %add3A_1468 : vector<16xi32> to vector<16xi32>
      tpu.vector_store %arg12[%swap3A_1469], %swap3A_1472 {strides = array<i32>} : memref<400xi32, #tpu.memory_space<vmem>>, vector<16xi32>,
      %add3A_1473 = arith.constant 192 : i32
      %add3A_1474 = arith.addi %add3A_1220, %add3A_1473 : i32
      %get3A_1475 = arith.index_cast %add3A_1474 : i32 to index
      %get3A_1476 = tpu.vector_load %arg8[%get3A_1475] {strides = array<i32>} : memref<2400xi32, #tpu.memory_space<vmem>>, vector<16xi32>,
      %get3A_1477 = vector.shape_cast %get3A_1476 : vector<16xi32> to vector<16xi32>
      %mul3A_1478 = arith.constant 10000 : i32
      %mul3A_1479 = vector.broadcast %mul3A_1478 : i32 to vector<16xi32>
      %mul3A_1480 = arith.muli %get3A_1477, %mul3A_1479 : vector<16xi32>
      %get3A_1481 = arith.index_cast %add3A_1474 : i32 to index
      %get3A_1482 = tpu.vector_load %arg7[%get3A_1481] {strides = array<i32>} : memref<2400xi32, #tpu.memory_space<vmem>>, vector<16xi32>,
      %get3A_1483 = vector.shape_cast %get3A_1482 : vector<16xi32> to vector<16xi32>
      %add3A_1484 = arith.addi %mul3A_1480, %get3A_1483 : vector<16xi32>
      %mul3A_1485 = arith.constant 2 : i32
      %mul3A_1486 = vector.broadcast %mul3A_1485 : i32 to vector<16xi32>
      %mul3A_1487 = arith.muli %add3A_1484, %mul3A_1486 : vector<16xi32>
      %add3A_1488 = vector.broadcast %arg0 : i32 to vector<16xi32>
      %add3A_1489 = arith.addi %mul3A_1487, %add3A_1488 : vector<16xi32>
      %swap3A_1490 = arith.constant 192 : index
      %swap3A_1491 = tpu.vector_load %arg12[%swap3A_1490] {strides = array<i32>} : memref<400xi32, #tpu.memory_space<vmem>>, vector<16xi32>,
      %swap3A_1492 = vector.shape_cast %swap3A_1491 : vector<16xi32> to vector<16xi32>
      %swap3A_1493 = vector.shape_cast %add3A_1489 : vector<16xi32> to vector<16xi32>
      tpu.vector_store %arg12[%swap3A_1490], %swap3A_1493 {strides = array<i32>} : memref<400xi32, #tpu.memory_space<vmem>>, vector<16xi32>,
      %add3A_1494 = arith.constant 208 : i32
      %add3A_1495 = arith.addi %add3A_1220, %add3A_1494 : i32
      %get3A_1496 = arith.index_cast %add3A_1495 : i32 to index
      %get3A_1497 = tpu.vector_load %arg8[%get3A_1496] {strides = array<i32>} : memref<2400xi32, #tpu.memory_space<vmem>>, vector<16xi32>,
      %get3A_1498 = vector.shape_cast %get3A_1497 : vector<16xi32> to vector<16xi32>
      %mul3A_1499 = arith.constant 10000 : i32
      %mul3A_1500 = vector.broadcast %mul3A_1499 : i32 to vector<16xi32>
      %mul3A_1501 = arith.muli %get3A_1498, %mul3A_1500 : vector<16xi32>
      %get3A_1502 = arith.index_cast %add3A_1495 : i32 to index
      %get3A_1503 = tpu.vector_load %arg7[%get3A_1502] {strides = array<i32>} : memref<2400xi32, #tpu.memory_space<vmem>>, vector<16xi32>,
      %get3A_1504 = vector.shape_cast %get3A_1503 : vector<16xi32> to vector<16xi32>
      %add3A_1505 = arith.addi %mul3A_1501, %get3A_1504 : vector<16xi32>
      %mul3A_1506 = arith.constant 2 : i32
      %mul3A_1507 = vector.broadcast %mul3A_1506 : i32 to vector<16xi32>
      %mul3A_1508 = arith.muli %add3A_1505, %mul3A_1507 : vector<16xi32>
      %add3A_1509 = vector.broadcast %arg0 : i32 to vector<16xi32>
      %add3A_1510 = arith.addi %mul3A_1508, %add3A_1509 : vector<16xi32>
      %swap3A_1511 = arith.constant 208 : index
      %swap3A_1512 = tpu.vector_load %arg12[%swap3A_1511] {strides = array<i32>} : memref<400xi32, #tpu.memory_space<vmem>>, vector<16xi32>,
      %swap3A_1513 = vector.shape_cast %swap3A_1512 : vector<16xi32> to vector<16xi32>
      %swap3A_1514 = vector.shape_cast %add3A_1510 : vector<16xi32> to vector<16xi32>
      tpu.vector_store %arg12[%swap3A_1511], %swap3A_1514 {strides = array<i32>} : memref<400xi32, #tpu.memory_space<vmem>>, vector<16xi32>,
      %add3A_1515 = arith.constant 224 : i32
      %add3A_1516 = arith.addi %add3A_1220, %add3A_1515 : i32
      %get3A_1517 = arith.index_cast %add3A_1516 : i32 to index
      %get3A_1518 = tpu.vector_load %arg8[%get3A_1517] {strides = array<i32>} : memref<2400xi32, #tpu.memory_space<vmem>>, vector<16xi32>,
      %get3A_1519 = vector.shape_cast %get3A_1518 : vector<16xi32> to vector<16xi32>
      %mul3A_1520 = arith.constant 10000 : i32
      %mul3A_1521 = vector.broadcast %mul3A_1520 : i32 to vector<16xi32>
      %mul3A_1522 = arith.muli %get3A_1519, %mul3A_1521 : vector<16xi32>
      %get3A_1523 = arith.index_cast %add3A_1516 : i32 to index
      %get3A_1524 = tpu.vector_load %arg7[%get3A_1523] {strides = array<i32>} : memref<2400xi32, #tpu.memory_space<vmem>>, vector<16xi32>,
      %get3A_1525 = vector.shape_cast %get3A_1524 : vector<16xi32> to vector<16xi32>
      %add3A_1526 = arith.addi %mul3A_1522, %get3A_1525 : vector<16xi32>
      %mul3A_1527 = arith.constant 2 : i32
      %mul3A_1528 = vector.broadcast %mul3A_1527 : i32 to vector<16xi32>
      %mul3A_1529 = arith.muli %add3A_1526, %mul3A_1528 : vector<16xi32>
      %add3A_1530 = vector.broadcast %arg0 : i32 to vector<16xi32>
      %add3A_1531 = arith.addi %mul3A_1529, %add3A_1530 : vector<16xi32>
      %swap3A_1532 = arith.constant 224 : index
      %swap3A_1533 = tpu.vector_load %arg12[%swap3A_1532] {strides = array<i32>} : memref<400xi32, #tpu.memory_space<vmem>>, vector<16xi32>,
      %swap3A_1534 = vector.shape_cast %swap3A_1533 : vector<16xi32> to vector<16xi32>
      %swap3A_1535 = vector.shape_cast %add3A_1531 : vector<16xi32> to vector<16xi32>
      tpu.vector_store %arg12[%swap3A_1532], %swap3A_1535 {strides = array<i32>} : memref<400xi32, #tpu.memory_space<vmem>>, vector<16xi32>,
      %add3A_1536 = arith.constant 240 : i32
      %add3A_1537 = arith.addi %add3A_1220, %add3A_1536 : i32
      %get3A_1538 = arith.index_cast %add3A_1537 : i32 to index
      %get3A_1539 = tpu.vector_load %arg8[%get3A_1538] {strides = array<i32>} : memref<2400xi32, #tpu.memory_space<vmem>>, vector<16xi32>,
      %get3A_1540 = vector.shape_cast %get3A_1539 : vector<16xi32> to vector<16xi32>
      %mul3A_1541 = arith.constant 10000 : i32
      %mul3A_1542 = vector.broadcast %mul3A_1541 : i32 to vector<16xi32>
      %mul3A_1543 = arith.muli %get3A_1540, %mul3A_1542 : vector<16xi32>
      %get3A_1544 = arith.index_cast %add3A_1537 : i32 to index
      %get3A_1545 = tpu.vector_load %arg7[%get3A_1544] {strides = array<i32>} : memref<2400xi32, #tpu.memory_space<vmem>>, vector<16xi32>,
      %get3A_1546 = vector.shape_cast %get3A_1545 : vector<16xi32> to vector<16xi32>
      %add3A_1547 = arith.addi %mul3A_1543, %get3A_1546 : vector<16xi32>
      %mul3A_1548 = arith.constant 2 : i32
      %mul3A_1549 = vector.broadcast %mul3A_1548 : i32 to vector<16xi32>
      %mul3A_1550 = arith.muli %add3A_1547, %mul3A_1549 : vector<16xi32>
      %add3A_1551 = vector.broadcast %arg0 : i32 to vector<16xi32>
      %add3A_1552 = arith.addi %mul3A_1550, %add3A_1551 : vector<16xi32>
      %swap3A_1553 = arith.constant 240 : index
      %swap3A_1554 = tpu.vector_load %arg12[%swap3A_1553] {strides = array<i32>} : memref<400xi32, #tpu.memory_space<vmem>>, vector<16xi32>,
      %swap3A_1555 = vector.shape_cast %swap3A_1554 : vector<16xi32> to vector<16xi32>
      %swap3A_1556 = vector.shape_cast %add3A_1552 : vector<16xi32> to vector<16xi32>
      tpu.vector_store %arg12[%swap3A_1553], %swap3A_1556 {strides = array<i32>} : memref<400xi32, #tpu.memory_space<vmem>>, vector<16xi32>,
      %add3A_1557 = arith.constant 256 : i32
      %add3A_1558 = arith.addi %add3A_1220, %add3A_1557 : i32
      %get3A_1559 = arith.index_cast %add3A_1558 : i32 to index
      %get3A_1560 = tpu.vector_load %arg8[%get3A_1559] {strides = array<i32>} : memref<2400xi32, #tpu.memory_space<vmem>>, vector<16xi32>,
      %get3A_1561 = vector.shape_cast %get3A_1560 : vector<16xi32> to vector<16xi32>
      %mul3A_1562 = arith.constant 10000 : i32
      %mul3A_1563 = vector.broadcast %mul3A_1562 : i32 to vector<16xi32>
      %mul3A_1564 = arith.muli %get3A_1561, %mul3A_1563 : vector<16xi32>
      %get3A_1565 = arith.index_cast %add3A_1558 : i32 to index
      %get3A_1566 = tpu.vector_load %arg7[%get3A_1565] {strides = array<i32>} : memref<2400xi32, #tpu.memory_space<vmem>>, vector<16xi32>,
      %get3A_1567 = vector.shape_cast %get3A_1566 : vector<16xi32> to vector<16xi32>
      %add3A_1568 = arith.addi %mul3A_1564, %get3A_1567 : vector<16xi32>
      %mul3A_1569 = arith.constant 2 : i32
      %mul3A_1570 = vector.broadcast %mul3A_1569 : i32 to vector<16xi32>
      %mul3A_1571 = arith.muli %add3A_1568, %mul3A_1570 : vector<16xi32>
      %add3A_1572 = vector.broadcast %arg0 : i32 to vector<16xi32>
      %add3A_1573 = arith.addi %mul3A_1571, %add3A_1572 : vector<16xi32>
      %swap3A_1574 = arith.constant 256 : index
      %swap3A_1575 = tpu.vector_load %arg12[%swap3A_1574] {strides = array<i32>} : memref<400xi32, #tpu.memory_space<vmem>>, vector<16xi32>,
      %swap3A_1576 = vector.shape_cast %swap3A_1575 : vector<16xi32> to vector<16xi32>
      %swap3A_1577 = vector.shape_cast %add3A_1573 : vector<16xi32> to vector<16xi32>
      tpu.vector_store %arg12[%swap3A_1574], %swap3A_1577 {strides = array<i32>} : memref<400xi32, #tpu.memory_space<vmem>>, vector<16xi32>,
      %add3A_1578 = arith.constant 272 : i32
      %add3A_1579 = arith.addi %add3A_1220, %add3A_1578 : i32
      %get3A_1580 = arith.index_cast %add3A_1579 : i32 to index
      %get3A_1581 = tpu.vector_load %arg8[%get3A_1580] {strides = array<i32>} : memref<2400xi32, #tpu.memory_space<vmem>>, vector<16xi32>,
      %get3A_1582 = vector.shape_cast %get3A_1581 : vector<16xi32> to vector<16xi32>
      %mul3A_1583 = arith.constant 10000 : i32
      %mul3A_1584 = vector.broadcast %mul3A_1583 : i32 to vector<16xi32>
      %mul3A_1585 = arith.muli %get3A_1582, %mul3A_1584 : vector<16xi32>
      %get3A_1586 = arith.index_cast %add3A_1579 : i32 to index
      %get3A_1587 = tpu.vector_load %arg7[%get3A_1586] {strides = array<i32>} : memref<2400xi32, #tpu.memory_space<vmem>>, vector<16xi32>,
      %get3A_1588 = vector.shape_cast %get3A_1587 : vector<16xi32> to vector<16xi32>
      %add3A_1589 = arith.addi %mul3A_1585, %get3A_1588 : vector<16xi32>
      %mul3A_1590 = arith.constant 2 : i32
      %mul3A_1591 = vector.broadcast %mul3A_1590 : i32 to vector<16xi32>
      %mul3A_1592 = arith.muli %add3A_1589, %mul3A_1591 : vector<16xi32>
      %add3A_1593 = vector.broadcast %arg0 : i32 to vector<16xi32>
      %add3A_1594 = arith.addi %mul3A_1592, %add3A_1593 : vector<16xi32>
      %swap3A_1595 = arith.constant 272 : index
      %swap3A_1596 = tpu.vector_load %arg12[%swap3A_1595] {strides = array<i32>} : memref<400xi32, #tpu.memory_space<vmem>>, vector<16xi32>,
      %swap3A_1597 = vector.shape_cast %swap3A_1596 : vector<16xi32> to vector<16xi32>
      %swap3A_1598 = vector.shape_cast %add3A_1594 : vector<16xi32> to vector<16xi32>
      tpu.vector_store %arg12[%swap3A_1595], %swap3A_1598 {strides = array<i32>} : memref<400xi32, #tpu.memory_space<vmem>>, vector<16xi32>,
      %add3A_1599 = arith.constant 288 : i32
      %add3A_1600 = arith.addi %add3A_1220, %add3A_1599 : i32
      %get3A_1601 = arith.index_cast %add3A_1600 : i32 to index
      %get3A_1602 = tpu.vector_load %arg8[%get3A_1601] {strides = array<i32>} : memref<2400xi32, #tpu.memory_space<vmem>>, vector<16xi32>,
      %get3A_1603 = vector.shape_cast %get3A_1602 : vector<16xi32> to vector<16xi32>
      %mul3A_1604 = arith.constant 10000 : i32
      %mul3A_1605 = vector.broadcast %mul3A_1604 : i32 to vector<16xi32>
      %mul3A_1606 = arith.muli %get3A_1603, %mul3A_1605 : vector<16xi32>
      %get3A_1607 = arith.index_cast %add3A_1600 : i32 to index
      %get3A_1608 = tpu.vector_load %arg7[%get3A_1607] {strides = array<i32>} : memref<2400xi32, #tpu.memory_space<vmem>>, vector<16xi32>,
      %get3A_1609 = vector.shape_cast %get3A_1608 : vector<16xi32> to vector<16xi32>
      %add3A_1610 = arith.addi %mul3A_1606, %get3A_1609 : vector<16xi32>
      %mul3A_1611 = arith.constant 2 : i32
      %mul3A_1612 = vector.broadcast %mul3A_1611 : i32 to vector<16xi32>
      %mul3A_1613 = arith.muli %add3A_1610, %mul3A_1612 : vector<16xi32>
      %add3A_1614 = vector.broadcast %arg0 : i32 to vector<16xi32>
      %add3A_1615 = arith.addi %mul3A_1613, %add3A_1614 : vector<16xi32>
      %swap3A_1616 = arith.constant 288 : index
      %swap3A_1617 = tpu.vector_load %arg12[%swap3A_1616] {strides = array<i32>} : memref<400xi32, #tpu.memory_space<vmem>>, vector<16xi32>,
      %swap3A_1618 = vector.shape_cast %swap3A_1617 : vector<16xi32> to vector<16xi32>
      %swap3A_1619 = vector.shape_cast %add3A_1615 : vector<16xi32> to vector<16xi32>
      tpu.vector_store %arg12[%swap3A_1616], %swap3A_1619 {strides = array<i32>} : memref<400xi32, #tpu.memory_space<vmem>>, vector<16xi32>,
      %add3A_1620 = arith.constant 304 : i32
      %add3A_1621 = arith.addi %add3A_1220, %add3A_1620 : i32
      %get3A_1622 = arith.index_cast %add3A_1621 : i32 to index
      %get3A_1623 = tpu.vector_load %arg8[%get3A_1622] {strides = array<i32>} : memref<2400xi32, #tpu.memory_space<vmem>>, vector<16xi32>,
      %get3A_1624 = vector.shape_cast %get3A_1623 : vector<16xi32> to vector<16xi32>
      %mul3A_1625 = arith.constant 10000 : i32
      %mul3A_1626 = vector.broadcast %mul3A_1625 : i32 to vector<16xi32>
      %mul3A_1627 = arith.muli %get3A_1624, %mul3A_1626 : vector<16xi32>
      %get3A_1628 = arith.index_cast %add3A_1621 : i32 to index
      %get3A_1629 = tpu.vector_load %arg7[%get3A_1628] {strides = array<i32>} : memref<2400xi32, #tpu.memory_space<vmem>>, vector<16xi32>,
      %get3A_1630 = vector.shape_cast %get3A_1629 : vector<16xi32> to vector<16xi32>
      %add3A_1631 = arith.addi %mul3A_1627, %get3A_1630 : vector<16xi32>
      %mul3A_1632 = arith.constant 2 : i32
      %mul3A_1633 = vector.broadcast %mul3A_1632 : i32 to vector<16xi32>
      %mul3A_1634 = arith.muli %add3A_1631, %mul3A_1633 : vector<16xi32>
      %add3A_1635 = vector.broadcast %arg0 : i32 to vector<16xi32>
      %add3A_1636 = arith.addi %mul3A_1634, %add3A_1635 : vector<16xi32>
      %swap3A_1637 = arith.constant 304 : index
      %swap3A_1638 = tpu.vector_load %arg12[%swap3A_1637] {strides = array<i32>} : memref<400xi32, #tpu.memory_space<vmem>>, vector<16xi32>,
      %swap3A_1639 = vector.shape_cast %swap3A_1638 : vector<16xi32> to vector<16xi32>
      %swap3A_1640 = vector.shape_cast %add3A_1636 : vector<16xi32> to vector<16xi32>
      tpu.vector_store %arg12[%swap3A_1637], %swap3A_1640 {strides = array<i32>} : memref<400xi32, #tpu.memory_space<vmem>>, vector<16xi32>,
      %add3A_1641 = arith.constant 320 : i32
      %add3A_1642 = arith.addi %add3A_1220, %add3A_1641 : i32
      %get3A_1643 = arith.index_cast %add3A_1642 : i32 to index
      %get3A_1644 = tpu.vector_load %arg8[%get3A_1643] {strides = array<i32>} : memref<2400xi32, #tpu.memory_space<vmem>>, vector<16xi32>,
      %get3A_1645 = vector.shape_cast %get3A_1644 : vector<16xi32> to vector<16xi32>
      %mul3A_1646 = arith.constant 10000 : i32
      %mul3A_1647 = vector.broadcast %mul3A_1646 : i32 to vector<16xi32>
      %mul3A_1648 = arith.muli %get3A_1645, %mul3A_1647 : vector<16xi32>
      %get3A_1649 = arith.index_cast %add3A_1642 : i32 to index
      %get3A_1650 = tpu.vector_load %arg7[%get3A_1649] {strides = array<i32>} : memref<2400xi32, #tpu.memory_space<vmem>>, vector<16xi32>,
      %get3A_1651 = vector.shape_cast %get3A_1650 : vector<16xi32> to vector<16xi32>
      %add3A_1652 = arith.addi %mul3A_1648, %get3A_1651 : vector<16xi32>
      %mul3A_1653 = arith.constant 2 : i32
      %mul3A_1654 = vector.broadcast %mul3A_1653 : i32 to vector<16xi32>
      %mul3A_1655 = arith.muli %add3A_1652, %mul3A_1654 : vector<16xi32>
      %add3A_1656 = vector.broadcast %arg0 : i32 to vector<16xi32>
      %add3A_1657 = arith.addi %mul3A_1655, %add3A_1656 : vector<16xi32>
      %swap3A_1658 = arith.constant 320 : index
      %swap3A_1659 = tpu.vector_load %arg12[%swap3A_1658] {strides = array<i32>} : memref<400xi32, #tpu.memory_space<vmem>>, vector<16xi32>,
      %swap3A_1660 = vector.shape_cast %swap3A_1659 : vector<16xi32> to vector<16xi32>
      %swap3A_1661 = vector.shape_cast %add3A_1657 : vector<16xi32> to vector<16xi32>
      tpu.vector_store %arg12[%swap3A_1658], %swap3A_1661 {strides = array<i32>} : memref<400xi32, #tpu.memory_space<vmem>>, vector<16xi32>,
      %add3A_1662 = arith.constant 336 : i32
      %add3A_1663 = arith.addi %add3A_1220, %add3A_1662 : i32
      %get3A_1664 = arith.index_cast %add3A_1663 : i32 to index
      %get3A_1665 = tpu.vector_load %arg8[%get3A_1664] {strides = array<i32>} : memref<2400xi32, #tpu.memory_space<vmem>>, vector<16xi32>,
      %get3A_1666 = vector.shape_cast %get3A_1665 : vector<16xi32> to vector<16xi32>
      %mul3A_1667 = arith.constant 10000 : i32
      %mul3A_1668 = vector.broadcast %mul3A_1667 : i32 to vector<16xi32>
      %mul3A_1669 = arith.muli %get3A_1666, %mul3A_1668 : vector<16xi32>
      %get3A_1670 = arith.index_cast %add3A_1663 : i32 to index
      %get3A_1671 = tpu.vector_load %arg7[%get3A_1670] {strides = array<i32>} : memref<2400xi32, #tpu.memory_space<vmem>>, vector<16xi32>,
      %get3A_1672 = vector.shape_cast %get3A_1671 : vector<16xi32> to vector<16xi32>
      %add3A_1673 = arith.addi %mul3A_1669, %get3A_1672 : vector<16xi32>
      %mul3A_1674 = arith.constant 2 : i32
      %mul3A_1675 = vector.broadcast %mul3A_1674 : i32 to vector<16xi32>
      %mul3A_1676 = arith.muli %add3A_1673, %mul3A_1675 : vector<16xi32>
      %add3A_1677 = vector.broadcast %arg0 : i32 to vector<16xi32>
      %add3A_1678 = arith.addi %mul3A_1676, %add3A_1677 : vector<16xi32>
      %swap3A_1679 = arith.constant 336 : index
      %swap3A_1680 = tpu.vector_load %arg12[%swap3A_1679] {strides = array<i32>} : memref<400xi32, #tpu.memory_space<vmem>>, vector<16xi32>,
      %swap3A_1681 = vector.shape_cast %swap3A_1680 : vector<16xi32> to vector<16xi32>
      %swap3A_1682 = vector.shape_cast %add3A_1678 : vector<16xi32> to vector<16xi32>
      tpu.vector_store %arg12[%swap3A_1679], %swap3A_1682 {strides = array<i32>} : memref<400xi32, #tpu.memory_space<vmem>>, vector<16xi32>,
      %add3A_1683 = arith.constant 352 : i32
      %add3A_1684 = arith.addi %add3A_1220, %add3A_1683 : i32
      %get3A_1685 = arith.index_cast %add3A_1684 : i32 to index
      %get3A_1686 = tpu.vector_load %arg8[%get3A_1685] {strides = array<i32>} : memref<2400xi32, #tpu.memory_space<vmem>>, vector<16xi32>,
      %get3A_1687 = vector.shape_cast %get3A_1686 : vector<16xi32> to vector<16xi32>
      %mul3A_1688 = arith.constant 10000 : i32
      %mul3A_1689 = vector.broadcast %mul3A_1688 : i32 to vector<16xi32>
      %mul3A_1690 = arith.muli %get3A_1687, %mul3A_1689 : vector<16xi32>
      %get3A_1691 = arith.index_cast %add3A_1684 : i32 to index
      %get3A_1692 = tpu.vector_load %arg7[%get3A_1691] {strides = array<i32>} : memref<2400xi32, #tpu.memory_space<vmem>>, vector<16xi32>,
      %get3A_1693 = vector.shape_cast %get3A_1692 : vector<16xi32> to vector<16xi32>
      %add3A_1694 = arith.addi %mul3A_1690, %get3A_1693 : vector<16xi32>
      %mul3A_1695 = arith.constant 2 : i32
      %mul3A_1696 = vector.broadcast %mul3A_1695 : i32 to vector<16xi32>
      %mul3A_1697 = arith.muli %add3A_1694, %mul3A_1696 : vector<16xi32>
      %add3A_1698 = vector.broadcast %arg0 : i32 to vector<16xi32>
      %add3A_1699 = arith.addi %mul3A_1697, %add3A_1698 : vector<16xi32>
      %swap3A_1700 = arith.constant 352 : index
      %swap3A_1701 = tpu.vector_load %arg12[%swap3A_1700] {strides = array<i32>} : memref<400xi32, #tpu.memory_space<vmem>>, vector<16xi32>,
      %swap3A_1702 = vector.shape_cast %swap3A_1701 : vector<16xi32> to vector<16xi32>
      %swap3A_1703 = vector.shape_cast %add3A_1699 : vector<16xi32> to vector<16xi32>
      tpu.vector_store %arg12[%swap3A_1700], %swap3A_1703 {strides = array<i32>} : memref<400xi32, #tpu.memory_space<vmem>>, vector<16xi32>,
      %add3A_1704 = arith.constant 368 : i32
      %add3A_1705 = arith.addi %add3A_1220, %add3A_1704 : i32
      %get3A_1706 = arith.index_cast %add3A_1705 : i32 to index
      %get3A_1707 = tpu.vector_load %arg8[%get3A_1706] {strides = array<i32>} : memref<2400xi32, #tpu.memory_space<vmem>>, vector<16xi32>,
      %get3A_1708 = vector.shape_cast %get3A_1707 : vector<16xi32> to vector<16xi32>
      %mul3A_1709 = arith.constant 10000 : i32
      %mul3A_1710 = vector.broadcast %mul3A_1709 : i32 to vector<16xi32>
      %mul3A_1711 = arith.muli %get3A_1708, %mul3A_1710 : vector<16xi32>
      %get3A_1712 = arith.index_cast %add3A_1705 : i32 to index
      %get3A_1713 = tpu.vector_load %arg7[%get3A_1712] {strides = array<i32>} : memref<2400xi32, #tpu.memory_space<vmem>>, vector<16xi32>,
      %get3A_1714 = vector.shape_cast %get3A_1713 : vector<16xi32> to vector<16xi32>
      %add3A_1715 = arith.addi %mul3A_1711, %get3A_1714 : vector<16xi32>
      %mul3A_1716 = arith.constant 2 : i32
      %mul3A_1717 = vector.broadcast %mul3A_1716 : i32 to vector<16xi32>
      %mul3A_1718 = arith.muli %add3A_1715, %mul3A_1717 : vector<16xi32>
      %add3A_1719 = vector.broadcast %arg0 : i32 to vector<16xi32>
      %add3A_1720 = arith.addi %mul3A_1718, %add3A_1719 : vector<16xi32>
      %swap3A_1721 = arith.constant 368 : index
      %swap3A_1722 = tpu.vector_load %arg12[%swap3A_1721] {strides = array<i32>} : memref<400xi32, #tpu.memory_space<vmem>>, vector<16xi32>,
      %swap3A_1723 = vector.shape_cast %swap3A_1722 : vector<16xi32> to vector<16xi32>
      %swap3A_1724 = vector.shape_cast %add3A_1720 : vector<16xi32> to vector<16xi32>
      tpu.vector_store %arg12[%swap3A_1721], %swap3A_1724 {strides = array<i32>} : memref<400xi32, #tpu.memory_space<vmem>>, vector<16xi32>,
      %add3A_1725 = arith.constant 384 : i32
      %add3A_1726 = arith.addi %add3A_1220, %add3A_1725 : i32
      %get3A_1727 = arith.index_cast %add3A_1726 : i32 to index
      %get3A_1728 = tpu.vector_load %arg8[%get3A_1727] {strides = array<i32>} : memref<2400xi32, #tpu.memory_space<vmem>>, vector<16xi32>,
      %get3A_1729 = vector.shape_cast %get3A_1728 : vector<16xi32> to vector<16xi32>
      %mul3A_1730 = arith.constant 10000 : i32
      %mul3A_1731 = vector.broadcast %mul3A_1730 : i32 to vector<16xi32>
      %mul3A_1732 = arith.muli %get3A_1729, %mul3A_1731 : vector<16xi32>
      %get3A_1733 = arith.index_cast %add3A_1726 : i32 to index
      %get3A_1734 = tpu.vector_load %arg7[%get3A_1733] {strides = array<i32>} : memref<2400xi32, #tpu.memory_space<vmem>>, vector<16xi32>,
      %get3A_1735 = vector.shape_cast %get3A_1734 : vector<16xi32> to vector<16xi32>
      %add3A_1736 = arith.addi %mul3A_1732, %get3A_1735 : vector<16xi32>
      %mul3A_1737 = arith.constant 2 : i32
      %mul3A_1738 = vector.broadcast %mul3A_1737 : i32 to vector<16xi32>
      %mul3A_1739 = arith.muli %add3A_1736, %mul3A_1738 : vector<16xi32>
      %add3A_1740 = vector.broadcast %arg0 : i32 to vector<16xi32>
      %add3A_1741 = arith.addi %mul3A_1739, %add3A_1740 : vector<16xi32>
      %swap3A_1742 = arith.constant 384 : index
      %swap3A_1743 = tpu.vector_load %arg12[%swap3A_1742] {strides = array<i32>} : memref<400xi32, #tpu.memory_space<vmem>>, vector<16xi32>,
      %swap3A_1744 = vector.shape_cast %swap3A_1743 : vector<16xi32> to vector<16xi32>
      %swap3A_1745 = vector.shape_cast %add3A_1741 : vector<16xi32> to vector<16xi32>
      tpu.vector_store %arg12[%swap3A_1742], %swap3A_1745 {strides = array<i32>} : memref<400xi32, #tpu.memory_space<vmem>>, vector<16xi32>,
      %ge3A = arith.constant 1 : i32
      %ge3A_1746 = arith.cmpi sge, %add3A_1146, %ge3A : i32
      %convert_element_type3A_1747 = arith.extui %ge3A_1746 : i1 to i32
      %cond3A_1748 = arith.constant 0 : i32
      %cond3A_1749 = arith.cmpi ne, %convert_element_type3A_1747, %cond3A_1748 : i32
      scf.if %cond3A_1749 {
        %sub3A_3033 = arith.constant 1 : i32
        %sub3A_3034 = arith.subi %add3A_1146, %sub3A_3033 : i32
        %jit3A_3035 = arith.constant 3 : i32
        %div3A_3036 = arith.divsi %sub3A_3034, %jit3A_3035 : i32
        %sign3A_3037 = arith.constant 0 : i32
        %sign3A_3038 = arith.cmpi sgt, %sub3A_3034, %sign3A_3037 : i32
        %sign3A_3039 = arith.extui %sign3A_3038 : i1 to i32
        %sign3A_3040 = arith.constant 0 : i32
        %sign3A_3041 = arith.cmpi slt, %sub3A_3034, %sign3A_3040 : i32
        %sign3A_3042 = arith.extui %sign3A_3041 : i1 to i32
        %sign3A_3043 = arith.subi %sign3A_3039, %sign3A_3042 : i32
        %sign3A_3044 = arith.constant 0 : i32
        %sign3A_3045 = arith.cmpi sgt, %jit3A_3035, %sign3A_3044 : i32
        %sign3A_3046 = arith.extui %sign3A_3045 : i1 to i32
        %sign3A_3047 = arith.constant 0 : i32
        %sign3A_3048 = arith.cmpi slt, %jit3A_3035, %sign3A_3047 : i32
        %sign3A_3049 = arith.extui %sign3A_3048 : i1 to i32
        %sign3A_3050 = arith.subi %sign3A_3046, %sign3A_3049 : i32
        %ne3A_3051 = arith.cmpi ne, %sign3A_3043, %sign3A_3050 : i32
        %rem3A_3052 = arith.remsi %sub3A_3034, %jit3A_3035 : i32
        %ne3A_3053 = arith.constant 0 : i32
        %ne3A_3054 = arith.cmpi ne, %rem3A_3052, %ne3A_3053 : i32
        %and3A_3055 = arith.andi %ne3A_3051, %ne3A_3054 : i1
        %sub3A_3056 = arith.constant 1 : i32
        %sub3A_3057 = arith.subi %div3A_3036, %sub3A_3056 : i32
        %select_n3A_3058 = arith.select %and3A_3055, %sub3A_3057, %div3A_3036 : i32
        %rem3A_3059 = arith.constant 3 : i32
        %rem3A_3060 = arith.remsi %select_n3A_3058, %rem3A_3059 : i32
        %mul3A_3061 = arith.constant 3 : i32
        %mul3A_3062 = arith.muli %rem3A_3060, %mul3A_3061 : i32
        %jit3A_3063 = arith.constant 3 : i32
        %eq3A_3064 = arith.constant 0 : i32
        %eq3A_3065 = arith.cmpi eq, %jit3A_3063, %eq3A_3064 : i32
        %jit3A_3066 = arith.constant 1 : i32
        %select_n3A_3067 = arith.select %eq3A_3065, %jit3A_3066, %jit3A_3063 : i32
        %rem3A_3068 = arith.remsi %sub3A_3034, %select_n3A_3067 : i32
        %ne3A_3069 = arith.constant 0 : i32
        %ne3A_3070 = arith.cmpi ne, %rem3A_3068, %ne3A_3069 : i32
        %lt3A_3071 = arith.constant 0 : i32
        %lt3A_3072 = arith.cmpi slt, %rem3A_3068, %lt3A_3071 : i32
        %lt3A_3073 = arith.constant 0 : i32
        %lt3A_3074 = arith.cmpi slt, %select_n3A_3067, %lt3A_3073 : i32
        %ne3A_3075 = arith.xori %lt3A_3072, %lt3A_3074 : i1
        %and3A_3076 = arith.andi %ne3A_3075, %ne3A_3070 : i1
        %add3A_3077 = arith.addi %rem3A_3068, %select_n3A_3067 : i32
        %select_n3A_3078 = arith.select %and3A_3076, %add3A_3077, %rem3A_3068 : i32
        %add3A_3079 = arith.addi %mul3A_3062, %select_n3A_3078 : i32
        %dma_wait3A_3080 = arith.constant 0 : i32
        %dma_wait3A_3081 = tpu.memref_slice %arg9[%add3A_3079, %dma_wait3A_3080] : memref<9x400xi32, #tpu.memory_space<vmem>> -> memref<1x400xi32, #tpu.memory_space<vmem>>
        %dma_wait3A_3082 = tpu.memref_squeeze %dma_wait3A_3081 : memref<1x400xi32, #tpu.memory_space<vmem>> -> memref<400xi32, #tpu.memory_space<vmem>>
        %dma_wait3A_3083 = arith.constant 0 : i32
        %dma_wait3A_3084 = arith.constant 0 : i32
        %dma_wait3A_3085 = tpu.memref_slice %arg16[%dma_wait3A_3083, %dma_wait3A_3084] : memref<10112x64xf32, #tpu.memory_space<vmem_shared>> -> memref<10112x64xf32, #tpu.memory_space<vmem_shared>>
        tpu.wait_indirect_dma semaphore(%arg22 : memref<!tpu.dma_semaphore, #tpu.memory_space<semaphore_mem>>) src(%arg15 : memref<400x64xf32, #tpu.memory_space<vmem>>) dst(%dma_wait3A_3085 : memref<10112x64xf32, #tpu.memory_space<vmem_shared>>)
      } else {
      }
      %dma_start3A_1750 = arith.constant 0 : i32
      %dma_start3A_1751 = arith.constant 0 : i32
      %dma_start3A_1752 = tpu.memref_slice %arg2[%dma_start3A_1750, %dma_start3A_1751] : memref<320000x64xf32, #tpu.memory_space<hbm>> -> memref<320000x64xf32, #tpu.memory_space<hbm>>
      tpu.enqueue_indirect_dma source(%dma_start3A_1752 : memref<320000x64xf32, #tpu.memory_space<hbm>>) target(%arg15 : memref<400x64xf32, #tpu.memory_space<vmem>>) offsets(%arg12 : memref<400xi32, #tpu.memory_space<vmem>>) semaphore(%arg19 : memref<!tpu.dma_semaphore, #tpu.memory_space<semaphore_mem>>)
      %dma_wait3A_1753 = arith.constant 0 : i32
      %dma_wait3A_1754 = tpu.memref_slice %arg7[%mul3A_1079] : memref<2400xi32, #tpu.memory_space<vmem>> -> memref<1200xi32, #tpu.memory_space<vmem>>
      %dma_wait3A_1755 = tpu.memref_slice %arg3[%dma_wait3A_1753, %add3A_1082] : memref<2x322400xi32, #tpu.memory_space<hbm>> -> memref<1x1200xi32, #tpu.memory_space<hbm>>
      %dma_wait3A_1756 = tpu.memref_squeeze %dma_wait3A_1755 : memref<1x1200xi32, #tpu.memory_space<hbm>> -> memref<1200xi32, #tpu.memory_space<hbm>>
      %dma_wait3A_1757 = tpu.memref_slice %arg7[%mul3A_1079] : memref<2400xi32, #tpu.memory_space<vmem>> -> memref<1200xi32, #tpu.memory_space<vmem>>
      %dma_wait3A_1758 = tpu.memref_slice %arg3[%dma_wait3A_1753, %add3A_1082] : memref<2x322400xi32, #tpu.memory_space<hbm>> -> memref<1x1200xi32, #tpu.memory_space<hbm>>
      %dma_wait3A_1759 = tpu.memref_squeeze %dma_wait3A_1758 : memref<1x1200xi32, #tpu.memory_space<hbm>> -> memref<1200xi32, #tpu.memory_space<hbm>>
      tpu.wait_dma2 semaphore(%arg23 : memref<!tpu.dma_semaphore, #tpu.memory_space<semaphore_mem>>) src(%dma_wait3A_1759 : memref<1200xi32, #tpu.memory_space<hbm>>) dst(%dma_wait3A_1757 : memref<1200xi32, #tpu.memory_space<vmem>>)
      %dma_wait3A_1760 = tpu.memref_slice %arg8[%mul3A_1079] : memref<2400xi32, #tpu.memory_space<vmem>> -> memref<1200xi32, #tpu.memory_space<vmem>>
      %dma_wait3A_1761 = tpu.memref_slice %arg4[%add3A_1082] : memref<322400xi32, #tpu.memory_space<hbm>> -> memref<1200xi32, #tpu.memory_space<hbm>>
      %dma_wait3A_1762 = tpu.memref_slice %arg8[%mul3A_1079] : memref<2400xi32, #tpu.memory_space<vmem>> -> memref<1200xi32, #tpu.memory_space<vmem>>
      %dma_wait3A_1763 = tpu.memref_slice %arg4[%add3A_1082] : memref<322400xi32, #tpu.memory_space<hbm>> -> memref<1200xi32, #tpu.memory_space<hbm>>
      tpu.wait_dma2 semaphore(%arg23 : memref<!tpu.dma_semaphore, #tpu.memory_space<semaphore_mem>>) src(%dma_wait3A_1763 : memref<1200xi32, #tpu.memory_space<hbm>>) dst(%dma_wait3A_1762 : memref<1200xi32, #tpu.memory_space<vmem>>)
      %dma_wait3A_1764 = arith.constant 1 : i32
      %dma_wait3A_1765 = arith.constant 0 : i32
      %dma_wait3A_1766 = tpu.memref_slice %arg9[%add3A_1090, %dma_wait3A_1765] : memref<9x400xi32, #tpu.memory_space<vmem>> -> memref<1x400xi32, #tpu.memory_space<vmem>>
      %dma_wait3A_1767 = tpu.memref_squeeze %dma_wait3A_1766 : memref<1x400xi32, #tpu.memory_space<vmem>> -> memref<400xi32, #tpu.memory_space<vmem>>
      %dma_wait3A_1768 = tpu.memref_slice %arg3[%dma_wait3A_1764, %add3A_1088] : memref<2x322400xi32, #tpu.memory_space<hbm>> -> memref<1x400xi32, #tpu.memory_space<hbm>>
      %dma_wait3A_1769 = tpu.memref_squeeze %dma_wait3A_1768 : memref<1x400xi32, #tpu.memory_space<hbm>> -> memref<400xi32, #tpu.memory_space<hbm>>
      %dma_wait3A_1770 = arith.constant 0 : i32
      %dma_wait3A_1771 = tpu.memref_slice %arg9[%add3A_1090, %dma_wait3A_1770] : memref<9x400xi32, #tpu.memory_space<vmem>> -> memref<1x400xi32, #tpu.memory_space<vmem>>
      %dma_wait3A_1772 = tpu.memref_squeeze %dma_wait3A_1771 : memref<1x400xi32, #tpu.memory_space<vmem>> -> memref<400xi32, #tpu.memory_space<vmem>>
      %dma_wait3A_1773 = tpu.memref_slice %arg3[%dma_wait3A_1764, %add3A_1088] : memref<2x322400xi32, #tpu.memory_space<hbm>> -> memref<1x400xi32, #tpu.memory_space<hbm>>
      %dma_wait3A_1774 = tpu.memref_squeeze %dma_wait3A_1773 : memref<1x400xi32, #tpu.memory_space<hbm>> -> memref<400xi32, #tpu.memory_space<hbm>>
      tpu.wait_dma2 semaphore(%arg23 : memref<!tpu.dma_semaphore, #tpu.memory_space<semaphore_mem>>) src(%dma_wait3A_1774 : memref<400xi32, #tpu.memory_space<hbm>>) dst(%dma_wait3A_1772 : memref<400xi32, #tpu.memory_space<vmem>>)
      %dma_wait3A_1775 = arith.constant 1 : i32
      %dma_wait3A_1776 = arith.constant 0 : i32
      %dma_wait3A_1777 = tpu.memref_slice %arg9[%add3A_1094, %dma_wait3A_1776] : memref<9x400xi32, #tpu.memory_space<vmem>> -> memref<1x400xi32, #tpu.memory_space<vmem>>
      %dma_wait3A_1778 = tpu.memref_squeeze %dma_wait3A_1777 : memref<1x400xi32, #tpu.memory_space<vmem>> -> memref<400xi32, #tpu.memory_space<vmem>>
      %dma_wait3A_1779 = tpu.memref_slice %arg3[%dma_wait3A_1775, %add3A_1092] : memref<2x322400xi32, #tpu.memory_space<hbm>> -> memref<1x400xi32, #tpu.memory_space<hbm>>
      %dma_wait3A_1780 = tpu.memref_squeeze %dma_wait3A_1779 : memref<1x400xi32, #tpu.memory_space<hbm>> -> memref<400xi32, #tpu.memory_space<hbm>>
      %dma_wait3A_1781 = arith.constant 0 : i32
      %dma_wait3A_1782 = tpu.memref_slice %arg9[%add3A_1094, %dma_wait3A_1781] : memref<9x400xi32, #tpu.memory_space<vmem>> -> memref<1x400xi32, #tpu.memory_space<vmem>>
      %dma_wait3A_1783 = tpu.memref_squeeze %dma_wait3A_1782 : memref<1x400xi32, #tpu.memory_space<vmem>> -> memref<400xi32, #tpu.memory_space<vmem>>
      %dma_wait3A_1784 = tpu.memref_slice %arg3[%dma_wait3A_1775, %add3A_1092] : memref<2x322400xi32, #tpu.memory_space<hbm>> -> memref<1x400xi32, #tpu.memory_space<hbm>>
      %dma_wait3A_1785 = tpu.memref_squeeze %dma_wait3A_1784 : memref<1x400xi32, #tpu.memory_space<hbm>> -> memref<400xi32, #tpu.memory_space<hbm>>
      tpu.wait_dma2 semaphore(%arg23 : memref<!tpu.dma_semaphore, #tpu.memory_space<semaphore_mem>>) src(%dma_wait3A_1785 : memref<400xi32, #tpu.memory_space<hbm>>) dst(%dma_wait3A_1783 : memref<400xi32, #tpu.memory_space<vmem>>)
      %dma_wait3A_1786 = arith.constant 1 : i32
      %dma_wait3A_1787 = arith.constant 0 : i32
      %dma_wait3A_1788 = tpu.memref_slice %arg9[%add3A_1098, %dma_wait3A_1787] : memref<9x400xi32, #tpu.memory_space<vmem>> -> memref<1x400xi32, #tpu.memory_space<vmem>>
      %dma_wait3A_1789 = tpu.memref_squeeze %dma_wait3A_1788 : memref<1x400xi32, #tpu.memory_space<vmem>> -> memref<400xi32, #tpu.memory_space<vmem>>
      %dma_wait3A_1790 = tpu.memref_slice %arg3[%dma_wait3A_1786, %add3A_1096] : memref<2x322400xi32, #tpu.memory_space<hbm>> -> memref<1x400xi32, #tpu.memory_space<hbm>>
      %dma_wait3A_1791 = tpu.memref_squeeze %dma_wait3A_1790 : memref<1x400xi32, #tpu.memory_space<hbm>> -> memref<400xi32, #tpu.memory_space<hbm>>
      %dma_wait3A_1792 = arith.constant 0 : i32
      %dma_wait3A_1793 = tpu.memref_slice %arg9[%add3A_1098, %dma_wait3A_1792] : memref<9x400xi32, #tpu.memory_space<vmem>> -> memref<1x400xi32, #tpu.memory_space<vmem>>
      %dma_wait3A_1794 = tpu.memref_squeeze %dma_wait3A_1793 : memref<1x400xi32, #tpu.memory_space<vmem>> -> memref<400xi32, #tpu.memory_space<vmem>>
      %dma_wait3A_1795 = tpu.memref_slice %arg3[%dma_wait3A_1786, %add3A_1096] : memref<2x322400xi32, #tpu.memory_space<hbm>> -> memref<1x400xi32, #tpu.memory_space<hbm>>
      %dma_wait3A_1796 = tpu.memref_squeeze %dma_wait3A_1795 : memref<1x400xi32, #tpu.memory_space<hbm>> -> memref<400xi32, #tpu.memory_space<hbm>>
      tpu.wait_dma2 semaphore(%arg23 : memref<!tpu.dma_semaphore, #tpu.memory_space<semaphore_mem>>) src(%dma_wait3A_1796 : memref<400xi32, #tpu.memory_space<hbm>>) dst(%dma_wait3A_1794 : memref<400xi32, #tpu.memory_space<vmem>>)
      %mul3A_1797 = arith.constant 3 : i32
      %mul3A_1798 = arith.muli %mul3A_1797, %scan3A_1073 : i32
      %add3A_1799 = arith.constant 1 : i32
      %add3A_1800 = arith.addi %mul3A_1798, %add3A_1799 : i32
      %add3A_1801 = arith.constant 1 : i32
      %add3A_1802 = arith.addi %scan3A_1073, %add3A_1801 : i32
      %rem3A_1803 = arith.constant 2 : i32
      %rem3A_1804 = arith.remsi %add3A_1802, %rem3A_1803 : i32
      %mul3A_1805 = arith.constant 1200 : i32
      %mul3A_1806 = arith.muli %rem3A_1804, %mul3A_1805 : i32
      %dma_wait3A_1807 = arith.constant 0 : i32
      %dma_wait3A_1808 = arith.constant 0 : i32
      %dma_wait3A_1809 = tpu.memref_slice %arg2[%dma_wait3A_1807, %dma_wait3A_1808] : memref<320000x64xf32, #tpu.memory_space<hbm>> -> memref<320000x64xf32, #tpu.memory_space<hbm>>
      tpu.wait_indirect_dma semaphore(%arg18 : memref<!tpu.dma_semaphore, #tpu.memory_space<semaphore_mem>>) src(%dma_wait3A_1809 : memref<320000x64xf32, #tpu.memory_space<hbm>>) dst(%arg14 : memref<400x64xf32, #tpu.memory_space<vmem>>)
      %jit3A_1810 = arith.constant 3 : i32
      %div3A_1811 = arith.divsi %add3A_1800, %jit3A_1810 : i32
      %sign3A_1812 = arith.constant 0 : i32
      %sign3A_1813 = arith.cmpi sgt, %add3A_1800, %sign3A_1812 : i32
      %sign3A_1814 = arith.extui %sign3A_1813 : i1 to i32
      %sign3A_1815 = arith.constant 0 : i32
      %sign3A_1816 = arith.cmpi slt, %add3A_1800, %sign3A_1815 : i32
      %sign3A_1817 = arith.extui %sign3A_1816 : i1 to i32
      %sign3A_1818 = arith.subi %sign3A_1814, %sign3A_1817 : i32
      %sign3A_1819 = arith.constant 0 : i32
      %sign3A_1820 = arith.cmpi sgt, %jit3A_1810, %sign3A_1819 : i32
      %sign3A_1821 = arith.extui %sign3A_1820 : i1 to i32
      %sign3A_1822 = arith.constant 0 : i32
      %sign3A_1823 = arith.cmpi slt, %jit3A_1810, %sign3A_1822 : i32
      %sign3A_1824 = arith.extui %sign3A_1823 : i1 to i32
      %sign3A_1825 = arith.subi %sign3A_1821, %sign3A_1824 : i32
      %ne3A_1826 = arith.cmpi ne, %sign3A_1818, %sign3A_1825 : i32
      %rem3A_1827 = arith.remsi %add3A_1800, %jit3A_1810 : i32
      %ne3A_1828 = arith.constant 0 : i32
      %ne3A_1829 = arith.cmpi ne, %rem3A_1827, %ne3A_1828 : i32
      %and3A_1830 = arith.andi %ne3A_1826, %ne3A_1829 : i1
      %sub3A_1831 = arith.constant 1 : i32
      %sub3A_1832 = arith.subi %div3A_1811, %sub3A_1831 : i32
      %select_n3A_1833 = arith.select %and3A_1830, %sub3A_1832, %div3A_1811 : i32
      %rem3A_1834 = arith.constant 3 : i32
      %rem3A_1835 = arith.remsi %select_n3A_1833, %rem3A_1834 : i32
      %mul3A_1836 = arith.constant 3 : i32
      %mul3A_1837 = arith.muli %rem3A_1835, %mul3A_1836 : i32
      %jit3A_1838 = arith.constant 3 : i32
      %eq3A_1839 = arith.constant 0 : i32
      %eq3A_1840 = arith.cmpi eq, %jit3A_1838, %eq3A_1839 : i32
      %jit3A_1841 = arith.constant 1 : i32
      %select_n3A_1842 = arith.select %eq3A_1840, %jit3A_1841, %jit3A_1838 : i32
      %rem3A_1843 = arith.remsi %add3A_1800, %select_n3A_1842 : i32
      %ne3A_1844 = arith.constant 0 : i32
      %ne3A_1845 = arith.cmpi ne, %rem3A_1843, %ne3A_1844 : i32
      %lt3A_1846 = arith.constant 0 : i32
      %lt3A_1847 = arith.cmpi slt, %rem3A_1843, %lt3A_1846 : i32
      %lt3A_1848 = arith.constant 0 : i32
      %lt3A_1849 = arith.cmpi slt, %select_n3A_1842, %lt3A_1848 : i32
      %ne3A_1850 = arith.xori %lt3A_1847, %lt3A_1849 : i1
      %and3A_1851 = arith.andi %ne3A_1850, %ne3A_1845 : i1
      %add3A_1852 = arith.addi %rem3A_1843, %select_n3A_1842 : i32
      %select_n3A_1853 = arith.select %and3A_1851, %add3A_1852, %rem3A_1843 : i32
      %add3A_1854 = arith.addi %mul3A_1837, %select_n3A_1853 : i32
      %dma_start3A_1855 = arith.constant 0 : i32
      %dma_start3A_1856 = tpu.memref_slice %arg9[%add3A_1854, %dma_start3A_1855] : memref<9x400xi32, #tpu.memory_space<vmem>> -> memref<1x400xi32, #tpu.memory_space<vmem>>
      %dma_start3A_1857 = tpu.memref_squeeze %dma_start3A_1856 : memref<1x400xi32, #tpu.memory_space<vmem>> -> memref<400xi32, #tpu.memory_space<vmem>>
      %dma_start3A_1858 = arith.constant 0 : i32
      %dma_start3A_1859 = arith.constant 0 : i32
      %dma_start3A_1860 = tpu.memref_slice %arg16[%dma_start3A_1858, %dma_start3A_1859] : memref<10112x64xf32, #tpu.memory_space<vmem_shared>> -> memref<10112x64xf32, #tpu.memory_space<vmem_shared>>
      tpu.enqueue_indirect_dma source(%arg14 : memref<400x64xf32, #tpu.memory_space<vmem>>) target(%dma_start3A_1860 : memref<10112x64xf32, #tpu.memory_space<vmem_shared>>) offsets(%dma_start3A_1857 : memref<400xi32, #tpu.memory_space<vmem>>) semaphore(%arg21 : memref<!tpu.dma_semaphore, #tpu.memory_space<semaphore_mem>>) {add = true}
      %add3A_1861 = arith.constant 2 : i32
      %add3A_1862 = arith.addi %add3A_1800, %add3A_1861 : i32
      %jit3A_1863 = arith.constant 3 : i32
      %eq3A_1864 = arith.constant 0 : i32
      %eq3A_1865 = arith.cmpi eq, %jit3A_1863, %eq3A_1864 : i32
      %jit3A_1866 = arith.constant 1 : i32
      %select_n3A_1867 = arith.select %eq3A_1865, %jit3A_1866, %jit3A_1863 : i32
      %rem3A_1868 = arith.remsi %add3A_1862, %select_n3A_1867 : i32
      %ne3A_1869 = arith.constant 0 : i32
      %ne3A_1870 = arith.cmpi ne, %rem3A_1868, %ne3A_1869 : i32
      %lt3A_1871 = arith.constant 0 : i32
      %lt3A_1872 = arith.cmpi slt, %rem3A_1868, %lt3A_1871 : i32
      %lt3A_1873 = arith.constant 0 : i32
      %lt3A_1874 = arith.cmpi slt, %select_n3A_1867, %lt3A_1873 : i32
      %ne3A_1875 = arith.xori %lt3A_1872, %lt3A_1874 : i1
      %and3A_1876 = arith.andi %ne3A_1875, %ne3A_1870 : i1
      %add3A_1877 = arith.addi %rem3A_1868, %select_n3A_1867 : i32
      %select_n3A_1878 = arith.select %and3A_1876, %add3A_1877, %rem3A_1868 : i32
      %mul3A_1879 = arith.constant 400 : i32
      %mul3A_1880 = arith.muli %select_n3A_1878, %mul3A_1879 : i32
      %add3A_1881 = arith.addi %mul3A_1806, %mul3A_1880 : i32
      %add3A_1882 = arith.constant 0 : i32
      %add3A_1883 = arith.addi %add3A_1881, %add3A_1882 : i32
      %get3A_1884 = arith.index_cast %add3A_1883 : i32 to index
      %get3A_1885 = tpu.vector_load %arg8[%get3A_1884] {strides = array<i32>} : memref<2400xi32, #tpu.memory_space<vmem>>, vector<16xi32>,
      %get3A_1886 = vector.shape_cast %get3A_1885 : vector<16xi32> to vector<16xi32>
      %mul3A_1887 = arith.constant 10000 : i32
      %mul3A_1888 = vector.broadcast %mul3A_1887 : i32 to vector<16xi32>
      %mul3A_1889 = arith.muli %get3A_1886, %mul3A_1888 : vector<16xi32>
      %get3A_1890 = arith.index_cast %add3A_1883 : i32 to index
      %get3A_1891 = tpu.vector_load %arg7[%get3A_1890] {strides = array<i32>} : memref<2400xi32, #tpu.memory_space<vmem>>, vector<16xi32>,
      %get3A_1892 = vector.shape_cast %get3A_1891 : vector<16xi32> to vector<16xi32>
      %add3A_1893 = arith.addi %mul3A_1889, %get3A_1892 : vector<16xi32>
      %mul3A_1894 = arith.constant 2 : i32
      %mul3A_1895 = vector.broadcast %mul3A_1894 : i32 to vector<16xi32>
      %mul3A_1896 = arith.muli %add3A_1893, %mul3A_1895 : vector<16xi32>
      %add3A_1897 = vector.broadcast %arg0 : i32 to vector<16xi32>
      %add3A_1898 = arith.addi %mul3A_1896, %add3A_1897 : vector<16xi32>
      %swap3A_1899 = arith.constant 0 : index
      %swap3A_1900 = tpu.vector_load %arg10[%swap3A_1899] {strides = array<i32>} : memref<400xi32, #tpu.memory_space<vmem>>, vector<16xi32>,
      %swap3A_1901 = vector.shape_cast %swap3A_1900 : vector<16xi32> to vector<16xi32>
      %swap3A_1902 = vector.shape_cast %add3A_1898 : vector<16xi32> to vector<16xi32>
      tpu.vector_store %arg10[%swap3A_1899], %swap3A_1902 {strides = array<i32>} : memref<400xi32, #tpu.memory_space<vmem>>, vector<16xi32>,
      %add3A_1903 = arith.constant 16 : i32
      %add3A_1904 = arith.addi %add3A_1881, %add3A_1903 : i32
      %get3A_1905 = arith.index_cast %add3A_1904 : i32 to index
      %get3A_1906 = tpu.vector_load %arg8[%get3A_1905] {strides = array<i32>} : memref<2400xi32, #tpu.memory_space<vmem>>, vector<16xi32>,
      %get3A_1907 = vector.shape_cast %get3A_1906 : vector<16xi32> to vector<16xi32>
      %mul3A_1908 = arith.constant 10000 : i32
      %mul3A_1909 = vector.broadcast %mul3A_1908 : i32 to vector<16xi32>
      %mul3A_1910 = arith.muli %get3A_1907, %mul3A_1909 : vector<16xi32>
      %get3A_1911 = arith.index_cast %add3A_1904 : i32 to index
      %get3A_1912 = tpu.vector_load %arg7[%get3A_1911] {strides = array<i32>} : memref<2400xi32, #tpu.memory_space<vmem>>, vector<16xi32>,
      %get3A_1913 = vector.shape_cast %get3A_1912 : vector<16xi32> to vector<16xi32>
      %add3A_1914 = arith.addi %mul3A_1910, %get3A_1913 : vector<16xi32>
      %mul3A_1915 = arith.constant 2 : i32
      %mul3A_1916 = vector.broadcast %mul3A_1915 : i32 to vector<16xi32>
      %mul3A_1917 = arith.muli %add3A_1914, %mul3A_1916 : vector<16xi32>
      %add3A_1918 = vector.broadcast %arg0 : i32 to vector<16xi32>
      %add3A_1919 = arith.addi %mul3A_1917, %add3A_1918 : vector<16xi32>
      %swap3A_1920 = arith.constant 16 : index
      %swap3A_1921 = tpu.vector_load %arg10[%swap3A_1920] {strides = array<i32>} : memref<400xi32, #tpu.memory_space<vmem>>, vector<16xi32>,
      %swap3A_1922 = vector.shape_cast %swap3A_1921 : vector<16xi32> to vector<16xi32>
      %swap3A_1923 = vector.shape_cast %add3A_1919 : vector<16xi32> to vector<16xi32>
      tpu.vector_store %arg10[%swap3A_1920], %swap3A_1923 {strides = array<i32>} : memref<400xi32, #tpu.memory_space<vmem>>, vector<16xi32>,
      %add3A_1924 = arith.constant 32 : i32
      %add3A_1925 = arith.addi %add3A_1881, %add3A_1924 : i32
      %get3A_1926 = arith.index_cast %add3A_1925 : i32 to index
      %get3A_1927 = tpu.vector_load %arg8[%get3A_1926] {strides = array<i32>} : memref<2400xi32, #tpu.memory_space<vmem>>, vector<16xi32>,
      %get3A_1928 = vector.shape_cast %get3A_1927 : vector<16xi32> to vector<16xi32>
      %mul3A_1929 = arith.constant 10000 : i32
      %mul3A_1930 = vector.broadcast %mul3A_1929 : i32 to vector<16xi32>
      %mul3A_1931 = arith.muli %get3A_1928, %mul3A_1930 : vector<16xi32>
      %get3A_1932 = arith.index_cast %add3A_1925 : i32 to index
      %get3A_1933 = tpu.vector_load %arg7[%get3A_1932] {strides = array<i32>} : memref<2400xi32, #tpu.memory_space<vmem>>, vector<16xi32>,
      %get3A_1934 = vector.shape_cast %get3A_1933 : vector<16xi32> to vector<16xi32>
      %add3A_1935 = arith.addi %mul3A_1931, %get3A_1934 : vector<16xi32>
      %mul3A_1936 = arith.constant 2 : i32
      %mul3A_1937 = vector.broadcast %mul3A_1936 : i32 to vector<16xi32>
      %mul3A_1938 = arith.muli %add3A_1935, %mul3A_1937 : vector<16xi32>
      %add3A_1939 = vector.broadcast %arg0 : i32 to vector<16xi32>
      %add3A_1940 = arith.addi %mul3A_1938, %add3A_1939 : vector<16xi32>
      %swap3A_1941 = arith.constant 32 : index
      %swap3A_1942 = tpu.vector_load %arg10[%swap3A_1941] {strides = array<i32>} : memref<400xi32, #tpu.memory_space<vmem>>, vector<16xi32>,
      %swap3A_1943 = vector.shape_cast %swap3A_1942 : vector<16xi32> to vector<16xi32>
      %swap3A_1944 = vector.shape_cast %add3A_1940 : vector<16xi32> to vector<16xi32>
      tpu.vector_store %arg10[%swap3A_1941], %swap3A_1944 {strides = array<i32>} : memref<400xi32, #tpu.memory_space<vmem>>, vector<16xi32>,
      %add3A_1945 = arith.constant 48 : i32
      %add3A_1946 = arith.addi %add3A_1881, %add3A_1945 : i32
      %get3A_1947 = arith.index_cast %add3A_1946 : i32 to index
      %get3A_1948 = tpu.vector_load %arg8[%get3A_1947] {strides = array<i32>} : memref<2400xi32, #tpu.memory_space<vmem>>, vector<16xi32>,
      %get3A_1949 = vector.shape_cast %get3A_1948 : vector<16xi32> to vector<16xi32>
      %mul3A_1950 = arith.constant 10000 : i32
      %mul3A_1951 = vector.broadcast %mul3A_1950 : i32 to vector<16xi32>
      %mul3A_1952 = arith.muli %get3A_1949, %mul3A_1951 : vector<16xi32>
      %get3A_1953 = arith.index_cast %add3A_1946 : i32 to index
      %get3A_1954 = tpu.vector_load %arg7[%get3A_1953] {strides = array<i32>} : memref<2400xi32, #tpu.memory_space<vmem>>, vector<16xi32>,
      %get3A_1955 = vector.shape_cast %get3A_1954 : vector<16xi32> to vector<16xi32>
      %add3A_1956 = arith.addi %mul3A_1952, %get3A_1955 : vector<16xi32>
      %mul3A_1957 = arith.constant 2 : i32
      %mul3A_1958 = vector.broadcast %mul3A_1957 : i32 to vector<16xi32>
      %mul3A_1959 = arith.muli %add3A_1956, %mul3A_1958 : vector<16xi32>
      %add3A_1960 = vector.broadcast %arg0 : i32 to vector<16xi32>
      %add3A_1961 = arith.addi %mul3A_1959, %add3A_1960 : vector<16xi32>
      %swap3A_1962 = arith.constant 48 : index
      %swap3A_1963 = tpu.vector_load %arg10[%swap3A_1962] {strides = array<i32>} : memref<400xi32, #tpu.memory_space<vmem>>, vector<16xi32>,
      %swap3A_1964 = vector.shape_cast %swap3A_1963 : vector<16xi32> to vector<16xi32>
      %swap3A_1965 = vector.shape_cast %add3A_1961 : vector<16xi32> to vector<16xi32>
      tpu.vector_store %arg10[%swap3A_1962], %swap3A_1965 {strides = array<i32>} : memref<400xi32, #tpu.memory_space<vmem>>, vector<16xi32>,
      %add3A_1966 = arith.constant 64 : i32
      %add3A_1967 = arith.addi %add3A_1881, %add3A_1966 : i32
      %get3A_1968 = arith.index_cast %add3A_1967 : i32 to index
      %get3A_1969 = tpu.vector_load %arg8[%get3A_1968] {strides = array<i32>} : memref<2400xi32, #tpu.memory_space<vmem>>, vector<16xi32>,
      %get3A_1970 = vector.shape_cast %get3A_1969 : vector<16xi32> to vector<16xi32>
      %mul3A_1971 = arith.constant 10000 : i32
      %mul3A_1972 = vector.broadcast %mul3A_1971 : i32 to vector<16xi32>
      %mul3A_1973 = arith.muli %get3A_1970, %mul3A_1972 : vector<16xi32>
      %get3A_1974 = arith.index_cast %add3A_1967 : i32 to index
      %get3A_1975 = tpu.vector_load %arg7[%get3A_1974] {strides = array<i32>} : memref<2400xi32, #tpu.memory_space<vmem>>, vector<16xi32>,
      %get3A_1976 = vector.shape_cast %get3A_1975 : vector<16xi32> to vector<16xi32>
      %add3A_1977 = arith.addi %mul3A_1973, %get3A_1976 : vector<16xi32>
      %mul3A_1978 = arith.constant 2 : i32
      %mul3A_1979 = vector.broadcast %mul3A_1978 : i32 to vector<16xi32>
      %mul3A_1980 = arith.muli %add3A_1977, %mul3A_1979 : vector<16xi32>
      %add3A_1981 = vector.broadcast %arg0 : i32 to vector<16xi32>
      %add3A_1982 = arith.addi %mul3A_1980, %add3A_1981 : vector<16xi32>
      %swap3A_1983 = arith.constant 64 : index
      %swap3A_1984 = tpu.vector_load %arg10[%swap3A_1983] {strides = array<i32>} : memref<400xi32, #tpu.memory_space<vmem>>, vector<16xi32>,
      %swap3A_1985 = vector.shape_cast %swap3A_1984 : vector<16xi32> to vector<16xi32>
      %swap3A_1986 = vector.shape_cast %add3A_1982 : vector<16xi32> to vector<16xi32>
      tpu.vector_store %arg10[%swap3A_1983], %swap3A_1986 {strides = array<i32>} : memref<400xi32, #tpu.memory_space<vmem>>, vector<16xi32>,
      %add3A_1987 = arith.constant 80 : i32
      %add3A_1988 = arith.addi %add3A_1881, %add3A_1987 : i32
      %get3A_1989 = arith.index_cast %add3A_1988 : i32 to index
      %get3A_1990 = tpu.vector_load %arg8[%get3A_1989] {strides = array<i32>} : memref<2400xi32, #tpu.memory_space<vmem>>, vector<16xi32>,
      %get3A_1991 = vector.shape_cast %get3A_1990 : vector<16xi32> to vector<16xi32>
      %mul3A_1992 = arith.constant 10000 : i32
      %mul3A_1993 = vector.broadcast %mul3A_1992 : i32 to vector<16xi32>
      %mul3A_1994 = arith.muli %get3A_1991, %mul3A_1993 : vector<16xi32>
      %get3A_1995 = arith.index_cast %add3A_1988 : i32 to index
      %get3A_1996 = tpu.vector_load %arg7[%get3A_1995] {strides = array<i32>} : memref<2400xi32, #tpu.memory_space<vmem>>, vector<16xi32>,
      %get3A_1997 = vector.shape_cast %get3A_1996 : vector<16xi32> to vector<16xi32>
      %add3A_1998 = arith.addi %mul3A_1994, %get3A_1997 : vector<16xi32>
      %mul3A_1999 = arith.constant 2 : i32
      %mul3A_2000 = vector.broadcast %mul3A_1999 : i32 to vector<16xi32>
      %mul3A_2001 = arith.muli %add3A_1998, %mul3A_2000 : vector<16xi32>
      %add3A_2002 = vector.broadcast %arg0 : i32 to vector<16xi32>
      %add3A_2003 = arith.addi %mul3A_2001, %add3A_2002 : vector<16xi32>
      %swap3A_2004 = arith.constant 80 : index
      %swap3A_2005 = tpu.vector_load %arg10[%swap3A_2004] {strides = array<i32>} : memref<400xi32, #tpu.memory_space<vmem>>, vector<16xi32>,
      %swap3A_2006 = vector.shape_cast %swap3A_2005 : vector<16xi32> to vector<16xi32>
      %swap3A_2007 = vector.shape_cast %add3A_2003 : vector<16xi32> to vector<16xi32>
      tpu.vector_store %arg10[%swap3A_2004], %swap3A_2007 {strides = array<i32>} : memref<400xi32, #tpu.memory_space<vmem>>, vector<16xi32>,
      %add3A_2008 = arith.constant 96 : i32
      %add3A_2009 = arith.addi %add3A_1881, %add3A_2008 : i32
      %get3A_2010 = arith.index_cast %add3A_2009 : i32 to index
      %get3A_2011 = tpu.vector_load %arg8[%get3A_2010] {strides = array<i32>} : memref<2400xi32, #tpu.memory_space<vmem>>, vector<16xi32>,
      %get3A_2012 = vector.shape_cast %get3A_2011 : vector<16xi32> to vector<16xi32>
      %mul3A_2013 = arith.constant 10000 : i32
      %mul3A_2014 = vector.broadcast %mul3A_2013 : i32 to vector<16xi32>
      %mul3A_2015 = arith.muli %get3A_2012, %mul3A_2014 : vector<16xi32>
      %get3A_2016 = arith.index_cast %add3A_2009 : i32 to index
      %get3A_2017 = tpu.vector_load %arg7[%get3A_2016] {strides = array<i32>} : memref<2400xi32, #tpu.memory_space<vmem>>, vector<16xi32>,
      %get3A_2018 = vector.shape_cast %get3A_2017 : vector<16xi32> to vector<16xi32>
      %add3A_2019 = arith.addi %mul3A_2015, %get3A_2018 : vector<16xi32>
      %mul3A_2020 = arith.constant 2 : i32
      %mul3A_2021 = vector.broadcast %mul3A_2020 : i32 to vector<16xi32>
      %mul3A_2022 = arith.muli %add3A_2019, %mul3A_2021 : vector<16xi32>
      %add3A_2023 = vector.broadcast %arg0 : i32 to vector<16xi32>
      %add3A_2024 = arith.addi %mul3A_2022, %add3A_2023 : vector<16xi32>
      %swap3A_2025 = arith.constant 96 : index
      %swap3A_2026 = tpu.vector_load %arg10[%swap3A_2025] {strides = array<i32>} : memref<400xi32, #tpu.memory_space<vmem>>, vector<16xi32>,
      %swap3A_2027 = vector.shape_cast %swap3A_2026 : vector<16xi32> to vector<16xi32>
      %swap3A_2028 = vector.shape_cast %add3A_2024 : vector<16xi32> to vector<16xi32>
      tpu.vector_store %arg10[%swap3A_2025], %swap3A_2028 {strides = array<i32>} : memref<400xi32, #tpu.memory_space<vmem>>, vector<16xi32>,
      %add3A_2029 = arith.constant 112 : i32
      %add3A_2030 = arith.addi %add3A_1881, %add3A_2029 : i32
      %get3A_2031 = arith.index_cast %add3A_2030 : i32 to index
      %get3A_2032 = tpu.vector_load %arg8[%get3A_2031] {strides = array<i32>} : memref<2400xi32, #tpu.memory_space<vmem>>, vector<16xi32>,
      %get3A_2033 = vector.shape_cast %get3A_2032 : vector<16xi32> to vector<16xi32>
      %mul3A_2034 = arith.constant 10000 : i32
      %mul3A_2035 = vector.broadcast %mul3A_2034 : i32 to vector<16xi32>
      %mul3A_2036 = arith.muli %get3A_2033, %mul3A_2035 : vector<16xi32>
      %get3A_2037 = arith.index_cast %add3A_2030 : i32 to index
      %get3A_2038 = tpu.vector_load %arg7[%get3A_2037] {strides = array<i32>} : memref<2400xi32, #tpu.memory_space<vmem>>, vector<16xi32>,
      %get3A_2039 = vector.shape_cast %get3A_2038 : vector<16xi32> to vector<16xi32>
      %add3A_2040 = arith.addi %mul3A_2036, %get3A_2039 : vector<16xi32>
      %mul3A_2041 = arith.constant 2 : i32
      %mul3A_2042 = vector.broadcast %mul3A_2041 : i32 to vector<16xi32>
      %mul3A_2043 = arith.muli %add3A_2040, %mul3A_2042 : vector<16xi32>
      %add3A_2044 = vector.broadcast %arg0 : i32 to vector<16xi32>
      %add3A_2045 = arith.addi %mul3A_2043, %add3A_2044 : vector<16xi32>
      %swap3A_2046 = arith.constant 112 : index
      %swap3A_2047 = tpu.vector_load %arg10[%swap3A_2046] {strides = array<i32>} : memref<400xi32, #tpu.memory_space<vmem>>, vector<16xi32>,
      %swap3A_2048 = vector.shape_cast %swap3A_2047 : vector<16xi32> to vector<16xi32>
      %swap3A_2049 = vector.shape_cast %add3A_2045 : vector<16xi32> to vector<16xi32>
      tpu.vector_store %arg10[%swap3A_2046], %swap3A_2049 {strides = array<i32>} : memref<400xi32, #tpu.memory_space<vmem>>, vector<16xi32>,
      %add3A_2050 = arith.constant 128 : i32
      %add3A_2051 = arith.addi %add3A_1881, %add3A_2050 : i32
      %get3A_2052 = arith.index_cast %add3A_2051 : i32 to index
      %get3A_2053 = tpu.vector_load %arg8[%get3A_2052] {strides = array<i32>} : memref<2400xi32, #tpu.memory_space<vmem>>, vector<16xi32>,
      %get3A_2054 = vector.shape_cast %get3A_2053 : vector<16xi32> to vector<16xi32>
      %mul3A_2055 = arith.constant 10000 : i32
      %mul3A_2056 = vector.broadcast %mul3A_2055 : i32 to vector<16xi32>
      %mul3A_2057 = arith.muli %get3A_2054, %mul3A_2056 : vector<16xi32>
      %get3A_2058 = arith.index_cast %add3A_2051 : i32 to index
      %get3A_2059 = tpu.vector_load %arg7[%get3A_2058] {strides = array<i32>} : memref<2400xi32, #tpu.memory_space<vmem>>, vector<16xi32>,
      %get3A_2060 = vector.shape_cast %get3A_2059 : vector<16xi32> to vector<16xi32>
      %add3A_2061 = arith.addi %mul3A_2057, %get3A_2060 : vector<16xi32>
      %mul3A_2062 = arith.constant 2 : i32
      %mul3A_2063 = vector.broadcast %mul3A_2062 : i32 to vector<16xi32>
      %mul3A_2064 = arith.muli %add3A_2061, %mul3A_2063 : vector<16xi32>
      %add3A_2065 = vector.broadcast %arg0 : i32 to vector<16xi32>
      %add3A_2066 = arith.addi %mul3A_2064, %add3A_2065 : vector<16xi32>
      %swap3A_2067 = arith.constant 128 : index
      %swap3A_2068 = tpu.vector_load %arg10[%swap3A_2067] {strides = array<i32>} : memref<400xi32, #tpu.memory_space<vmem>>, vector<16xi32>,
      %swap3A_2069 = vector.shape_cast %swap3A_2068 : vector<16xi32> to vector<16xi32>
      %swap3A_2070 = vector.shape_cast %add3A_2066 : vector<16xi32> to vector<16xi32>
      tpu.vector_store %arg10[%swap3A_2067], %swap3A_2070 {strides = array<i32>} : memref<400xi32, #tpu.memory_space<vmem>>, vector<16xi32>,
      %add3A_2071 = arith.constant 144 : i32
      %add3A_2072 = arith.addi %add3A_1881, %add3A_2071 : i32
      %get3A_2073 = arith.index_cast %add3A_2072 : i32 to index
      %get3A_2074 = tpu.vector_load %arg8[%get3A_2073] {strides = array<i32>} : memref<2400xi32, #tpu.memory_space<vmem>>, vector<16xi32>,
      %get3A_2075 = vector.shape_cast %get3A_2074 : vector<16xi32> to vector<16xi32>
      %mul3A_2076 = arith.constant 10000 : i32
      %mul3A_2077 = vector.broadcast %mul3A_2076 : i32 to vector<16xi32>
      %mul3A_2078 = arith.muli %get3A_2075, %mul3A_2077 : vector<16xi32>
      %get3A_2079 = arith.index_cast %add3A_2072 : i32 to index
      %get3A_2080 = tpu.vector_load %arg7[%get3A_2079] {strides = array<i32>} : memref<2400xi32, #tpu.memory_space<vmem>>, vector<16xi32>,
      %get3A_2081 = vector.shape_cast %get3A_2080 : vector<16xi32> to vector<16xi32>
      %add3A_2082 = arith.addi %mul3A_2078, %get3A_2081 : vector<16xi32>
      %mul3A_2083 = arith.constant 2 : i32
      %mul3A_2084 = vector.broadcast %mul3A_2083 : i32 to vector<16xi32>
      %mul3A_2085 = arith.muli %add3A_2082, %mul3A_2084 : vector<16xi32>
      %add3A_2086 = vector.broadcast %arg0 : i32 to vector<16xi32>
      %add3A_2087 = arith.addi %mul3A_2085, %add3A_2086 : vector<16xi32>
      %swap3A_2088 = arith.constant 144 : index
      %swap3A_2089 = tpu.vector_load %arg10[%swap3A_2088] {strides = array<i32>} : memref<400xi32, #tpu.memory_space<vmem>>, vector<16xi32>,
      %swap3A_2090 = vector.shape_cast %swap3A_2089 : vector<16xi32> to vector<16xi32>
      %swap3A_2091 = vector.shape_cast %add3A_2087 : vector<16xi32> to vector<16xi32>
      tpu.vector_store %arg10[%swap3A_2088], %swap3A_2091 {strides = array<i32>} : memref<400xi32, #tpu.memory_space<vmem>>, vector<16xi32>,
      %add3A_2092 = arith.constant 160 : i32
      %add3A_2093 = arith.addi %add3A_1881, %add3A_2092 : i32
      %get3A_2094 = arith.index_cast %add3A_2093 : i32 to index
      %get3A_2095 = tpu.vector_load %arg8[%get3A_2094] {strides = array<i32>} : memref<2400xi32, #tpu.memory_space<vmem>>, vector<16xi32>,
      %get3A_2096 = vector.shape_cast %get3A_2095 : vector<16xi32> to vector<16xi32>
      %mul3A_2097 = arith.constant 10000 : i32
      %mul3A_2098 = vector.broadcast %mul3A_2097 : i32 to vector<16xi32>
      %mul3A_2099 = arith.muli %get3A_2096, %mul3A_2098 : vector<16xi32>
      %get3A_2100 = arith.index_cast %add3A_2093 : i32 to index
      %get3A_2101 = tpu.vector_load %arg7[%get3A_2100] {strides = array<i32>} : memref<2400xi32, #tpu.memory_space<vmem>>, vector<16xi32>,
      %get3A_2102 = vector.shape_cast %get3A_2101 : vector<16xi32> to vector<16xi32>
      %add3A_2103 = arith.addi %mul3A_2099, %get3A_2102 : vector<16xi32>
      %mul3A_2104 = arith.constant 2 : i32
      %mul3A_2105 = vector.broadcast %mul3A_2104 : i32 to vector<16xi32>
      %mul3A_2106 = arith.muli %add3A_2103, %mul3A_2105 : vector<16xi32>
      %add3A_2107 = vector.broadcast %arg0 : i32 to vector<16xi32>
      %add3A_2108 = arith.addi %mul3A_2106, %add3A_2107 : vector<16xi32>
      %swap3A_2109 = arith.constant 160 : index
      %swap3A_2110 = tpu.vector_load %arg10[%swap3A_2109] {strides = array<i32>} : memref<400xi32, #tpu.memory_space<vmem>>, vector<16xi32>,
      %swap3A_2111 = vector.shape_cast %swap3A_2110 : vector<16xi32> to vector<16xi32>
      %swap3A_2112 = vector.shape_cast %add3A_2108 : vector<16xi32> to vector<16xi32>
      tpu.vector_store %arg10[%swap3A_2109], %swap3A_2112 {strides = array<i32>} : memref<400xi32, #tpu.memory_space<vmem>>, vector<16xi32>,
      %add3A_2113 = arith.constant 176 : i32
      %add3A_2114 = arith.addi %add3A_1881, %add3A_2113 : i32
      %get3A_2115 = arith.index_cast %add3A_2114 : i32 to index
      %get3A_2116 = tpu.vector_load %arg8[%get3A_2115] {strides = array<i32>} : memref<2400xi32, #tpu.memory_space<vmem>>, vector<16xi32>,
      %get3A_2117 = vector.shape_cast %get3A_2116 : vector<16xi32> to vector<16xi32>
      %mul3A_2118 = arith.constant 10000 : i32
      %mul3A_2119 = vector.broadcast %mul3A_2118 : i32 to vector<16xi32>
      %mul3A_2120 = arith.muli %get3A_2117, %mul3A_2119 : vector<16xi32>
      %get3A_2121 = arith.index_cast %add3A_2114 : i32 to index
      %get3A_2122 = tpu.vector_load %arg7[%get3A_2121] {strides = array<i32>} : memref<2400xi32, #tpu.memory_space<vmem>>, vector<16xi32>,
      %get3A_2123 = vector.shape_cast %get3A_2122 : vector<16xi32> to vector<16xi32>
      %add3A_2124 = arith.addi %mul3A_2120, %get3A_2123 : vector<16xi32>
      %mul3A_2125 = arith.constant 2 : i32
      %mul3A_2126 = vector.broadcast %mul3A_2125 : i32 to vector<16xi32>
      %mul3A_2127 = arith.muli %add3A_2124, %mul3A_2126 : vector<16xi32>
      %add3A_2128 = vector.broadcast %arg0 : i32 to vector<16xi32>
      %add3A_2129 = arith.addi %mul3A_2127, %add3A_2128 : vector<16xi32>
      %swap3A_2130 = arith.constant 176 : index
      %swap3A_2131 = tpu.vector_load %arg10[%swap3A_2130] {strides = array<i32>} : memref<400xi32, #tpu.memory_space<vmem>>, vector<16xi32>,
      %swap3A_2132 = vector.shape_cast %swap3A_2131 : vector<16xi32> to vector<16xi32>
      %swap3A_2133 = vector.shape_cast %add3A_2129 : vector<16xi32> to vector<16xi32>
      tpu.vector_store %arg10[%swap3A_2130], %swap3A_2133 {strides = array<i32>} : memref<400xi32, #tpu.memory_space<vmem>>, vector<16xi32>,
      %add3A_2134 = arith.constant 192 : i32
      %add3A_2135 = arith.addi %add3A_1881, %add3A_2134 : i32
      %get3A_2136 = arith.index_cast %add3A_2135 : i32 to index
      %get3A_2137 = tpu.vector_load %arg8[%get3A_2136] {strides = array<i32>} : memref<2400xi32, #tpu.memory_space<vmem>>, vector<16xi32>,
      %get3A_2138 = vector.shape_cast %get3A_2137 : vector<16xi32> to vector<16xi32>
      %mul3A_2139 = arith.constant 10000 : i32
      %mul3A_2140 = vector.broadcast %mul3A_2139 : i32 to vector<16xi32>
      %mul3A_2141 = arith.muli %get3A_2138, %mul3A_2140 : vector<16xi32>
      %get3A_2142 = arith.index_cast %add3A_2135 : i32 to index
      %get3A_2143 = tpu.vector_load %arg7[%get3A_2142] {strides = array<i32>} : memref<2400xi32, #tpu.memory_space<vmem>>, vector<16xi32>,
      %get3A_2144 = vector.shape_cast %get3A_2143 : vector<16xi32> to vector<16xi32>
      %add3A_2145 = arith.addi %mul3A_2141, %get3A_2144 : vector<16xi32>
      %mul3A_2146 = arith.constant 2 : i32
      %mul3A_2147 = vector.broadcast %mul3A_2146 : i32 to vector<16xi32>
      %mul3A_2148 = arith.muli %add3A_2145, %mul3A_2147 : vector<16xi32>
      %add3A_2149 = vector.broadcast %arg0 : i32 to vector<16xi32>
      %add3A_2150 = arith.addi %mul3A_2148, %add3A_2149 : vector<16xi32>
      %swap3A_2151 = arith.constant 192 : index
      %swap3A_2152 = tpu.vector_load %arg10[%swap3A_2151] {strides = array<i32>} : memref<400xi32, #tpu.memory_space<vmem>>, vector<16xi32>,
      %swap3A_2153 = vector.shape_cast %swap3A_2152 : vector<16xi32> to vector<16xi32>
      %swap3A_2154 = vector.shape_cast %add3A_2150 : vector<16xi32> to vector<16xi32>
      tpu.vector_store %arg10[%swap3A_2151], %swap3A_2154 {strides = array<i32>} : memref<400xi32, #tpu.memory_space<vmem>>, vector<16xi32>,
      %add3A_2155 = arith.constant 208 : i32
      %add3A_2156 = arith.addi %add3A_1881, %add3A_2155 : i32
      %get3A_2157 = arith.index_cast %add3A_2156 : i32 to index
      %get3A_2158 = tpu.vector_load %arg8[%get3A_2157] {strides = array<i32>} : memref<2400xi32, #tpu.memory_space<vmem>>, vector<16xi32>,
      %get3A_2159 = vector.shape_cast %get3A_2158 : vector<16xi32> to vector<16xi32>
      %mul3A_2160 = arith.constant 10000 : i32
      %mul3A_2161 = vector.broadcast %mul3A_2160 : i32 to vector<16xi32>
      %mul3A_2162 = arith.muli %get3A_2159, %mul3A_2161 : vector<16xi32>
      %get3A_2163 = arith.index_cast %add3A_2156 : i32 to index
      %get3A_2164 = tpu.vector_load %arg7[%get3A_2163] {strides = array<i32>} : memref<2400xi32, #tpu.memory_space<vmem>>, vector<16xi32>,
      %get3A_2165 = vector.shape_cast %get3A_2164 : vector<16xi32> to vector<16xi32>
      %add3A_2166 = arith.addi %mul3A_2162, %get3A_2165 : vector<16xi32>
      %mul3A_2167 = arith.constant 2 : i32
      %mul3A_2168 = vector.broadcast %mul3A_2167 : i32 to vector<16xi32>
      %mul3A_2169 = arith.muli %add3A_2166, %mul3A_2168 : vector<16xi32>
      %add3A_2170 = vector.broadcast %arg0 : i32 to vector<16xi32>
      %add3A_2171 = arith.addi %mul3A_2169, %add3A_2170 : vector<16xi32>
      %swap3A_2172 = arith.constant 208 : index
      %swap3A_2173 = tpu.vector_load %arg10[%swap3A_2172] {strides = array<i32>} : memref<400xi32, #tpu.memory_space<vmem>>, vector<16xi32>,
      %swap3A_2174 = vector.shape_cast %swap3A_2173 : vector<16xi32> to vector<16xi32>
      %swap3A_2175 = vector.shape_cast %add3A_2171 : vector<16xi32> to vector<16xi32>
      tpu.vector_store %arg10[%swap3A_2172], %swap3A_2175 {strides = array<i32>} : memref<400xi32, #tpu.memory_space<vmem>>, vector<16xi32>,
      %add3A_2176 = arith.constant 224 : i32
      %add3A_2177 = arith.addi %add3A_1881, %add3A_2176 : i32
      %get3A_2178 = arith.index_cast %add3A_2177 : i32 to index
      %get3A_2179 = tpu.vector_load %arg8[%get3A_2178] {strides = array<i32>} : memref<2400xi32, #tpu.memory_space<vmem>>, vector<16xi32>,
      %get3A_2180 = vector.shape_cast %get3A_2179 : vector<16xi32> to vector<16xi32>
      %mul3A_2181 = arith.constant 10000 : i32
      %mul3A_2182 = vector.broadcast %mul3A_2181 : i32 to vector<16xi32>
      %mul3A_2183 = arith.muli %get3A_2180, %mul3A_2182 : vector<16xi32>
      %get3A_2184 = arith.index_cast %add3A_2177 : i32 to index
      %get3A_2185 = tpu.vector_load %arg7[%get3A_2184] {strides = array<i32>} : memref<2400xi32, #tpu.memory_space<vmem>>, vector<16xi32>,
      %get3A_2186 = vector.shape_cast %get3A_2185 : vector<16xi32> to vector<16xi32>
      %add3A_2187 = arith.addi %mul3A_2183, %get3A_2186 : vector<16xi32>
      %mul3A_2188 = arith.constant 2 : i32
      %mul3A_2189 = vector.broadcast %mul3A_2188 : i32 to vector<16xi32>
      %mul3A_2190 = arith.muli %add3A_2187, %mul3A_2189 : vector<16xi32>
      %add3A_2191 = vector.broadcast %arg0 : i32 to vector<16xi32>
      %add3A_2192 = arith.addi %mul3A_2190, %add3A_2191 : vector<16xi32>
      %swap3A_2193 = arith.constant 224 : index
      %swap3A_2194 = tpu.vector_load %arg10[%swap3A_2193] {strides = array<i32>} : memref<400xi32, #tpu.memory_space<vmem>>, vector<16xi32>,
      %swap3A_2195 = vector.shape_cast %swap3A_2194 : vector<16xi32> to vector<16xi32>
      %swap3A_2196 = vector.shape_cast %add3A_2192 : vector<16xi32> to vector<16xi32>
      tpu.vector_store %arg10[%swap3A_2193], %swap3A_2196 {strides = array<i32>} : memref<400xi32, #tpu.memory_space<vmem>>, vector<16xi32>,
      %add3A_2197 = arith.constant 240 : i32
      %add3A_2198 = arith.addi %add3A_1881, %add3A_2197 : i32
      %get3A_2199 = arith.index_cast %add3A_2198 : i32 to index
      %get3A_2200 = tpu.vector_load %arg8[%get3A_2199] {strides = array<i32>} : memref<2400xi32, #tpu.memory_space<vmem>>, vector<16xi32>,
      %get3A_2201 = vector.shape_cast %get3A_2200 : vector<16xi32> to vector<16xi32>
      %mul3A_2202 = arith.constant 10000 : i32
      %mul3A_2203 = vector.broadcast %mul3A_2202 : i32 to vector<16xi32>
      %mul3A_2204 = arith.muli %get3A_2201, %mul3A_2203 : vector<16xi32>
      %get3A_2205 = arith.index_cast %add3A_2198 : i32 to index
      %get3A_2206 = tpu.vector_load %arg7[%get3A_2205] {strides = array<i32>} : memref<2400xi32, #tpu.memory_space<vmem>>, vector<16xi32>,
      %get3A_2207 = vector.shape_cast %get3A_2206 : vector<16xi32> to vector<16xi32>
      %add3A_2208 = arith.addi %mul3A_2204, %get3A_2207 : vector<16xi32>
      %mul3A_2209 = arith.constant 2 : i32
      %mul3A_2210 = vector.broadcast %mul3A_2209 : i32 to vector<16xi32>
      %mul3A_2211 = arith.muli %add3A_2208, %mul3A_2210 : vector<16xi32>
      %add3A_2212 = vector.broadcast %arg0 : i32 to vector<16xi32>
      %add3A_2213 = arith.addi %mul3A_2211, %add3A_2212 : vector<16xi32>
      %swap3A_2214 = arith.constant 240 : index
      %swap3A_2215 = tpu.vector_load %arg10[%swap3A_2214] {strides = array<i32>} : memref<400xi32, #tpu.memory_space<vmem>>, vector<16xi32>,
      %swap3A_2216 = vector.shape_cast %swap3A_2215 : vector<16xi32> to vector<16xi32>
      %swap3A_2217 = vector.shape_cast %add3A_2213 : vector<16xi32> to vector<16xi32>
      tpu.vector_store %arg10[%swap3A_2214], %swap3A_2217 {strides = array<i32>} : memref<400xi32, #tpu.memory_space<vmem>>, vector<16xi32>,
      %add3A_2218 = arith.constant 256 : i32
      %add3A_2219 = arith.addi %add3A_1881, %add3A_2218 : i32
      %get3A_2220 = arith.index_cast %add3A_2219 : i32 to index
      %get3A_2221 = tpu.vector_load %arg8[%get3A_2220] {strides = array<i32>} : memref<2400xi32, #tpu.memory_space<vmem>>, vector<16xi32>,
      %get3A_2222 = vector.shape_cast %get3A_2221 : vector<16xi32> to vector<16xi32>
      %mul3A_2223 = arith.constant 10000 : i32
      %mul3A_2224 = vector.broadcast %mul3A_2223 : i32 to vector<16xi32>
      %mul3A_2225 = arith.muli %get3A_2222, %mul3A_2224 : vector<16xi32>
      %get3A_2226 = arith.index_cast %add3A_2219 : i32 to index
      %get3A_2227 = tpu.vector_load %arg7[%get3A_2226] {strides = array<i32>} : memref<2400xi32, #tpu.memory_space<vmem>>, vector<16xi32>,
      %get3A_2228 = vector.shape_cast %get3A_2227 : vector<16xi32> to vector<16xi32>
      %add3A_2229 = arith.addi %mul3A_2225, %get3A_2228 : vector<16xi32>
      %mul3A_2230 = arith.constant 2 : i32
      %mul3A_2231 = vector.broadcast %mul3A_2230 : i32 to vector<16xi32>
      %mul3A_2232 = arith.muli %add3A_2229, %mul3A_2231 : vector<16xi32>
      %add3A_2233 = vector.broadcast %arg0 : i32 to vector<16xi32>
      %add3A_2234 = arith.addi %mul3A_2232, %add3A_2233 : vector<16xi32>
      %swap3A_2235 = arith.constant 256 : index
      %swap3A_2236 = tpu.vector_load %arg10[%swap3A_2235] {strides = array<i32>} : memref<400xi32, #tpu.memory_space<vmem>>, vector<16xi32>,
      %swap3A_2237 = vector.shape_cast %swap3A_2236 : vector<16xi32> to vector<16xi32>
      %swap3A_2238 = vector.shape_cast %add3A_2234 : vector<16xi32> to vector<16xi32>
      tpu.vector_store %arg10[%swap3A_2235], %swap3A_2238 {strides = array<i32>} : memref<400xi32, #tpu.memory_space<vmem>>, vector<16xi32>,
      %add3A_2239 = arith.constant 272 : i32
      %add3A_2240 = arith.addi %add3A_1881, %add3A_2239 : i32
      %get3A_2241 = arith.index_cast %add3A_2240 : i32 to index
      %get3A_2242 = tpu.vector_load %arg8[%get3A_2241] {strides = array<i32>} : memref<2400xi32, #tpu.memory_space<vmem>>, vector<16xi32>,
      %get3A_2243 = vector.shape_cast %get3A_2242 : vector<16xi32> to vector<16xi32>
      %mul3A_2244 = arith.constant 10000 : i32
      %mul3A_2245 = vector.broadcast %mul3A_2244 : i32 to vector<16xi32>
      %mul3A_2246 = arith.muli %get3A_2243, %mul3A_2245 : vector<16xi32>
      %get3A_2247 = arith.index_cast %add3A_2240 : i32 to index
      %get3A_2248 = tpu.vector_load %arg7[%get3A_2247] {strides = array<i32>} : memref<2400xi32, #tpu.memory_space<vmem>>, vector<16xi32>,
      %get3A_2249 = vector.shape_cast %get3A_2248 : vector<16xi32> to vector<16xi32>
      %add3A_2250 = arith.addi %mul3A_2246, %get3A_2249 : vector<16xi32>
      %mul3A_2251 = arith.constant 2 : i32
      %mul3A_2252 = vector.broadcast %mul3A_2251 : i32 to vector<16xi32>
      %mul3A_2253 = arith.muli %add3A_2250, %mul3A_2252 : vector<16xi32>
      %add3A_2254 = vector.broadcast %arg0 : i32 to vector<16xi32>
      %add3A_2255 = arith.addi %mul3A_2253, %add3A_2254 : vector<16xi32>
      %swap3A_2256 = arith.constant 272 : index
      %swap3A_2257 = tpu.vector_load %arg10[%swap3A_2256] {strides = array<i32>} : memref<400xi32, #tpu.memory_space<vmem>>, vector<16xi32>,
      %swap3A_2258 = vector.shape_cast %swap3A_2257 : vector<16xi32> to vector<16xi32>
      %swap3A_2259 = vector.shape_cast %add3A_2255 : vector<16xi32> to vector<16xi32>
      tpu.vector_store %arg10[%swap3A_2256], %swap3A_2259 {strides = array<i32>} : memref<400xi32, #tpu.memory_space<vmem>>, vector<16xi32>,
      %add3A_2260 = arith.constant 288 : i32
      %add3A_2261 = arith.addi %add3A_1881, %add3A_2260 : i32
      %get3A_2262 = arith.index_cast %add3A_2261 : i32 to index
      %get3A_2263 = tpu.vector_load %arg8[%get3A_2262] {strides = array<i32>} : memref<2400xi32, #tpu.memory_space<vmem>>, vector<16xi32>,
      %get3A_2264 = vector.shape_cast %get3A_2263 : vector<16xi32> to vector<16xi32>
      %mul3A_2265 = arith.constant 10000 : i32
      %mul3A_2266 = vector.broadcast %mul3A_2265 : i32 to vector<16xi32>
      %mul3A_2267 = arith.muli %get3A_2264, %mul3A_2266 : vector<16xi32>
      %get3A_2268 = arith.index_cast %add3A_2261 : i32 to index
      %get3A_2269 = tpu.vector_load %arg7[%get3A_2268] {strides = array<i32>} : memref<2400xi32, #tpu.memory_space<vmem>>, vector<16xi32>,
      %get3A_2270 = vector.shape_cast %get3A_2269 : vector<16xi32> to vector<16xi32>
      %add3A_2271 = arith.addi %mul3A_2267, %get3A_2270 : vector<16xi32>
      %mul3A_2272 = arith.constant 2 : i32
      %mul3A_2273 = vector.broadcast %mul3A_2272 : i32 to vector<16xi32>
      %mul3A_2274 = arith.muli %add3A_2271, %mul3A_2273 : vector<16xi32>
      %add3A_2275 = vector.broadcast %arg0 : i32 to vector<16xi32>
      %add3A_2276 = arith.addi %mul3A_2274, %add3A_2275 : vector<16xi32>
      %swap3A_2277 = arith.constant 288 : index
      %swap3A_2278 = tpu.vector_load %arg10[%swap3A_2277] {strides = array<i32>} : memref<400xi32, #tpu.memory_space<vmem>>, vector<16xi32>,
      %swap3A_2279 = vector.shape_cast %swap3A_2278 : vector<16xi32> to vector<16xi32>
      %swap3A_2280 = vector.shape_cast %add3A_2276 : vector<16xi32> to vector<16xi32>
      tpu.vector_store %arg10[%swap3A_2277], %swap3A_2280 {strides = array<i32>} : memref<400xi32, #tpu.memory_space<vmem>>, vector<16xi32>,
      %add3A_2281 = arith.constant 304 : i32
      %add3A_2282 = arith.addi %add3A_1881, %add3A_2281 : i32
      %get3A_2283 = arith.index_cast %add3A_2282 : i32 to index
      %get3A_2284 = tpu.vector_load %arg8[%get3A_2283] {strides = array<i32>} : memref<2400xi32, #tpu.memory_space<vmem>>, vector<16xi32>,
      %get3A_2285 = vector.shape_cast %get3A_2284 : vector<16xi32> to vector<16xi32>
      %mul3A_2286 = arith.constant 10000 : i32
      %mul3A_2287 = vector.broadcast %mul3A_2286 : i32 to vector<16xi32>
      %mul3A_2288 = arith.muli %get3A_2285, %mul3A_2287 : vector<16xi32>
      %get3A_2289 = arith.index_cast %add3A_2282 : i32 to index
      %get3A_2290 = tpu.vector_load %arg7[%get3A_2289] {strides = array<i32>} : memref<2400xi32, #tpu.memory_space<vmem>>, vector<16xi32>,
      %get3A_2291 = vector.shape_cast %get3A_2290 : vector<16xi32> to vector<16xi32>
      %add3A_2292 = arith.addi %mul3A_2288, %get3A_2291 : vector<16xi32>
      %mul3A_2293 = arith.constant 2 : i32
      %mul3A_2294 = vector.broadcast %mul3A_2293 : i32 to vector<16xi32>
      %mul3A_2295 = arith.muli %add3A_2292, %mul3A_2294 : vector<16xi32>
      %add3A_2296 = vector.broadcast %arg0 : i32 to vector<16xi32>
      %add3A_2297 = arith.addi %mul3A_2295, %add3A_2296 : vector<16xi32>
      %swap3A_2298 = arith.constant 304 : index
      %swap3A_2299 = tpu.vector_load %arg10[%swap3A_2298] {strides = array<i32>} : memref<400xi32, #tpu.memory_space<vmem>>, vector<16xi32>,
      %swap3A_2300 = vector.shape_cast %swap3A_2299 : vector<16xi32> to vector<16xi32>
      %swap3A_2301 = vector.shape_cast %add3A_2297 : vector<16xi32> to vector<16xi32>
      tpu.vector_store %arg10[%swap3A_2298], %swap3A_2301 {strides = array<i32>} : memref<400xi32, #tpu.memory_space<vmem>>, vector<16xi32>,
      %add3A_2302 = arith.constant 320 : i32
      %add3A_2303 = arith.addi %add3A_1881, %add3A_2302 : i32
      %get3A_2304 = arith.index_cast %add3A_2303 : i32 to index
      %get3A_2305 = tpu.vector_load %arg8[%get3A_2304] {strides = array<i32>} : memref<2400xi32, #tpu.memory_space<vmem>>, vector<16xi32>,
      %get3A_2306 = vector.shape_cast %get3A_2305 : vector<16xi32> to vector<16xi32>
      %mul3A_2307 = arith.constant 10000 : i32
      %mul3A_2308 = vector.broadcast %mul3A_2307 : i32 to vector<16xi32>
      %mul3A_2309 = arith.muli %get3A_2306, %mul3A_2308 : vector<16xi32>
      %get3A_2310 = arith.index_cast %add3A_2303 : i32 to index
      %get3A_2311 = tpu.vector_load %arg7[%get3A_2310] {strides = array<i32>} : memref<2400xi32, #tpu.memory_space<vmem>>, vector<16xi32>,
      %get3A_2312 = vector.shape_cast %get3A_2311 : vector<16xi32> to vector<16xi32>
      %add3A_2313 = arith.addi %mul3A_2309, %get3A_2312 : vector<16xi32>
      %mul3A_2314 = arith.constant 2 : i32
      %mul3A_2315 = vector.broadcast %mul3A_2314 : i32 to vector<16xi32>
      %mul3A_2316 = arith.muli %add3A_2313, %mul3A_2315 : vector<16xi32>
      %add3A_2317 = vector.broadcast %arg0 : i32 to vector<16xi32>
      %add3A_2318 = arith.addi %mul3A_2316, %add3A_2317 : vector<16xi32>
      %swap3A_2319 = arith.constant 320 : index
      %swap3A_2320 = tpu.vector_load %arg10[%swap3A_2319] {strides = array<i32>} : memref<400xi32, #tpu.memory_space<vmem>>, vector<16xi32>,
      %swap3A_2321 = vector.shape_cast %swap3A_2320 : vector<16xi32> to vector<16xi32>
      %swap3A_2322 = vector.shape_cast %add3A_2318 : vector<16xi32> to vector<16xi32>
      tpu.vector_store %arg10[%swap3A_2319], %swap3A_2322 {strides = array<i32>} : memref<400xi32, #tpu.memory_space<vmem>>, vector<16xi32>,
      %add3A_2323 = arith.constant 336 : i32
      %add3A_2324 = arith.addi %add3A_1881, %add3A_2323 : i32
      %get3A_2325 = arith.index_cast %add3A_2324 : i32 to index
      %get3A_2326 = tpu.vector_load %arg8[%get3A_2325] {strides = array<i32>} : memref<2400xi32, #tpu.memory_space<vmem>>, vector<16xi32>,
      %get3A_2327 = vector.shape_cast %get3A_2326 : vector<16xi32> to vector<16xi32>
      %mul3A_2328 = arith.constant 10000 : i32
      %mul3A_2329 = vector.broadcast %mul3A_2328 : i32 to vector<16xi32>
      %mul3A_2330 = arith.muli %get3A_2327, %mul3A_2329 : vector<16xi32>
      %get3A_2331 = arith.index_cast %add3A_2324 : i32 to index
      %get3A_2332 = tpu.vector_load %arg7[%get3A_2331] {strides = array<i32>} : memref<2400xi32, #tpu.memory_space<vmem>>, vector<16xi32>,
      %get3A_2333 = vector.shape_cast %get3A_2332 : vector<16xi32> to vector<16xi32>
      %add3A_2334 = arith.addi %mul3A_2330, %get3A_2333 : vector<16xi32>
      %mul3A_2335 = arith.constant 2 : i32
      %mul3A_2336 = vector.broadcast %mul3A_2335 : i32 to vector<16xi32>
      %mul3A_2337 = arith.muli %add3A_2334, %mul3A_2336 : vector<16xi32>
      %add3A_2338 = vector.broadcast %arg0 : i32 to vector<16xi32>
      %add3A_2339 = arith.addi %mul3A_2337, %add3A_2338 : vector<16xi32>
      %swap3A_2340 = arith.constant 336 : index
      %swap3A_2341 = tpu.vector_load %arg10[%swap3A_2340] {strides = array<i32>} : memref<400xi32, #tpu.memory_space<vmem>>, vector<16xi32>,
      %swap3A_2342 = vector.shape_cast %swap3A_2341 : vector<16xi32> to vector<16xi32>
      %swap3A_2343 = vector.shape_cast %add3A_2339 : vector<16xi32> to vector<16xi32>
      tpu.vector_store %arg10[%swap3A_2340], %swap3A_2343 {strides = array<i32>} : memref<400xi32, #tpu.memory_space<vmem>>, vector<16xi32>,
      %add3A_2344 = arith.constant 352 : i32
      %add3A_2345 = arith.addi %add3A_1881, %add3A_2344 : i32
      %get3A_2346 = arith.index_cast %add3A_2345 : i32 to index
      %get3A_2347 = tpu.vector_load %arg8[%get3A_2346] {strides = array<i32>} : memref<2400xi32, #tpu.memory_space<vmem>>, vector<16xi32>,
      %get3A_2348 = vector.shape_cast %get3A_2347 : vector<16xi32> to vector<16xi32>
      %mul3A_2349 = arith.constant 10000 : i32
      %mul3A_2350 = vector.broadcast %mul3A_2349 : i32 to vector<16xi32>
      %mul3A_2351 = arith.muli %get3A_2348, %mul3A_2350 : vector<16xi32>
      %get3A_2352 = arith.index_cast %add3A_2345 : i32 to index
      %get3A_2353 = tpu.vector_load %arg7[%get3A_2352] {strides = array<i32>} : memref<2400xi32, #tpu.memory_space<vmem>>, vector<16xi32>,
      %get3A_2354 = vector.shape_cast %get3A_2353 : vector<16xi32> to vector<16xi32>
      %add3A_2355 = arith.addi %mul3A_2351, %get3A_2354 : vector<16xi32>
      %mul3A_2356 = arith.constant 2 : i32
      %mul3A_2357 = vector.broadcast %mul3A_2356 : i32 to vector<16xi32>
      %mul3A_2358 = arith.muli %add3A_2355, %mul3A_2357 : vector<16xi32>
      %add3A_2359 = vector.broadcast %arg0 : i32 to vector<16xi32>
      %add3A_2360 = arith.addi %mul3A_2358, %add3A_2359 : vector<16xi32>
      %swap3A_2361 = arith.constant 352 : index
      %swap3A_2362 = tpu.vector_load %arg10[%swap3A_2361] {strides = array<i32>} : memref<400xi32, #tpu.memory_space<vmem>>, vector<16xi32>,
      %swap3A_2363 = vector.shape_cast %swap3A_2362 : vector<16xi32> to vector<16xi32>
      %swap3A_2364 = vector.shape_cast %add3A_2360 : vector<16xi32> to vector<16xi32>
      tpu.vector_store %arg10[%swap3A_2361], %swap3A_2364 {strides = array<i32>} : memref<400xi32, #tpu.memory_space<vmem>>, vector<16xi32>,
      %add3A_2365 = arith.constant 368 : i32
      %add3A_2366 = arith.addi %add3A_1881, %add3A_2365 : i32
      %get3A_2367 = arith.index_cast %add3A_2366 : i32 to index
      %get3A_2368 = tpu.vector_load %arg8[%get3A_2367] {strides = array<i32>} : memref<2400xi32, #tpu.memory_space<vmem>>, vector<16xi32>,
      %get3A_2369 = vector.shape_cast %get3A_2368 : vector<16xi32> to vector<16xi32>
      %mul3A_2370 = arith.constant 10000 : i32
      %mul3A_2371 = vector.broadcast %mul3A_2370 : i32 to vector<16xi32>
      %mul3A_2372 = arith.muli %get3A_2369, %mul3A_2371 : vector<16xi32>
      %get3A_2373 = arith.index_cast %add3A_2366 : i32 to index
      %get3A_2374 = tpu.vector_load %arg7[%get3A_2373] {strides = array<i32>} : memref<2400xi32, #tpu.memory_space<vmem>>, vector<16xi32>,
      %get3A_2375 = vector.shape_cast %get3A_2374 : vector<16xi32> to vector<16xi32>
      %add3A_2376 = arith.addi %mul3A_2372, %get3A_2375 : vector<16xi32>
      %mul3A_2377 = arith.constant 2 : i32
      %mul3A_2378 = vector.broadcast %mul3A_2377 : i32 to vector<16xi32>
      %mul3A_2379 = arith.muli %add3A_2376, %mul3A_2378 : vector<16xi32>
      %add3A_2380 = vector.broadcast %arg0 : i32 to vector<16xi32>
      %add3A_2381 = arith.addi %mul3A_2379, %add3A_2380 : vector<16xi32>
      %swap3A_2382 = arith.constant 368 : index
      %swap3A_2383 = tpu.vector_load %arg10[%swap3A_2382] {strides = array<i32>} : memref<400xi32, #tpu.memory_space<vmem>>, vector<16xi32>,
      %swap3A_2384 = vector.shape_cast %swap3A_2383 : vector<16xi32> to vector<16xi32>
      %swap3A_2385 = vector.shape_cast %add3A_2381 : vector<16xi32> to vector<16xi32>
      tpu.vector_store %arg10[%swap3A_2382], %swap3A_2385 {strides = array<i32>} : memref<400xi32, #tpu.memory_space<vmem>>, vector<16xi32>,
      %add3A_2386 = arith.constant 384 : i32
      %add3A_2387 = arith.addi %add3A_1881, %add3A_2386 : i32
      %get3A_2388 = arith.index_cast %add3A_2387 : i32 to index
      %get3A_2389 = tpu.vector_load %arg8[%get3A_2388] {strides = array<i32>} : memref<2400xi32, #tpu.memory_space<vmem>>, vector<16xi32>,
      %get3A_2390 = vector.shape_cast %get3A_2389 : vector<16xi32> to vector<16xi32>
      %mul3A_2391 = arith.constant 10000 : i32
      %mul3A_2392 = vector.broadcast %mul3A_2391 : i32 to vector<16xi32>
      %mul3A_2393 = arith.muli %get3A_2390, %mul3A_2392 : vector<16xi32>
      %get3A_2394 = arith.index_cast %add3A_2387 : i32 to index
      %get3A_2395 = tpu.vector_load %arg7[%get3A_2394] {strides = array<i32>} : memref<2400xi32, #tpu.memory_space<vmem>>, vector<16xi32>,
      %get3A_2396 = vector.shape_cast %get3A_2395 : vector<16xi32> to vector<16xi32>
      %add3A_2397 = arith.addi %mul3A_2393, %get3A_2396 : vector<16xi32>
      %mul3A_2398 = arith.constant 2 : i32
      %mul3A_2399 = vector.broadcast %mul3A_2398 : i32 to vector<16xi32>
      %mul3A_2400 = arith.muli %add3A_2397, %mul3A_2399 : vector<16xi32>
      %add3A_2401 = vector.broadcast %arg0 : i32 to vector<16xi32>
      %add3A_2402 = arith.addi %mul3A_2400, %add3A_2401 : vector<16xi32>
      %swap3A_2403 = arith.constant 384 : index
      %swap3A_2404 = tpu.vector_load %arg10[%swap3A_2403] {strides = array<i32>} : memref<400xi32, #tpu.memory_space<vmem>>, vector<16xi32>,
      %swap3A_2405 = vector.shape_cast %swap3A_2404 : vector<16xi32> to vector<16xi32>
      %swap3A_2406 = vector.shape_cast %add3A_2402 : vector<16xi32> to vector<16xi32>
      tpu.vector_store %arg10[%swap3A_2403], %swap3A_2406 {strides = array<i32>} : memref<400xi32, #tpu.memory_space<vmem>>, vector<16xi32>,
      %ge3A_2407 = arith.constant 1 : i32
      %ge3A_2408 = arith.cmpi sge, %add3A_1800, %ge3A_2407 : i32
      %convert_element_type3A_2409 = arith.extui %ge3A_2408 : i1 to i32
      %cond3A_2410 = arith.constant 0 : i32
      %cond3A_2411 = arith.cmpi ne, %convert_element_type3A_2409, %cond3A_2410 : i32
      scf.if %cond3A_2411 {
        %sub3A_3033 = arith.constant 1 : i32
        %sub3A_3034 = arith.subi %add3A_1800, %sub3A_3033 : i32
        %jit3A_3035 = arith.constant 3 : i32
        %div3A_3036 = arith.divsi %sub3A_3034, %jit3A_3035 : i32
        %sign3A_3037 = arith.constant 0 : i32
        %sign3A_3038 = arith.cmpi sgt, %sub3A_3034, %sign3A_3037 : i32
        %sign3A_3039 = arith.extui %sign3A_3038 : i1 to i32
        %sign3A_3040 = arith.constant 0 : i32
        %sign3A_3041 = arith.cmpi slt, %sub3A_3034, %sign3A_3040 : i32
        %sign3A_3042 = arith.extui %sign3A_3041 : i1 to i32
        %sign3A_3043 = arith.subi %sign3A_3039, %sign3A_3042 : i32
        %sign3A_3044 = arith.constant 0 : i32
        %sign3A_3045 = arith.cmpi sgt, %jit3A_3035, %sign3A_3044 : i32
        %sign3A_3046 = arith.extui %sign3A_3045 : i1 to i32
        %sign3A_3047 = arith.constant 0 : i32
        %sign3A_3048 = arith.cmpi slt, %jit3A_3035, %sign3A_3047 : i32
        %sign3A_3049 = arith.extui %sign3A_3048 : i1 to i32
        %sign3A_3050 = arith.subi %sign3A_3046, %sign3A_3049 : i32
        %ne3A_3051 = arith.cmpi ne, %sign3A_3043, %sign3A_3050 : i32
        %rem3A_3052 = arith.remsi %sub3A_3034, %jit3A_3035 : i32
        %ne3A_3053 = arith.constant 0 : i32
        %ne3A_3054 = arith.cmpi ne, %rem3A_3052, %ne3A_3053 : i32
        %and3A_3055 = arith.andi %ne3A_3051, %ne3A_3054 : i1
        %sub3A_3056 = arith.constant 1 : i32
        %sub3A_3057 = arith.subi %div3A_3036, %sub3A_3056 : i32
        %select_n3A_3058 = arith.select %and3A_3055, %sub3A_3057, %div3A_3036 : i32
        %rem3A_3059 = arith.constant 3 : i32
        %rem3A_3060 = arith.remsi %select_n3A_3058, %rem3A_3059 : i32
        %mul3A_3061 = arith.constant 3 : i32
        %mul3A_3062 = arith.muli %rem3A_3060, %mul3A_3061 : i32
        %jit3A_3063 = arith.constant 3 : i32
        %eq3A_3064 = arith.constant 0 : i32
        %eq3A_3065 = arith.cmpi eq, %jit3A_3063, %eq3A_3064 : i32
        %jit3A_3066 = arith.constant 1 : i32
        %select_n3A_3067 = arith.select %eq3A_3065, %jit3A_3066, %jit3A_3063 : i32
        %rem3A_3068 = arith.remsi %sub3A_3034, %select_n3A_3067 : i32
        %ne3A_3069 = arith.constant 0 : i32
        %ne3A_3070 = arith.cmpi ne, %rem3A_3068, %ne3A_3069 : i32
        %lt3A_3071 = arith.constant 0 : i32
        %lt3A_3072 = arith.cmpi slt, %rem3A_3068, %lt3A_3071 : i32
        %lt3A_3073 = arith.constant 0 : i32
        %lt3A_3074 = arith.cmpi slt, %select_n3A_3067, %lt3A_3073 : i32
        %ne3A_3075 = arith.xori %lt3A_3072, %lt3A_3074 : i1
        %and3A_3076 = arith.andi %ne3A_3075, %ne3A_3070 : i1
        %add3A_3077 = arith.addi %rem3A_3068, %select_n3A_3067 : i32
        %select_n3A_3078 = arith.select %and3A_3076, %add3A_3077, %rem3A_3068 : i32
        %add3A_3079 = arith.addi %mul3A_3062, %select_n3A_3078 : i32
        %dma_wait3A_3080 = arith.constant 0 : i32
        %dma_wait3A_3081 = tpu.memref_slice %arg9[%add3A_3079, %dma_wait3A_3080] : memref<9x400xi32, #tpu.memory_space<vmem>> -> memref<1x400xi32, #tpu.memory_space<vmem>>
        %dma_wait3A_3082 = tpu.memref_squeeze %dma_wait3A_3081 : memref<1x400xi32, #tpu.memory_space<vmem>> -> memref<400xi32, #tpu.memory_space<vmem>>
        %dma_wait3A_3083 = arith.constant 0 : i32
        %dma_wait3A_3084 = arith.constant 0 : i32
        %dma_wait3A_3085 = tpu.memref_slice %arg16[%dma_wait3A_3083, %dma_wait3A_3084] : memref<10112x64xf32, #tpu.memory_space<vmem_shared>> -> memref<10112x64xf32, #tpu.memory_space<vmem_shared>>
        tpu.wait_indirect_dma semaphore(%arg20 : memref<!tpu.dma_semaphore, #tpu.memory_space<semaphore_mem>>) src(%arg13 : memref<400x64xf32, #tpu.memory_space<vmem>>) dst(%dma_wait3A_3085 : memref<10112x64xf32, #tpu.memory_space<vmem_shared>>)
      } else {
      }
      %dma_start3A_2412 = arith.constant 0 : i32
      %dma_start3A_2413 = arith.constant 0 : i32
      %dma_start3A_2414 = tpu.memref_slice %arg2[%dma_start3A_2412, %dma_start3A_2413] : memref<320000x64xf32, #tpu.memory_space<hbm>> -> memref<320000x64xf32, #tpu.memory_space<hbm>>
      tpu.enqueue_indirect_dma source(%dma_start3A_2414 : memref<320000x64xf32, #tpu.memory_space<hbm>>) target(%arg13 : memref<400x64xf32, #tpu.memory_space<vmem>>) offsets(%arg10 : memref<400xi32, #tpu.memory_space<vmem>>) semaphore(%arg17 : memref<!tpu.dma_semaphore, #tpu.memory_space<semaphore_mem>>)
      %mul3A_2415 = arith.constant 3 : i32
      %mul3A_2416 = arith.muli %mul3A_2415, %scan3A_1073 : i32
      %add3A_2417 = arith.constant 2 : i32
      %add3A_2418 = arith.addi %mul3A_2416, %add3A_2417 : i32
      %add3A_2419 = arith.constant 1 : i32
      %add3A_2420 = arith.addi %scan3A_1073, %add3A_2419 : i32
      %rem3A_2421 = arith.constant 2 : i32
      %rem3A_2422 = arith.remsi %add3A_2420, %rem3A_2421 : i32
      %mul3A_2423 = arith.constant 1200 : i32
      %mul3A_2424 = arith.muli %rem3A_2422, %mul3A_2423 : i32
      %dma_wait3A_2425 = arith.constant 0 : i32
      %dma_wait3A_2426 = arith.constant 0 : i32
      %dma_wait3A_2427 = tpu.memref_slice %arg2[%dma_wait3A_2425, %dma_wait3A_2426] : memref<320000x64xf32, #tpu.memory_space<hbm>> -> memref<320000x64xf32, #tpu.memory_space<hbm>>
      tpu.wait_indirect_dma semaphore(%arg19 : memref<!tpu.dma_semaphore, #tpu.memory_space<semaphore_mem>>) src(%dma_wait3A_2427 : memref<320000x64xf32, #tpu.memory_space<hbm>>) dst(%arg15 : memref<400x64xf32, #tpu.memory_space<vmem>>)
      %jit3A_2428 = arith.constant 3 : i32
      %div3A_2429 = arith.divsi %add3A_2418, %jit3A_2428 : i32
      %sign3A_2430 = arith.constant 0 : i32
      %sign3A_2431 = arith.cmpi sgt, %add3A_2418, %sign3A_2430 : i32
      %sign3A_2432 = arith.extui %sign3A_2431 : i1 to i32
      %sign3A_2433 = arith.constant 0 : i32
      %sign3A_2434 = arith.cmpi slt, %add3A_2418, %sign3A_2433 : i32
      %sign3A_2435 = arith.extui %sign3A_2434 : i1 to i32
      %sign3A_2436 = arith.subi %sign3A_2432, %sign3A_2435 : i32
      %sign3A_2437 = arith.constant 0 : i32
      %sign3A_2438 = arith.cmpi sgt, %jit3A_2428, %sign3A_2437 : i32
      %sign3A_2439 = arith.extui %sign3A_2438 : i1 to i32
      %sign3A_2440 = arith.constant 0 : i32
      %sign3A_2441 = arith.cmpi slt, %jit3A_2428, %sign3A_2440 : i32
      %sign3A_2442 = arith.extui %sign3A_2441 : i1 to i32
      %sign3A_2443 = arith.subi %sign3A_2439, %sign3A_2442 : i32
      %ne3A_2444 = arith.cmpi ne, %sign3A_2436, %sign3A_2443 : i32
      %rem3A_2445 = arith.remsi %add3A_2418, %jit3A_2428 : i32
      %ne3A_2446 = arith.constant 0 : i32
      %ne3A_2447 = arith.cmpi ne, %rem3A_2445, %ne3A_2446 : i32
      %and3A_2448 = arith.andi %ne3A_2444, %ne3A_2447 : i1
      %sub3A_2449 = arith.constant 1 : i32
      %sub3A_2450 = arith.subi %div3A_2429, %sub3A_2449 : i32
      %select_n3A_2451 = arith.select %and3A_2448, %sub3A_2450, %div3A_2429 : i32
      %rem3A_2452 = arith.constant 3 : i32
      %rem3A_2453 = arith.remsi %select_n3A_2451, %rem3A_2452 : i32
      %mul3A_2454 = arith.constant 3 : i32
      %mul3A_2455 = arith.muli %rem3A_2453, %mul3A_2454 : i32
      %jit3A_2456 = arith.constant 3 : i32
      %eq3A_2457 = arith.constant 0 : i32
      %eq3A_2458 = arith.cmpi eq, %jit3A_2456, %eq3A_2457 : i32
      %jit3A_2459 = arith.constant 1 : i32
      %select_n3A_2460 = arith.select %eq3A_2458, %jit3A_2459, %jit3A_2456 : i32
      %rem3A_2461 = arith.remsi %add3A_2418, %select_n3A_2460 : i32
      %ne3A_2462 = arith.constant 0 : i32
      %ne3A_2463 = arith.cmpi ne, %rem3A_2461, %ne3A_2462 : i32
      %lt3A_2464 = arith.constant 0 : i32
      %lt3A_2465 = arith.cmpi slt, %rem3A_2461, %lt3A_2464 : i32
      %lt3A_2466 = arith.constant 0 : i32
      %lt3A_2467 = arith.cmpi slt, %select_n3A_2460, %lt3A_2466 : i32
      %ne3A_2468 = arith.xori %lt3A_2465, %lt3A_2467 : i1
      %and3A_2469 = arith.andi %ne3A_2468, %ne3A_2463 : i1
      %add3A_2470 = arith.addi %rem3A_2461, %select_n3A_2460 : i32
      %select_n3A_2471 = arith.select %and3A_2469, %add3A_2470, %rem3A_2461 : i32
      %add3A_2472 = arith.addi %mul3A_2455, %select_n3A_2471 : i32
      %dma_start3A_2473 = arith.constant 0 : i32
      %dma_start3A_2474 = tpu.memref_slice %arg9[%add3A_2472, %dma_start3A_2473] : memref<9x400xi32, #tpu.memory_space<vmem>> -> memref<1x400xi32, #tpu.memory_space<vmem>>
      %dma_start3A_2475 = tpu.memref_squeeze %dma_start3A_2474 : memref<1x400xi32, #tpu.memory_space<vmem>> -> memref<400xi32, #tpu.memory_space<vmem>>
      %dma_start3A_2476 = arith.constant 0 : i32
      %dma_start3A_2477 = arith.constant 0 : i32
      %dma_start3A_2478 = tpu.memref_slice %arg16[%dma_start3A_2476, %dma_start3A_2477] : memref<10112x64xf32, #tpu.memory_space<vmem_shared>> -> memref<10112x64xf32, #tpu.memory_space<vmem_shared>>
      tpu.enqueue_indirect_dma source(%arg15 : memref<400x64xf32, #tpu.memory_space<vmem>>) target(%dma_start3A_2478 : memref<10112x64xf32, #tpu.memory_space<vmem_shared>>) offsets(%dma_start3A_2475 : memref<400xi32, #tpu.memory_space<vmem>>) semaphore(%arg22 : memref<!tpu.dma_semaphore, #tpu.memory_space<semaphore_mem>>) {add = true}
      %add3A_2479 = arith.constant 2 : i32
      %add3A_2480 = arith.addi %add3A_2418, %add3A_2479 : i32
      %jit3A_2481 = arith.constant 3 : i32
      %eq3A_2482 = arith.constant 0 : i32
      %eq3A_2483 = arith.cmpi eq, %jit3A_2481, %eq3A_2482 : i32
      %jit3A_2484 = arith.constant 1 : i32
      %select_n3A_2485 = arith.select %eq3A_2483, %jit3A_2484, %jit3A_2481 : i32
      %rem3A_2486 = arith.remsi %add3A_2480, %select_n3A_2485 : i32
      %ne3A_2487 = arith.constant 0 : i32
      %ne3A_2488 = arith.cmpi ne, %rem3A_2486, %ne3A_2487 : i32
      %lt3A_2489 = arith.constant 0 : i32
      %lt3A_2490 = arith.cmpi slt, %rem3A_2486, %lt3A_2489 : i32
      %lt3A_2491 = arith.constant 0 : i32
      %lt3A_2492 = arith.cmpi slt, %select_n3A_2485, %lt3A_2491 : i32
      %ne3A_2493 = arith.xori %lt3A_2490, %lt3A_2492 : i1
      %and3A_2494 = arith.andi %ne3A_2493, %ne3A_2488 : i1
      %add3A_2495 = arith.addi %rem3A_2486, %select_n3A_2485 : i32
      %select_n3A_2496 = arith.select %and3A_2494, %add3A_2495, %rem3A_2486 : i32
      %mul3A_2497 = arith.constant 400 : i32
      %mul3A_2498 = arith.muli %select_n3A_2496, %mul3A_2497 : i32
      %add3A_2499 = arith.addi %mul3A_2424, %mul3A_2498 : i32
      %add3A_2500 = arith.constant 0 : i32
      %add3A_2501 = arith.addi %add3A_2499, %add3A_2500 : i32
      %get3A_2502 = arith.index_cast %add3A_2501 : i32 to index
      %get3A_2503 = tpu.vector_load %arg8[%get3A_2502] {strides = array<i32>} : memref<2400xi32, #tpu.memory_space<vmem>>, vector<16xi32>,
      %get3A_2504 = vector.shape_cast %get3A_2503 : vector<16xi32> to vector<16xi32>
      %mul3A_2505 = arith.constant 10000 : i32
      %mul3A_2506 = vector.broadcast %mul3A_2505 : i32 to vector<16xi32>
      %mul3A_2507 = arith.muli %get3A_2504, %mul3A_2506 : vector<16xi32>
      %get3A_2508 = arith.index_cast %add3A_2501 : i32 to index
      %get3A_2509 = tpu.vector_load %arg7[%get3A_2508] {strides = array<i32>} : memref<2400xi32, #tpu.memory_space<vmem>>, vector<16xi32>,
      %get3A_2510 = vector.shape_cast %get3A_2509 : vector<16xi32> to vector<16xi32>
      %add3A_2511 = arith.addi %mul3A_2507, %get3A_2510 : vector<16xi32>
      %mul3A_2512 = arith.constant 2 : i32
      %mul3A_2513 = vector.broadcast %mul3A_2512 : i32 to vector<16xi32>
      %mul3A_2514 = arith.muli %add3A_2511, %mul3A_2513 : vector<16xi32>
      %add3A_2515 = vector.broadcast %arg0 : i32 to vector<16xi32>
      %add3A_2516 = arith.addi %mul3A_2514, %add3A_2515 : vector<16xi32>
      %swap3A_2517 = arith.constant 0 : index
      %swap3A_2518 = tpu.vector_load %arg11[%swap3A_2517] {strides = array<i32>} : memref<400xi32, #tpu.memory_space<vmem>>, vector<16xi32>,
      %swap3A_2519 = vector.shape_cast %swap3A_2518 : vector<16xi32> to vector<16xi32>
      %swap3A_2520 = vector.shape_cast %add3A_2516 : vector<16xi32> to vector<16xi32>
      tpu.vector_store %arg11[%swap3A_2517], %swap3A_2520 {strides = array<i32>} : memref<400xi32, #tpu.memory_space<vmem>>, vector<16xi32>,
      %add3A_2521 = arith.constant 16 : i32
      %add3A_2522 = arith.addi %add3A_2499, %add3A_2521 : i32
      %get3A_2523 = arith.index_cast %add3A_2522 : i32 to index
      %get3A_2524 = tpu.vector_load %arg8[%get3A_2523] {strides = array<i32>} : memref<2400xi32, #tpu.memory_space<vmem>>, vector<16xi32>,
      %get3A_2525 = vector.shape_cast %get3A_2524 : vector<16xi32> to vector<16xi32>
      %mul3A_2526 = arith.constant 10000 : i32
      %mul3A_2527 = vector.broadcast %mul3A_2526 : i32 to vector<16xi32>
      %mul3A_2528 = arith.muli %get3A_2525, %mul3A_2527 : vector<16xi32>
      %get3A_2529 = arith.index_cast %add3A_2522 : i32 to index
      %get3A_2530 = tpu.vector_load %arg7[%get3A_2529] {strides = array<i32>} : memref<2400xi32, #tpu.memory_space<vmem>>, vector<16xi32>,
      %get3A_2531 = vector.shape_cast %get3A_2530 : vector<16xi32> to vector<16xi32>
      %add3A_2532 = arith.addi %mul3A_2528, %get3A_2531 : vector<16xi32>
      %mul3A_2533 = arith.constant 2 : i32
      %mul3A_2534 = vector.broadcast %mul3A_2533 : i32 to vector<16xi32>
      %mul3A_2535 = arith.muli %add3A_2532, %mul3A_2534 : vector<16xi32>
      %add3A_2536 = vector.broadcast %arg0 : i32 to vector<16xi32>
      %add3A_2537 = arith.addi %mul3A_2535, %add3A_2536 : vector<16xi32>
      %swap3A_2538 = arith.constant 16 : index
      %swap3A_2539 = tpu.vector_load %arg11[%swap3A_2538] {strides = array<i32>} : memref<400xi32, #tpu.memory_space<vmem>>, vector<16xi32>,
      %swap3A_2540 = vector.shape_cast %swap3A_2539 : vector<16xi32> to vector<16xi32>
      %swap3A_2541 = vector.shape_cast %add3A_2537 : vector<16xi32> to vector<16xi32>
      tpu.vector_store %arg11[%swap3A_2538], %swap3A_2541 {strides = array<i32>} : memref<400xi32, #tpu.memory_space<vmem>>, vector<16xi32>,
      %add3A_2542 = arith.constant 32 : i32
      %add3A_2543 = arith.addi %add3A_2499, %add3A_2542 : i32
      %get3A_2544 = arith.index_cast %add3A_2543 : i32 to index
      %get3A_2545 = tpu.vector_load %arg8[%get3A_2544] {strides = array<i32>} : memref<2400xi32, #tpu.memory_space<vmem>>, vector<16xi32>,
      %get3A_2546 = vector.shape_cast %get3A_2545 : vector<16xi32> to vector<16xi32>
      %mul3A_2547 = arith.constant 10000 : i32
      %mul3A_2548 = vector.broadcast %mul3A_2547 : i32 to vector<16xi32>
      %mul3A_2549 = arith.muli %get3A_2546, %mul3A_2548 : vector<16xi32>
      %get3A_2550 = arith.index_cast %add3A_2543 : i32 to index
      %get3A_2551 = tpu.vector_load %arg7[%get3A_2550] {strides = array<i32>} : memref<2400xi32, #tpu.memory_space<vmem>>, vector<16xi32>,
      %get3A_2552 = vector.shape_cast %get3A_2551 : vector<16xi32> to vector<16xi32>
      %add3A_2553 = arith.addi %mul3A_2549, %get3A_2552 : vector<16xi32>
      %mul3A_2554 = arith.constant 2 : i32
      %mul3A_2555 = vector.broadcast %mul3A_2554 : i32 to vector<16xi32>
      %mul3A_2556 = arith.muli %add3A_2553, %mul3A_2555 : vector<16xi32>
      %add3A_2557 = vector.broadcast %arg0 : i32 to vector<16xi32>
      %add3A_2558 = arith.addi %mul3A_2556, %add3A_2557 : vector<16xi32>
      %swap3A_2559 = arith.constant 32 : index
      %swap3A_2560 = tpu.vector_load %arg11[%swap3A_2559] {strides = array<i32>} : memref<400xi32, #tpu.memory_space<vmem>>, vector<16xi32>,
      %swap3A_2561 = vector.shape_cast %swap3A_2560 : vector<16xi32> to vector<16xi32>
      %swap3A_2562 = vector.shape_cast %add3A_2558 : vector<16xi32> to vector<16xi32>
      tpu.vector_store %arg11[%swap3A_2559], %swap3A_2562 {strides = array<i32>} : memref<400xi32, #tpu.memory_space<vmem>>, vector<16xi32>,
      %add3A_2563 = arith.constant 48 : i32
      %add3A_2564 = arith.addi %add3A_2499, %add3A_2563 : i32
      %get3A_2565 = arith.index_cast %add3A_2564 : i32 to index
      %get3A_2566 = tpu.vector_load %arg8[%get3A_2565] {strides = array<i32>} : memref<2400xi32, #tpu.memory_space<vmem>>, vector<16xi32>,
      %get3A_2567 = vector.shape_cast %get3A_2566 : vector<16xi32> to vector<16xi32>
      %mul3A_2568 = arith.constant 10000 : i32
      %mul3A_2569 = vector.broadcast %mul3A_2568 : i32 to vector<16xi32>
      %mul3A_2570 = arith.muli %get3A_2567, %mul3A_2569 : vector<16xi32>
      %get3A_2571 = arith.index_cast %add3A_2564 : i32 to index
      %get3A_2572 = tpu.vector_load %arg7[%get3A_2571] {strides = array<i32>} : memref<2400xi32, #tpu.memory_space<vmem>>, vector<16xi32>,
      %get3A_2573 = vector.shape_cast %get3A_2572 : vector<16xi32> to vector<16xi32>
      %add3A_2574 = arith.addi %mul3A_2570, %get3A_2573 : vector<16xi32>
      %mul3A_2575 = arith.constant 2 : i32
      %mul3A_2576 = vector.broadcast %mul3A_2575 : i32 to vector<16xi32>
      %mul3A_2577 = arith.muli %add3A_2574, %mul3A_2576 : vector<16xi32>
      %add3A_2578 = vector.broadcast %arg0 : i32 to vector<16xi32>
      %add3A_2579 = arith.addi %mul3A_2577, %add3A_2578 : vector<16xi32>
      %swap3A_2580 = arith.constant 48 : index
      %swap3A_2581 = tpu.vector_load %arg11[%swap3A_2580] {strides = array<i32>} : memref<400xi32, #tpu.memory_space<vmem>>, vector<16xi32>,
      %swap3A_2582 = vector.shape_cast %swap3A_2581 : vector<16xi32> to vector<16xi32>
      %swap3A_2583 = vector.shape_cast %add3A_2579 : vector<16xi32> to vector<16xi32>
      tpu.vector_store %arg11[%swap3A_2580], %swap3A_2583 {strides = array<i32>} : memref<400xi32, #tpu.memory_space<vmem>>, vector<16xi32>,
      %add3A_2584 = arith.constant 64 : i32
      %add3A_2585 = arith.addi %add3A_2499, %add3A_2584 : i32
      %get3A_2586 = arith.index_cast %add3A_2585 : i32 to index
      %get3A_2587 = tpu.vector_load %arg8[%get3A_2586] {strides = array<i32>} : memref<2400xi32, #tpu.memory_space<vmem>>, vector<16xi32>,
      %get3A_2588 = vector.shape_cast %get3A_2587 : vector<16xi32> to vector<16xi32>
      %mul3A_2589 = arith.constant 10000 : i32
      %mul3A_2590 = vector.broadcast %mul3A_2589 : i32 to vector<16xi32>
      %mul3A_2591 = arith.muli %get3A_2588, %mul3A_2590 : vector<16xi32>
      %get3A_2592 = arith.index_cast %add3A_2585 : i32 to index
      %get3A_2593 = tpu.vector_load %arg7[%get3A_2592] {strides = array<i32>} : memref<2400xi32, #tpu.memory_space<vmem>>, vector<16xi32>,
      %get3A_2594 = vector.shape_cast %get3A_2593 : vector<16xi32> to vector<16xi32>
      %add3A_2595 = arith.addi %mul3A_2591, %get3A_2594 : vector<16xi32>
      %mul3A_2596 = arith.constant 2 : i32
      %mul3A_2597 = vector.broadcast %mul3A_2596 : i32 to vector<16xi32>
      %mul3A_2598 = arith.muli %add3A_2595, %mul3A_2597 : vector<16xi32>
      %add3A_2599 = vector.broadcast %arg0 : i32 to vector<16xi32>
      %add3A_2600 = arith.addi %mul3A_2598, %add3A_2599 : vector<16xi32>
      %swap3A_2601 = arith.constant 64 : index
      %swap3A_2602 = tpu.vector_load %arg11[%swap3A_2601] {strides = array<i32>} : memref<400xi32, #tpu.memory_space<vmem>>, vector<16xi32>,
      %swap3A_2603 = vector.shape_cast %swap3A_2602 : vector<16xi32> to vector<16xi32>
      %swap3A_2604 = vector.shape_cast %add3A_2600 : vector<16xi32> to vector<16xi32>
      tpu.vector_store %arg11[%swap3A_2601], %swap3A_2604 {strides = array<i32>} : memref<400xi32, #tpu.memory_space<vmem>>, vector<16xi32>,
      %add3A_2605 = arith.constant 80 : i32
      %add3A_2606 = arith.addi %add3A_2499, %add3A_2605 : i32
      %get3A_2607 = arith.index_cast %add3A_2606 : i32 to index
      %get3A_2608 = tpu.vector_load %arg8[%get3A_2607] {strides = array<i32>} : memref<2400xi32, #tpu.memory_space<vmem>>, vector<16xi32>,
      %get3A_2609 = vector.shape_cast %get3A_2608 : vector<16xi32> to vector<16xi32>
      %mul3A_2610 = arith.constant 10000 : i32
      %mul3A_2611 = vector.broadcast %mul3A_2610 : i32 to vector<16xi32>
      %mul3A_2612 = arith.muli %get3A_2609, %mul3A_2611 : vector<16xi32>
      %get3A_2613 = arith.index_cast %add3A_2606 : i32 to index
      %get3A_2614 = tpu.vector_load %arg7[%get3A_2613] {strides = array<i32>} : memref<2400xi32, #tpu.memory_space<vmem>>, vector<16xi32>,
      %get3A_2615 = vector.shape_cast %get3A_2614 : vector<16xi32> to vector<16xi32>
      %add3A_2616 = arith.addi %mul3A_2612, %get3A_2615 : vector<16xi32>
      %mul3A_2617 = arith.constant 2 : i32
      %mul3A_2618 = vector.broadcast %mul3A_2617 : i32 to vector<16xi32>
      %mul3A_2619 = arith.muli %add3A_2616, %mul3A_2618 : vector<16xi32>
      %add3A_2620 = vector.broadcast %arg0 : i32 to vector<16xi32>
      %add3A_2621 = arith.addi %mul3A_2619, %add3A_2620 : vector<16xi32>
      %swap3A_2622 = arith.constant 80 : index
      %swap3A_2623 = tpu.vector_load %arg11[%swap3A_2622] {strides = array<i32>} : memref<400xi32, #tpu.memory_space<vmem>>, vector<16xi32>,
      %swap3A_2624 = vector.shape_cast %swap3A_2623 : vector<16xi32> to vector<16xi32>
      %swap3A_2625 = vector.shape_cast %add3A_2621 : vector<16xi32> to vector<16xi32>
      tpu.vector_store %arg11[%swap3A_2622], %swap3A_2625 {strides = array<i32>} : memref<400xi32, #tpu.memory_space<vmem>>, vector<16xi32>,
      %add3A_2626 = arith.constant 96 : i32
      %add3A_2627 = arith.addi %add3A_2499, %add3A_2626 : i32
      %get3A_2628 = arith.index_cast %add3A_2627 : i32 to index
      %get3A_2629 = tpu.vector_load %arg8[%get3A_2628] {strides = array<i32>} : memref<2400xi32, #tpu.memory_space<vmem>>, vector<16xi32>,
      %get3A_2630 = vector.shape_cast %get3A_2629 : vector<16xi32> to vector<16xi32>
      %mul3A_2631 = arith.constant 10000 : i32
      %mul3A_2632 = vector.broadcast %mul3A_2631 : i32 to vector<16xi32>
      %mul3A_2633 = arith.muli %get3A_2630, %mul3A_2632 : vector<16xi32>
      %get3A_2634 = arith.index_cast %add3A_2627 : i32 to index
      %get3A_2635 = tpu.vector_load %arg7[%get3A_2634] {strides = array<i32>} : memref<2400xi32, #tpu.memory_space<vmem>>, vector<16xi32>,
      %get3A_2636 = vector.shape_cast %get3A_2635 : vector<16xi32> to vector<16xi32>
      %add3A_2637 = arith.addi %mul3A_2633, %get3A_2636 : vector<16xi32>
      %mul3A_2638 = arith.constant 2 : i32
      %mul3A_2639 = vector.broadcast %mul3A_2638 : i32 to vector<16xi32>
      %mul3A_2640 = arith.muli %add3A_2637, %mul3A_2639 : vector<16xi32>
      %add3A_2641 = vector.broadcast %arg0 : i32 to vector<16xi32>
      %add3A_2642 = arith.addi %mul3A_2640, %add3A_2641 : vector<16xi32>
      %swap3A_2643 = arith.constant 96 : index
      %swap3A_2644 = tpu.vector_load %arg11[%swap3A_2643] {strides = array<i32>} : memref<400xi32, #tpu.memory_space<vmem>>, vector<16xi32>,
      %swap3A_2645 = vector.shape_cast %swap3A_2644 : vector<16xi32> to vector<16xi32>
      %swap3A_2646 = vector.shape_cast %add3A_2642 : vector<16xi32> to vector<16xi32>
      tpu.vector_store %arg11[%swap3A_2643], %swap3A_2646 {strides = array<i32>} : memref<400xi32, #tpu.memory_space<vmem>>, vector<16xi32>,
      %add3A_2647 = arith.constant 112 : i32
      %add3A_2648 = arith.addi %add3A_2499, %add3A_2647 : i32
      %get3A_2649 = arith.index_cast %add3A_2648 : i32 to index
      %get3A_2650 = tpu.vector_load %arg8[%get3A_2649] {strides = array<i32>} : memref<2400xi32, #tpu.memory_space<vmem>>, vector<16xi32>,
      %get3A_2651 = vector.shape_cast %get3A_2650 : vector<16xi32> to vector<16xi32>
      %mul3A_2652 = arith.constant 10000 : i32
      %mul3A_2653 = vector.broadcast %mul3A_2652 : i32 to vector<16xi32>
      %mul3A_2654 = arith.muli %get3A_2651, %mul3A_2653 : vector<16xi32>
      %get3A_2655 = arith.index_cast %add3A_2648 : i32 to index
      %get3A_2656 = tpu.vector_load %arg7[%get3A_2655] {strides = array<i32>} : memref<2400xi32, #tpu.memory_space<vmem>>, vector<16xi32>,
      %get3A_2657 = vector.shape_cast %get3A_2656 : vector<16xi32> to vector<16xi32>
      %add3A_2658 = arith.addi %mul3A_2654, %get3A_2657 : vector<16xi32>
      %mul3A_2659 = arith.constant 2 : i32
      %mul3A_2660 = vector.broadcast %mul3A_2659 : i32 to vector<16xi32>
      %mul3A_2661 = arith.muli %add3A_2658, %mul3A_2660 : vector<16xi32>
      %add3A_2662 = vector.broadcast %arg0 : i32 to vector<16xi32>
      %add3A_2663 = arith.addi %mul3A_2661, %add3A_2662 : vector<16xi32>
      %swap3A_2664 = arith.constant 112 : index
      %swap3A_2665 = tpu.vector_load %arg11[%swap3A_2664] {strides = array<i32>} : memref<400xi32, #tpu.memory_space<vmem>>, vector<16xi32>,
      %swap3A_2666 = vector.shape_cast %swap3A_2665 : vector<16xi32> to vector<16xi32>
      %swap3A_2667 = vector.shape_cast %add3A_2663 : vector<16xi32> to vector<16xi32>
      tpu.vector_store %arg11[%swap3A_2664], %swap3A_2667 {strides = array<i32>} : memref<400xi32, #tpu.memory_space<vmem>>, vector<16xi32>,
      %add3A_2668 = arith.constant 128 : i32
      %add3A_2669 = arith.addi %add3A_2499, %add3A_2668 : i32
      %get3A_2670 = arith.index_cast %add3A_2669 : i32 to index
      %get3A_2671 = tpu.vector_load %arg8[%get3A_2670] {strides = array<i32>} : memref<2400xi32, #tpu.memory_space<vmem>>, vector<16xi32>,
      %get3A_2672 = vector.shape_cast %get3A_2671 : vector<16xi32> to vector<16xi32>
      %mul3A_2673 = arith.constant 10000 : i32
      %mul3A_2674 = vector.broadcast %mul3A_2673 : i32 to vector<16xi32>
      %mul3A_2675 = arith.muli %get3A_2672, %mul3A_2674 : vector<16xi32>
      %get3A_2676 = arith.index_cast %add3A_2669 : i32 to index
      %get3A_2677 = tpu.vector_load %arg7[%get3A_2676] {strides = array<i32>} : memref<2400xi32, #tpu.memory_space<vmem>>, vector<16xi32>,
      %get3A_2678 = vector.shape_cast %get3A_2677 : vector<16xi32> to vector<16xi32>
      %add3A_2679 = arith.addi %mul3A_2675, %get3A_2678 : vector<16xi32>
      %mul3A_2680 = arith.constant 2 : i32
      %mul3A_2681 = vector.broadcast %mul3A_2680 : i32 to vector<16xi32>
      %mul3A_2682 = arith.muli %add3A_2679, %mul3A_2681 : vector<16xi32>
      %add3A_2683 = vector.broadcast %arg0 : i32 to vector<16xi32>
      %add3A_2684 = arith.addi %mul3A_2682, %add3A_2683 : vector<16xi32>
      %swap3A_2685 = arith.constant 128 : index
      %swap3A_2686 = tpu.vector_load %arg11[%swap3A_2685] {strides = array<i32>} : memref<400xi32, #tpu.memory_space<vmem>>, vector<16xi32>,
      %swap3A_2687 = vector.shape_cast %swap3A_2686 : vector<16xi32> to vector<16xi32>
      %swap3A_2688 = vector.shape_cast %add3A_2684 : vector<16xi32> to vector<16xi32>
      tpu.vector_store %arg11[%swap3A_2685], %swap3A_2688 {strides = array<i32>} : memref<400xi32, #tpu.memory_space<vmem>>, vector<16xi32>,
      %add3A_2689 = arith.constant 144 : i32
      %add3A_2690 = arith.addi %add3A_2499, %add3A_2689 : i32
      %get3A_2691 = arith.index_cast %add3A_2690 : i32 to index
      %get3A_2692 = tpu.vector_load %arg8[%get3A_2691] {strides = array<i32>} : memref<2400xi32, #tpu.memory_space<vmem>>, vector<16xi32>,
      %get3A_2693 = vector.shape_cast %get3A_2692 : vector<16xi32> to vector<16xi32>
      %mul3A_2694 = arith.constant 10000 : i32
      %mul3A_2695 = vector.broadcast %mul3A_2694 : i32 to vector<16xi32>
      %mul3A_2696 = arith.muli %get3A_2693, %mul3A_2695 : vector<16xi32>
      %get3A_2697 = arith.index_cast %add3A_2690 : i32 to index
      %get3A_2698 = tpu.vector_load %arg7[%get3A_2697] {strides = array<i32>} : memref<2400xi32, #tpu.memory_space<vmem>>, vector<16xi32>,
      %get3A_2699 = vector.shape_cast %get3A_2698 : vector<16xi32> to vector<16xi32>
      %add3A_2700 = arith.addi %mul3A_2696, %get3A_2699 : vector<16xi32>
      %mul3A_2701 = arith.constant 2 : i32
      %mul3A_2702 = vector.broadcast %mul3A_2701 : i32 to vector<16xi32>
      %mul3A_2703 = arith.muli %add3A_2700, %mul3A_2702 : vector<16xi32>
      %add3A_2704 = vector.broadcast %arg0 : i32 to vector<16xi32>
      %add3A_2705 = arith.addi %mul3A_2703, %add3A_2704 : vector<16xi32>
      %swap3A_2706 = arith.constant 144 : index
      %swap3A_2707 = tpu.vector_load %arg11[%swap3A_2706] {strides = array<i32>} : memref<400xi32, #tpu.memory_space<vmem>>, vector<16xi32>,
      %swap3A_2708 = vector.shape_cast %swap3A_2707 : vector<16xi32> to vector<16xi32>
      %swap3A_2709 = vector.shape_cast %add3A_2705 : vector<16xi32> to vector<16xi32>
      tpu.vector_store %arg11[%swap3A_2706], %swap3A_2709 {strides = array<i32>} : memref<400xi32, #tpu.memory_space<vmem>>, vector<16xi32>,
      %add3A_2710 = arith.constant 160 : i32
      %add3A_2711 = arith.addi %add3A_2499, %add3A_2710 : i32
      %get3A_2712 = arith.index_cast %add3A_2711 : i32 to index
      %get3A_2713 = tpu.vector_load %arg8[%get3A_2712] {strides = array<i32>} : memref<2400xi32, #tpu.memory_space<vmem>>, vector<16xi32>,
      %get3A_2714 = vector.shape_cast %get3A_2713 : vector<16xi32> to vector<16xi32>
      %mul3A_2715 = arith.constant 10000 : i32
      %mul3A_2716 = vector.broadcast %mul3A_2715 : i32 to vector<16xi32>
      %mul3A_2717 = arith.muli %get3A_2714, %mul3A_2716 : vector<16xi32>
      %get3A_2718 = arith.index_cast %add3A_2711 : i32 to index
      %get3A_2719 = tpu.vector_load %arg7[%get3A_2718] {strides = array<i32>} : memref<2400xi32, #tpu.memory_space<vmem>>, vector<16xi32>,
      %get3A_2720 = vector.shape_cast %get3A_2719 : vector<16xi32> to vector<16xi32>
      %add3A_2721 = arith.addi %mul3A_2717, %get3A_2720 : vector<16xi32>
      %mul3A_2722 = arith.constant 2 : i32
      %mul3A_2723 = vector.broadcast %mul3A_2722 : i32 to vector<16xi32>
      %mul3A_2724 = arith.muli %add3A_2721, %mul3A_2723 : vector<16xi32>
      %add3A_2725 = vector.broadcast %arg0 : i32 to vector<16xi32>
      %add3A_2726 = arith.addi %mul3A_2724, %add3A_2725 : vector<16xi32>
      %swap3A_2727 = arith.constant 160 : index
      %swap3A_2728 = tpu.vector_load %arg11[%swap3A_2727] {strides = array<i32>} : memref<400xi32, #tpu.memory_space<vmem>>, vector<16xi32>,
      %swap3A_2729 = vector.shape_cast %swap3A_2728 : vector<16xi32> to vector<16xi32>
      %swap3A_2730 = vector.shape_cast %add3A_2726 : vector<16xi32> to vector<16xi32>
      tpu.vector_store %arg11[%swap3A_2727], %swap3A_2730 {strides = array<i32>} : memref<400xi32, #tpu.memory_space<vmem>>, vector<16xi32>,
      %add3A_2731 = arith.constant 176 : i32
      %add3A_2732 = arith.addi %add3A_2499, %add3A_2731 : i32
      %get3A_2733 = arith.index_cast %add3A_2732 : i32 to index
      %get3A_2734 = tpu.vector_load %arg8[%get3A_2733] {strides = array<i32>} : memref<2400xi32, #tpu.memory_space<vmem>>, vector<16xi32>,
      %get3A_2735 = vector.shape_cast %get3A_2734 : vector<16xi32> to vector<16xi32>
      %mul3A_2736 = arith.constant 10000 : i32
      %mul3A_2737 = vector.broadcast %mul3A_2736 : i32 to vector<16xi32>
      %mul3A_2738 = arith.muli %get3A_2735, %mul3A_2737 : vector<16xi32>
      %get3A_2739 = arith.index_cast %add3A_2732 : i32 to index
      %get3A_2740 = tpu.vector_load %arg7[%get3A_2739] {strides = array<i32>} : memref<2400xi32, #tpu.memory_space<vmem>>, vector<16xi32>,
      %get3A_2741 = vector.shape_cast %get3A_2740 : vector<16xi32> to vector<16xi32>
      %add3A_2742 = arith.addi %mul3A_2738, %get3A_2741 : vector<16xi32>
      %mul3A_2743 = arith.constant 2 : i32
      %mul3A_2744 = vector.broadcast %mul3A_2743 : i32 to vector<16xi32>
      %mul3A_2745 = arith.muli %add3A_2742, %mul3A_2744 : vector<16xi32>
      %add3A_2746 = vector.broadcast %arg0 : i32 to vector<16xi32>
      %add3A_2747 = arith.addi %mul3A_2745, %add3A_2746 : vector<16xi32>
      %swap3A_2748 = arith.constant 176 : index
      %swap3A_2749 = tpu.vector_load %arg11[%swap3A_2748] {strides = array<i32>} : memref<400xi32, #tpu.memory_space<vmem>>, vector<16xi32>,
      %swap3A_2750 = vector.shape_cast %swap3A_2749 : vector<16xi32> to vector<16xi32>
      %swap3A_2751 = vector.shape_cast %add3A_2747 : vector<16xi32> to vector<16xi32>
      tpu.vector_store %arg11[%swap3A_2748], %swap3A_2751 {strides = array<i32>} : memref<400xi32, #tpu.memory_space<vmem>>, vector<16xi32>,
      %add3A_2752 = arith.constant 192 : i32
      %add3A_2753 = arith.addi %add3A_2499, %add3A_2752 : i32
      %get3A_2754 = arith.index_cast %add3A_2753 : i32 to index
      %get3A_2755 = tpu.vector_load %arg8[%get3A_2754] {strides = array<i32>} : memref<2400xi32, #tpu.memory_space<vmem>>, vector<16xi32>,
      %get3A_2756 = vector.shape_cast %get3A_2755 : vector<16xi32> to vector<16xi32>
      %mul3A_2757 = arith.constant 10000 : i32
      %mul3A_2758 = vector.broadcast %mul3A_2757 : i32 to vector<16xi32>
      %mul3A_2759 = arith.muli %get3A_2756, %mul3A_2758 : vector<16xi32>
      %get3A_2760 = arith.index_cast %add3A_2753 : i32 to index
      %get3A_2761 = tpu.vector_load %arg7[%get3A_2760] {strides = array<i32>} : memref<2400xi32, #tpu.memory_space<vmem>>, vector<16xi32>,
      %get3A_2762 = vector.shape_cast %get3A_2761 : vector<16xi32> to vector<16xi32>
      %add3A_2763 = arith.addi %mul3A_2759, %get3A_2762 : vector<16xi32>
      %mul3A_2764 = arith.constant 2 : i32
      %mul3A_2765 = vector.broadcast %mul3A_2764 : i32 to vector<16xi32>
      %mul3A_2766 = arith.muli %add3A_2763, %mul3A_2765 : vector<16xi32>
      %add3A_2767 = vector.broadcast %arg0 : i32 to vector<16xi32>
      %add3A_2768 = arith.addi %mul3A_2766, %add3A_2767 : vector<16xi32>
      %swap3A_2769 = arith.constant 192 : index
      %swap3A_2770 = tpu.vector_load %arg11[%swap3A_2769] {strides = array<i32>} : memref<400xi32, #tpu.memory_space<vmem>>, vector<16xi32>,
      %swap3A_2771 = vector.shape_cast %swap3A_2770 : vector<16xi32> to vector<16xi32>
      %swap3A_2772 = vector.shape_cast %add3A_2768 : vector<16xi32> to vector<16xi32>
      tpu.vector_store %arg11[%swap3A_2769], %swap3A_2772 {strides = array<i32>} : memref<400xi32, #tpu.memory_space<vmem>>, vector<16xi32>,
      %add3A_2773 = arith.constant 208 : i32
      %add3A_2774 = arith.addi %add3A_2499, %add3A_2773 : i32
      %get3A_2775 = arith.index_cast %add3A_2774 : i32 to index
      %get3A_2776 = tpu.vector_load %arg8[%get3A_2775] {strides = array<i32>} : memref<2400xi32, #tpu.memory_space<vmem>>, vector<16xi32>,
      %get3A_2777 = vector.shape_cast %get3A_2776 : vector<16xi32> to vector<16xi32>
      %mul3A_2778 = arith.constant 10000 : i32
      %mul3A_2779 = vector.broadcast %mul3A_2778 : i32 to vector<16xi32>
      %mul3A_2780 = arith.muli %get3A_2777, %mul3A_2779 : vector<16xi32>
      %get3A_2781 = arith.index_cast %add3A_2774 : i32 to index
      %get3A_2782 = tpu.vector_load %arg7[%get3A_2781] {strides = array<i32>} : memref<2400xi32, #tpu.memory_space<vmem>>, vector<16xi32>,
      %get3A_2783 = vector.shape_cast %get3A_2782 : vector<16xi32> to vector<16xi32>
      %add3A_2784 = arith.addi %mul3A_2780, %get3A_2783 : vector<16xi32>
      %mul3A_2785 = arith.constant 2 : i32
      %mul3A_2786 = vector.broadcast %mul3A_2785 : i32 to vector<16xi32>
      %mul3A_2787 = arith.muli %add3A_2784, %mul3A_2786 : vector<16xi32>
      %add3A_2788 = vector.broadcast %arg0 : i32 to vector<16xi32>
      %add3A_2789 = arith.addi %mul3A_2787, %add3A_2788 : vector<16xi32>
      %swap3A_2790 = arith.constant 208 : index
      %swap3A_2791 = tpu.vector_load %arg11[%swap3A_2790] {strides = array<i32>} : memref<400xi32, #tpu.memory_space<vmem>>, vector<16xi32>,
      %swap3A_2792 = vector.shape_cast %swap3A_2791 : vector<16xi32> to vector<16xi32>
      %swap3A_2793 = vector.shape_cast %add3A_2789 : vector<16xi32> to vector<16xi32>
      tpu.vector_store %arg11[%swap3A_2790], %swap3A_2793 {strides = array<i32>} : memref<400xi32, #tpu.memory_space<vmem>>, vector<16xi32>,
      %add3A_2794 = arith.constant 224 : i32
      %add3A_2795 = arith.addi %add3A_2499, %add3A_2794 : i32
      %get3A_2796 = arith.index_cast %add3A_2795 : i32 to index
      %get3A_2797 = tpu.vector_load %arg8[%get3A_2796] {strides = array<i32>} : memref<2400xi32, #tpu.memory_space<vmem>>, vector<16xi32>,
      %get3A_2798 = vector.shape_cast %get3A_2797 : vector<16xi32> to vector<16xi32>
      %mul3A_2799 = arith.constant 10000 : i32
      %mul3A_2800 = vector.broadcast %mul3A_2799 : i32 to vector<16xi32>
      %mul3A_2801 = arith.muli %get3A_2798, %mul3A_2800 : vector<16xi32>
      %get3A_2802 = arith.index_cast %add3A_2795 : i32 to index
      %get3A_2803 = tpu.vector_load %arg7[%get3A_2802] {strides = array<i32>} : memref<2400xi32, #tpu.memory_space<vmem>>, vector<16xi32>,
      %get3A_2804 = vector.shape_cast %get3A_2803 : vector<16xi32> to vector<16xi32>
      %add3A_2805 = arith.addi %mul3A_2801, %get3A_2804 : vector<16xi32>
      %mul3A_2806 = arith.constant 2 : i32
      %mul3A_2807 = vector.broadcast %mul3A_2806 : i32 to vector<16xi32>
      %mul3A_2808 = arith.muli %add3A_2805, %mul3A_2807 : vector<16xi32>
      %add3A_2809 = vector.broadcast %arg0 : i32 to vector<16xi32>
      %add3A_2810 = arith.addi %mul3A_2808, %add3A_2809 : vector<16xi32>
      %swap3A_2811 = arith.constant 224 : index
      %swap3A_2812 = tpu.vector_load %arg11[%swap3A_2811] {strides = array<i32>} : memref<400xi32, #tpu.memory_space<vmem>>, vector<16xi32>,
      %swap3A_2813 = vector.shape_cast %swap3A_2812 : vector<16xi32> to vector<16xi32>
      %swap3A_2814 = vector.shape_cast %add3A_2810 : vector<16xi32> to vector<16xi32>
      tpu.vector_store %arg11[%swap3A_2811], %swap3A_2814 {strides = array<i32>} : memref<400xi32, #tpu.memory_space<vmem>>, vector<16xi32>,
      %add3A_2815 = arith.constant 240 : i32
      %add3A_2816 = arith.addi %add3A_2499, %add3A_2815 : i32
      %get3A_2817 = arith.index_cast %add3A_2816 : i32 to index
      %get3A_2818 = tpu.vector_load %arg8[%get3A_2817] {strides = array<i32>} : memref<2400xi32, #tpu.memory_space<vmem>>, vector<16xi32>,
      %get3A_2819 = vector.shape_cast %get3A_2818 : vector<16xi32> to vector<16xi32>
      %mul3A_2820 = arith.constant 10000 : i32
      %mul3A_2821 = vector.broadcast %mul3A_2820 : i32 to vector<16xi32>
      %mul3A_2822 = arith.muli %get3A_2819, %mul3A_2821 : vector<16xi32>
      %get3A_2823 = arith.index_cast %add3A_2816 : i32 to index
      %get3A_2824 = tpu.vector_load %arg7[%get3A_2823] {strides = array<i32>} : memref<2400xi32, #tpu.memory_space<vmem>>, vector<16xi32>,
      %get3A_2825 = vector.shape_cast %get3A_2824 : vector<16xi32> to vector<16xi32>
      %add3A_2826 = arith.addi %mul3A_2822, %get3A_2825 : vector<16xi32>
      %mul3A_2827 = arith.constant 2 : i32
      %mul3A_2828 = vector.broadcast %mul3A_2827 : i32 to vector<16xi32>
      %mul3A_2829 = arith.muli %add3A_2826, %mul3A_2828 : vector<16xi32>
      %add3A_2830 = vector.broadcast %arg0 : i32 to vector<16xi32>
      %add3A_2831 = arith.addi %mul3A_2829, %add3A_2830 : vector<16xi32>
      %swap3A_2832 = arith.constant 240 : index
      %swap3A_2833 = tpu.vector_load %arg11[%swap3A_2832] {strides = array<i32>} : memref<400xi32, #tpu.memory_space<vmem>>, vector<16xi32>,
      %swap3A_2834 = vector.shape_cast %swap3A_2833 : vector<16xi32> to vector<16xi32>
      %swap3A_2835 = vector.shape_cast %add3A_2831 : vector<16xi32> to vector<16xi32>
      tpu.vector_store %arg11[%swap3A_2832], %swap3A_2835 {strides = array<i32>} : memref<400xi32, #tpu.memory_space<vmem>>, vector<16xi32>,
      %add3A_2836 = arith.constant 256 : i32
      %add3A_2837 = arith.addi %add3A_2499, %add3A_2836 : i32
      %get3A_2838 = arith.index_cast %add3A_2837 : i32 to index
      %get3A_2839 = tpu.vector_load %arg8[%get3A_2838] {strides = array<i32>} : memref<2400xi32, #tpu.memory_space<vmem>>, vector<16xi32>,
      %get3A_2840 = vector.shape_cast %get3A_2839 : vector<16xi32> to vector<16xi32>
      %mul3A_2841 = arith.constant 10000 : i32
      %mul3A_2842 = vector.broadcast %mul3A_2841 : i32 to vector<16xi32>
      %mul3A_2843 = arith.muli %get3A_2840, %mul3A_2842 : vector<16xi32>
      %get3A_2844 = arith.index_cast %add3A_2837 : i32 to index
      %get3A_2845 = tpu.vector_load %arg7[%get3A_2844] {strides = array<i32>} : memref<2400xi32, #tpu.memory_space<vmem>>, vector<16xi32>,
      %get3A_2846 = vector.shape_cast %get3A_2845 : vector<16xi32> to vector<16xi32>
      %add3A_2847 = arith.addi %mul3A_2843, %get3A_2846 : vector<16xi32>
      %mul3A_2848 = arith.constant 2 : i32
      %mul3A_2849 = vector.broadcast %mul3A_2848 : i32 to vector<16xi32>
      %mul3A_2850 = arith.muli %add3A_2847, %mul3A_2849 : vector<16xi32>
      %add3A_2851 = vector.broadcast %arg0 : i32 to vector<16xi32>
      %add3A_2852 = arith.addi %mul3A_2850, %add3A_2851 : vector<16xi32>
      %swap3A_2853 = arith.constant 256 : index
      %swap3A_2854 = tpu.vector_load %arg11[%swap3A_2853] {strides = array<i32>} : memref<400xi32, #tpu.memory_space<vmem>>, vector<16xi32>,
      %swap3A_2855 = vector.shape_cast %swap3A_2854 : vector<16xi32> to vector<16xi32>
      %swap3A_2856 = vector.shape_cast %add3A_2852 : vector<16xi32> to vector<16xi32>
      tpu.vector_store %arg11[%swap3A_2853], %swap3A_2856 {strides = array<i32>} : memref<400xi32, #tpu.memory_space<vmem>>, vector<16xi32>,
      %add3A_2857 = arith.constant 272 : i32
      %add3A_2858 = arith.addi %add3A_2499, %add3A_2857 : i32
      %get3A_2859 = arith.index_cast %add3A_2858 : i32 to index
      %get3A_2860 = tpu.vector_load %arg8[%get3A_2859] {strides = array<i32>} : memref<2400xi32, #tpu.memory_space<vmem>>, vector<16xi32>,
      %get3A_2861 = vector.shape_cast %get3A_2860 : vector<16xi32> to vector<16xi32>
      %mul3A_2862 = arith.constant 10000 : i32
      %mul3A_2863 = vector.broadcast %mul3A_2862 : i32 to vector<16xi32>
      %mul3A_2864 = arith.muli %get3A_2861, %mul3A_2863 : vector<16xi32>
      %get3A_2865 = arith.index_cast %add3A_2858 : i32 to index
      %get3A_2866 = tpu.vector_load %arg7[%get3A_2865] {strides = array<i32>} : memref<2400xi32, #tpu.memory_space<vmem>>, vector<16xi32>,
      %get3A_2867 = vector.shape_cast %get3A_2866 : vector<16xi32> to vector<16xi32>
      %add3A_2868 = arith.addi %mul3A_2864, %get3A_2867 : vector<16xi32>
      %mul3A_2869 = arith.constant 2 : i32
      %mul3A_2870 = vector.broadcast %mul3A_2869 : i32 to vector<16xi32>
      %mul3A_2871 = arith.muli %add3A_2868, %mul3A_2870 : vector<16xi32>
      %add3A_2872 = vector.broadcast %arg0 : i32 to vector<16xi32>
      %add3A_2873 = arith.addi %mul3A_2871, %add3A_2872 : vector<16xi32>
      %swap3A_2874 = arith.constant 272 : index
      %swap3A_2875 = tpu.vector_load %arg11[%swap3A_2874] {strides = array<i32>} : memref<400xi32, #tpu.memory_space<vmem>>, vector<16xi32>,
      %swap3A_2876 = vector.shape_cast %swap3A_2875 : vector<16xi32> to vector<16xi32>
      %swap3A_2877 = vector.shape_cast %add3A_2873 : vector<16xi32> to vector<16xi32>
      tpu.vector_store %arg11[%swap3A_2874], %swap3A_2877 {strides = array<i32>} : memref<400xi32, #tpu.memory_space<vmem>>, vector<16xi32>,
      %add3A_2878 = arith.constant 288 : i32
      %add3A_2879 = arith.addi %add3A_2499, %add3A_2878 : i32
      %get3A_2880 = arith.index_cast %add3A_2879 : i32 to index
      %get3A_2881 = tpu.vector_load %arg8[%get3A_2880] {strides = array<i32>} : memref<2400xi32, #tpu.memory_space<vmem>>, vector<16xi32>,
      %get3A_2882 = vector.shape_cast %get3A_2881 : vector<16xi32> to vector<16xi32>
      %mul3A_2883 = arith.constant 10000 : i32
      %mul3A_2884 = vector.broadcast %mul3A_2883 : i32 to vector<16xi32>
      %mul3A_2885 = arith.muli %get3A_2882, %mul3A_2884 : vector<16xi32>
      %get3A_2886 = arith.index_cast %add3A_2879 : i32 to index
      %get3A_2887 = tpu.vector_load %arg7[%get3A_2886] {strides = array<i32>} : memref<2400xi32, #tpu.memory_space<vmem>>, vector<16xi32>,
      %get3A_2888 = vector.shape_cast %get3A_2887 : vector<16xi32> to vector<16xi32>
      %add3A_2889 = arith.addi %mul3A_2885, %get3A_2888 : vector<16xi32>
      %mul3A_2890 = arith.constant 2 : i32
      %mul3A_2891 = vector.broadcast %mul3A_2890 : i32 to vector<16xi32>
      %mul3A_2892 = arith.muli %add3A_2889, %mul3A_2891 : vector<16xi32>
      %add3A_2893 = vector.broadcast %arg0 : i32 to vector<16xi32>
      %add3A_2894 = arith.addi %mul3A_2892, %add3A_2893 : vector<16xi32>
      %swap3A_2895 = arith.constant 288 : index
      %swap3A_2896 = tpu.vector_load %arg11[%swap3A_2895] {strides = array<i32>} : memref<400xi32, #tpu.memory_space<vmem>>, vector<16xi32>,
      %swap3A_2897 = vector.shape_cast %swap3A_2896 : vector<16xi32> to vector<16xi32>
      %swap3A_2898 = vector.shape_cast %add3A_2894 : vector<16xi32> to vector<16xi32>
      tpu.vector_store %arg11[%swap3A_2895], %swap3A_2898 {strides = array<i32>} : memref<400xi32, #tpu.memory_space<vmem>>, vector<16xi32>,
      %add3A_2899 = arith.constant 304 : i32
      %add3A_2900 = arith.addi %add3A_2499, %add3A_2899 : i32
      %get3A_2901 = arith.index_cast %add3A_2900 : i32 to index
      %get3A_2902 = tpu.vector_load %arg8[%get3A_2901] {strides = array<i32>} : memref<2400xi32, #tpu.memory_space<vmem>>, vector<16xi32>,
      %get3A_2903 = vector.shape_cast %get3A_2902 : vector<16xi32> to vector<16xi32>
      %mul3A_2904 = arith.constant 10000 : i32
      %mul3A_2905 = vector.broadcast %mul3A_2904 : i32 to vector<16xi32>
      %mul3A_2906 = arith.muli %get3A_2903, %mul3A_2905 : vector<16xi32>
      %get3A_2907 = arith.index_cast %add3A_2900 : i32 to index
      %get3A_2908 = tpu.vector_load %arg7[%get3A_2907] {strides = array<i32>} : memref<2400xi32, #tpu.memory_space<vmem>>, vector<16xi32>,
      %get3A_2909 = vector.shape_cast %get3A_2908 : vector<16xi32> to vector<16xi32>
      %add3A_2910 = arith.addi %mul3A_2906, %get3A_2909 : vector<16xi32>
      %mul3A_2911 = arith.constant 2 : i32
      %mul3A_2912 = vector.broadcast %mul3A_2911 : i32 to vector<16xi32>
      %mul3A_2913 = arith.muli %add3A_2910, %mul3A_2912 : vector<16xi32>
      %add3A_2914 = vector.broadcast %arg0 : i32 to vector<16xi32>
      %add3A_2915 = arith.addi %mul3A_2913, %add3A_2914 : vector<16xi32>
      %swap3A_2916 = arith.constant 304 : index
      %swap3A_2917 = tpu.vector_load %arg11[%swap3A_2916] {strides = array<i32>} : memref<400xi32, #tpu.memory_space<vmem>>, vector<16xi32>,
      %swap3A_2918 = vector.shape_cast %swap3A_2917 : vector<16xi32> to vector<16xi32>
      %swap3A_2919 = vector.shape_cast %add3A_2915 : vector<16xi32> to vector<16xi32>
      tpu.vector_store %arg11[%swap3A_2916], %swap3A_2919 {strides = array<i32>} : memref<400xi32, #tpu.memory_space<vmem>>, vector<16xi32>,
      %add3A_2920 = arith.constant 320 : i32
      %add3A_2921 = arith.addi %add3A_2499, %add3A_2920 : i32
      %get3A_2922 = arith.index_cast %add3A_2921 : i32 to index
      %get3A_2923 = tpu.vector_load %arg8[%get3A_2922] {strides = array<i32>} : memref<2400xi32, #tpu.memory_space<vmem>>, vector<16xi32>,
      %get3A_2924 = vector.shape_cast %get3A_2923 : vector<16xi32> to vector<16xi32>
      %mul3A_2925 = arith.constant 10000 : i32
      %mul3A_2926 = vector.broadcast %mul3A_2925 : i32 to vector<16xi32>
      %mul3A_2927 = arith.muli %get3A_2924, %mul3A_2926 : vector<16xi32>
      %get3A_2928 = arith.index_cast %add3A_2921 : i32 to index
      %get3A_2929 = tpu.vector_load %arg7[%get3A_2928] {strides = array<i32>} : memref<2400xi32, #tpu.memory_space<vmem>>, vector<16xi32>,
      %get3A_2930 = vector.shape_cast %get3A_2929 : vector<16xi32> to vector<16xi32>
      %add3A_2931 = arith.addi %mul3A_2927, %get3A_2930 : vector<16xi32>
      %mul3A_2932 = arith.constant 2 : i32
      %mul3A_2933 = vector.broadcast %mul3A_2932 : i32 to vector<16xi32>
      %mul3A_2934 = arith.muli %add3A_2931, %mul3A_2933 : vector<16xi32>
      %add3A_2935 = vector.broadcast %arg0 : i32 to vector<16xi32>
      %add3A_2936 = arith.addi %mul3A_2934, %add3A_2935 : vector<16xi32>
      %swap3A_2937 = arith.constant 320 : index
      %swap3A_2938 = tpu.vector_load %arg11[%swap3A_2937] {strides = array<i32>} : memref<400xi32, #tpu.memory_space<vmem>>, vector<16xi32>,
      %swap3A_2939 = vector.shape_cast %swap3A_2938 : vector<16xi32> to vector<16xi32>
      %swap3A_2940 = vector.shape_cast %add3A_2936 : vector<16xi32> to vector<16xi32>
      tpu.vector_store %arg11[%swap3A_2937], %swap3A_2940 {strides = array<i32>} : memref<400xi32, #tpu.memory_space<vmem>>, vector<16xi32>,
      %add3A_2941 = arith.constant 336 : i32
      %add3A_2942 = arith.addi %add3A_2499, %add3A_2941 : i32
      %get3A_2943 = arith.index_cast %add3A_2942 : i32 to index
      %get3A_2944 = tpu.vector_load %arg8[%get3A_2943] {strides = array<i32>} : memref<2400xi32, #tpu.memory_space<vmem>>, vector<16xi32>,
      %get3A_2945 = vector.shape_cast %get3A_2944 : vector<16xi32> to vector<16xi32>
      %mul3A_2946 = arith.constant 10000 : i32
      %mul3A_2947 = vector.broadcast %mul3A_2946 : i32 to vector<16xi32>
      %mul3A_2948 = arith.muli %get3A_2945, %mul3A_2947 : vector<16xi32>
      %get3A_2949 = arith.index_cast %add3A_2942 : i32 to index
      %get3A_2950 = tpu.vector_load %arg7[%get3A_2949] {strides = array<i32>} : memref<2400xi32, #tpu.memory_space<vmem>>, vector<16xi32>,
      %get3A_2951 = vector.shape_cast %get3A_2950 : vector<16xi32> to vector<16xi32>
      %add3A_2952 = arith.addi %mul3A_2948, %get3A_2951 : vector<16xi32>
      %mul3A_2953 = arith.constant 2 : i32
      %mul3A_2954 = vector.broadcast %mul3A_2953 : i32 to vector<16xi32>
      %mul3A_2955 = arith.muli %add3A_2952, %mul3A_2954 : vector<16xi32>
      %add3A_2956 = vector.broadcast %arg0 : i32 to vector<16xi32>
      %add3A_2957 = arith.addi %mul3A_2955, %add3A_2956 : vector<16xi32>
      %swap3A_2958 = arith.constant 336 : index
      %swap3A_2959 = tpu.vector_load %arg11[%swap3A_2958] {strides = array<i32>} : memref<400xi32, #tpu.memory_space<vmem>>, vector<16xi32>,
      %swap3A_2960 = vector.shape_cast %swap3A_2959 : vector<16xi32> to vector<16xi32>
      %swap3A_2961 = vector.shape_cast %add3A_2957 : vector<16xi32> to vector<16xi32>
      tpu.vector_store %arg11[%swap3A_2958], %swap3A_2961 {strides = array<i32>} : memref<400xi32, #tpu.memory_space<vmem>>, vector<16xi32>,
      %add3A_2962 = arith.constant 352 : i32
      %add3A_2963 = arith.addi %add3A_2499, %add3A_2962 : i32
      %get3A_2964 = arith.index_cast %add3A_2963 : i32 to index
      %get3A_2965 = tpu.vector_load %arg8[%get3A_2964] {strides = array<i32>} : memref<2400xi32, #tpu.memory_space<vmem>>, vector<16xi32>,
      %get3A_2966 = vector.shape_cast %get3A_2965 : vector<16xi32> to vector<16xi32>
      %mul3A_2967 = arith.constant 10000 : i32
      %mul3A_2968 = vector.broadcast %mul3A_2967 : i32 to vector<16xi32>
      %mul3A_2969 = arith.muli %get3A_2966, %mul3A_2968 : vector<16xi32>
      %get3A_2970 = arith.index_cast %add3A_2963 : i32 to index
      %get3A_2971 = tpu.vector_load %arg7[%get3A_2970] {strides = array<i32>} : memref<2400xi32, #tpu.memory_space<vmem>>, vector<16xi32>,
      %get3A_2972 = vector.shape_cast %get3A_2971 : vector<16xi32> to vector<16xi32>
      %add3A_2973 = arith.addi %mul3A_2969, %get3A_2972 : vector<16xi32>
      %mul3A_2974 = arith.constant 2 : i32
      %mul3A_2975 = vector.broadcast %mul3A_2974 : i32 to vector<16xi32>
      %mul3A_2976 = arith.muli %add3A_2973, %mul3A_2975 : vector<16xi32>
      %add3A_2977 = vector.broadcast %arg0 : i32 to vector<16xi32>
      %add3A_2978 = arith.addi %mul3A_2976, %add3A_2977 : vector<16xi32>
      %swap3A_2979 = arith.constant 352 : index
      %swap3A_2980 = tpu.vector_load %arg11[%swap3A_2979] {strides = array<i32>} : memref<400xi32, #tpu.memory_space<vmem>>, vector<16xi32>,
      %swap3A_2981 = vector.shape_cast %swap3A_2980 : vector<16xi32> to vector<16xi32>
      %swap3A_2982 = vector.shape_cast %add3A_2978 : vector<16xi32> to vector<16xi32>
      tpu.vector_store %arg11[%swap3A_2979], %swap3A_2982 {strides = array<i32>} : memref<400xi32, #tpu.memory_space<vmem>>, vector<16xi32>,
      %add3A_2983 = arith.constant 368 : i32
      %add3A_2984 = arith.addi %add3A_2499, %add3A_2983 : i32
      %get3A_2985 = arith.index_cast %add3A_2984 : i32 to index
      %get3A_2986 = tpu.vector_load %arg8[%get3A_2985] {strides = array<i32>} : memref<2400xi32, #tpu.memory_space<vmem>>, vector<16xi32>,
      %get3A_2987 = vector.shape_cast %get3A_2986 : vector<16xi32> to vector<16xi32>
      %mul3A_2988 = arith.constant 10000 : i32
      %mul3A_2989 = vector.broadcast %mul3A_2988 : i32 to vector<16xi32>
      %mul3A_2990 = arith.muli %get3A_2987, %mul3A_2989 : vector<16xi32>
      %get3A_2991 = arith.index_cast %add3A_2984 : i32 to index
      %get3A_2992 = tpu.vector_load %arg7[%get3A_2991] {strides = array<i32>} : memref<2400xi32, #tpu.memory_space<vmem>>, vector<16xi32>,
      %get3A_2993 = vector.shape_cast %get3A_2992 : vector<16xi32> to vector<16xi32>
      %add3A_2994 = arith.addi %mul3A_2990, %get3A_2993 : vector<16xi32>
      %mul3A_2995 = arith.constant 2 : i32
      %mul3A_2996 = vector.broadcast %mul3A_2995 : i32 to vector<16xi32>
      %mul3A_2997 = arith.muli %add3A_2994, %mul3A_2996 : vector<16xi32>
      %add3A_2998 = vector.broadcast %arg0 : i32 to vector<16xi32>
      %add3A_2999 = arith.addi %mul3A_2997, %add3A_2998 : vector<16xi32>
      %swap3A_3000 = arith.constant 368 : index
      %swap3A_3001 = tpu.vector_load %arg11[%swap3A_3000] {strides = array<i32>} : memref<400xi32, #tpu.memory_space<vmem>>, vector<16xi32>,
      %swap3A_3002 = vector.shape_cast %swap3A_3001 : vector<16xi32> to vector<16xi32>
      %swap3A_3003 = vector.shape_cast %add3A_2999 : vector<16xi32> to vector<16xi32>
      tpu.vector_store %arg11[%swap3A_3000], %swap3A_3003 {strides = array<i32>} : memref<400xi32, #tpu.memory_space<vmem>>, vector<16xi32>,
      %add3A_3004 = arith.constant 384 : i32
      %add3A_3005 = arith.addi %add3A_2499, %add3A_3004 : i32
      %get3A_3006 = arith.index_cast %add3A_3005 : i32 to index
      %get3A_3007 = tpu.vector_load %arg8[%get3A_3006] {strides = array<i32>} : memref<2400xi32, #tpu.memory_space<vmem>>, vector<16xi32>,
      %get3A_3008 = vector.shape_cast %get3A_3007 : vector<16xi32> to vector<16xi32>
      %mul3A_3009 = arith.constant 10000 : i32
      %mul3A_3010 = vector.broadcast %mul3A_3009 : i32 to vector<16xi32>
      %mul3A_3011 = arith.muli %get3A_3008, %mul3A_3010 : vector<16xi32>
      %get3A_3012 = arith.index_cast %add3A_3005 : i32 to index
      %get3A_3013 = tpu.vector_load %arg7[%get3A_3012] {strides = array<i32>} : memref<2400xi32, #tpu.memory_space<vmem>>, vector<16xi32>,
      %get3A_3014 = vector.shape_cast %get3A_3013 : vector<16xi32> to vector<16xi32>
      %add3A_3015 = arith.addi %mul3A_3011, %get3A_3014 : vector<16xi32>
      %mul3A_3016 = arith.constant 2 : i32
      %mul3A_3017 = vector.broadcast %mul3A_3016 : i32 to vector<16xi32>
      %mul3A_3018 = arith.muli %add3A_3015, %mul3A_3017 : vector<16xi32>
      %add3A_3019 = vector.broadcast %arg0 : i32 to vector<16xi32>
      %add3A_3020 = arith.addi %mul3A_3018, %add3A_3019 : vector<16xi32>
      %swap3A_3021 = arith.constant 384 : index
      %swap3A_3022 = tpu.vector_load %arg11[%swap3A_3021] {strides = array<i32>} : memref<400xi32, #tpu.memory_space<vmem>>, vector<16xi32>,
      %swap3A_3023 = vector.shape_cast %swap3A_3022 : vector<16xi32> to vector<16xi32>
      %swap3A_3024 = vector.shape_cast %add3A_3020 : vector<16xi32> to vector<16xi32>
      tpu.vector_store %arg11[%swap3A_3021], %swap3A_3024 {strides = array<i32>} : memref<400xi32, #tpu.memory_space<vmem>>, vector<16xi32>,
      %ge3A_3025 = arith.constant 1 : i32
      %ge3A_3026 = arith.cmpi sge, %add3A_2418, %ge3A_3025 : i32
      %convert_element_type3A_3027 = arith.extui %ge3A_3026 : i1 to i32
      %cond3A_3028 = arith.constant 0 : i32
      %cond3A_3029 = arith.cmpi ne, %convert_element_type3A_3027, %cond3A_3028 : i32
      scf.if %cond3A_3029 {
        %sub3A_3033 = arith.constant 1 : i32
        %sub3A_3034 = arith.subi %add3A_2418, %sub3A_3033 : i32
        %jit3A_3035 = arith.constant 3 : i32
        %div3A_3036 = arith.divsi %sub3A_3034, %jit3A_3035 : i32
        %sign3A_3037 = arith.constant 0 : i32
        %sign3A_3038 = arith.cmpi sgt, %sub3A_3034, %sign3A_3037 : i32
        %sign3A_3039 = arith.extui %sign3A_3038 : i1 to i32
        %sign3A_3040 = arith.constant 0 : i32
        %sign3A_3041 = arith.cmpi slt, %sub3A_3034, %sign3A_3040 : i32
        %sign3A_3042 = arith.extui %sign3A_3041 : i1 to i32
        %sign3A_3043 = arith.subi %sign3A_3039, %sign3A_3042 : i32
        %sign3A_3044 = arith.constant 0 : i32
        %sign3A_3045 = arith.cmpi sgt, %jit3A_3035, %sign3A_3044 : i32
        %sign3A_3046 = arith.extui %sign3A_3045 : i1 to i32
        %sign3A_3047 = arith.constant 0 : i32
        %sign3A_3048 = arith.cmpi slt, %jit3A_3035, %sign3A_3047 : i32
        %sign3A_3049 = arith.extui %sign3A_3048 : i1 to i32
        %sign3A_3050 = arith.subi %sign3A_3046, %sign3A_3049 : i32
        %ne3A_3051 = arith.cmpi ne, %sign3A_3043, %sign3A_3050 : i32
        %rem3A_3052 = arith.remsi %sub3A_3034, %jit3A_3035 : i32
        %ne3A_3053 = arith.constant 0 : i32
        %ne3A_3054 = arith.cmpi ne, %rem3A_3052, %ne3A_3053 : i32
        %and3A_3055 = arith.andi %ne3A_3051, %ne3A_3054 : i1
        %sub3A_3056 = arith.constant 1 : i32
        %sub3A_3057 = arith.subi %div3A_3036, %sub3A_3056 : i32
        %select_n3A_3058 = arith.select %and3A_3055, %sub3A_3057, %div3A_3036 : i32
        %rem3A_3059 = arith.constant 3 : i32
        %rem3A_3060 = arith.remsi %select_n3A_3058, %rem3A_3059 : i32
        %mul3A_3061 = arith.constant 3 : i32
        %mul3A_3062 = arith.muli %rem3A_3060, %mul3A_3061 : i32
        %jit3A_3063 = arith.constant 3 : i32
        %eq3A_3064 = arith.constant 0 : i32
        %eq3A_3065 = arith.cmpi eq, %jit3A_3063, %eq3A_3064 : i32
        %jit3A_3066 = arith.constant 1 : i32
        %select_n3A_3067 = arith.select %eq3A_3065, %jit3A_3066, %jit3A_3063 : i32
        %rem3A_3068 = arith.remsi %sub3A_3034, %select_n3A_3067 : i32
        %ne3A_3069 = arith.constant 0 : i32
        %ne3A_3070 = arith.cmpi ne, %rem3A_3068, %ne3A_3069 : i32
        %lt3A_3071 = arith.constant 0 : i32
        %lt3A_3072 = arith.cmpi slt, %rem3A_3068, %lt3A_3071 : i32
        %lt3A_3073 = arith.constant 0 : i32
        %lt3A_3074 = arith.cmpi slt, %select_n3A_3067, %lt3A_3073 : i32
        %ne3A_3075 = arith.xori %lt3A_3072, %lt3A_3074 : i1
        %and3A_3076 = arith.andi %ne3A_3075, %ne3A_3070 : i1
        %add3A_3077 = arith.addi %rem3A_3068, %select_n3A_3067 : i32
        %select_n3A_3078 = arith.select %and3A_3076, %add3A_3077, %rem3A_3068 : i32
        %add3A_3079 = arith.addi %mul3A_3062, %select_n3A_3078 : i32
        %dma_wait3A_3080 = arith.constant 0 : i32
        %dma_wait3A_3081 = tpu.memref_slice %arg9[%add3A_3079, %dma_wait3A_3080] : memref<9x400xi32, #tpu.memory_space<vmem>> -> memref<1x400xi32, #tpu.memory_space<vmem>>
        %dma_wait3A_3082 = tpu.memref_squeeze %dma_wait3A_3081 : memref<1x400xi32, #tpu.memory_space<vmem>> -> memref<400xi32, #tpu.memory_space<vmem>>
        %dma_wait3A_3083 = arith.constant 0 : i32
        %dma_wait3A_3084 = arith.constant 0 : i32
        %dma_wait3A_3085 = tpu.memref_slice %arg16[%dma_wait3A_3083, %dma_wait3A_3084] : memref<10112x64xf32, #tpu.memory_space<vmem_shared>> -> memref<10112x64xf32, #tpu.memory_space<vmem_shared>>
        tpu.wait_indirect_dma semaphore(%arg21 : memref<!tpu.dma_semaphore, #tpu.memory_space<semaphore_mem>>) src(%arg14 : memref<400x64xf32, #tpu.memory_space<vmem>>) dst(%dma_wait3A_3085 : memref<10112x64xf32, #tpu.memory_space<vmem_shared>>)
      } else {
      }
      %dma_start3A_3030 = arith.constant 0 : i32
      %dma_start3A_3031 = arith.constant 0 : i32
      %dma_start3A_3032 = tpu.memref_slice %arg2[%dma_start3A_3030, %dma_start3A_3031] : memref<320000x64xf32, #tpu.memory_space<hbm>> -> memref<320000x64xf32, #tpu.memory_space<hbm>>
      tpu.enqueue_indirect_dma source(%dma_start3A_3032 : memref<320000x64xf32, #tpu.memory_space<hbm>>) target(%arg14 : memref<400x64xf32, #tpu.memory_space<vmem>>) offsets(%arg11 : memref<400xi32, #tpu.memory_space<vmem>>) semaphore(%arg18 : memref<!tpu.dma_semaphore, #tpu.memory_space<semaphore_mem>>)
    }
    %scan3A_991 = arith.constant 16 : i32
    %dma_wait3A = arith.constant 0 : i32
    %dma_wait3A_992 = arith.constant 0 : i32
    %dma_wait3A_993 = tpu.memref_slice %arg2[%dma_wait3A, %dma_wait3A_992] : memref<320000x64xf32, #tpu.memory_space<hbm>> -> memref<320000x64xf32, #tpu.memory_space<hbm>>
    tpu.wait_indirect_dma semaphore(%arg17 : memref<!tpu.dma_semaphore, #tpu.memory_space<semaphore_mem>>) src(%dma_wait3A_993 : memref<320000x64xf32, #tpu.memory_space<hbm>>) dst(%arg13 : memref<400x64xf32, #tpu.memory_space<vmem>>)
    %rem3A_994 = arith.constant 16 : i32
    %rem3A_995 = arith.constant 3 : i32
    %rem3A_996 = arith.remsi %rem3A_994, %rem3A_995 : i32
    %mul3A_997 = arith.constant 3 : i32
    %mul3A_998 = arith.muli %rem3A_996, %mul3A_997 : i32
    %add3A_999 = arith.constant 0 : i32
    %add3A_1000 = arith.addi %mul3A_998, %add3A_999 : i32
    %dma_start3A_1001 = arith.constant 0 : i32
    %dma_start3A_1002 = tpu.memref_slice %arg9[%add3A_1000, %dma_start3A_1001] : memref<9x400xi32, #tpu.memory_space<vmem>> -> memref<1x400xi32, #tpu.memory_space<vmem>>
    %dma_start3A_1003 = tpu.memref_squeeze %dma_start3A_1002 : memref<1x400xi32, #tpu.memory_space<vmem>> -> memref<400xi32, #tpu.memory_space<vmem>>
    %dma_start3A_1004 = arith.constant 0 : i32
    %dma_start3A_1005 = arith.constant 0 : i32
    %dma_start3A_1006 = tpu.memref_slice %arg16[%dma_start3A_1004, %dma_start3A_1005] : memref<10112x64xf32, #tpu.memory_space<vmem_shared>> -> memref<10112x64xf32, #tpu.memory_space<vmem_shared>>
    tpu.enqueue_indirect_dma source(%arg13 : memref<400x64xf32, #tpu.memory_space<vmem>>) target(%dma_start3A_1006 : memref<10112x64xf32, #tpu.memory_space<vmem_shared>>) offsets(%dma_start3A_1003 : memref<400xi32, #tpu.memory_space<vmem>>) semaphore(%arg20 : memref<!tpu.dma_semaphore, #tpu.memory_space<semaphore_mem>>) {add = true}
    %dma_wait3A_1007 = arith.constant 0 : i32
    %dma_wait3A_1008 = arith.constant 0 : i32
    %dma_wait3A_1009 = tpu.memref_slice %arg2[%dma_wait3A_1007, %dma_wait3A_1008] : memref<320000x64xf32, #tpu.memory_space<hbm>> -> memref<320000x64xf32, #tpu.memory_space<hbm>>
    tpu.wait_indirect_dma semaphore(%arg18 : memref<!tpu.dma_semaphore, #tpu.memory_space<semaphore_mem>>) src(%dma_wait3A_1009 : memref<320000x64xf32, #tpu.memory_space<hbm>>) dst(%arg14 : memref<400x64xf32, #tpu.memory_space<vmem>>)
    %rem3A_1010 = arith.constant 16 : i32
    %rem3A_1011 = arith.constant 3 : i32
    %rem3A_1012 = arith.remsi %rem3A_1010, %rem3A_1011 : i32
    %mul3A_1013 = arith.constant 3 : i32
    %mul3A_1014 = arith.muli %rem3A_1012, %mul3A_1013 : i32
    %add3A_1015 = arith.constant 1 : i32
    %add3A_1016 = arith.addi %mul3A_1014, %add3A_1015 : i32
    %dma_start3A_1017 = arith.constant 0 : i32
    %dma_start3A_1018 = tpu.memref_slice %arg9[%add3A_1016, %dma_start3A_1017] : memref<9x400xi32, #tpu.memory_space<vmem>> -> memref<1x400xi32, #tpu.memory_space<vmem>>
    %dma_start3A_1019 = tpu.memref_squeeze %dma_start3A_1018 : memref<1x400xi32, #tpu.memory_space<vmem>> -> memref<400xi32, #tpu.memory_space<vmem>>
    %dma_start3A_1020 = arith.constant 0 : i32
    %dma_start3A_1021 = arith.constant 0 : i32
    %dma_start3A_1022 = tpu.memref_slice %arg16[%dma_start3A_1020, %dma_start3A_1021] : memref<10112x64xf32, #tpu.memory_space<vmem_shared>> -> memref<10112x64xf32, #tpu.memory_space<vmem_shared>>
    tpu.enqueue_indirect_dma source(%arg14 : memref<400x64xf32, #tpu.memory_space<vmem>>) target(%dma_start3A_1022 : memref<10112x64xf32, #tpu.memory_space<vmem_shared>>) offsets(%dma_start3A_1019 : memref<400xi32, #tpu.memory_space<vmem>>) semaphore(%arg21 : memref<!tpu.dma_semaphore, #tpu.memory_space<semaphore_mem>>) {add = true}
    %rem3A_1023 = arith.constant 15 : i32
    %rem3A_1024 = arith.constant 3 : i32
    %rem3A_1025 = arith.remsi %rem3A_1023, %rem3A_1024 : i32
    %mul3A_1026 = arith.constant 3 : i32
    %mul3A_1027 = arith.muli %rem3A_1025, %mul3A_1026 : i32
    %add3A_1028 = arith.constant 2 : i32
    %add3A_1029 = arith.addi %mul3A_1027, %add3A_1028 : i32
    %dma_wait3A_1030 = arith.constant 0 : i32
    %dma_wait3A_1031 = tpu.memref_slice %arg9[%add3A_1029, %dma_wait3A_1030] : memref<9x400xi32, #tpu.memory_space<vmem>> -> memref<1x400xi32, #tpu.memory_space<vmem>>
    %dma_wait3A_1032 = tpu.memref_squeeze %dma_wait3A_1031 : memref<1x400xi32, #tpu.memory_space<vmem>> -> memref<400xi32, #tpu.memory_space<vmem>>
    %dma_wait3A_1033 = arith.constant 0 : i32
    %dma_wait3A_1034 = arith.constant 0 : i32
    %dma_wait3A_1035 = tpu.memref_slice %arg16[%dma_wait3A_1033, %dma_wait3A_1034] : memref<10112x64xf32, #tpu.memory_space<vmem_shared>> -> memref<10112x64xf32, #tpu.memory_space<vmem_shared>>
    tpu.wait_indirect_dma semaphore(%arg22 : memref<!tpu.dma_semaphore, #tpu.memory_space<semaphore_mem>>) src(%arg15 : memref<400x64xf32, #tpu.memory_space<vmem>>) dst(%dma_wait3A_1035 : memref<10112x64xf32, #tpu.memory_space<vmem_shared>>)
    %rem3A_1036 = arith.constant 16 : i32
    %rem3A_1037 = arith.constant 3 : i32
    %rem3A_1038 = arith.remsi %rem3A_1036, %rem3A_1037 : i32
    %mul3A_1039 = arith.constant 3 : i32
    %mul3A_1040 = arith.muli %rem3A_1038, %mul3A_1039 : i32
    %add3A_1041 = arith.constant 0 : i32
    %add3A_1042 = arith.addi %mul3A_1040, %add3A_1041 : i32
    %dma_wait3A_1043 = arith.constant 0 : i32
    %dma_wait3A_1044 = tpu.memref_slice %arg9[%add3A_1042, %dma_wait3A_1043] : memref<9x400xi32, #tpu.memory_space<vmem>> -> memref<1x400xi32, #tpu.memory_space<vmem>>
    %dma_wait3A_1045 = tpu.memref_squeeze %dma_wait3A_1044 : memref<1x400xi32, #tpu.memory_space<vmem>> -> memref<400xi32, #tpu.memory_space<vmem>>
    %dma_wait3A_1046 = arith.constant 0 : i32
    %dma_wait3A_1047 = arith.constant 0 : i32
    %dma_wait3A_1048 = tpu.memref_slice %arg16[%dma_wait3A_1046, %dma_wait3A_1047] : memref<10112x64xf32, #tpu.memory_space<vmem_shared>> -> memref<10112x64xf32, #tpu.memory_space<vmem_shared>>
    tpu.wait_indirect_dma semaphore(%arg20 : memref<!tpu.dma_semaphore, #tpu.memory_space<semaphore_mem>>) src(%arg13 : memref<400x64xf32, #tpu.memory_space<vmem>>) dst(%dma_wait3A_1048 : memref<10112x64xf32, #tpu.memory_space<vmem_shared>>)
    %rem3A_1049 = arith.constant 16 : i32
    %rem3A_1050 = arith.constant 3 : i32
    %rem3A_1051 = arith.remsi %rem3A_1049, %rem3A_1050 : i32
    %mul3A_1052 = arith.constant 3 : i32
    %mul3A_1053 = arith.muli %rem3A_1051, %mul3A_1052 : i32
    %add3A_1054 = arith.constant 1 : i32
    %add3A_1055 = arith.addi %mul3A_1053, %add3A_1054 : i32
    %dma_wait3A_1056 = arith.constant 0 : i32
    %dma_wait3A_1057 = tpu.memref_slice %arg9[%add3A_1055, %dma_wait3A_1056] : memref<9x400xi32, #tpu.memory_space<vmem>> -> memref<1x400xi32, #tpu.memory_space<vmem>>
    %dma_wait3A_1058 = tpu.memref_squeeze %dma_wait3A_1057 : memref<1x400xi32, #tpu.memory_space<vmem>> -> memref<400xi32, #tpu.memory_space<vmem>>
    %dma_wait3A_1059 = arith.constant 0 : i32
    %dma_wait3A_1060 = arith.constant 0 : i32
    %dma_wait3A_1061 = tpu.memref_slice %arg16[%dma_wait3A_1059, %dma_wait3A_1060] : memref<10112x64xf32, #tpu.memory_space<vmem_shared>> -> memref<10112x64xf32, #tpu.memory_space<vmem_shared>>
    tpu.wait_indirect_dma semaphore(%arg21 : memref<!tpu.dma_semaphore, #tpu.memory_space<semaphore_mem>>) src(%arg14 : memref<400x64xf32, #tpu.memory_space<vmem>>) dst(%dma_wait3A_1061 : memref<10112x64xf32, #tpu.memory_space<vmem_shared>>)
    %barrier3A_1062 = arith.constant 0 : index
    tpu.barrier barrier_id(%barrier3A_1062)
    %lt3A_1063 = arith.constant 15 : i32
    %lt3A_1064 = arith.cmpi slt, %arg1, %lt3A_1063 : i32
    %convert_element_type3A_1065 = arith.extui %lt3A_1064 : i1 to i32
    %cond3A_1066 = arith.constant 0 : i32
    %cond3A_1067 = arith.cmpi ne, %convert_element_type3A_1065, %cond3A_1066 : i32
    scf.if %cond3A_1067 {
      %mul3A_1073 = arith.constant 632 : i32
      %mul3A_1074 = arith.muli %arg1, %mul3A_1073 : i32
      "tpu.region"() ({
        %run_scoped3A_1075 = tpu.sem_alloc : memref<!tpu.dma_semaphore, #tpu.memory_space<semaphore_mem>>
        %dma_start3A_1076 = tpu.memref_slice %arg6[%mul3A_1074, %mul3A_0] : memref<10000x128xf32, #tpu.memory_space<hbm>> -> memref<632x64xf32, #tpu.memory_space<hbm>>
        %dma_start3A_1077 = arith.constant 0 : i32
        %dma_start3A_1078 = tpu.memref_slice %arg16[%mul3A_1074, %dma_start3A_1077] : memref<10112x64xf32, #tpu.memory_space<vmem_shared>> -> memref<632x64xf32, #tpu.memory_space<vmem_shared>>
        tpu.enqueue_dma source(%dma_start3A_1078 : memref<632x64xf32, #tpu.memory_space<vmem_shared>>) target(%dma_start3A_1076 : memref<632x64xf32, #tpu.memory_space<hbm>>) target_semaphore(%run_scoped3A_1075 : memref<!tpu.dma_semaphore, #tpu.memory_space<semaphore_mem>>)
        %dma_wait3A_1079 = tpu.memref_slice %arg6[%mul3A_1074, %mul3A_0] : memref<10000x128xf32, #tpu.memory_space<hbm>> -> memref<632x64xf32, #tpu.memory_space<hbm>>
        %dma_wait3A_1080 = arith.constant 0 : i32
        %dma_wait3A_1081 = tpu.memref_slice %arg16[%mul3A_1074, %dma_wait3A_1080] : memref<10112x64xf32, #tpu.memory_space<vmem_shared>> -> memref<632x64xf32, #tpu.memory_space<vmem_shared>>
        tpu.wait_dma2 semaphore(%run_scoped3A_1075 : memref<!tpu.dma_semaphore, #tpu.memory_space<semaphore_mem>>) src(%dma_wait3A_1081 : memref<632x64xf32, #tpu.memory_space<vmem_shared>>) dst(%dma_wait3A_1079 : memref<632x64xf32, #tpu.memory_space<hbm>>)
        tpu.yield
      }) : () -> ()
    } else {
    }
    %eq3A_1068 = arith.constant 15 : i32
    %eq3A_1069 = arith.cmpi eq, %arg1, %eq3A_1068 : i32
    %convert_element_type3A_1070 = arith.extui %eq3A_1069 : i1 to i32
    %cond3A_1071 = arith.constant 0 : i32
    %cond3A_1072 = arith.cmpi ne, %convert_element_type3A_1070, %cond3A_1071 : i32
    scf.if %cond3A_1072 {
      "tpu.region"() ({
        %run_scoped3A_1073 = tpu.sem_alloc : memref<!tpu.dma_semaphore, #tpu.memory_space<semaphore_mem>>
        %dma_start3A_1074 = arith.constant 9480 : i32
        %dma_start3A_1075 = tpu.memref_slice %arg6[%dma_start3A_1074, %mul3A_0] : memref<10000x128xf32, #tpu.memory_space<hbm>> -> memref<520x64xf32, #tpu.memory_space<hbm>>
        %dma_start3A_1076 = arith.constant 9480 : i32
        %dma_start3A_1077 = arith.constant 0 : i32
        %dma_start3A_1078 = tpu.memref_slice %arg16[%dma_start3A_1076, %dma_start3A_1077] : memref<10112x64xf32, #tpu.memory_space<vmem_shared>> -> memref<520x64xf32, #tpu.memory_space<vmem_shared>>
        tpu.enqueue_dma source(%dma_start3A_1078 : memref<520x64xf32, #tpu.memory_space<vmem_shared>>) target(%dma_start3A_1075 : memref<520x64xf32, #tpu.memory_space<hbm>>) target_semaphore(%run_scoped3A_1073 : memref<!tpu.dma_semaphore, #tpu.memory_space<semaphore_mem>>)
        %dma_wait3A_1079 = arith.constant 9480 : i32
        %dma_wait3A_1080 = tpu.memref_slice %arg6[%dma_wait3A_1079, %mul3A_0] : memref<10000x128xf32, #tpu.memory_space<hbm>> -> memref<520x64xf32, #tpu.memory_space<hbm>>
        %dma_wait3A_1081 = arith.constant 9480 : i32
        %dma_wait3A_1082 = arith.constant 0 : i32
        %dma_wait3A_1083 = tpu.memref_slice %arg16[%dma_wait3A_1081, %dma_wait3A_1082] : memref<10112x64xf32, #tpu.memory_space<vmem_shared>> -> memref<520x64xf32, #tpu.memory_space<vmem_shared>>
        tpu.wait_dma2 semaphore(%run_scoped3A_1073 : memref<!tpu.dma_semaphore, #tpu.memory_space<semaphore_mem>>) src(%dma_wait3A_1083 : memref<520x64xf32, #tpu.memory_space<vmem_shared>>) dst(%dma_wait3A_1080 : memref<520x64xf32, #tpu.memory_space<hbm>>)
        tpu.yield
      }) : () -> ()
    } else {
    }
    return
  }
}

module attributes {stable_mosaic.version = 14 : i64} {
  func.func @_table_body(%arg0: i32, %arg1: i32, %arg2: memref<16x4xf32, #tpu.memory_space<smem>>, %arg3: memref<2000x128xf32, #tpu.memory_space<vmem>>, %arg4: memref<4x128x128xf32, #tpu.memory_space<vmem>>, %arg5: memref<128x128xf32, #tpu.memory_space<vmem>>, %arg6: memref<1x128xf32, #tpu.memory_space<vmem>>, %arg7: memref<2000x128xf32, #tpu.memory_space<vmem>>, %arg8: memref<2000x128xf32, #tpu.memory_space<vmem>>) attributes {dimension_semantics = [#tpu.dimension_semantics<arbitrary>, #tpu.dimension_semantics<arbitrary>], iteration_bounds = array<i64: 5, 16>, scalar_prefetch = 0 : i64, scratch_operands = 0 : i64, tpu.core_type = #tpu.core_type<tc>, window_params = [{transform_indices = @transform_0, window_bounds = array<i64: 16, 4>}, {transform_indices = @transform_1, window_bounds = array<i64: 2000, 128>}, {pipeline_mode = #tpu.pipeline_mode<synchronous>, transform_indices = @transform_2, window_bounds = array<i64: 4, 128, 128>}, {pipeline_mode = #tpu.pipeline_mode<synchronous>, transform_indices = @transform_3, window_bounds = array<i64: 128, 128>}, {pipeline_mode = #tpu.pipeline_mode<synchronous>, transform_indices = @transform_4, window_bounds = array<i64: 1, 128>}, {transform_indices = @transform_5, window_bounds = array<i64: 2000, 128>}, {transform_indices = @transform_6, window_bounds = array<i64: 2000, 128>}]} {
    %get3A = arith.index_cast %arg1 : i32 to index
    %get3A_0 = arith.constant 0 : index
    %get3A_1 = memref.load %arg2[%get3A, %get3A_0] : memref<16x4xf32, #tpu.memory_space<smem>>
    %get3A_2 = arith.constant 0 : index
    %get3A_3 = arith.constant 0 : index
    %get3A_4 = arith.constant 0 : index
    %get3A_5 = vector.load %arg4[%get3A_2, %get3A_3, %get3A_4] : memref<4x128x128xf32, #tpu.memory_space<vmem>>, vector<1x128x128xf32>
    %get3A_6 = vector.shape_cast %get3A_5 : vector<1x128x128xf32> to vector<128x128xf32>
    %mul3A = vector.broadcast %get3A_1 : f32 to vector<128x128xf32>
    %mul3A_7 = arith.mulf %mul3A, %get3A_6 : vector<128x128xf32>
    %get3A_8 = arith.index_cast %arg1 : i32 to index
    %get3A_9 = arith.constant 1 : index
    %get3A_10 = memref.load %arg2[%get3A_8, %get3A_9] : memref<16x4xf32, #tpu.memory_space<smem>>
    %get3A_11 = arith.constant 1 : index
    %get3A_12 = arith.constant 0 : index
    %get3A_13 = arith.constant 0 : index
    %get3A_14 = vector.load %arg4[%get3A_11, %get3A_12, %get3A_13] : memref<4x128x128xf32, #tpu.memory_space<vmem>>, vector<1x128x128xf32>
    %get3A_15 = vector.shape_cast %get3A_14 : vector<1x128x128xf32> to vector<128x128xf32>
    %mul3A_16 = vector.broadcast %get3A_10 : f32 to vector<128x128xf32>
    %mul3A_17 = arith.mulf %mul3A_16, %get3A_15 : vector<128x128xf32>
    %add3A = arith.addf %mul3A_7, %mul3A_17 : vector<128x128xf32>
    %get3A_18 = arith.index_cast %arg1 : i32 to index
    %get3A_19 = arith.constant 2 : index
    %get3A_20 = memref.load %arg2[%get3A_18, %get3A_19] : memref<16x4xf32, #tpu.memory_space<smem>>
    %get3A_21 = arith.constant 2 : index
    %get3A_22 = arith.constant 0 : index
    %get3A_23 = arith.constant 0 : index
    %get3A_24 = vector.load %arg4[%get3A_21, %get3A_22, %get3A_23] : memref<4x128x128xf32, #tpu.memory_space<vmem>>, vector<1x128x128xf32>
    %get3A_25 = vector.shape_cast %get3A_24 : vector<1x128x128xf32> to vector<128x128xf32>
    %mul3A_26 = vector.broadcast %get3A_20 : f32 to vector<128x128xf32>
    %mul3A_27 = arith.mulf %mul3A_26, %get3A_25 : vector<128x128xf32>
    %add3A_28 = arith.addf %add3A, %mul3A_27 : vector<128x128xf32>
    %get3A_29 = arith.index_cast %arg1 : i32 to index
    %get3A_30 = arith.constant 3 : index
    %get3A_31 = memref.load %arg2[%get3A_29, %get3A_30] : memref<16x4xf32, #tpu.memory_space<smem>>
    %get3A_32 = arith.constant 3 : index
    %get3A_33 = arith.constant 0 : index
    %get3A_34 = arith.constant 0 : index
    %get3A_35 = vector.load %arg4[%get3A_32, %get3A_33, %get3A_34] : memref<4x128x128xf32, #tpu.memory_space<vmem>>, vector<1x128x128xf32>
    %get3A_36 = vector.shape_cast %get3A_35 : vector<1x128x128xf32> to vector<128x128xf32>
    %mul3A_37 = vector.broadcast %get3A_31 : f32 to vector<128x128xf32>
    %mul3A_38 = arith.mulf %mul3A_37, %get3A_36 : vector<128x128xf32>
    %add3A_39 = arith.addf %add3A_28, %mul3A_38 : vector<128x128xf32>
    %get3A_40 = arith.constant 0 : index
    %get3A_41 = arith.constant 0 : index
    %get3A_42 = vector.load %arg3[%get3A_40, %get3A_41] : memref<2000x128xf32, #tpu.memory_space<vmem>>, vector<2000x128xf32>
    %dot_general3A = arith.constant dense<0.000000e+00> : vector<2000x128xf32>
    %dot_general3A_43 = tpu.matmul %get3A_42, %add3A_39, %dot_general3A {dimension_numbers = #tpu.dot_dimension_numbers<[1], [0], [0], [1], [0, 0, 1, 1], [], []>, transpose_lhs_hint = false} : vector<2000x128xf32>, vector<128x128xf32>, vector<2000x128xf32> -> vector<2000x128xf32>
    %swap3A = arith.constant 0 : index
    %swap3A_44 = arith.constant 0 : index
    %swap3A_45 = vector.load %arg7[%swap3A, %swap3A_44] : memref<2000x128xf32, #tpu.memory_space<vmem>>, vector<2000x128xf32>
    tpu.vector_store %arg7[%swap3A, %swap3A_44], %dot_general3A_43 {strides = array<i32>} : memref<2000x128xf32, #tpu.memory_space<vmem>>, vector<2000x128xf32>,
    %eq3A = arith.constant 0 : i32
    %eq3A_46 = arith.cmpi eq, %arg1, %eq3A : i32
    %convert_element_type3A = arith.extui %eq3A_46 : i1 to i32
    %cond3A = arith.constant 0 : i32
    %cond3A_47 = arith.cmpi ne, %convert_element_type3A, %cond3A : i32
    scf.if %cond3A_47 {
      %get3A_48 = arith.constant 0 : index
      %get3A_49 = arith.constant 0 : index
      %get3A_50 = vector.load %arg3[%get3A_48, %get3A_49] : memref<2000x128xf32, #tpu.memory_space<vmem>>, vector<2000x128xf32>
      %get3A_51 = arith.constant 0 : index
      %get3A_52 = arith.constant 0 : index
      %get3A_53 = vector.load %arg5[%get3A_51, %get3A_52] : memref<128x128xf32, #tpu.memory_space<vmem>>, vector<128x128xf32>
      %dot_general3A_54 = arith.constant dense<0.000000e+00> : vector<2000x128xf32>
      %dot_general3A_55 = tpu.matmul %get3A_50, %get3A_53, %dot_general3A_54 {dimension_numbers = #tpu.dot_dimension_numbers<[1], [0], [0], [1], [0, 0, 1, 1], [], []>, transpose_lhs_hint = false} : vector<2000x128xf32>, vector<128x128xf32>, vector<2000x128xf32> -> vector<2000x128xf32>
      %get3A_56 = arith.constant 0 : index
      %get3A_57 = arith.constant 0 : index
      %get3A_58 = vector.load %arg6[%get3A_56, %get3A_57] : memref<1x128xf32, #tpu.memory_space<vmem>>, vector<1x128xf32>
      %add3A_59 = vector.broadcast %get3A_58 : vector<1x128xf32> to vector<2000x128xf32>
      %add3A_60 = arith.addf %dot_general3A_55, %add3A_59 : vector<2000x128xf32>
      %swap3A_61 = arith.constant 0 : index
      %swap3A_62 = arith.constant 0 : index
      %swap3A_63 = vector.load %arg8[%swap3A_61, %swap3A_62] : memref<2000x128xf32, #tpu.memory_space<vmem>>, vector<2000x128xf32>
      tpu.vector_store %arg8[%swap3A_61, %swap3A_62], %add3A_60 {strides = array<i32>} : memref<2000x128xf32, #tpu.memory_space<vmem>>, vector<2000x128xf32>,
    } else {
    }
    return
  }
  func.func @transform_0(%arg0: i32, %arg1: i32) -> (i32, i32) {
    %c0_i32 = arith.constant 0 : i32
    %c0_i32_0 = arith.constant 0 : i32
    %c0_i32_1 = arith.constant 0 : i32
    return %c0_i32, %c0_i32_0 : i32, i32
  }
  func.func @transform_1(%arg0: i32, %arg1: i32) -> (i32, i32) {
    %c0_i32 = arith.constant 0 : i32
    %c0_i32_0 = arith.constant 0 : i32
    return %arg0, %c0_i32 : i32, i32
  }
  func.func @transform_2(%arg0: i32, %arg1: i32) -> (i32, i32, i32) {
    %c0_i32 = arith.constant 0 : i32
    %c0_i32_0 = arith.constant 0 : i32
    %c0_i32_1 = arith.constant 0 : i32
    %c0_i32_2 = arith.constant 0 : i32
    return %c0_i32, %c0_i32_0, %c0_i32_1 : i32, i32, i32
  }
  func.func @transform_3(%arg0: i32, %arg1: i32) -> (i32, i32) {
    %c0_i32 = arith.constant 0 : i32
    %c0_i32_0 = arith.constant 0 : i32
    %c0_i32_1 = arith.constant 0 : i32
    return %c0_i32, %c0_i32_0 : i32, i32
  }
  func.func @transform_4(%arg0: i32, %arg1: i32) -> (i32, i32) {
    %c0_i32 = arith.constant 0 : i32
    %c0_i32_0 = arith.constant 0 : i32
    %c0_i32_1 = arith.constant 0 : i32
    return %c0_i32, %c0_i32_0 : i32, i32
  }
  func.func @transform_5(%arg0: i32, %arg1: i32) -> (i32, i32) {
    %mul3A = arith.constant 5 : i32
    %mul3A_0 = arith.muli %arg1, %mul3A : i32
    %add3A = arith.addi %mul3A_0, %arg0 : i32
    %c0_i32 = arith.constant 0 : i32
    %c0_i32_1 = arith.constant 0 : i32
    return %add3A, %c0_i32 : i32, i32
  }
  func.func @transform_6(%arg0: i32, %arg1: i32) -> (i32, i32) {
    %c0_i32 = arith.constant 0 : i32
    %c0_i32_0 = arith.constant 0 : i32
    return %arg0, %c0_i32 : i32, i32
  }
}

</mosaic_0001>

<sc_bundles>
// kernel: kernel.4.cloned.1.call-start
scs
__scs_entry_jumppad:
0x0: {  	(pc) =	sbr.rel $0x88, $3  }
0x1: {  	(tag) =	ssettag $0x0;
	lr =	simm.s32 $0x1  }
0x2: {  	[smem:$0x3F9A] =	sst lr;
	_ =	strace $0xD0000000  }
0x3: {  	_ = 	snop  }
0x4: {  	_ = 	snop  }
0x5: {  	_ = 	snop  }
0x6: {  	_ = 	snop  }
0x7: {  	_ = 	snop  }
__scs_overlays_trampoline_lowered:
0x8: {  	[smem:$0x3FA9] =	sst s0  }
0x9: {  	[smem:$0x3FAA] =	sst s1  }
0xa: {  	[smem:$0x3FAB] =	sst s2  }
0xb: {  	[smem:$0x3FAC] =	sst s3  }
0xc: {  	[smem:$0x3FAD] =	sst s4  }
0xd: {  	[smem:$0x3FAE] =	sst s5  }
0xe: {  	[smem:$0x3FAF] =	sst s6  }
0xf: {  	[smem:$0x3FB0] =	sst s7  }
0x10: {  	[smem:$0x3FB1] =	sst s8  }
0x11: {  	[smem:$0x3FB2] =	sst s9;
	s0 =	simm.s32 @!p0 $0x0  }
0x12: {  	s1 =	sld [smem:$0x3F98];
	s0 =	simm.s32 @p0 $0x1  }
0x13: {  	[smem:$0x3FB3] =	sst s0;
	s0 =	simm.s32 @!p1 $0x0  }
0x14: {  	s2 =	sld [smem:$0x3F97];
	s0 =	simm.s32 @p1 $0x1  }
0x15: {  	[smem:$0x3FB4] =	sst s0;
	s0 =	simm.s32 @!p2 $0x0  }
0x16: {  	s3 =	sld [smem:$0x3FDB];
	s0 =	simm.s32 @p2 $0x1  }
0x17: {  	s4 =	simm.s32 $0x1BF5;
	[smem:$0x3FB6] =	sst s0  }
0x18: {  	s0 =	sld [smem:$0x3F99];
	_ =	swait.ge [sflag:s4], $0x0  }
0x19: {  	s7 =	sld [smem:$0x3F9A]  }
0x1a: {  	s8 =	sadd.s32 $0xFFFFE003, lr  }
0x1b: {  	s9 =	sadd.s32 $0xFFFFFEF7, lr;
	s5 =	simm.s32 $0xFFFFFFFF;
	p2 =	slt.u32 s8, $0xFFFFF086  }
0x1c: {  	p1 =	slt.u32 s9, $0xF7A;
	s5 =	simm.s32 @!p2 $0x0  }
0x1d: {  	s5 =	simm.s32 @p1 $0x1;
	p0 =	seq.s32 s7, s2  }
0x1e: {  	s7 =	smul.u32 @!p0 $0xF7A, s2;
	p2 =	seq.s32 @!p0 s5, $0x0  }
0x1f: {  	s9 =	smul.u32 $0xF7A, s1;
	s8 =	simm.s32 @!p0 $0x1BF5;
	p2 =	por !p2, p0  }
0x20: {  	[sflag:s8] =	ssyncset.s32 @!p0 $0xFFFFF086;
	s6 =	sadd.s32 @!p0 s3, s7;
	s7 =	simm.s32 @!p0 $0x108  }
0x21: {  	s3 =	sadd.s32 s3, s9;
	s6 =	sadd.s32 @!p0 $0x88, s6;
	s7 =	simm.s32 @p2 $0x1082  }
0x22: {  	[simem:s7], [sflag:s8] =	dma.local @!p0 [hbm:s6], $0xF7A  }
0x23: {  	s9 =	sor.u32 $0xD0000000, s2;
	s6 =	simm.s32 $0x108;
	_ =	swait.ge @!p0 [sflag:s8], $0x0  }
0x24: {  	s3 =	sadd.s32 $0x88, s3;
	s6 =	simm.s32 @!p1 $0x1082;
	[sflag:s4] =	ssyncset.s32 $0xFFFFF086  }
0x25: {  	[simem:s6], [sflag:s4] =	dma.local [hbm:s3], $0xF7A  }
0x26: {  	[smem:$0x3F9A] =	sst s1;
	(tag) =	ssettag s2;
	_ =	strace s9  }
0x27: {  	s1 =	sld [smem:$0x3FAA]  }
0x28: {  	s2 =	sld [smem:$0x3FAB]  }
0x29: {  	s4 =	sld [smem:$0x3FAD]  }
0x2a: {  	p0 =	seq.s32 s5, $0x0;
	s5 =	sld [smem:$0x3FAE]  }
0x2b: {  	s6 =	sld [smem:$0x3FAF]  }
0x2c: {  	s7 =	sld [smem:$0x3FB0]  }
0x2d: {  	s3 =	simm.s32 $0x108;
	s8 =	sld [smem:$0x3FB1]  }
0x2e: {  	s3 =	simm.s32 @!p0 $0x1082;
	s9 =	sld [smem:$0x3FB2]  }
0x2f: {  	lr =	sadd.s32 s0, s3;
	s0 =	sld [smem:$0x3FA9]  }
0x30: {  	s3 =	sld [smem:$0x3FAC]  }
0x31: {  	[smem:$0x3FB5] =	sst s10  }
0x32: {  	s10 =	sld [smem:$0x3FB3];
	_ =	sdelay $0x3  }
0x33: {  	p0 =	seq.s32 s10, $0x1;
	s10 =	sld [smem:$0x3FB5];
	_ =	sdelay $0x3  }
0x34: {  	[smem:$0x3FB5] =	sst s10  }
0x35: {  	s10 =	sld [smem:$0x3FB4];
	_ =	sdelay $0x3  }
0x36: {  	p1 =	seq.s32 s10, $0x1;
	s10 =	sld [smem:$0x3FB5];
	_ =	sdelay $0x3  }
0x37: {  	[smem:$0x3FB5] =	sst s10  }
0x38: {  	s10 =	sld [smem:$0x3FB6]  }
0x39: {  	_ = 	snop;
	(pc) =	sbr.ind lr, $3  }
0x3a: {  	_ = 	snop  }
0x3b: {  	_ = 	snop  }
0x3c: {  	p2 =	seq.s32 s10, $0x1;
	s10 =	sld [smem:$0x3FB5]  }
0x3d: {  	_ =	shalt  }
0x3e: {  	_ =	shalt  }
0x3f: {  	_ =	shalt  }
0x40: {  	_ =	shalt  }
0x41: {  	_ =	shalt  }
0x42: {  	_ =	shalt  }
0x43: {  	_ =	shalt  }
0x44: {  	_ =	shalt  }
0x45: {  	_ =	shalt  }
0x46: {  	_ =	shalt  }
0x47: {  	_ =	shalt  }
0x48: {  	_ =	shalt  }
0x49: {  	_ =	shalt  }
0x4a: {  	_ =	shalt  }
0x4b: {  	_ =	shalt  }
0x4c: {  	_ =	shalt  }
0x4d: {  	_ =	shalt  }
0x4e: {  	_ =	shalt  }
0x4f: {  	_ =	shalt  }
0x50: {  	_ =	shalt  }
0x51: {  	_ =	shalt  }
0x52: {  	_ =	shalt  }
0x53: {  	_ =	shalt  }
0x54: {  	_ =	shalt  }
0x55: {  	_ =	shalt  }
0x56: {  	_ =	shalt  }
0x57: {  	_ =	shalt  }
0x58: {  	_ =	shalt  }
0x59: {  	_ =	shalt  }
0x5a: {  	_ =	shalt  }
0x5b: {  	_ =	shalt  }
0x5c: {  	_ =	shalt  }
0x5d: {  	_ =	shalt  }
0x5e: {  	_ =	shalt  }
0x5f: {  	_ =	shalt  }
0x60: {  	_ =	shalt  }
0x61: {  	_ =	shalt  }
0x62: {  	_ =	shalt  }
0x63: {  	_ =	shalt  }
0x64: {  	_ =	shalt  }
0x65: {  	_ =	shalt  }
0x66: {  	_ =	shalt  }
0x67: {  	_ =	shalt  }
0x68: {  	_ =	shalt  }
0x69: {  	_ =	shalt  }
0x6a: {  	_ =	shalt  }
0x6b: {  	_ =	shalt  }
0x6c: {  	_ =	shalt  }
0x6d: {  	_ =	shalt  }
0x6e: {  	_ =	shalt  }
0x6f: {  	_ =	shalt  }
0x70: {  	_ =	shalt  }
0x71: {  	_ =	shalt  }
0x72: {  	_ =	shalt  }
0x73: {  	_ =	shalt  }
0x74: {  	_ =	shalt  }
0x75: {  	_ =	shalt  }
0x76: {  	_ =	shalt  }
0x77: {  	_ =	shalt  }
0x78: {  	_ =	shalt  }
0x79: {  	_ =	shalt  }
0x7a: {  	_ =	shalt  }
0x7b: {  	_ =	shalt  }
0x7c: {  	_ =	shalt  }
0x7d: {  	_ =	shalt  }
0x7e: {  	_ =	shalt  }
0x7f: {  	_ =	shalt  }
0x80: {  	_ =	shalt  }
0x81: {  	_ =	shalt  }
0x82: {  	_ =	shalt  }
0x83: {  	_ =	shalt  }
0x84: {  	_ =	shalt  }
0x85: {  	_ =	shalt  }
0x86: {  	_ =	shalt  }
0x87: {  	_ =	shalt  }
.Lfunc_end0:
.L_simem_size_0:
called_computation_lowered:
.L_overlay_start_0:
0x88: {  	s2 =	sld [smem:$0x3FD9]  }
0x89: {  	s3 =	sld [smem:$0x3FFE];
	_ =	sdelay $0x1  }
0x8a: {  	s1 =	srdreg.scid  }
0x8b: {  	s0 =	sand.u32 $0x1, s1  }
0x8c: {  	s17 =	sshll.u32 s0, $0xA;
	s2 =	sadd.s32 s3, s2  }
0x8d: {  	s2 =	sadd.s32 s2, s17  }
0x8e: {  	[smem:$0x3FC1] =	sst s2  }
0x8f: {  	_ = 	snop  }
0x90: {  	s2 =	sld [smem:$0x3FD0];
	(tm) =	ssettm $0x1  }
0x91: {  	s18 =	sld [smem:$0x3FFB];
	_ =	sdelay $0x3  }
0x92: {  	_ =	strace s18  }
0x93: {  	s3 =	sld [smem:$0x3FFC];
	_ =	sdelay $0x3  }
0x94: {  	_ =	strace s3  }
0x95: {  	s3 =	sld [smem:$0x3FFD];
	_ =	sdelay $0x3  }
0x96: {  	_ =	strace s3  }
0x97: {  	_ =	strace $0x8FFFFFFF  }
0x98: {  	s19 =	sld [smem:$0x3FDB];
	_ =	sdelay $0x1  }
0x99: {  	s4 =	simm.s32 $_scs_section_size  }
0x9a: {  	s5 =	simm.s32 $_size__tile_overlayer_lowered;
	s6 =	simm.s32 $_tile_overlayer_lowered  }
0x9b: {  	s22 =	simm.s32 $0x1BFF;
	s21 =	sshll.u32 s6, $0x1;
	s3 =	sadd.s32 s4, s19  }
0x9c: {  	s7 =	simm.s32 $0x0;
	s20 =	sshll.u32 s5, $0x1;
	s5 =	sadd.s32 s21, s3  }
0x9d: {  	[timem:s7], [sflag:s22] =	dma.local [hbm:s5], s20  }
0x9e: {  	_ =	swait.ge [sflag:s22], s20  }
0x9f: {  	s4 =	ssub.s32 $0x0, s20;
	[sflag:s22] =	ssyncset.done $0x0  }
0xa0: {  	[sflag:s22] =	ssyncadd.s32 s4;
	_ =	sdelay $0x1  }
0xa1: {  	s23 =	simm.s32 $0x1B8B  }
0xa2: {  	_ =	swait.ge [sflag:s23], $0x1  }
0xa3: {  	[sflag:s23] =	ssyncset.done $0x0  }
0xa4: {  	s25 =	simm.s32 $0x1B8E;
	s24 =	sld [smem:$0x3FFE];
	[sflag:s23] =	ssyncadd.s32 $0xFFFFFFFF  }
0xa5: {  	s26 =	simm.s32 $execute0_lowered;
	[smem:$0x3FD2] =	sst s25  }
0xa6: {  	s5 =	sshll.u32 s26, $0x1;
	_ =	strace $0x80000046;
	[dreg:$0x1] =	wrdreg $0xFFFFFFFF  }
0xa7: {  	s28 =	simm.s32 $_size_execute0_lowered;
	s3 =	sadd.s32 s3, s5;
	[dreg:$0x0] =	wrdreg $0x0  }
0xa8: {  	s5 =	sshll.u32 s28, $0x1;
	[dreg:$0x2] =	wrdreg s3  }
0xa9: {  	[dreg:$0x3] =	wrdreg s5  }
0xaa: {  	[dreg:$0x4] =	wrdreg $0xC0  }
0xab: {  	_ =	task [dreg:s7], $0x5FFFF  }
0xac: {  	[dreg:$0x1] =	wrdreg $0xFFFFFFFF  }
0xad: {  	[dreg:$0x0] =	wrdreg $0x60  }
0xae: {  	[dreg:$0x2] =	wrdreg s24  }
0xaf: {  	[dreg:$0x3] =	wrdreg s2  }
0xb0: {  	[dreg:$0x4] =	wrdreg $0x151800  }
0xb1: {  	[dreg:$0x5] =	wrdreg $0x9  }
0xb2: {  	_ =	task.clear_ibuf [dreg:s7], $0x6FFFF;
	_ =	strace $0x90000046  }
0xb3: {  	s29 =	simm.s32 $0x9;
	_ =	strace $0x80000048  }
0xb4: {  	_ =	swait.ge [sflag:s29], $0x1  }
0xb5: {  	[sflag:s29] =	ssyncadd.s32 $0xFFFFFFFF  }
0xb6: {  	_ =	strace $0x90000048  }
0xb7: {  	_ =	sfence  }
0xb8: {  	s30 =	sld [smem:$0x0];
	_ =	sdelay $0x2  }
0xb9: {  	s31 =	sshll.u32 s1, $0xD;
	s1 =	sshrl.u32 s1, $0x2  }
0xba: {  	s3 =	sand.u32 $0x4000, s31;
	s1 =	sadd.s32 s1, s30  }
0xbb: {  	s0 =	sor.u32 s3, s0;
	s1 =	sshll.u32 s1, $0x11  }
0xbc: {  	s0 =	sor.u32 s1, s0  }
0xbd: {  	s0 =	sadd.s32 $0x8F2B, s0  }
0xbe: {  	[sflag:s0] =	ssyncadd.remote.s32 $0x1  }
0xbf: {  	_ =	sfence.sel $0xFFFF  }
0xc0: {  	[dreg:$0x0] =	wrdreg $0xFFFFFFFF;
	(pc) =	sbr.abs _section_cstart, $3  }
0xc1: {  	[dreg:$0x1] =	wrdreg $0xFFFFFFFF  }
0xc2: {  	_ =	task.clear_ibuf [dreg:s7], $0x2FFFF;
	_ =	strace $0x9FFFFFFF  }
0xc3: {  	(tm) =	ssettm $0x7FFFFFFF  }
tec
execute0_lowered:
.L_overlay_start_1:
0x0: {  	(tag) =	ssettag $0x1  }
0x1: {  	s0 =	rddreg [dreg:$0x0]  }
0x2: {  	s3 =	rddreg [dreg:$0x1]  }
0x3: {  	s1 =	rddreg [dreg:$0x2]  }
0x4: {  	s2 =	simm.s32 $0x0;
	s5 =	srdreg.scid;
	s14 =	stileid.u32  }
0x5: {  	s26 =	simm.s32 $0x23F0;
	s28 =	simm.s32 $0x1;
	s29 =	simm.s32 $0xED80  }
0x6: {  	s30 =	simm.s32 $0x7;
	s31 =	simm.s32 $0x2;
	[smem:$0x7FF] =	sst s2  }
0x7: {  	s4 =	sadd.s32 $0x1F200, s0;
	s5 =	sand.u32 $0x1, s5;
	s8 =	smul.u32 $0x13C00, s14  }
0x8: {  	s6 =	sadd.s32 $0xB600, s0;
	s9 =	sadd.s32 $0x1800, s0;
	s11 =	smul.u32 $0x27800, s14  }
0x9: {  	s0 =	sadd.s32 $0x290200, s0;
	s17 =	smul.u32 $0x4E20, s14;
	s13 =	sadd.s32 $0x94200, s1  }
0xa: {  	s22 =	smul.u32 $0x9C4, s14;
	p0 =	seq.s32 s14, $0xF;
	_ =	strace $0x80000047  }
0xb: {  	s7 =	ssub.s32 $0x2, s5;
	s15 =	sshll.u32 s5, $0x6;
	s12 =	sshll.u32 s5, $0x3  }
0xc: {  	[dreg:$0x6] =	wrdreg s26;
	s26 =	simm.s32 $0x8980;
	s10 =	sshrl.u32 s7, $0x1  }
0xd: {  	s8 =	sor.u32 s15, s8;
	s16 =	sshrl.u32 s11, $0x2;
	s11 =	sshrl.u32 s17, $0x3  }
0xe: {  	s17 =	simm.s32 $0x8;
	s7 =	ssub.s32 s7, s10;
	s10 =	sadd.s32 s16, s1  }
0xf: {  	s18 =	sshrl.u32 s8, $0x3;
	s20 =	sadd.s32 s9, s11;
	[dreg:$0x7] =	wrdreg s10  }
0x10: {  	s19 =	sadd.s32 s6, s11;
	s6 =	sadd.s32 s22, s6;
	[dreg:$0xb] =	wrdreg s20  }
0x11: {  	s16 =	sshrl.u32 @p0 s13, $0x3;
	s8 =	sadd.s32 s0, s18;
	[dreg:$0xa] =	wrdreg s19  }
0x12: {  	s0 =	sadd.s32 s12, s0;
	s21 =	sadd.s32 $0x9D6C, s19;
	[dreg:$0x4] =	wrdreg s6  }
0x13: {  	s23 =	sadd.s32 $0x9D9E, s19;
	s24 =	sadd.s32 s3, s18;
	[dreg:$0x8] =	wrdreg s8  }
0x14: {  	s3 =	sadd.s32 s12, s3;
	s25 =	smax.u32 s7, $0x1;
	[dreg:$0xc] =	wrdreg s21  }
0x15: {  	s18 =	simm.s32 $0x3;
	s20 =	simm.s32 $0x6;
	[dreg:$0xd] =	wrdreg s23  }
0x16: {  	s0 =	sadd.s32 $0x25080, s0;
	s8 =	sadd.s32 $0x9DD0, s19;
	[dreg:$0xf] =	wrdreg s24  }
0x17: {  	s3 =	sadd.s32 $0x25080, s3;
	[dreg:$0x11] =	wrdreg s25;
	s23 =	simm.s32 $0x20D0  }
0x18: {  	s24 =	simm.s32 $0x2580;
	s25 =	simm.s32 $0x2260;
	[dreg:$0x9] =	wrdreg s0  }
0x19: {  	s19 =	simm.s32 $0x5;
	[dreg:$0xe] =	wrdreg s8;
	s0 =	sadd.s32 s22, s9  }
0x1a: {  	s21 =	simm.s32 $0x0;
	[dreg:$0x10] =	wrdreg s3;
	s0 =	sadd.s32 $0x96, s0  }
0x1b: {  	v0 =	vmov s5;
	s22 =	simm.s32 $0x190;
	[dreg:$0x5] =	wrdreg s0;
	s0 =	simm.s32 $0x4  }
.LBB2_1:
0x1c: {  	s3 =	simm.s32 @p0 $0x1;
	s5 =	simm.s32 @p0 $0x8  }
0x1d: {  	s6 =	simm.s32 @p0 $0x10;
	s7 =	simm.s32 @p0 $0x1FC8;
	s8 =	rddreg [dreg:$0x9]  }
0x1e: {  	[spmem:s16@s5], [sflag:s7] =	dma.strided @p0 [hbm:s8@s6], $0x1040, s3, $0x8   }
0x1f: {  	s9 =	simm.s32 @!p0 $0x10;
	s3 =	stileid.u32;
	_ =	swait.ge @p0 [sflag:s5], $0x1040  }
0x20: {  	s6 =	simm.s32 @!p0 $0x1;
	s7 =	simm.s32 @!p0 $0x8;
	[sflag:s5] =	ssyncset.done @p0 $0x0  }
0x21: {  	s3 =	sshll.u32 @!p0 s3, $0x6;
	[sflag:s5] =	ssyncadd.s32 @p0 $0xFFFFEFC0;
	s5 =	rddreg [dreg:$0x7]  }
0x22: {  	s3 =	sor.u32 @!p0 $0x1C08, s3;
	s8 =	rddreg [dreg:$0x8];
	s5 =	sshrl.u32 @!p0 s5, $0x3  }
0x23: {  	[spmem:s5@s7], [sflag:s3] =	dma.strided @!p0 [hbm:s8@s9], $0x13C0, s6, $0x8   }
0x24: {  	_ =	swait.ge @!p0 [sflag:s7], $0x13C0  }
0x25: {  	[sflag:s7] =	ssyncset.done @!p0 $0x0  }
0x26: {  	[sflag:s7] =	ssyncadd.s32 @!p0 $0xFFFFEC40  }
0x27: {  	[bflag:$0x0] =	sbarrier.arrive $0xFFFF  }
0x28: {  	s7 =	rddreg [dreg:$0xa]  }
0x29: {  	[tilespmem:s2], [sflag:$0x8] =	stream.linear.gather [hbm4b:s7+s2], $0x4B0, $0x38;
	[tilespmem:$0x1EF80] =	vst v63  }
0x2a: {  	_ =	swait.ge [sflag:s17], $0x4B0  }
0x2b: {  	[sflag:s17] =	ssyncset.done $0x0  }
0x2c: {  	s9 =	simm.s32 $0x960;
	s8 =	rddreg [dreg:$0xb];
	[sflag:s17] =	ssyncadd.s32 $0xFFFFFB50  }
0x2d: {  	[tilespmem:s9], [sflag:$0x8] =	stream.linear.gather [hbm4b:s8+s2], $0x4B0, $0x38;
	[tilespmem:$0x1EF80] =	vst v63  }
0x2e: {  	_ =	swait.ge [sflag:s17], $0x4B0  }
0x2f: {  	[sflag:s17] =	ssyncset.done $0x0  }
0x30: {  	s11 =	simm.s32 $0x12C0;
	s10 =	rddreg [dreg:$0xc];
	[sflag:s17] =	ssyncadd.s32 $0xFFFFFB50  }
0x31: {  	[tilespmem:s11], [sflag:$0x8] =	stream.linear.gather [hbm4b:s10+s2], $0x190, $0x38;
	[tilespmem:$0x1EF80] =	vst v63  }
0x32: {  	_ =	swait.ge [sflag:s17], $0x190  }
0x33: {  	[sflag:s17] =	ssyncset.done $0x0  }
0x34: {  	s13 =	simm.s32 $0x1450;
	s12 =	rddreg [dreg:$0xd];
	[sflag:s17] =	ssyncadd.s32 $0xFFFFFE70  }
0x35: {  	[tilespmem:s13], [sflag:$0x8] =	stream.linear.gather [hbm4b:s12+s2], $0x190, $0x38;
	[tilespmem:$0x1EF80] =	vst v63  }
0x36: {  	_ =	swait.ge [sflag:s17], $0x190  }
0x37: {  	[sflag:s17] =	ssyncset.done $0x0  }
0x38: {  	s15 =	simm.s32 $0x15E0;
	s14 =	rddreg [dreg:$0xe];
	[sflag:s17] =	ssyncadd.s32 $0xFFFFFE70  }
0x39: {  	[tilespmem:s15], [sflag:$0x8] =	stream.linear.gather [hbm4b:s14+s2], $0x190, $0x38;
	[tilespmem:$0x1EF80] =	vst v63  }
0x3a: {  	_ =	swait.ge [sflag:s17], $0x190  }
0x3b: {  	[sflag:s17] =	ssyncset.done $0x0  }
0x3c: {  	[sflag:s17] =	ssyncadd.s32 $0xFFFFFE70  }
0x3d: {  	v1 =	vld [tilespmem:$0x960]  }
0x3e: {  	v2 =	vld [tilespmem:$0x0]  }
0x3f: {  	v3 =	vld [tilespmem:$0x970]  }
0x40: {  	v5 =	vld [tilespmem:$0x980]  }
0x41: {  	v7 =	vld [tilespmem:$0x990]  }
0x42: {  	v8 =	vld [tilespmem:$0x30]  }
0x43: {  	v9 =	vld [tilespmem:$0x9A0]  }
0x44: {  	v10 =	vld [tilespmem:$0x40]  }
0x45: {  	v11 =	vld [tilespmem:$0x9B0]  }
0x46: {  	v12 =	vld [tilespmem:$0x50]  }
0x47: {  	v13 =	vld [tilespmem:$0x9C0]  }
0x48: {  	v14 =	vld [tilespmem:$0x60]  }
0x49: {  	v15 =	vld [tilespmem:$0x9D0]  }
0x4a: {  	v16 =	vld [tilespmem:$0x70]  }
0x4b: {  	v17 =	vld [tilespmem:$0x9E0]  }
0x4c: {  	v19 =	vld [tilespmem:$0x9F0]  }
0x4d: {  	v21 =	vld [tilespmem:$0xA00]  }
0x4e: {  	v57 =	vld [tilespmem:$0xA20]  }
0x4f: {  	v63 =	vld [tilespmem:$0xA40]  }
0x50: {  	v29 =	vld [tilespmem:$0xA50]  }
0x51: {  	v32 =	vld [tilespmem:$0xA60]  }
0x52: {  	v47 =	vld [tilespmem:$0xAA0]  }
0x53: {  	v52 =	vld [tilespmem:$0xAB0];
	v1 =	vmul.u32 $0x2710, v1  }
0x54: {  	v18 =	vld [tilespmem:$0x80];
	v55 =	vmul.u32 $0x2710, v5;
	v56 =	vmul.u32 $0x2710, v7;
	v9 =	vmul.u32 $0x2710, v9  }
0x55: {  	v20 =	vld [tilespmem:$0x90];
	v61 =	vmul.u32 $0x2710, v11;
	v62 =	vmul.u32 $0x2710, v13;
	v28 =	vmul.u32 $0x2710, v15  }
0x56: {  	v22 =	vld [tilespmem:$0xA0];
	v30 =	vmul.u32 $0x2710, v17;
	v34 =	vmul.u32 $0x2710, v19;
	v36 =	vmul.u32 $0x2710, v21  }
0x57: {  	v24 =	vld [tilespmem:$0xC0];
	v7 =	vmul.u32 $0x2710, v57;
	v45 =	vmul.u32 $0x2710, v63;
	v46 =	vmul.u32 $0x2710, v29  }
0x58: {  	v25 =	vld [tilespmem:$0xE0];
	v48 =	vmul.u32 $0x2710, v32;
	v63 =	vmul.u32 $0x2710, v47;
	v21 =	vmul.u32 $0x2710, v52  }
0x59: {  	v31 =	vld [tilespmem:$0xF0];
	v1 =	vadd.s32 v2, v1;
	v2 =	vmul.u32 $0x2710, v3;
	v5 =	vadd.s32 v8, v56  }
0x5a: {  	v35 =	vld [tilespmem:$0x100];
	v59 =	vadd.s32 v10, v9;
	v10 =	vadd.s32 v12, v61;
	v11 =	vadd.s32 v14, v62  }
0x5b: {  	v4 =	vld [tilespmem:$0x10];
	v12 =	vadd.s32 v16, v28;
	v33 =	vadd.s32 v18, v30;
	v38 =	vadd.s32 v20, v34  }
0x5c: {  	v6 =	vld [tilespmem:$0x20];
	v40 =	vadd.s32 v22, v36;
	v7 =	vadd.s32 v24, v7;
	v1 =	vshll.u32 v1, $0x1  }
0x5d: {  	v58 =	vld [tilespmem:$0xA30];
	v50 =	vadd.s32 v25, v45;
	v5 =	vshll.u32 v5, $0x1;
	v1 =	vor.u32 v0, v1  }
0x5e: {  	v37 =	vld [tilespmem:$0xA70];
	v51 =	vadd.s32 v31, v46;
	v8 =	vshll.u32 v59, $0x1;
	v5 =	vor.u32 v0, v5;
	[tilespmem:$0x20D0] =	vst v1  }
0x5f: {  	v43 =	vld [tilespmem:$0xA90];
	v54 =	vadd.s32 v35, v48;
	v10 =	vshll.u32 v10, $0x1;
	v8 =	vor.u32 v0, v8;
	[tilespmem:$0x2100] =	vst v5  }
0x60: {  	v49 =	vld [tilespmem:$0x140];
	v11 =	vshll.u32 v11, $0x1;
	v53 =	vshll.u32 v51, $0x1;
	v10 =	vor.u32 v0, v10;
	[tilespmem:$0x2110] =	vst v8  }
0x61: {  	v60 =	vld [tilespmem:$0xD0];
	v2 =	vadd.s32 v4, v2;
	v4 =	vadd.s32 v6, v55;
	v11 =	vor.u32 v0, v11;
	[tilespmem:$0x2120] =	vst v10  }
0x62: {  	v3 =	vld [tilespmem:$0xA10];
	v6 =	vmul.u32 $0x2710, v58;
	v58 =	vor.u32 v0, v53;
	v2 =	vshll.u32 v2, $0x1;
	[tilespmem:$0x2130] =	vst v11  }
0x63: {  	v41 =	vld [tilespmem:$0xA80];
	v56 =	vmul.u32 $0x2710, v37;
	v4 =	vshll.u32 v4, $0x1;
	[tilespmem:$0x21C0] =	vst v58;
	v2 =	vor.u32 v0, v2  }
0x64: {  	v23 =	vld [tilespmem:$0xB0];
	v61 =	vmul.u32 $0x2710, v43;
	v1 =	vshll.u32 v12, $0x1;
	v4 =	vor.u32 v0, v4;
	[tilespmem:$0x20E0] =	vst v2  }
0x65: {  	v44 =	vld [tilespmem:$0x130];
	v20 =	vadd.s32 v49, v63;
	v5 =	vshll.u32 v40, $0x1;
	v1 =	vor.u32 v0, v1;
	[tilespmem:$0x20F0] =	vst v4  }
0x66: {  	v42 =	vld [tilespmem:$0x120];
	v7 =	vshll.u32 v7, $0x1;
	v5 =	vor.u32 v0, v5;
	v2 =	vshll.u32 v33, $0x1;
	[tilespmem:$0x2140] =	vst v1  }
0x67: {  	v39 =	vld [tilespmem:$0x110];
	v3 =	vmul.u32 $0x2710, v3;
	v4 =	vshll.u32 v38, $0x1;
	[tilespmem:$0x2170] =	vst v5;
	v2 =	vor.u32 v0, v2  }
0x68: {  	v57 =	vld [tilespmem:$0xAC0];
	v12 =	vmul.u32 $0x2710, v41;
	v1 =	vadd.s32 v60, v6;
	v4 =	vor.u32 v0, v4;
	[tilespmem:$0x2150] =	vst v2  }
0x69: {  	v17 =	vld [tilespmem:$0xAE0];
	v1 =	vshll.u32 v1, $0x1;
	v3 =	vadd.s32 v23, v3;
	v2 =	vor.u32 v0, v7;
	[tilespmem:$0x2160] =	vst v4  }
0x6a: {  	v62 =	vld [tilespmem:$0xAD0];
	v18 =	vadd.s32 v44, v61;
	v1 =	vor.u32 v0, v1;
	v3 =	vshll.u32 v3, $0x1;
	[tilespmem:$0x2190] =	vst v2  }
0x6b: {  	v55 =	vld [tilespmem:$0x150];
	v60 =	vadd.s32 v42, v12;
	v4 =	vshll.u32 v50, $0x1;
	[tilespmem:$0x21A0] =	vst v1;
	v3 =	vor.u32 v0, v3  }
0x6c: {  	v59 =	vld [tilespmem:$0x160];
	v2 =	vor.u32 v0, v4;
	v1 =	vadd.s32 v39, v56;
	[tilespmem:$0x2180] =	vst v3;
	v3 =	vshll.u32 v54, $0x1  }
0x6d: {  	v19 =	vld [tilespmem:$0x170];
	v23 =	vmul.u32 $0x2710, v57;
	[tilespmem:$0x21B0] =	vst v2;
	v1 =	vshll.u32 v1, $0x1;
	v3 =	vor.u32 v0, v3  }
0x6e: {  	v22 =	vld [tilespmem:$0x180];
	v2 =	vshll.u32 v60, $0x1;
	v1 =	vor.u32 v0, v1;
	[tilespmem:$0x21D0] =	vst v3;
	v3 =	vshll.u32 v18, $0x1  }
0x6f: {  	v2 =	vor.u32 v0, v2;
	[tilespmem:$0x21E0] =	vst v1;
	v1 =	vor.u32 v0, v3;
	v3 =	vshll.u32 v20, $0x1  }
0x70: {  	v24 =	vmul.u32 $0x2710, v62;
	[tilespmem:$0x21F0] =	vst v2;
	v2 =	vor.u32 v0, v3;
	v3 =	vadd.s32 v55, v21  }
0x71: {  	v25 =	vmul.u32 $0x2710, v17;
	[tilespmem:$0x2200] =	vst v1;
	v1 =	vshll.u32 v3, $0x1;
	v3 =	vadd.s32 v59, v23  }
0x72: {  	[tilespmem:$0x2210] =	vst v2;
	v1 =	vor.u32 v0, v1;
	v2 =	vshll.u32 v3, $0x1;
	v3 =	vadd.s32 v19, v24  }
0x73: {  	[tilespmem:$0x2220] =	vst v1;
	v1 =	vor.u32 v0, v2;
	v2 =	vshll.u32 v3, $0x1;
	v3 =	vadd.s32 v22, v25  }
0x74: {  	[tilespmem:$0x2230] =	vst v1;
	v1 =	vor.u32 v0, v2;
	v2 =	vshll.u32 v3, $0x1  }
0x75: {  	[tilespmem:$0x2240] =	vst v1;
	v1 =	vor.u32 v0, v2  }
0x76: {  	[tilespmem:$0x2250] =	vst v1  }
0x77: {  	[tilespmem:s24], [sflag:$0x1] =	stream.indirect.gather [hbm4b:s4+s22], $0x40, s23, s22, $0xb8;
	[tilespmem:$0x1EF80] =	vst v63  }
0x78: {  	v1 =	vld [tilespmem:$0xAF0]  }
0x79: {  	v2 =	vld [tilespmem:$0x190]  }
0x7a: {  	v3 =	vld [tilespmem:$0xB00]  }
0x7b: {  	v27 =	vld [tilespmem:$0xB10]  }
0x7c: {  	v28 =	vld [tilespmem:$0x1B0]  }
0x7d: {  	v29 =	vld [tilespmem:$0xB20]  }
0x7e: {  	v30 =	vld [tilespmem:$0x1C0]  }
0x7f: {  	v31 =	vld [tilespmem:$0xB30]  }
0x80: {  	v32 =	vld [tilespmem:$0x1D0]  }
0x81: {  	v33 =	vld [tilespmem:$0xB40]  }
0x82: {  	v34 =	vld [tilespmem:$0x1E0]  }
0x83: {  	v35 =	vld [tilespmem:$0xB50]  }
0x84: {  	v36 =	vld [tilespmem:$0x1F0]  }
0x85: {  	v37 =	vld [tilespmem:$0xB60]  }
0x86: {  	v38 =	vld [tilespmem:$0x200]  }
0x87: {  	v39 =	vld [tilespmem:$0xB70]  }
0x88: {  	v40 =	vld [tilespmem:$0x210]  }
0x89: {  	v41 =	vld [tilespmem:$0xB80]  }
0x8a: {  	v43 =	vld [tilespmem:$0xB90]  }
0x8b: {  	v48 =	vld [tilespmem:$0xBB0]  }
0x8c: {  	v50 =	vld [tilespmem:$0xBC0]  }
0x8d: {  	v55 =	vld [tilespmem:$0xBD0]  }
0x8e: {  	v58 =	vld [tilespmem:$0xBE0];
	v1 =	vmul.u32 $0x2710, v1  }
0x8f: {  	v42 =	vld [tilespmem:$0x220];
	v46 =	vmul.u32 $0x2710, v27;
	v47 =	vmul.u32 $0x2710, v29;
	v9 =	vmul.u32 $0x2710, v31  }
0x90: {  	v44 =	vld [tilespmem:$0x230];
	v53 =	vmul.u32 $0x2710, v33;
	v54 =	vmul.u32 $0x2710, v35;
	v57 =	vmul.u32 $0x2710, v37  }
0x91: {  	v49 =	vld [tilespmem:$0x250];
	v59 =	vmul.u32 $0x2710, v39;
	v63 =	vmul.u32 $0x2710, v41;
	v27 =	vmul.u32 $0x2710, v43  }
0x92: {  	v52 =	vld [tilespmem:$0x260];
	v7 =	vmul.u32 $0x2710, v48;
	v6 =	vmul.u32 $0x2710, v50;
	v35 =	vmul.u32 $0x2710, v55  }
0x93: {  	v56 =	vld [tilespmem:$0x270];
	v39 =	vmul.u32 $0x2710, v58;
	v1 =	vadd.s32 v2, v1;
	v2 =	vmul.u32 $0x2710, v3  }
0x94: {  	v61 =	vld [tilespmem:$0xBF0];
	v4 =	vadd.s32 v28, v46;
	v5 =	vadd.s32 v30, v47;
	v51 =	vadd.s32 v32, v9  }
0x95: {  	v60 =	vld [tilespmem:$0x280];
	v10 =	vadd.s32 v34, v53;
	v11 =	vadd.s32 v36, v54;
	v12 =	vadd.s32 v38, v57  }
0x96: {  	v26 =	vld [tilespmem:$0x1A0];
	v62 =	vadd.s32 v40, v59;
	v29 =	vadd.s32 v42, v63;
	v31 =	vadd.s32 v44, v27  }
0x97: {  	v45 =	vld [tilespmem:$0x240];
	v7 =	vadd.s32 v49, v7;
	v6 =	vadd.s32 v52, v6;
	v1 =	vshll.u32 v1, $0x1  }
0x98: {  	v37 =	vld [tilespmem:$0xC30];
	v38 =	vadd.s32 v56, v35;
	v4 =	vshll.u32 v4, $0x1;
	v1 =	vor.u32 v0, v1  }
0x99: {  	v43 =	vld [tilespmem:$0xC40];
	v42 =	vmul.u32 $0x2710, v61;
	v5 =	vshll.u32 v5, $0x1;
	v4 =	vor.u32 v0, v4;
	[tilespmem:$0x2260] =	vst v1  }
0x9a: {  	v3 =	vld [tilespmem:$0xBA0];
	v44 =	vadd.s32 v60, v39;
	v8 =	vshll.u32 v51, $0x1;
	v5 =	vor.u32 v0, v5;
	[tilespmem:$0x2280] =	vst v4  }
0x9b: {  	v32 =	vld [tilespmem:$0xC10];
	v10 =	vshll.u32 v10, $0x1;
	v11 =	vshll.u32 v11, $0x1;
	v8 =	vor.u32 v0, v8;
	[tilespmem:$0x2290] =	vst v5  }
0x9c: {  	v34 =	vld [tilespmem:$0xC20];
	v7 =	vshll.u32 v7, $0x1;
	v2 =	vadd.s32 v26, v2;
	v10 =	vor.u32 v0, v10;
	[tilespmem:$0x22A0] =	vst v8  }
0x9d: {  	v46 =	vld [tilespmem:$0xC50];
	v41 =	vshll.u32 v38, $0x1;
	v11 =	vor.u32 v0, v11;
	v2 =	vshll.u32 v2, $0x1;
	[tilespmem:$0x22B0] =	vst v10  }
0x9e: {  	v49 =	vld [tilespmem:$0x2E0];
	v1 =	vshll.u32 v12, $0x1;
	v4 =	vshll.u32 v29, $0x1;
	[tilespmem:$0x22C0] =	vst v11;
	v2 =	vor.u32 v0, v2  }
0x9f: {  	v54 =	vld [tilespmem:$0xC60];
	v5 =	vshll.u32 v31, $0x1;
	v53 =	vmul.u32 $0x2710, v37;
	v1 =	vor.u32 v0, v1;
	[tilespmem:$0x2270] =	vst v2  }
0xa0: {  	v26 =	vld [tilespmem:$0x290];
	v56 =	vmul.u32 $0x2710, v43;
	v4 =	vor.u32 v0, v4;
	v5 =	vor.u32 v0, v5;
	[tilespmem:$0x22D0] =	vst v1  }
0xa1: {  	v28 =	vld [tilespmem:$0xC00];
	v2 =	vshll.u32 v62, $0x1;
	v3 =	vmul.u32 $0x2710, v3;
	[tilespmem:$0x22F0] =	vst v4;
	v4 =	vor.u32 v0, v41  }
0xa2: {  	v33 =	vld [tilespmem:$0x2B0];
	[tilespmem:$0x2300] =	vst v5;
	v48 =	vmul.u32 $0x2710, v32;
	v50 =	vmul.u32 $0x2710, v34;
	v2 =	vor.u32 v0, v2  }
0xa3: {  	v30 =	vld [tilespmem:$0x2A0];
	v58 =	vmul.u32 $0x2710, v46;
	v3 =	vadd.s32 v45, v3;
	[tilespmem:$0x22E0] =	vst v2;
	v2 =	vshll.u32 v6, $0x1  }
0xa4: {  	v36 =	vld [tilespmem:$0x2C0];
	v60 =	vadd.s32 v49, v56;
	[tilespmem:$0x2340] =	vst v4;
	v3 =	vshll.u32 v3, $0x1;
	v2 =	vor.u32 v0, v2  }
0xa5: {  	v40 =	vld [tilespmem:$0x2D0];
	v62 =	vmul.u32 $0x2710, v54;
	v47 =	vadd.s32 v26, v42;
	v1 =	vor.u32 v0, v3;
	[tilespmem:$0x2330] =	vst v2  }
0xa6: {  	v57 =	vld [tilespmem:$0xC70];
	v45 =	vmul.u32 $0x2710, v28;
	v3 =	vor.u32 v0, v7;
	v2 =	vshll.u32 v47, $0x1;
	[tilespmem:$0x2310] =	vst v1  }
0xa7: {  	v51 =	vld [tilespmem:$0x2F0];
	v52 =	vadd.s32 v33, v48;
	v1 =	vshll.u32 v44, $0x1;
	[tilespmem:$0x2320] =	vst v3;
	v2 =	vor.u32 v0, v2  }
0xa8: {  	v59 =	vld [tilespmem:$0x300];
	v3 =	vadd.s32 v30, v45;
	v1 =	vor.u32 v0, v1;
	[tilespmem:$0x2360] =	vst v2;
	v2 =	vshll.u32 v52, $0x1  }
0xa9: {  	v61 =	vld [tilespmem:$0x310];
	v55 =	vadd.s32 v36, v50;
	[tilespmem:$0x2350] =	vst v1;
	v1 =	vshll.u32 v3, $0x1;
	v2 =	vor.u32 v0, v2  }
0xaa: {  	v4 =	vshll.u32 v55, $0x1;
	v3 =	vadd.s32 v40, v53;
	v1 =	vor.u32 v0, v1;
	[tilespmem:$0x2380] =	vst v2  }
0xab: {  	v63 =	vmul.u32 $0x2710, v57;
	v2 =	vor.u32 v0, v4;
	v3 =	vshll.u32 v3, $0x1;
	[tilespmem:$0x2370] =	vst v1  }
0xac: {  	v1 =	vadd.s32 v51, v58;
	[tilespmem:$0x2390] =	vst v2;
	v2 =	vor.u32 v0, v3;
	v3 =	vshll.u32 v60, $0x1  }
0xad: {  	[tilespmem:$0x23A0] =	vst v2;
	v2 =	vadd.s32 v59, v62;
	v3 =	vor.u32 v0, v3;
	v1 =	vshll.u32 v1, $0x1  }
0xae: {  	[tilespmem:$0x23B0] =	vst v3;
	v3 =	vadd.s32 v61, v63;
	v1 =	vor.u32 v0, v1;
	v2 =	vshll.u32 v2, $0x1  }
0xaf: {  	[tilespmem:$0x23C0] =	vst v1;
	v1 =	vor.u32 v0, v2;
	v2 =	vshll.u32 v3, $0x1  }
0xb0: {  	[tilespmem:$0x23D0] =	vst v1;
	v1 =	vor.u32 v0, v2  }
0xb1: {  	s6 =	simm.s32 $0x1;
	s7 =	simm.s32 $0x0;
	[tilespmem:$0x23E0] =	vst v1  }
0xb2: {  	[tilespmem:s26], [sflag:$0x2] =	stream.indirect.gather [hbm4b:s4+s22], $0x40, s25, s22, $0xb8;
	[tilespmem:$0x1EF80] =	vst v63  }
.LBB2_2:
0xb3: {  	s9 =	smul.u32 $0xAB, s6;
	_ =	sdelay $0x1  }
0xb4: {  	s9 =	sshrl.u32 s9, $0x9  }
0xb5: {  	s9 =	sand.u32 $0x7F, s9  }
0xb6: {  	s10 =	rddreg [dreg:$0x4];
	s11 =	sand.u32 $0x1, s6;
	s12 =	smul.u32 $0x3, s9  }
0xb7: {  	s14 =	rddreg [dreg:$0x5];
	p1 =	seq.s32 s11, $0x1  }
0xb8: {  	s9 =	simm.s32 $0x4B0;
	s13 =	ssub.s32 s6, s12;
	s12 =	sadd.s32 s7, s10  }
0xb9: {  	s9 =	simm.s32 @!p1 $0x0;
	s11 =	sand.u32 $0xFF, s13;
	s13 =	sadd.s32 $0x96, s12  }
0xba: {  	[tilespmem:s9], [sflag:$0x7] =	stream.linear.gather [hbm4b:s13+s2], $0x4B0, $0x38;
	[tilespmem:$0x1EF80] =	vst v63  }
0xbb: {  	s15 =	sadd.s32 $0x960, s9;
	s10 =	sadd.s32 s7, s14;
	s11 =	smul.u32 $0x12C0, s11  }
0xbc: {  	[tilespmem:s15], [sflag:$0x7] =	stream.linear.gather [hbm4b:s10+s2], $0x4B0, $0x38;
	[tilespmem:$0x1EF80] =	vst v63  }
0xbd: {  	s11 =	sshrl.u32 s11, $0x2  }
0xbe: {  	s14 =	sadd.s32 $0x9E02, s12;
	s13 =	sadd.s32 $0xFFFFFFFF, s6;
	s8 =	sadd.s32 $0x12C0, s11  }
0xbf: {  	[tilespmem:s8], [sflag:$0x7] =	stream.linear.gather [hbm4b:s14+s2], $0x190, $0x38;
	[tilespmem:$0x1EF80] =	vst v63  }
0xc0: {  	s10 =	smul.u32 $0x3, s13;
	s14 =	sand.u32 $0xFF, s13  }
0xc1: {  	s15 =	sadd.s32 $0x1450, s11;
	s8 =	sadd.s32 $0x9E34, s12;
	s14 =	smul.u32 $0xAB, s14  }
0xc2: {  	[tilespmem:s15], [sflag:$0x7] =	stream.linear.gather [hbm4b:s8+s2], $0x190, $0x38;
	[tilespmem:$0x1EF80] =	vst v63  }
0xc3: {  	s15 =	sshrl.u32 s14, $0x9;
	s14 =	sadd.s32 $0x2, s10  }
0xc4: {  	s8 =	smul.u32 $0x3, s15;
	s15 =	sand.u32 $0xFF, s14  }
0xc5: {  	s11 =	sadd.s32 $0x15E0, s11;
	s12 =	sadd.s32 $0x9E66, s12;
	s15 =	smul.u32 $0xAB, s15  }
0xc6: {  	[tilespmem:s11], [sflag:$0x7] =	stream.linear.gather [hbm4b:s12+s2], $0x190, $0x38;
	[tilespmem:$0x1EF80] =	vst v63  }
0xc7: {  	s8 =	ssub.s32 s13, s8;
	s15 =	sshrl.u32 s15, $0x9  }
0xc8: {  	_ =	swait.ge [sflag:s28], $0x6400;
	s12 =	sand.u32 $0xFF, s8;
	s11 =	smul.u32 $0x3, s15  }
0xc9: {  	s13 =	sand.u32 $0x1, s13;
	[sflag:s28] =	ssyncset.done $0x0;
	s15 =	smul.u32 $0x12C0, s12  }
0xca: {  	p1 =	seq.s32 s13, $0x1;
	s13 =	simm.s32 $0x4B0;
	s8 =	ssub.s32 s14, s11  }
0xcb: {  	[sflag:s28] =	ssyncadd.s32 $0xFFFF9C00;
	s15 =	sshrl.u32 s15, $0x2;
	s11 =	sand.u32 $0xFF, s8  }
0xcc: {  	s13 =	simm.s32 @!p1 $0x0;
	s14 =	sadd.s32 $0x12C0, s15;
	s15 =	smul.u32 $0x190, s11  }
0xcd: {  	[spmem:s1] =	stream.indirect.scatter.add.f32 [tilespmem:s24], [sflag:$0x4], $0x40, s14, s22, $0xb8;
	[tilespmem:$0x1EF80] =	vst v63  }
0xce: {  	s13 =	sadd.s32 s13, s15  }
0xcf: {  	v1 =	vld [tilespmem:s13+$0x960];
	_ =	sdelay $0x1  }
0xd0: {  	v2 =	vld [tilespmem:s13+$0x0];
	_ =	sdelay $0x2  }
0xd1: {  	v1 =	vmul.u32 $0x2710, v1;
	_ =	sdelay $0x1  }
0xd2: {  	v1 =	vadd.s32 v2, v1  }
0xd3: {  	v1 =	vshll.u32 v1, $0x1  }
0xd4: {  	v1 =	vor.u32 v0, v1  }
0xd5: {  	[tilespmem:$0x23F0] =	vst v1  }
0xd6: {  	v1 =	vld [tilespmem:s13+$0x970];
	_ =	sdelay $0x1  }
0xd7: {  	v2 =	vld [tilespmem:s13+$0x10];
	_ =	sdelay $0x2  }
0xd8: {  	v1 =	vmul.u32 $0x2710, v1;
	_ =	sdelay $0x1  }
0xd9: {  	v1 =	vadd.s32 v2, v1  }
0xda: {  	v1 =	vshll.u32 v1, $0x1  }
0xdb: {  	v1 =	vor.u32 v0, v1  }
0xdc: {  	[tilespmem:$0x2400] =	vst v1  }
0xdd: {  	v1 =	vld [tilespmem:s13+$0x980];
	_ =	sdelay $0x1  }
0xde: {  	v2 =	vld [tilespmem:s13+$0x20];
	_ =	sdelay $0x2  }
0xdf: {  	v1 =	vmul.u32 $0x2710, v1;
	_ =	sdelay $0x1  }
0xe0: {  	v1 =	vadd.s32 v2, v1  }
0xe1: {  	v1 =	vshll.u32 v1, $0x1  }
0xe2: {  	v1 =	vor.u32 v0, v1  }
0xe3: {  	[tilespmem:$0x2410] =	vst v1  }
0xe4: {  	v1 =	vld [tilespmem:s13+$0x990];
	_ =	sdelay $0x1  }
0xe5: {  	v2 =	vld [tilespmem:s13+$0x30];
	_ =	sdelay $0x2  }
0xe6: {  	v1 =	vmul.u32 $0x2710, v1;
	_ =	sdelay $0x1  }
0xe7: {  	v1 =	vadd.s32 v2, v1  }
0xe8: {  	v1 =	vshll.u32 v1, $0x1  }
0xe9: {  	v1 =	vor.u32 v0, v1  }
0xea: {  	[tilespmem:$0x2420] =	vst v1  }
0xeb: {  	v1 =	vld [tilespmem:s13+$0x9A0];
	_ =	sdelay $0x1  }
0xec: {  	v2 =	vld [tilespmem:s13+$0x40];
	_ =	sdelay $0x2  }
0xed: {  	v1 =	vmul.u32 $0x2710, v1;
	_ =	sdelay $0x1  }
0xee: {  	v1 =	vadd.s32 v2, v1  }
0xef: {  	v1 =	vshll.u32 v1, $0x1  }
0xf0: {  	v1 =	vor.u32 v0, v1  }
0xf1: {  	[tilespmem:$0x2430] =	vst v1  }
0xf2: {  	v1 =	vld [tilespmem:s13+$0x9B0];
	_ =	sdelay $0x1  }
0xf3: {  	v2 =	vld [tilespmem:s13+$0x50];
	_ =	sdelay $0x2  }
0xf4: {  	v1 =	vmul.u32 $0x2710, v1;
	_ =	sdelay $0x1  }
0xf5: {  	v1 =	vadd.s32 v2, v1  }
0xf6: {  	v1 =	vshll.u32 v1, $0x1  }
0xf7: {  	v1 =	vor.u32 v0, v1  }
0xf8: {  	[tilespmem:$0x2440] =	vst v1  }
0xf9: {  	v1 =	vld [tilespmem:s13+$0x9C0];
	_ =	sdelay $0x1  }
0xfa: {  	v2 =	vld [tilespmem:s13+$0x60];
	_ =	sdelay $0x2  }
0xfb: {  	v1 =	vmul.u32 $0x2710, v1;
	_ =	sdelay $0x1  }
0xfc: {  	v1 =	vadd.s32 v2, v1  }
0xfd: {  	v1 =	vshll.u32 v1, $0x1  }
0xfe: {  	v1 =	vor.u32 v0, v1  }
0xff: {  	[tilespmem:$0x2450] =	vst v1  }
0x100: {  	v1 =	vld [tilespmem:s13+$0x9D0];
	_ =	sdelay $0x1  }
0x101: {  	v2 =	vld [tilespmem:s13+$0x70];
	_ =	sdelay $0x2  }
0x102: {  	v1 =	vmul.u32 $0x2710, v1;
	_ =	sdelay $0x1  }
0x103: {  	v1 =	vadd.s32 v2, v1  }
0x104: {  	v1 =	vshll.u32 v1, $0x1  }
0x105: {  	v1 =	vor.u32 v0, v1  }
0x106: {  	[tilespmem:$0x2460] =	vst v1  }
0x107: {  	v1 =	vld [tilespmem:s13+$0x9E0];
	_ =	sdelay $0x1  }
0x108: {  	v2 =	vld [tilespmem:s13+$0x80];
	_ =	sdelay $0x2  }
0x109: {  	v1 =	vmul.u32 $0x2710, v1;
	_ =	sdelay $0x1  }
0x10a: {  	v1 =	vadd.s32 v2, v1  }
0x10b: {  	v1 =	vshll.u32 v1, $0x1  }
0x10c: {  	v1 =	vor.u32 v0, v1  }
0x10d: {  	[tilespmem:$0x2470] =	vst v1  }
0x10e: {  	v1 =	vld [tilespmem:s13+$0x9F0];
	_ =	sdelay $0x1  }
0x10f: {  	v2 =	vld [tilespmem:s13+$0x90];
	_ =	sdelay $0x2  }
0x110: {  	v1 =	vmul.u32 $0x2710, v1;
	_ =	sdelay $0x1  }
0x111: {  	v1 =	vadd.s32 v2, v1  }
0x112: {  	v1 =	vshll.u32 v1, $0x1  }
0x113: {  	v1 =	vor.u32 v0, v1  }
0x114: {  	[tilespmem:$0x2480] =	vst v1  }
0x115: {  	v1 =	vld [tilespmem:s13+$0xA00];
	_ =	sdelay $0x1  }
0x116: {  	v2 =	vld [tilespmem:s13+$0xA0];
	_ =	sdelay $0x2  }
0x117: {  	v1 =	vmul.u32 $0x2710, v1;
	_ =	sdelay $0x1  }
0x118: {  	v1 =	vadd.s32 v2, v1  }
0x119: {  	v1 =	vshll.u32 v1, $0x1  }
0x11a: {  	v1 =	vor.u32 v0, v1  }
0x11b: {  	[tilespmem:$0x2490] =	vst v1  }
0x11c: {  	v1 =	vld [tilespmem:s13+$0xA10];
	_ =	sdelay $0x1  }
0x11d: {  	v2 =	vld [tilespmem:s13+$0xB0];
	_ =	sdelay $0x2  }
0x11e: {  	v1 =	vmul.u32 $0x2710, v1;
	_ =	sdelay $0x1  }
0x11f: {  	v1 =	vadd.s32 v2, v1  }
0x120: {  	v1 =	vshll.u32 v1, $0x1  }
0x121: {  	v1 =	vor.u32 v0, v1  }
0x122: {  	[tilespmem:$0x24A0] =	vst v1  }
0x123: {  	v1 =	vld [tilespmem:s13+$0xA20];
	_ =	sdelay $0x1  }
0x124: {  	v2 =	vld [tilespmem:s13+$0xC0];
	_ =	sdelay $0x2  }
0x125: {  	v1 =	vmul.u32 $0x2710, v1;
	_ =	sdelay $0x1  }
0x126: {  	v1 =	vadd.s32 v2, v1  }
0x127: {  	v1 =	vshll.u32 v1, $0x1  }
0x128: {  	v1 =	vor.u32 v0, v1  }
0x129: {  	[tilespmem:$0x24B0] =	vst v1  }
0x12a: {  	v1 =	vld [tilespmem:s13+$0xA30];
	_ =	sdelay $0x1  }
0x12b: {  	v2 =	vld [tilespmem:s13+$0xD0];
	_ =	sdelay $0x2  }
0x12c: {  	v1 =	vmul.u32 $0x2710, v1;
	_ =	sdelay $0x1  }
0x12d: {  	v1 =	vadd.s32 v2, v1  }
0x12e: {  	v1 =	vshll.u32 v1, $0x1  }
0x12f: {  	v1 =	vor.u32 v0, v1  }
0x130: {  	[tilespmem:$0x24C0] =	vst v1  }
0x131: {  	v1 =	vld [tilespmem:s13+$0xA40];
	_ =	sdelay $0x1  }
0x132: {  	v2 =	vld [tilespmem:s13+$0xE0];
	_ =	sdelay $0x2  }
0x133: {  	v1 =	vmul.u32 $0x2710, v1;
	_ =	sdelay $0x1  }
0x134: {  	v1 =	vadd.s32 v2, v1  }
0x135: {  	v1 =	vshll.u32 v1, $0x1  }
0x136: {  	v1 =	vor.u32 v0, v1  }
0x137: {  	[tilespmem:$0x24D0] =	vst v1  }
0x138: {  	v1 =	vld [tilespmem:s13+$0xA50];
	_ =	sdelay $0x1  }
0x139: {  	v2 =	vld [tilespmem:s13+$0xF0];
	_ =	sdelay $0x2  }
0x13a: {  	v1 =	vmul.u32 $0x2710, v1;
	_ =	sdelay $0x1  }
0x13b: {  	v1 =	vadd.s32 v2, v1  }
0x13c: {  	v1 =	vshll.u32 v1, $0x1  }
0x13d: {  	v1 =	vor.u32 v0, v1  }
0x13e: {  	[tilespmem:$0x24E0] =	vst v1  }
0x13f: {  	v1 =	vld [tilespmem:s13+$0xA60];
	_ =	sdelay $0x1  }
0x140: {  	v2 =	vld [tilespmem:s13+$0x100];
	_ =	sdelay $0x2  }
0x141: {  	v1 =	vmul.u32 $0x2710, v1;
	_ =	sdelay $0x1  }
0x142: {  	v1 =	vadd.s32 v2, v1  }
0x143: {  	v1 =	vshll.u32 v1, $0x1  }
0x144: {  	v1 =	vor.u32 v0, v1  }
0x145: {  	[tilespmem:$0x24F0] =	vst v1  }
0x146: {  	v1 =	vld [tilespmem:s13+$0xA70];
	_ =	sdelay $0x1  }
0x147: {  	v2 =	vld [tilespmem:s13+$0x110];
	_ =	sdelay $0x2  }
0x148: {  	v1 =	vmul.u32 $0x2710, v1;
	_ =	sdelay $0x1  }
0x149: {  	v1 =	vadd.s32 v2, v1  }
0x14a: {  	v1 =	vshll.u32 v1, $0x1  }
0x14b: {  	v1 =	vor.u32 v0, v1  }
0x14c: {  	[tilespmem:$0x2500] =	vst v1  }
0x14d: {  	v1 =	vld [tilespmem:s13+$0xA80];
	_ =	sdelay $0x1  }
0x14e: {  	v2 =	vld [tilespmem:s13+$0x120];
	_ =	sdelay $0x2  }
0x14f: {  	v1 =	vmul.u32 $0x2710, v1;
	_ =	sdelay $0x1  }
0x150: {  	v1 =	vadd.s32 v2, v1  }
0x151: {  	v1 =	vshll.u32 v1, $0x1  }
0x152: {  	v1 =	vor.u32 v0, v1  }
0x153: {  	[tilespmem:$0x2510] =	vst v1  }
0x154: {  	v1 =	vld [tilespmem:s13+$0xA90];
	_ =	sdelay $0x1  }
0x155: {  	v2 =	vld [tilespmem:s13+$0x130];
	_ =	sdelay $0x2  }
0x156: {  	v1 =	vmul.u32 $0x2710, v1;
	_ =	sdelay $0x1  }
0x157: {  	v1 =	vadd.s32 v2, v1  }
0x158: {  	v1 =	vshll.u32 v1, $0x1  }
0x159: {  	v1 =	vor.u32 v0, v1  }
0x15a: {  	[tilespmem:$0x2520] =	vst v1  }
0x15b: {  	v1 =	vld [tilespmem:s13+$0xAA0];
	_ =	sdelay $0x1  }
0x15c: {  	v2 =	vld [tilespmem:s13+$0x140];
	_ =	sdelay $0x2  }
0x15d: {  	v1 =	vmul.u32 $0x2710, v1;
	_ =	sdelay $0x1  }
0x15e: {  	v1 =	vadd.s32 v2, v1  }
0x15f: {  	v1 =	vshll.u32 v1, $0x1  }
0x160: {  	v1 =	vor.u32 v0, v1  }
0x161: {  	[tilespmem:$0x2530] =	vst v1  }
0x162: {  	v1 =	vld [tilespmem:s13+$0xAB0];
	_ =	sdelay $0x1  }
0x163: {  	v2 =	vld [tilespmem:s13+$0x150];
	_ =	sdelay $0x2  }
0x164: {  	v1 =	vmul.u32 $0x2710, v1;
	_ =	sdelay $0x1  }
0x165: {  	v1 =	vadd.s32 v2, v1  }
0x166: {  	v1 =	vshll.u32 v1, $0x1  }
0x167: {  	v1 =	vor.u32 v0, v1  }
0x168: {  	[tilespmem:$0x2540] =	vst v1  }
0x169: {  	v1 =	vld [tilespmem:s13+$0xAC0];
	_ =	sdelay $0x1  }
0x16a: {  	v2 =	vld [tilespmem:s13+$0x160];
	_ =	sdelay $0x2  }
0x16b: {  	v1 =	vmul.u32 $0x2710, v1;
	_ =	sdelay $0x1  }
0x16c: {  	v1 =	vadd.s32 v2, v1  }
0x16d: {  	v1 =	vshll.u32 v1, $0x1  }
0x16e: {  	v1 =	vor.u32 v0, v1  }
0x16f: {  	[tilespmem:$0x2550] =	vst v1  }
0x170: {  	v1 =	vld [tilespmem:s13+$0xAD0];
	_ =	sdelay $0x1  }
0x171: {  	v2 =	vld [tilespmem:s13+$0x170];
	_ =	sdelay $0x2  }
0x172: {  	v1 =	vmul.u32 $0x2710, v1;
	_ =	sdelay $0x1  }
0x173: {  	v1 =	vadd.s32 v2, v1  }
0x174: {  	v1 =	vshll.u32 v1, $0x1  }
0x175: {  	v1 =	vor.u32 v0, v1  }
0x176: {  	[tilespmem:$0x2560] =	vst v1  }
0x177: {  	v1 =	vld [tilespmem:s13+$0xAE0];
	_ =	sdelay $0x1  }
0x178: {  	v2 =	vld [tilespmem:s13+$0x180];
	_ =	sdelay $0x2  }
0x179: {  	v1 =	vmul.u32 $0x2710, v1;
	_ =	sdelay $0x1  }
0x17a: {  	v1 =	vadd.s32 v2, v1  }
0x17b: {  	v1 =	vshll.u32 v1, $0x1  }
0x17c: {  	p1 =	seq.s32 s7, $0x0;
	v1 =	vor.u32 v0, v1  }
0x17d: {  	s8 =	simm.s32 @!p1 $0x6;
	[tilespmem:$0x2570] =	vst v1  }
0x17e: {  	_ =	swait.ge @!p1 [sflag:s8], $0x6400  }
0x17f: {  	[sflag:s8] =	ssyncset.done @!p1 $0x0  }
0x180: {  	s15 =	rddreg [dreg:$0x6];
	[sflag:s8] =	ssyncadd.s32 @!p1 $0xFFFF9C00  }
0x181: {  	[tilespmem:s29], [sflag:$0x3] =	stream.indirect.gather [hbm4b:s4+s22], $0x40, s15, s22, $0xb8;
	[tilespmem:$0x1EF80] =	vst v63  }
0x182: {  	_ =	swait.ge [sflag:s30], $0x4B0  }
0x183: {  	[sflag:s30] =	ssyncset.done $0x0  }
0x184: {  	[sflag:s30] =	ssyncadd.s32 $0xFFFFFB50  }
0x185: {  	_ =	swait.ge [sflag:s30], $0x4B0  }
0x186: {  	s8 =	sadd.s32 $0x1, s10;
	[sflag:s30] =	ssyncset.done $0x0  }
0x187: {  	s14 =	sand.u32 $0xFF, s8;
	[sflag:s30] =	ssyncadd.s32 $0xFFFFFB50  }
0x188: {  	s13 =	smul.u32 $0xAB, s14;
	s14 =	sadd.s32 $0x3, s10;
	_ =	swait.ge [sflag:s30], $0x190  }
0x189: {  	s15 =	sand.u32 $0xFF, s14;
	[sflag:s30] =	ssyncset.done $0x0  }
0x18a: {  	s13 =	sshrl.u32 s13, $0x9;
	s15 =	smul.u32 $0xAB, s15;
	[sflag:s30] =	ssyncadd.s32 $0xFFFFFE70  }
0x18b: {  	s13 =	smul.u32 $0x3, s13;
	_ =	swait.ge [sflag:s30], $0x190  }
0x18c: {  	s12 =	smul.u32 $0x3, s12;
	s15 =	sshrl.u32 s15, $0x9;
	[sflag:s30] =	ssyncset.done $0x0  }
0x18d: {  	s8 =	ssub.s32 s8, s13;
	s13 =	smul.u32 $0x3, s15;
	[sflag:s30] =	ssyncadd.s32 $0xFFFFFE70  }
0x18e: {  	s8 =	sand.u32 $0xFF, s8;
	_ =	swait.ge [sflag:s30], $0x190  }
0x18f: {  	s8 =	sadd.s32 s8, s12;
	s13 =	ssub.s32 s14, s13;
	[sflag:s30] =	ssyncset.done $0x0  }
0x190: {  	s8 =	smul.u32 $0x640, s8;
	s13 =	sand.u32 $0xFF, s13;
	[sflag:s30] =	ssyncadd.s32 $0xFFFFFE70  }
0x191: {  	s13 =	smul.u32 $0x190, s13;
	_ =	swait.ge [sflag:s31], $0x6400  }
0x192: {  	s8 =	sshrl.u32 s8, $0x2;
	[sflag:s31] =	ssyncset.done $0x0  }
0x193: {  	s8 =	sadd.s32 $0x12C0, s8;
	s13 =	sadd.s32 s9, s13;
	[sflag:s31] =	ssyncadd.s32 $0xFFFF9C00  }
0x194: {  	[spmem:s1] =	stream.indirect.scatter.add.f32 [tilespmem:s26], [sflag:$0x5], $0x40, s8, s22, $0xb8;
	[tilespmem:$0x1EF80] =	vst v63  }
0x195: {  	v1 =	vld [tilespmem:s13+$0x960];
	_ =	sdelay $0x1  }
0x196: {  	v2 =	vld [tilespmem:s13+$0x0];
	_ =	sdelay $0x2  }
0x197: {  	v1 =	vmul.u32 $0x2710, v1;
	_ =	sdelay $0x1  }
0x198: {  	v1 =	vadd.s32 v2, v1  }
0x199: {  	v1 =	vshll.u32 v1, $0x1  }
0x19a: {  	v1 =	vor.u32 v0, v1  }
0x19b: {  	[tilespmem:$0x20D0] =	vst v1  }
0x19c: {  	v1 =	vld [tilespmem:s13+$0x970];
	_ =	sdelay $0x1  }
0x19d: {  	v2 =	vld [tilespmem:s13+$0x10];
	_ =	sdelay $0x2  }
0x19e: {  	v1 =	vmul.u32 $0x2710, v1;
	_ =	sdelay $0x1  }
0x19f: {  	v1 =	vadd.s32 v2, v1  }
0x1a0: {  	v1 =	vshll.u32 v1, $0x1  }
0x1a1: {  	v1 =	vor.u32 v0, v1  }
0x1a2: {  	[tilespmem:$0x20E0] =	vst v1  }
0x1a3: {  	v1 =	vld [tilespmem:s13+$0x980];
	_ =	sdelay $0x1  }
0x1a4: {  	v2 =	vld [tilespmem:s13+$0x20];
	_ =	sdelay $0x2  }
0x1a5: {  	v1 =	vmul.u32 $0x2710, v1;
	_ =	sdelay $0x1  }
0x1a6: {  	v1 =	vadd.s32 v2, v1  }
0x1a7: {  	v1 =	vshll.u32 v1, $0x1  }
0x1a8: {  	v1 =	vor.u32 v0, v1  }
0x1a9: {  	[tilespmem:$0x20F0] =	vst v1  }
0x1aa: {  	v1 =	vld [tilespmem:s13+$0x990];
	_ =	sdelay $0x1  }
0x1ab: {  	v2 =	vld [tilespmem:s13+$0x30];
	_ =	sdelay $0x2  }
0x1ac: {  	v1 =	vmul.u32 $0x2710, v1;
	_ =	sdelay $0x1  }
0x1ad: {  	v1 =	vadd.s32 v2, v1  }
0x1ae: {  	v1 =	vshll.u32 v1, $0x1  }
0x1af: {  	v1 =	vor.u32 v0, v1  }
0x1b0: {  	[tilespmem:$0x2100] =	vst v1  }
0x1b1: {  	v1 =	vld [tilespmem:s13+$0x9A0];
	_ =	sdelay $0x1  }
0x1b2: {  	v2 =	vld [tilespmem:s13+$0x40];
	_ =	sdelay $0x2  }
0x1b3: {  	v1 =	vmul.u32 $0x2710, v1;
	_ =	sdelay $0x1  }
0x1b4: {  	v1 =	vadd.s32 v2, v1  }
0x1b5: {  	v1 =	vshll.u32 v1, $0x1  }
0x1b6: {  	v1 =	vor.u32 v0, v1  }
0x1b7: {  	[tilespmem:$0x2110] =	vst v1  }
0x1b8: {  	v1 =	vld [tilespmem:s13+$0x9B0];
	_ =	sdelay $0x1  }
0x1b9: {  	v2 =	vld [tilespmem:s13+$0x50];
	_ =	sdelay $0x2  }
0x1ba: {  	v1 =	vmul.u32 $0x2710, v1;
	_ =	sdelay $0x1  }
0x1bb: {  	v1 =	vadd.s32 v2, v1  }
0x1bc: {  	v1 =	vshll.u32 v1, $0x1  }
0x1bd: {  	v1 =	vor.u32 v0, v1  }
0x1be: {  	[tilespmem:$0x2120] =	vst v1  }
0x1bf: {  	v1 =	vld [tilespmem:s13+$0x9C0];
	_ =	sdelay $0x1  }
0x1c0: {  	v2 =	vld [tilespmem:s13+$0x60];
	_ =	sdelay $0x2  }
0x1c1: {  	v1 =	vmul.u32 $0x2710, v1;
	_ =	sdelay $0x1  }
0x1c2: {  	v1 =	vadd.s32 v2, v1  }
0x1c3: {  	v1 =	vshll.u32 v1, $0x1  }
0x1c4: {  	v1 =	vor.u32 v0, v1  }
0x1c5: {  	[tilespmem:$0x2130] =	vst v1  }
0x1c6: {  	v1 =	vld [tilespmem:s13+$0x9D0];
	_ =	sdelay $0x1  }
0x1c7: {  	v2 =	vld [tilespmem:s13+$0x70];
	_ =	sdelay $0x2  }
0x1c8: {  	v1 =	vmul.u32 $0x2710, v1;
	_ =	sdelay $0x1  }
0x1c9: {  	v1 =	vadd.s32 v2, v1  }
0x1ca: {  	v1 =	vshll.u32 v1, $0x1  }
0x1cb: {  	v1 =	vor.u32 v0, v1  }
0x1cc: {  	[tilespmem:$0x2140] =	vst v1  }
0x1cd: {  	v1 =	vld [tilespmem:s13+$0x9E0];
	_ =	sdelay $0x1  }
0x1ce: {  	v2 =	vld [tilespmem:s13+$0x80];
	_ =	sdelay $0x2  }
0x1cf: {  	v1 =	vmul.u32 $0x2710, v1;
	_ =	sdelay $0x1  }
0x1d0: {  	v1 =	vadd.s32 v2, v1  }
0x1d1: {  	v1 =	vshll.u32 v1, $0x1  }
0x1d2: {  	v1 =	vor.u32 v0, v1  }
0x1d3: {  	[tilespmem:$0x2150] =	vst v1  }
0x1d4: {  	v1 =	vld [tilespmem:s13+$0x9F0];
	_ =	sdelay $0x1  }
0x1d5: {  	v2 =	vld [tilespmem:s13+$0x90];
	_ =	sdelay $0x2  }
0x1d6: {  	v1 =	vmul.u32 $0x2710, v1;
	_ =	sdelay $0x1  }
0x1d7: {  	v1 =	vadd.s32 v2, v1  }
0x1d8: {  	v1 =	vshll.u32 v1, $0x1  }
0x1d9: {  	v1 =	vor.u32 v0, v1  }
0x1da: {  	[tilespmem:$0x2160] =	vst v1  }
0x1db: {  	v1 =	vld [tilespmem:s13+$0xA00];
	_ =	sdelay $0x1  }
0x1dc: {  	v2 =	vld [tilespmem:s13+$0xA0];
	_ =	sdelay $0x2  }
0x1dd: {  	v1 =	vmul.u32 $0x2710, v1;
	_ =	sdelay $0x1  }
0x1de: {  	v1 =	vadd.s32 v2, v1  }
0x1df: {  	v1 =	vshll.u32 v1, $0x1  }
0x1e0: {  	v1 =	vor.u32 v0, v1  }
0x1e1: {  	[tilespmem:$0x2170] =	vst v1  }
0x1e2: {  	v1 =	vld [tilespmem:s13+$0xA10];
	_ =	sdelay $0x1  }
0x1e3: {  	v2 =	vld [tilespmem:s13+$0xB0];
	_ =	sdelay $0x2  }
0x1e4: {  	v1 =	vmul.u32 $0x2710, v1;
	_ =	sdelay $0x1  }
0x1e5: {  	v1 =	vadd.s32 v2, v1  }
0x1e6: {  	v1 =	vshll.u32 v1, $0x1  }
0x1e7: {  	v1 =	vor.u32 v0, v1  }
0x1e8: {  	[tilespmem:$0x2180] =	vst v1  }
0x1e9: {  	v1 =	vld [tilespmem:s13+$0xA20];
	_ =	sdelay $0x1  }
0x1ea: {  	v2 =	vld [tilespmem:s13+$0xC0];
	_ =	sdelay $0x2  }
0x1eb: {  	v1 =	vmul.u32 $0x2710, v1;
	_ =	sdelay $0x1  }
0x1ec: {  	v1 =	vadd.s32 v2, v1  }
0x1ed: {  	v1 =	vshll.u32 v1, $0x1  }
0x1ee: {  	v1 =	vor.u32 v0, v1  }
0x1ef: {  	[tilespmem:$0x2190] =	vst v1  }
0x1f0: {  	v1 =	vld [tilespmem:s13+$0xA30];
	_ =	sdelay $0x1  }
0x1f1: {  	v2 =	vld [tilespmem:s13+$0xD0];
	_ =	sdelay $0x2  }
0x1f2: {  	v1 =	vmul.u32 $0x2710, v1;
	_ =	sdelay $0x1  }
0x1f3: {  	v1 =	vadd.s32 v2, v1  }
0x1f4: {  	v1 =	vshll.u32 v1, $0x1  }
0x1f5: {  	v1 =	vor.u32 v0, v1  }
0x1f6: {  	[tilespmem:$0x21A0] =	vst v1  }
0x1f7: {  	v1 =	vld [tilespmem:s13+$0xA40];
	_ =	sdelay $0x1  }
0x1f8: {  	v2 =	vld [tilespmem:s13+$0xE0];
	_ =	sdelay $0x2  }
0x1f9: {  	v1 =	vmul.u32 $0x2710, v1;
	_ =	sdelay $0x1  }
0x1fa: {  	v1 =	vadd.s32 v2, v1  }
0x1fb: {  	v1 =	vshll.u32 v1, $0x1  }
0x1fc: {  	v1 =	vor.u32 v0, v1  }
0x1fd: {  	[tilespmem:$0x21B0] =	vst v1  }
0x1fe: {  	v1 =	vld [tilespmem:s13+$0xA50];
	_ =	sdelay $0x1  }
0x1ff: {  	v2 =	vld [tilespmem:s13+$0xF0];
	_ =	sdelay $0x2  }
0x200: {  	v1 =	vmul.u32 $0x2710, v1;
	_ =	sdelay $0x1  }
0x201: {  	v1 =	vadd.s32 v2, v1  }
0x202: {  	v1 =	vshll.u32 v1, $0x1  }
0x203: {  	v1 =	vor.u32 v0, v1  }
0x204: {  	[tilespmem:$0x21C0] =	vst v1  }
0x205: {  	v1 =	vld [tilespmem:s13+$0xA60];
	_ =	sdelay $0x1  }
0x206: {  	v2 =	vld [tilespmem:s13+$0x100];
	_ =	sdelay $0x2  }
0x207: {  	v1 =	vmul.u32 $0x2710, v1;
	_ =	sdelay $0x1  }
0x208: {  	v1 =	vadd.s32 v2, v1  }
0x209: {  	v1 =	vshll.u32 v1, $0x1  }
0x20a: {  	v1 =	vor.u32 v0, v1  }
0x20b: {  	[tilespmem:$0x21D0] =	vst v1  }
0x20c: {  	v1 =	vld [tilespmem:s13+$0xA70];
	_ =	sdelay $0x1  }
0x20d: {  	v2 =	vld [tilespmem:s13+$0x110];
	_ =	sdelay $0x2  }
0x20e: {  	v1 =	vmul.u32 $0x2710, v1;
	_ =	sdelay $0x1  }
0x20f: {  	v1 =	vadd.s32 v2, v1  }
0x210: {  	v1 =	vshll.u32 v1, $0x1  }
0x211: {  	v1 =	vor.u32 v0, v1  }
0x212: {  	[tilespmem:$0x21E0] =	vst v1  }
0x213: {  	v1 =	vld [tilespmem:s13+$0xA80];
	_ =	sdelay $0x1  }
0x214: {  	v2 =	vld [tilespmem:s13+$0x120];
	_ =	sdelay $0x2  }
0x215: {  	v1 =	vmul.u32 $0x2710, v1;
	_ =	sdelay $0x1  }
0x216: {  	v1 =	vadd.s32 v2, v1  }
0x217: {  	v1 =	vshll.u32 v1, $0x1  }
0x218: {  	v1 =	vor.u32 v0, v1  }
0x219: {  	[tilespmem:$0x21F0] =	vst v1  }
0x21a: {  	v1 =	vld [tilespmem:s13+$0xA90];
	_ =	sdelay $0x1  }
0x21b: {  	v2 =	vld [tilespmem:s13+$0x130];
	_ =	sdelay $0x2  }
0x21c: {  	v1 =	vmul.u32 $0x2710, v1;
	_ =	sdelay $0x1  }
0x21d: {  	v1 =	vadd.s32 v2, v1  }
0x21e: {  	v1 =	vshll.u32 v1, $0x1  }
0x21f: {  	v1 =	vor.u32 v0, v1  }
0x220: {  	[tilespmem:$0x2200] =	vst v1  }
0x221: {  	v1 =	vld [tilespmem:s13+$0xAA0];
	_ =	sdelay $0x1  }
0x222: {  	v2 =	vld [tilespmem:s13+$0x140];
	_ =	sdelay $0x2  }
0x223: {  	v1 =	vmul.u32 $0x2710, v1;
	_ =	sdelay $0x1  }
0x224: {  	v1 =	vadd.s32 v2, v1  }
0x225: {  	v1 =	vshll.u32 v1, $0x1  }
0x226: {  	v1 =	vor.u32 v0, v1  }
0x227: {  	[tilespmem:$0x2210] =	vst v1  }
0x228: {  	v1 =	vld [tilespmem:s13+$0xAB0];
	_ =	sdelay $0x1  }
0x229: {  	v2 =	vld [tilespmem:s13+$0x150];
	_ =	sdelay $0x2  }
0x22a: {  	v1 =	vmul.u32 $0x2710, v1;
	_ =	sdelay $0x1  }
0x22b: {  	v1 =	vadd.s32 v2, v1  }
0x22c: {  	v1 =	vshll.u32 v1, $0x1  }
0x22d: {  	v1 =	vor.u32 v0, v1  }
0x22e: {  	[tilespmem:$0x2220] =	vst v1  }
0x22f: {  	v1 =	vld [tilespmem:s13+$0xAC0];
	_ =	sdelay $0x1  }
0x230: {  	v2 =	vld [tilespmem:s13+$0x160];
	_ =	sdelay $0x2  }
0x231: {  	v1 =	vmul.u32 $0x2710, v1;
	_ =	sdelay $0x1  }
0x232: {  	v1 =	vadd.s32 v2, v1  }
0x233: {  	v1 =	vshll.u32 v1, $0x1  }
0x234: {  	v1 =	vor.u32 v0, v1  }
0x235: {  	[tilespmem:$0x2230] =	vst v1  }
0x236: {  	v1 =	vld [tilespmem:s13+$0xAD0];
	_ =	sdelay $0x1  }
0x237: {  	v2 =	vld [tilespmem:s13+$0x170];
	_ =	sdelay $0x2  }
0x238: {  	v1 =	vmul.u32 $0x2710, v1;
	_ =	sdelay $0x1  }
0x239: {  	v1 =	vadd.s32 v2, v1  }
0x23a: {  	v1 =	vshll.u32 v1, $0x1  }
0x23b: {  	v1 =	vor.u32 v0, v1  }
0x23c: {  	[tilespmem:$0x2240] =	vst v1  }
0x23d: {  	v1 =	vld [tilespmem:s13+$0xAE0];
	_ =	sdelay $0x1  }
0x23e: {  	v2 =	vld [tilespmem:s13+$0x180];
	_ =	sdelay $0x2  }
0x23f: {  	s14 =	sadd.s32 $0x4, s10;
	v1 =	vmul.u32 $0x2710, v1  }
0x240: {  	s10 =	sand.u32 $0xFF, s14  }
0x241: {  	s10 =	smul.u32 $0xAB, s10;
	v1 =	vadd.s32 v2, v1  }
0x242: {  	v1 =	vshll.u32 v1, $0x1  }
0x243: {  	s10 =	sshrl.u32 s10, $0x9;
	v1 =	vor.u32 v0, v1  }
0x244: {  	s10 =	smul.u32 $0x3, s10;
	[tilespmem:$0x2250] =	vst v1  }
0x245: {  	_ =	swait.ge [sflag:s0], $0x6400  }
0x246: {  	s11 =	sadd.s32 s11, s12;
	s8 =	ssub.s32 s14, s10;
	[sflag:s0] =	ssyncset.done $0x0  }
0x247: {  	s11 =	smul.u32 $0x640, s11;
	s8 =	sand.u32 $0xFF, s8;
	[sflag:s0] =	ssyncadd.s32 $0xFFFF9C00  }
0x248: {  	[tilespmem:s24], [sflag:$0x1] =	stream.indirect.gather [hbm4b:s4+s22], $0x40, s23, s22, $0xb8;
	[tilespmem:$0x1EF80] =	vst v63  }
0x249: {  	s8 =	smul.u32 $0x190, s8;
	_ =	swait.ge [sflag:s18], $0x6400  }
0x24a: {  	s15 =	sshrl.u32 s11, $0x2;
	[sflag:s18] =	ssyncset.done $0x0  }
0x24b: {  	s10 =	sadd.s32 $0x12C0, s15;
	s9 =	sadd.s32 s9, s8;
	[sflag:s18] =	ssyncadd.s32 $0xFFFF9C00  }
0x24c: {  	[spmem:s1] =	stream.indirect.scatter.add.f32 [tilespmem:s29], [sflag:$0x6], $0x40, s10, s22, $0xb8;
	[tilespmem:$0x1EF80] =	vst v63  }
0x24d: {  	v1 =	vld [tilespmem:s9+$0x960];
	_ =	sdelay $0x1  }
0x24e: {  	v2 =	vld [tilespmem:s9+$0x0];
	_ =	sdelay $0x2  }
0x24f: {  	v1 =	vmul.u32 $0x2710, v1;
	_ =	sdelay $0x1  }
0x250: {  	v1 =	vadd.s32 v2, v1  }
0x251: {  	v1 =	vshll.u32 v1, $0x1  }
0x252: {  	v1 =	vor.u32 v0, v1  }
0x253: {  	[tilespmem:$0x2260] =	vst v1  }
0x254: {  	v1 =	vld [tilespmem:s9+$0x970];
	_ =	sdelay $0x1  }
0x255: {  	v2 =	vld [tilespmem:s9+$0x10];
	_ =	sdelay $0x2  }
0x256: {  	v1 =	vmul.u32 $0x2710, v1;
	_ =	sdelay $0x1  }
0x257: {  	v1 =	vadd.s32 v2, v1  }
0x258: {  	v1 =	vshll.u32 v1, $0x1  }
0x259: {  	v1 =	vor.u32 v0, v1  }
0x25a: {  	[tilespmem:$0x2270] =	vst v1  }
0x25b: {  	v1 =	vld [tilespmem:s9+$0x980];
	_ =	sdelay $0x1  }
0x25c: {  	v2 =	vld [tilespmem:s9+$0x20];
	_ =	sdelay $0x2  }
0x25d: {  	v1 =	vmul.u32 $0x2710, v1;
	_ =	sdelay $0x1  }
0x25e: {  	v1 =	vadd.s32 v2, v1  }
0x25f: {  	v1 =	vshll.u32 v1, $0x1  }
0x260: {  	v1 =	vor.u32 v0, v1  }
0x261: {  	[tilespmem:$0x2280] =	vst v1  }
0x262: {  	v1 =	vld [tilespmem:s9+$0x990];
	_ =	sdelay $0x1  }
0x263: {  	v2 =	vld [tilespmem:s9+$0x30];
	_ =	sdelay $0x2  }
0x264: {  	v1 =	vmul.u32 $0x2710, v1;
	_ =	sdelay $0x1  }
0x265: {  	v1 =	vadd.s32 v2, v1  }
0x266: {  	v1 =	vshll.u32 v1, $0x1  }
0x267: {  	v1 =	vor.u32 v0, v1  }
0x268: {  	[tilespmem:$0x2290] =	vst v1  }
0x269: {  	v1 =	vld [tilespmem:s9+$0x9A0];
	_ =	sdelay $0x1  }
0x26a: {  	v2 =	vld [tilespmem:s9+$0x40];
	_ =	sdelay $0x2  }
0x26b: {  	v1 =	vmul.u32 $0x2710, v1;
	_ =	sdelay $0x1  }
0x26c: {  	v1 =	vadd.s32 v2, v1  }
0x26d: {  	v1 =	vshll.u32 v1, $0x1  }
0x26e: {  	v1 =	vor.u32 v0, v1  }
0x26f: {  	[tilespmem:$0x22A0] =	vst v1  }
0x270: {  	v1 =	vld [tilespmem:s9+$0x9B0];
	_ =	sdelay $0x1  }
0x271: {  	v2 =	vld [tilespmem:s9+$0x50];
	_ =	sdelay $0x2  }
0x272: {  	v1 =	vmul.u32 $0x2710, v1;
	_ =	sdelay $0x1  }
0x273: {  	v1 =	vadd.s32 v2, v1  }
0x274: {  	v1 =	vshll.u32 v1, $0x1  }
0x275: {  	v1 =	vor.u32 v0, v1  }
0x276: {  	[tilespmem:$0x22B0] =	vst v1  }
0x277: {  	v1 =	vld [tilespmem:s9+$0x9C0];
	_ =	sdelay $0x1  }
0x278: {  	v2 =	vld [tilespmem:s9+$0x60];
	_ =	sdelay $0x2  }
0x279: {  	v1 =	vmul.u32 $0x2710, v1;
	_ =	sdelay $0x1  }
0x27a: {  	v1 =	vadd.s32 v2, v1  }
0x27b: {  	v1 =	vshll.u32 v1, $0x1  }
0x27c: {  	v1 =	vor.u32 v0, v1  }
0x27d: {  	[tilespmem:$0x22C0] =	vst v1  }
0x27e: {  	v1 =	vld [tilespmem:s9+$0x9D0];
	_ =	sdelay $0x1  }
0x27f: {  	v2 =	vld [tilespmem:s9+$0x70];
	_ =	sdelay $0x2  }
0x280: {  	v1 =	vmul.u32 $0x2710, v1;
	_ =	sdelay $0x1  }
0x281: {  	v1 =	vadd.s32 v2, v1  }
0x282: {  	v1 =	vshll.u32 v1, $0x1  }
0x283: {  	v1 =	vor.u32 v0, v1  }
0x284: {  	[tilespmem:$0x22D0] =	vst v1  }
0x285: {  	v1 =	vld [tilespmem:s9+$0x9E0];
	_ =	sdelay $0x1  }
0x286: {  	v2 =	vld [tilespmem:s9+$0x80];
	_ =	sdelay $0x2  }
0x287: {  	v1 =	vmul.u32 $0x2710, v1;
	_ =	sdelay $0x1  }
0x288: {  	v1 =	vadd.s32 v2, v1  }
0x289: {  	v1 =	vshll.u32 v1, $0x1  }
0x28a: {  	v1 =	vor.u32 v0, v1  }
0x28b: {  	[tilespmem:$0x22E0] =	vst v1  }
0x28c: {  	v1 =	vld [tilespmem:s9+$0x9F0];
	_ =	sdelay $0x1  }
0x28d: {  	v2 =	vld [tilespmem:s9+$0x90];
	_ =	sdelay $0x2  }
0x28e: {  	v1 =	vmul.u32 $0x2710, v1;
	_ =	sdelay $0x1  }
0x28f: {  	v1 =	vadd.s32 v2, v1  }
0x290: {  	v1 =	vshll.u32 v1, $0x1  }
0x291: {  	v1 =	vor.u32 v0, v1  }
0x292: {  	[tilespmem:$0x22F0] =	vst v1  }
0x293: {  	v1 =	vld [tilespmem:s9+$0xA00];
	_ =	sdelay $0x1  }
0x294: {  	v2 =	vld [tilespmem:s9+$0xA0];
	_ =	sdelay $0x2  }
0x295: {  	v1 =	vmul.u32 $0x2710, v1;
	_ =	sdelay $0x1  }
0x296: {  	v1 =	vadd.s32 v2, v1  }
0x297: {  	v1 =	vshll.u32 v1, $0x1  }
0x298: {  	v1 =	vor.u32 v0, v1  }
0x299: {  	[tilespmem:$0x2300] =	vst v1  }
0x29a: {  	v1 =	vld [tilespmem:s9+$0xA10];
	_ =	sdelay $0x1  }
0x29b: {  	v2 =	vld [tilespmem:s9+$0xB0];
	_ =	sdelay $0x2  }
0x29c: {  	v1 =	vmul.u32 $0x2710, v1;
	_ =	sdelay $0x1  }
0x29d: {  	v1 =	vadd.s32 v2, v1  }
0x29e: {  	v1 =	vshll.u32 v1, $0x1  }
0x29f: {  	v1 =	vor.u32 v0, v1  }
0x2a0: {  	[tilespmem:$0x2310] =	vst v1  }
0x2a1: {  	v1 =	vld [tilespmem:s9+$0xA20];
	_ =	sdelay $0x1  }
0x2a2: {  	v2 =	vld [tilespmem:s9+$0xC0];
	_ =	sdelay $0x2  }
0x2a3: {  	v1 =	vmul.u32 $0x2710, v1;
	_ =	sdelay $0x1  }
0x2a4: {  	v1 =	vadd.s32 v2, v1  }
0x2a5: {  	v1 =	vshll.u32 v1, $0x1  }
0x2a6: {  	v1 =	vor.u32 v0, v1  }
0x2a7: {  	[tilespmem:$0x2320] =	vst v1  }
0x2a8: {  	v1 =	vld [tilespmem:s9+$0xA30];
	_ =	sdelay $0x1  }
0x2a9: {  	v2 =	vld [tilespmem:s9+$0xD0];
	_ =	sdelay $0x2  }
0x2aa: {  	v1 =	vmul.u32 $0x2710, v1;
	_ =	sdelay $0x1  }
0x2ab: {  	v1 =	vadd.s32 v2, v1  }
0x2ac: {  	v1 =	vshll.u32 v1, $0x1  }
0x2ad: {  	v1 =	vor.u32 v0, v1  }
0x2ae: {  	[tilespmem:$0x2330] =	vst v1  }
0x2af: {  	v1 =	vld [tilespmem:s9+$0xA40];
	_ =	sdelay $0x1  }
0x2b0: {  	v2 =	vld [tilespmem:s9+$0xE0];
	_ =	sdelay $0x2  }
0x2b1: {  	v1 =	vmul.u32 $0x2710, v1;
	_ =	sdelay $0x1  }
0x2b2: {  	v1 =	vadd.s32 v2, v1  }
0x2b3: {  	v1 =	vshll.u32 v1, $0x1  }
0x2b4: {  	v1 =	vor.u32 v0, v1  }
0x2b5: {  	[tilespmem:$0x2340] =	vst v1  }
0x2b6: {  	v1 =	vld [tilespmem:s9+$0xA50];
	_ =	sdelay $0x1  }
0x2b7: {  	v2 =	vld [tilespmem:s9+$0xF0];
	_ =	sdelay $0x2  }
0x2b8: {  	v1 =	vmul.u32 $0x2710, v1;
	_ =	sdelay $0x1  }
0x2b9: {  	v1 =	vadd.s32 v2, v1  }
0x2ba: {  	v1 =	vshll.u32 v1, $0x1  }
0x2bb: {  	v1 =	vor.u32 v0, v1  }
0x2bc: {  	[tilespmem:$0x2350] =	vst v1  }
0x2bd: {  	v1 =	vld [tilespmem:s9+$0xA60];
	_ =	sdelay $0x1  }
0x2be: {  	v2 =	vld [tilespmem:s9+$0x100];
	_ =	sdelay $0x2  }
0x2bf: {  	v1 =	vmul.u32 $0x2710, v1;
	_ =	sdelay $0x1  }
0x2c0: {  	v1 =	vadd.s32 v2, v1  }
0x2c1: {  	v1 =	vshll.u32 v1, $0x1  }
0x2c2: {  	v1 =	vor.u32 v0, v1  }
0x2c3: {  	[tilespmem:$0x2360] =	vst v1  }
0x2c4: {  	v1 =	vld [tilespmem:s9+$0xA70];
	_ =	sdelay $0x1  }
0x2c5: {  	v2 =	vld [tilespmem:s9+$0x110];
	_ =	sdelay $0x2  }
0x2c6: {  	v1 =	vmul.u32 $0x2710, v1;
	_ =	sdelay $0x1  }
0x2c7: {  	v1 =	vadd.s32 v2, v1  }
0x2c8: {  	v1 =	vshll.u32 v1, $0x1  }
0x2c9: {  	v1 =	vor.u32 v0, v1  }
0x2ca: {  	[tilespmem:$0x2370] =	vst v1  }
0x2cb: {  	v1 =	vld [tilespmem:s9+$0xA80];
	_ =	sdelay $0x1  }
0x2cc: {  	v2 =	vld [tilespmem:s9+$0x120];
	_ =	sdelay $0x2  }
0x2cd: {  	v1 =	vmul.u32 $0x2710, v1;
	_ =	sdelay $0x1  }
0x2ce: {  	v1 =	vadd.s32 v2, v1  }
0x2cf: {  	v1 =	vshll.u32 v1, $0x1  }
0x2d0: {  	v1 =	vor.u32 v0, v1  }
0x2d1: {  	[tilespmem:$0x2380] =	vst v1  }
0x2d2: {  	v1 =	vld [tilespmem:s9+$0xA90];
	_ =	sdelay $0x1  }
0x2d3: {  	v2 =	vld [tilespmem:s9+$0x130];
	_ =	sdelay $0x2  }
0x2d4: {  	v1 =	vmul.u32 $0x2710, v1;
	_ =	sdelay $0x1  }
0x2d5: {  	v1 =	vadd.s32 v2, v1  }
0x2d6: {  	v1 =	vshll.u32 v1, $0x1  }
0x2d7: {  	v1 =	vor.u32 v0, v1  }
0x2d8: {  	[tilespmem:$0x2390] =	vst v1  }
0x2d9: {  	v1 =	vld [tilespmem:s9+$0xAA0];
	_ =	sdelay $0x1  }
0x2da: {  	v2 =	vld [tilespmem:s9+$0x140];
	_ =	sdelay $0x2  }
0x2db: {  	v1 =	vmul.u32 $0x2710, v1;
	_ =	sdelay $0x1  }
0x2dc: {  	v1 =	vadd.s32 v2, v1  }
0x2dd: {  	v1 =	vshll.u32 v1, $0x1  }
0x2de: {  	v1 =	vor.u32 v0, v1  }
0x2df: {  	[tilespmem:$0x23A0] =	vst v1  }
0x2e0: {  	v1 =	vld [tilespmem:s9+$0xAB0];
	_ =	sdelay $0x1  }
0x2e1: {  	v2 =	vld [tilespmem:s9+$0x150];
	_ =	sdelay $0x2  }
0x2e2: {  	v1 =	vmul.u32 $0x2710, v1;
	_ =	sdelay $0x1  }
0x2e3: {  	v1 =	vadd.s32 v2, v1  }
0x2e4: {  	v1 =	vshll.u32 v1, $0x1  }
0x2e5: {  	v1 =	vor.u32 v0, v1  }
0x2e6: {  	[tilespmem:$0x23B0] =	vst v1  }
0x2e7: {  	v1 =	vld [tilespmem:s9+$0xAC0];
	_ =	sdelay $0x1  }
0x2e8: {  	v2 =	vld [tilespmem:s9+$0x160];
	_ =	sdelay $0x2  }
0x2e9: {  	v1 =	vmul.u32 $0x2710, v1;
	_ =	sdelay $0x1  }
0x2ea: {  	v1 =	vadd.s32 v2, v1  }
0x2eb: {  	v1 =	vshll.u32 v1, $0x1  }
0x2ec: {  	v1 =	vor.u32 v0, v1  }
0x2ed: {  	[tilespmem:$0x23C0] =	vst v1  }
0x2ee: {  	v1 =	vld [tilespmem:s9+$0xAD0];
	_ =	sdelay $0x1  }
0x2ef: {  	v2 =	vld [tilespmem:s9+$0x170];
	_ =	sdelay $0x2  }
0x2f0: {  	v1 =	vmul.u32 $0x2710, v1;
	_ =	sdelay $0x1  }
0x2f1: {  	v1 =	vadd.s32 v2, v1  }
0x2f2: {  	v1 =	vshll.u32 v1, $0x1  }
0x2f3: {  	v1 =	vor.u32 v0, v1  }
0x2f4: {  	[tilespmem:$0x23D0] =	vst v1  }
0x2f5: {  	v1 =	vld [tilespmem:s9+$0xAE0];
	_ =	sdelay $0x1  }
0x2f6: {  	v2 =	vld [tilespmem:s9+$0x180];
	_ =	sdelay $0x2  }
0x2f7: {  	v1 =	vmul.u32 $0x2710, v1;
	_ =	sdelay $0x1  }
0x2f8: {  	v1 =	vadd.s32 v2, v1  }
0x2f9: {  	s7 =	sadd.s32 $0x96, s7;
	v1 =	vshll.u32 v1, $0x1  }
0x2fa: {  	p1 =	sne.s32 s7, $0x960;
	v1 =	vor.u32 v0, v1  }
.Ltmp0:
0x2fb: {  	[tilespmem:$0x23E0] =	vst v1;
	(pc) =	sbr.rel @p1 .LBB2_2-.Ltmp0, $4  }
0x2fc: {  	_ =	swait.ge [sflag:s19], $0x6400  }
0x2fd: {  	[sflag:s19] =	ssyncset.done $0x0  }
0x2fe: {  	s6 =	sadd.s32 $0x1, s6;
	[sflag:s19] =	ssyncadd.s32 $0xFFFF9C00  }
0x2ff: {  	[tilespmem:s26], [sflag:$0x2] =	stream.indirect.gather [hbm4b:s4+s22], $0x40, s25, s22, $0xb8;
	[tilespmem:$0x1EF80] =	vst v63  }
0x300: {  	_ =	swait.ge [sflag:s28], $0x6400  }
0x301: {  	[sflag:s28] =	ssyncset.done $0x0  }
0x302: {  	s6 =	simm.s32 $0x1770;
	[sflag:s28] =	ssyncadd.s32 $0xFFFF9C00  }
0x303: {  	[spmem:s1] =	stream.indirect.scatter.add.f32 [tilespmem:s24], [sflag:$0x4], $0x40, s6, s22, $0xb8;
	[tilespmem:$0x1EF80] =	vst v63  }
0x304: {  	_ =	swait.ge [sflag:s31], $0x6400  }
0x305: {  	[sflag:s31] =	ssyncset.done $0x0  }
0x306: {  	s14 =	simm.s32 $0x1900;
	[sflag:s31] =	ssyncadd.s32 $0xFFFF9C00  }
0x307: {  	[spmem:s1] =	stream.indirect.scatter.add.f32 [tilespmem:s26], [sflag:$0x5], $0x40, s14, s22, $0xb8;
	[tilespmem:$0x1EF80] =	vst v63  }
0x308: {  	_ =	swait.ge [sflag:s20], $0x6400  }
0x309: {  	[sflag:s20] =	ssyncset.done $0x0  }
0x30a: {  	[sflag:s20] =	ssyncadd.s32 $0xFFFF9C00  }
0x30b: {  	_ =	swait.ge [sflag:s0], $0x6400  }
0x30c: {  	[sflag:s0] =	ssyncset.done $0x0  }
0x30d: {  	[sflag:s0] =	ssyncadd.s32 $0xFFFF9C00  }
0x30e: {  	_ =	swait.ge [sflag:s19], $0x6400  }
0x30f: {  	[sflag:s19] =	ssyncset.done $0x0  }
0x310: {  	[sflag:s19] =	ssyncadd.s32 $0xFFFF9C00  }
0x311: {  	s7 =	simm.s32 @p0 $0x10;
	s8 =	simm.s32 @p0 $0x8;
	[bflag:$0x0] =	sbarrier.arrive $0xFFFF  }
0x312: {  	s9 =	simm.s32 @p0 $0x1FC8;
	s6 =	simm.s32 @p0 $0x1;
	s10 =	rddreg [dreg:$0x10]  }
0x313: {  	[hbm:s10@s7], [sflag:s9] =	dma.strided @p0 [spmem:s16@s8], $0x1040, s6, $0x8   }
0x314: {  	_ =	swait.ge @p0 [sflag:s8], $0x1040  }
0x315: {  	s6 =	simm.s32 @!p0 $0x1;
	s7 =	simm.s32 @!p0 $0x10;
	[sflag:s8] =	ssyncset.done @p0 $0x0  }
0x316: {  	s9 =	rddreg [dreg:$0xf];
	[sflag:s8] =	ssyncadd.s32 @p0 $0xFFFFEFC0;
	s8 =	simm.s32 @!p0 $0x8  }
0x317: {  	[hbm:s9@s7], [sflag:s3] =	dma.strided @!p0 [spmem:s5@s8], $0x13C0, s6, $0x8   }
0x318: {  	_ =	swait.ge @!p0 [sflag:s8], $0x13C0  }
0x319: {  	s21 =	sadd.s32 $0x1, s21;
	s15 =	rddreg [dreg:$0x11]  }
0x31a: {  	p1 =	sne.s32 s21, s15  }
.Ltmp1:
0x31b: {  	_ = 	snop;
	(pc) =	sbr.rel @p1 .LBB2_1-.Ltmp1, $3  }
0x31c: {  	_ =	sdelay $0x1  }
0x31d: {  	[sflag:s8] =	ssyncset.done @!p0 $0x0  }
0x31e: {  	[sflag:s8] =	ssyncadd.s32 @!p0 $0xFFFFEC40  }
0x31f: {  	_ =	sfence.sel $0x180000  }
0x320: {  	[bflag:$0x0] =	sbarrier.arrive $0xFFFF  }
0x321: {  	_ =	strace $0x90000047  }
0x322: {  	s0 =	stileid.u32;
	[bflag:$0x2] =	sbarrier.arrive $0xFFFF  }
0x323: {  	p0 =	sne.s32 s0, $0x0;
	s0 =	rddreg [dreg:$0x3]  }
0x324: {  	s0 =	sadd.s32 @!p0 $0x100000, s0  }
0x325: {  	[sflag:s0] =	ssyncadd.tile.s32 @!p0 $0x1;
	_ =	shalt  }
.Lfunc_end2:
_tile_overlayer_lowered:
.L_overlay_start_2:
0x326: {  	(tag) =	ssettag $0x2  }
0x327: {  	s0 =	rddreg [dreg:$0x0];
	s2 =	stileid.u32  }
0x328: {  	s1 =	rddreg [dreg:$0x1];
	p0 =	sne.s32 s2, $0x0  }
0x329: {  	s3 =	rddreg [dreg:$0x2];
	[bflag:$0x3] =	sbarrier.arrive $0xFFFF;
	s2 =	simm.s32 @!p0 $0x1C08  }
0x32a: {  	[timem:s3], [sflag:s2] =	dma.local @!p0 [hbm:s0], s1  }
0x32b: {  	s0 =	simm.s32 @!p0 $0x8  }
0x32c: {  	_ =	swait.ge @!p0 [sflag:s0], s1  }
0x32d: {  	s1 =	ssub.s32 @!p0 $0x0, s1;
	[sflag:s0] =	ssyncset.done @!p0 $0x0  }
0x32e: {  	[sflag:s0] =	ssyncadd.s32 @!p0 s1  }
0x32f: {  	[bflag:$0x3] =	sbarrier.arrive $0xFFFF  }
0x330: {  	_ =	shalt  }

</sc_bundles>
